<compile_context>
chip_gen: v7x
topology: tpu7x:2x2x1
jax: 0.10.2.dev20260603
libtpu: 0.0.44.dev20260713+nightly
codegen_flags: <defaults>
</compile_context>

<pallas_src>
import functools

import jax
import jax.numpy as jnp
from jax import lax
from jax.experimental import pallas as pl
from jax.experimental.pallas import tpu as pltpu
from jax.experimental.pallas import tpu_sc as plsc

N = 10000
D = 128
DF = 256
E = 320000
NC = 2
NS = 16
CHUNK = 128
HALF = N // 2
NR = 6144
JUNK = NR - 1
RT = NR // NS
JMAX = -(-E // (NS * CHUNK))
JCAP = JMAX + 1
DQ = 32



@functools.cache
def _make_deg_kernel():
    mesh = plsc.VectorSubcoreMesh(core_axis_name="c", subcore_axis_name="s",
                                  num_cores=NC, num_subcores=NS)
    return functools.partial(
        pl.kernel,
        out_type=jax.ShapeDtypeStruct((NC, NR, 16), jnp.float32),
        mesh=mesh,
        scratch_types=[
            pltpu.VMEM((JCAP, CHUNK), jnp.int32),
            pltpu.VMEM((16,), jnp.int32),
            pltpu.VMEM((CHUNK, 16), jnp.float32),
            pltpu.VMEM_SHARED((NR, 16), jnp.float32),
        ],
    )(_deg_body)


def _deg_body(dst_hbm, cnt_hbm, out_hbm, dstv, cntv, buf, acc):
    c = lax.axis_index("c")
    s = lax.axis_index("s")
    pltpu.sync_copy(dst_hbm.at[c, s], dstv)
    pltpu.sync_copy(cnt_hbm.at[c], cntv)
    jc = cntv[...][0]

    def zero_row(r, carry):
        buf[r, :] = jnp.zeros((16,), jnp.float32)
        return carry
    lax.fori_loop(0, CHUNK, zero_row, 0)
    base = s * RT
    for t in range(RT // CHUNK):
        pltpu.sync_copy(buf, acc.at[pl.ds(base + t * CHUNK, CHUNK)])

    def ones_row(r, carry):
        buf[r, :] = jnp.ones((16,), jnp.float32)
        return carry
    lax.fori_loop(0, CHUNK, ones_row, 0)
    plsc.subcore_barrier()

    def body(j, carry):
        pltpu.sync_copy(buf, acc.at[dstv.at[j]], add=True)
        return carry
    lax.fori_loop(0, jc, body, 0)
    plsc.subcore_barrier()

    for t in range(RT // CHUNK):
        rows = pl.ds(base + t * CHUNK, CHUNK)
        pltpu.sync_copy(acc.at[rows], out_hbm.at[c, rows])



@functools.cache
def _make_agg_kernel():
    mesh = plsc.VectorSubcoreMesh(core_axis_name="c", subcore_axis_name="s",
                                  num_cores=NC, num_subcores=NS)
    return functools.partial(
        pl.kernel,
        out_type=jax.ShapeDtypeStruct((NC, NR, D), jnp.float32),
        mesh=mesh,
        scratch_types=[
            pltpu.VMEM((JCAP, CHUNK), jnp.int32),
            pltpu.VMEM((JCAP, CHUNK), jnp.int32),
            pltpu.VMEM((16,), jnp.int32),
            pltpu.VMEM((CHUNK, D), jnp.float32),
            pltpu.VMEM((CHUNK, D), jnp.float32),
            pltpu.VMEM_SHARED((NR, D), jnp.float32),
            pltpu.SemaphoreType.DMA,
            pltpu.SemaphoreType.DMA,
        ],
    )(_agg_body)


def _agg_body(u_hbm, src_hbm, dst_hbm, cnt_hbm, out_hbm, srcv, dstv, cntv,
              buf0, buf1, acc, sem0, sem1):
    c = lax.axis_index("c")
    s = lax.axis_index("s")
    pltpu.sync_copy(src_hbm.at[c, s], srcv)
    pltpu.sync_copy(dst_hbm.at[c, s], dstv)
    pltpu.sync_copy(cnt_hbm.at[c], cntv)
    jc = cntv[...][0]

    def zero_row(r, carry):
        for i in range(D // 16):
            buf0[r, pl.ds(i * 16, 16)] = jnp.zeros((16,), jnp.float32)
        return carry
    lax.fori_loop(0, CHUNK, zero_row, 0)
    base = s * RT
    for t in range(RT // CHUNK):
        pltpu.sync_copy(buf0, acc.at[pl.ds(base + t * CHUNK, CHUNK)])
    plsc.subcore_barrier()

    @pl.when(jc > 0)
    def _():
        pltpu.async_copy(u_hbm.at[srcv.at[0]], buf0, sem0)

    def pair(i, carry):
        j = i * 2
        pltpu.async_copy(u_hbm.at[srcv.at[j + 1]], buf1, sem1)
        pltpu.make_async_copy(u_hbm.at[srcv.at[j]], buf0, sem0).wait()
        pltpu.sync_copy(buf0, acc.at[dstv.at[j]], add=True)
        pltpu.async_copy(u_hbm.at[srcv.at[j + 2]], buf0, sem0)
        pltpu.make_async_copy(u_hbm.at[srcv.at[j + 1]], buf1, sem1).wait()
        pltpu.sync_copy(buf1, acc.at[dstv.at[j + 1]], add=True)
        return carry
    lax.fori_loop(0, jc // 2, pair, 0)

    @pl.when(jc > 0)
    def _():
        pltpu.make_async_copy(u_hbm.at[srcv.at[jc - 1]], buf0, sem0).wait()

        @pl.when(jc % 2 == 1)
        def _():
            pltpu.sync_copy(buf0, acc.at[dstv.at[jc - 1]], add=True)
    plsc.subcore_barrier()

    for t in range(RT // CHUNK):
        rows = pl.ds(base + t * CHUNK, CHUNK)
        pltpu.sync_copy(acc.at[rows], out_hbm.at[c, rows])



BLK = 1000
GRID = N // BLK
NB = GRID // NC


def _prep_body(deg_ref, x_ref, dinv_ref, u_ref):
    deg = deg_ref[0, :, 0:1] + 1.0
    dinv = lax.rsqrt(deg)
    dinv_ref[...] = jnp.broadcast_to(dinv, (BLK, DQ))
    u_ref[...] = x_ref[...] * jnp.broadcast_to(dinv, (BLK, D))


def _layer_body(sp_ref, u_ref, dv_ref, w_ref, b_ref, un_ref, *, relu):
    dvb = jnp.broadcast_to(dv_ref[:, 0:1], (BLK, D))
    agg = (sp_ref[0] + u_ref[...]) * dvb
    h = jnp.dot(agg, w_ref[...], preferred_element_type=jnp.float32) + b_ref[...]
    if relu:
        h = jnp.maximum(h, 0.0)
    un_ref[...] = h * dvb


def _final_body(sp_ref, u_ref, dv_ref, w5_ref, b5_ref, wl_ref, bl_ref,
                out_ref):
    dvb = jnp.broadcast_to(dv_ref[:, 0:1], (BLK, D))
    agg = (sp_ref[0] + u_ref[...]) * dvb
    h5 = (jnp.dot(agg, w5_ref[...], preferred_element_type=jnp.float32)
          + b5_ref[...])
    out_ref[...] = (jnp.dot(h5, wl_ref[...], preferred_element_type=jnp.float32)
                    + bl_ref[...])


def _row_spec(width):
    return pl.BlockSpec((BLK, width), lambda i: (i, 0))


_deg_spec = pl.BlockSpec((1, BLK, 16), lambda i: (i // NB, i % NB, 0))
_sp_spec = pl.BlockSpec((1, BLK, D), lambda i: (i // NB, i % NB, 0))


def _full_spec(shape):
    nd = len(shape)
    return pl.BlockSpec(shape, lambda i: (0,) * nd)


_prep = pl.pallas_call(
    _prep_body,
    grid=(GRID,),
    in_specs=[_deg_spec, _row_spec(D)],
    out_specs=[_row_spec(DQ), _row_spec(D)],
    out_shape=[jax.ShapeDtypeStruct((N, DQ), jnp.float32),
               jax.ShapeDtypeStruct((N, D), jnp.float32)],
)


def _make_layer(relu):
    return pl.pallas_call(
        functools.partial(_layer_body, relu=relu),
        grid=(GRID,),
        in_specs=[_sp_spec, _row_spec(D), _row_spec(DQ),
                  _full_spec((D, D)), _full_spec((1, D))],
        out_specs=_row_spec(D),
        out_shape=jax.ShapeDtypeStruct((N, D), jnp.float32),
    )


_layer_relu = _make_layer(True)
_layer_lin = _make_layer(False)

_final = pl.pallas_call(
    _final_body,
    grid=(GRID,),
    in_specs=[_sp_spec, _row_spec(D), _row_spec(DQ),
              _full_spec((D, DF)), _full_spec((1, DF)),
              _full_spec((DF, DF)), _full_spec((1, DF))],
    out_specs=_row_spec(DF),
    out_shape=jax.ShapeDtypeStruct((N, DF), jnp.float32),
)


def _partition_edges(src, dst):
    side = (dst >= HALF).astype(jnp.int32)
    k0 = E - jnp.sum(side)
    pos = jnp.where(side == 0, jnp.cumsum(1 - side) - 1,
                    k0 + jnp.cumsum(side) - 1)
    srcp = jnp.zeros((E,), jnp.int32).at[pos].set(
        src, unique_indices=True, mode="promise_in_bounds")
    dstp = jnp.zeros((E,), jnp.int32).at[pos].set(
        jnp.where(dst >= HALF, dst - HALF, dst),
        unique_indices=True, mode="promise_in_bounds")

    ks = jnp.stack([k0, E - k0])
    jcs = -(-ks // (NS * CHUNK))
    starts = jnp.stack([jnp.int32(0), k0])
    s_idx = jnp.arange(NS, dtype=jnp.int32)[None, :, None, None]
    j_idx = jnp.arange(JCAP, dtype=jnp.int32)[None, None, :, None]
    i_idx = jnp.arange(CHUNK, dtype=jnp.int32)[None, None, None, :]
    off = (s_idx * jcs[:, None, None, None] + j_idx) * CHUNK + i_idx
    valid = off < ks[:, None, None, None]
    g = jnp.clip(starts[:, None, None, None] + off, 0, E - 1)
    src_r = jnp.where(valid, srcp.at[g].get(mode="promise_in_bounds"), 0)
    dst_r = jnp.where(valid, dstp.at[g].get(mode="promise_in_bounds"), JUNK)
    cnt = jnp.broadcast_to(jcs[:, None], (NC, 16)).astype(jnp.int32)
    return src_r, dst_r, cnt


def kernel(x, edge_index, W1, b1, W2, b2, W3, b3, W4, b4, W5, b5, Wlin, blin):
    ei = edge_index.astype(jnp.int32)
    src_r, dst_r, cnt = _partition_edges(ei[0], ei[1])

    degp = _make_deg_kernel()(dst_r, cnt)
    dv, u = _prep(degp, x)

    agg = _make_agg_kernel()
    for w, b, layer in ((W1, b1, _layer_relu), (W2, b2, _layer_lin),
                        (W3, b3, _layer_lin), (W4, b4, _layer_lin)):
        sp = agg(u, src_r, dst_r, cnt)
        u = layer(sp, u, dv, w, b.reshape(1, D))

    sp = agg(u, src_r, dst_r, cnt)
    w5p = jnp.pad(W5, ((0, 0), (0, DF - W5.shape[1])))
    b5p = jnp.pad(b5, (0, DF - b5.shape[0])).reshape(1, DF)
    wlp = jnp.pad(Wlin, ((0, DF - Wlin.shape[0]), (0, DF - Wlin.shape[1])))
    blp = jnp.pad(blin, (0, DF - blin.shape[0])).reshape(1, DF)
    out = _final(sp, u, dv, w5p, b5p, wlp, blp)
    return out[:, :Wlin.shape[1]]

# --- scband reference (transcript-rebuilt; emitter-appended) ---
"""Pipeline reference for scband-gcnmodel2-89773406421367 (READ-ONLY COPY).

The authoritative reference and input builder live on the scoring server;
editing this copy changes nothing except your own understanding.
"""

import jax, jax.numpy as jnp
import numpy as np

N = 10000
E = 320000
D_IN = 128
D_H = 128
D_OUT = 250

def _glorot(key, shape):
    fan_in = shape[0]
    return jax.random.normal(key, shape, dtype=jnp.float32) * (1.0 / np.sqrt(fan_in))

def setup_inputs(seed: int = 0) -> dict:
    key = jax.random.key(seed)
    ks = jax.random.split(key, 16)
    x = jax.random.normal(ks[0], (N, D_IN), dtype=jnp.float32)
    edge_index = jax.random.randint(ks[1], (2, E), 0, N, dtype=jnp.int64)
    W1 = _glorot(ks[2], (D_IN, D_H)); b1 = jnp.zeros((D_H,), jnp.float32)
    W2 = _glorot(ks[3], (D_H, D_H)); b2 = jnp.zeros((D_H,), jnp.float32)
    W3 = _glorot(ks[4], (D_H, D_H)); b3 = jnp.zeros((D_H,), jnp.float32)
    W4 = _glorot(ks[5], (D_H, D_H)); b4 = jnp.zeros((D_H,), jnp.float32)
    W5 = _glorot(ks[6], (D_H, D_OUT)); b5 = jnp.zeros((D_OUT,), jnp.float32)
    Wlin = _glorot(ks[7], (D_OUT, D_OUT)); blin = jnp.zeros((D_OUT,), jnp.float32)
    return {"x": x, "edge_index": edge_index,
            "W1": W1, "b1": b1, "W2": W2, "b2": b2, "W3": W3, "b3": b3,
            "W4": W4, "b4": b4, "W5": W5, "b5": b5, "Wlin": Wlin, "blin": blin}

def _gcn_conv(x, src, dst, W, b):
    n = x.shape[0]
    deg = jax.ops.segment_sum(jnp.ones_like(src, dtype=x.dtype), dst, num_segments=n)
    dinv = jnp.where(deg > 0, 1.0 / jnp.sqrt(deg), 0.0)
    norm = dinv[src] * dinv[dst]
    h = x @ W
    msg = h[src] * norm[:, None]
    out = jax.ops.segment_sum(msg, dst, num_segments=n)
    return out + b

def reference(x, edge_index, W1, b1, W2, b2, W3, b3, W4, b4, W5, b5, Wlin, blin):
    n = x.shape[0]
    loop = jnp.arange(n, dtype=edge_index.dtype)
    src = jnp.concatenate([edge_index[0], loop])
    dst = jnp.concatenate([edge_index[1], loop])
    h = jax.nn.relu(_gcn_conv(x, src, dst, W1, b1))
    h = _gcn_conv(h, src, dst, W2, b2)
    h = _gcn_conv(h, src, dst, W3, b3)
    h = _gcn_conv(h, src, dst, W4, b4)
    h = _gcn_conv(h, src, dst, W5, b5)
    h = h.reshape(h.shape[0], -1)
    out = h @ Wlin + blin
    return out

if __name__ == "__main__":
    import jax
    _d = setup_inputs()
    print(jax.jit(kernel)(*tuple(_d.values())))

</pallas_src>

<mosaic_0001>
#map = affine_map<(d0, d1) -> (0, 0, 0, 0)>
#map1 = affine_map<(d0, d1) -> (0, 0)>
#map2 = affine_map<(d0, d1) -> (0, 0, 0)>
module attributes {stable_mosaic.version = 14 : i64} {
  func.func @_deg_body(%arg0: i32, %arg1: i32, %arg2: memref<2x16x158x128xi32, #tpu.memory_space<hbm>>, %arg3: memref<2x16xi32, #tpu.memory_space<hbm>>, %arg4: memref<2x6144x16xf32, #tpu.memory_space<hbm>>, %arg5: memref<158x128xi32, #tpu.memory_space<vmem>>, %arg6: memref<16xi32, #tpu.memory_space<vmem>>, %arg7: memref<128x16xf32, #tpu.memory_space<vmem>>, %arg8: memref<6144x16xf32, #tpu.memory_space<vmem_shared>>) attributes {dimension_semantics = [#tpu.dimension_semantics<core_parallel>, #tpu.dimension_semantics<subcore_parallel>], iteration_bounds = array<i64: 2, 16>, scalar_prefetch = 0 : i64, scratch_operands = 4 : i64, tpu.core_type = #tpu.core_type<sc_vector_subcore>, window_params = [{transform_indices = #map}, {transform_indices = #map1}, {transform_indices = #map2}]} {
    "tpu.region"() ({
      %run_scoped3A = tpu.sem_alloc : memref<!tpu.dma_semaphore, #tpu.memory_space<semaphore_mem>>
      %dma_start3A = arith.constant 0 : i32
      %dma_start3A_35 = arith.constant 0 : i32
      %dma_start3A_36 = tpu.memref_slice %arg2[%arg0, %arg1, %dma_start3A, %dma_start3A_35] : memref<2x16x158x128xi32, #tpu.memory_space<hbm>> -> memref<1x1x158x128xi32, #tpu.memory_space<hbm>>
      %dma_start3A_37 = tpu.memref_squeeze %dma_start3A_36 : memref<1x1x158x128xi32, #tpu.memory_space<hbm>> -> memref<158x128xi32, #tpu.memory_space<hbm>>
      %dma_start3A_38 = arith.constant 0 : i32
      %dma_start3A_39 = arith.constant 0 : i32
      %dma_start3A_40 = tpu.memref_slice %arg2[%arg0, %arg1, %dma_start3A_38, %dma_start3A_39] : memref<2x16x158x128xi32, #tpu.memory_space<hbm>> -> memref<1x1x158x128xi32, #tpu.memory_space<hbm>>
      %dma_start3A_41 = tpu.memref_squeeze %dma_start3A_40 : memref<1x1x158x128xi32, #tpu.memory_space<hbm>> -> memref<158x128xi32, #tpu.memory_space<hbm>>
      tpu.enqueue_dma source(%dma_start3A_41 : memref<158x128xi32, #tpu.memory_space<hbm>>) target(%arg5 : memref<158x128xi32, #tpu.memory_space<vmem>>) target_semaphore(%run_scoped3A : memref<!tpu.dma_semaphore, #tpu.memory_space<semaphore_mem>>)
      %dma_wait3A = arith.constant 0 : i32
      %dma_wait3A_42 = arith.constant 0 : i32
      %dma_wait3A_43 = tpu.memref_slice %arg2[%arg0, %arg1, %dma_wait3A, %dma_wait3A_42] : memref<2x16x158x128xi32, #tpu.memory_space<hbm>> -> memref<1x1x158x128xi32, #tpu.memory_space<hbm>>
      %dma_wait3A_44 = tpu.memref_squeeze %dma_wait3A_43 : memref<1x1x158x128xi32, #tpu.memory_space<hbm>> -> memref<158x128xi32, #tpu.memory_space<hbm>>
      %dma_wait3A_45 = arith.constant 0 : i32
      %dma_wait3A_46 = arith.constant 0 : i32
      %dma_wait3A_47 = tpu.memref_slice %arg2[%arg0, %arg1, %dma_wait3A_45, %dma_wait3A_46] : memref<2x16x158x128xi32, #tpu.memory_space<hbm>> -> memref<1x1x158x128xi32, #tpu.memory_space<hbm>>
      %dma_wait3A_48 = tpu.memref_squeeze %dma_wait3A_47 : memref<1x1x158x128xi32, #tpu.memory_space<hbm>> -> memref<158x128xi32, #tpu.memory_space<hbm>>
      tpu.wait_dma2 semaphore(%run_scoped3A : memref<!tpu.dma_semaphore, #tpu.memory_space<semaphore_mem>>) src(%dma_wait3A_48 : memref<158x128xi32, #tpu.memory_space<hbm>>) dst(%arg5 : memref<158x128xi32, #tpu.memory_space<vmem>>)
      tpu.yield
    }) : () -> ()
    "tpu.region"() ({
      %run_scoped3A = tpu.sem_alloc : memref<!tpu.dma_semaphore, #tpu.memory_space<semaphore_mem>>
      %dma_start3A = arith.constant 0 : i32
      %dma_start3A_35 = tpu.memref_slice %arg3[%arg0, %dma_start3A] : memref<2x16xi32, #tpu.memory_space<hbm>> -> memref<1x16xi32, #tpu.memory_space<hbm>>
      %dma_start3A_36 = tpu.memref_squeeze %dma_start3A_35 : memref<1x16xi32, #tpu.memory_space<hbm>> -> memref<16xi32, #tpu.memory_space<hbm>>
      %dma_start3A_37 = arith.constant 0 : i32
      %dma_start3A_38 = tpu.memref_slice %arg3[%arg0, %dma_start3A_37] : memref<2x16xi32, #tpu.memory_space<hbm>> -> memref<1x16xi32, #tpu.memory_space<hbm>>
      %dma_start3A_39 = tpu.memref_squeeze %dma_start3A_38 : memref<1x16xi32, #tpu.memory_space<hbm>> -> memref<16xi32, #tpu.memory_space<hbm>>
      tpu.enqueue_dma source(%dma_start3A_39 : memref<16xi32, #tpu.memory_space<hbm>>) target(%arg6 : memref<16xi32, #tpu.memory_space<vmem>>) target_semaphore(%run_scoped3A : memref<!tpu.dma_semaphore, #tpu.memory_space<semaphore_mem>>)
      %dma_wait3A = arith.constant 0 : i32
      %dma_wait3A_40 = tpu.memref_slice %arg3[%arg0, %dma_wait3A] : memref<2x16xi32, #tpu.memory_space<hbm>> -> memref<1x16xi32, #tpu.memory_space<hbm>>
      %dma_wait3A_41 = tpu.memref_squeeze %dma_wait3A_40 : memref<1x16xi32, #tpu.memory_space<hbm>> -> memref<16xi32, #tpu.memory_space<hbm>>
      %dma_wait3A_42 = arith.constant 0 : i32
      %dma_wait3A_43 = tpu.memref_slice %arg3[%arg0, %dma_wait3A_42] : memref<2x16xi32, #tpu.memory_space<hbm>> -> memref<1x16xi32, #tpu.memory_space<hbm>>
      %dma_wait3A_44 = tpu.memref_squeeze %dma_wait3A_43 : memref<1x16xi32, #tpu.memory_space<hbm>> -> memref<16xi32, #tpu.memory_space<hbm>>
      tpu.wait_dma2 semaphore(%run_scoped3A : memref<!tpu.dma_semaphore, #tpu.memory_space<semaphore_mem>>) src(%dma_wait3A_44 : memref<16xi32, #tpu.memory_space<hbm>>) dst(%arg6 : memref<16xi32, #tpu.memory_space<vmem>>)
      tpu.yield
    }) : () -> ()
    %get3A = arith.constant 0 : index
    %get3A_0 = tpu.vector_load %arg6[%get3A] {strides = array<i32>} : memref<16xi32, #tpu.memory_space<vmem>>, vector<16xi32>,
    %get3A_1 = vector.shape_cast %get3A_0 : vector<16xi32> to vector<16xi32>
    %slice3A = vector.extract_strided_slice %get3A_1 {offsets = [0], sizes = [1], strides = [1]} : vector<16xi32> to vector<1xi32>
    %squeeze3A = vector.extract %slice3A[0] : i32 from vector<1xi32>
    %scan3A = arith.constant 0 : i32
    %scan3A_2 = arith.constant 0 : i32
    %scan3A_3 = arith.constant 128 : i32
    %scan3A_4 = arith.addi %scan3A_2, %scan3A_3 : i32
    %scan3A_5 = arith.constant 1 : i32
    scf.for %scan3A_35 = %scan3A_2 to %scan3A_4 step %scan3A_5  : i32 {
      %broadcast_in_dim3A = arith.constant 0.000000e+00 : f32
      %broadcast_in_dim3A_36 = vector.broadcast %broadcast_in_dim3A : f32 to vector<16xf32>
      %swap3A = arith.index_cast %scan3A_35 : i32 to index
      %swap3A_37 = arith.constant 0 : index
      %swap3A_38 = tpu.vector_load %arg7[%swap3A, %swap3A_37] {strides = array<i32>} : memref<128x16xf32, #tpu.memory_space<vmem>>, vector<1x16xf32>,
      %swap3A_39 = vector.shape_cast %swap3A_38 : vector<1x16xf32> to vector<16xf32>
      %swap3A_40 = vector.shape_cast %broadcast_in_dim3A_36 : vector<16xf32> to vector<1x16xf32>
      tpu.vector_store %arg7[%swap3A, %swap3A_37], %swap3A_40 {strides = array<i32>} : memref<128x16xf32, #tpu.memory_space<vmem>>, vector<1x16xf32>,
    }
    %scan3A_6 = arith.constant 128 : i32
    %mul3A = arith.constant 384 : i32
    %mul3A_7 = arith.muli %arg1, %mul3A : i32
    %add3A = arith.constant 0 : i32
    %add3A_8 = arith.addi %mul3A_7, %add3A : i32
    "tpu.region"() ({
      %run_scoped3A = tpu.sem_alloc : memref<!tpu.dma_semaphore, #tpu.memory_space<semaphore_mem>>
      %dma_start3A = arith.constant 0 : i32
      %dma_start3A_35 = tpu.memref_slice %arg8[%add3A_8, %dma_start3A] : memref<6144x16xf32, #tpu.memory_space<vmem_shared>> -> memref<128x16xf32, #tpu.memory_space<vmem_shared>>
      %dma_start3A_36 = arith.constant 0 : i32
      %dma_start3A_37 = tpu.memref_slice %arg8[%add3A_8, %dma_start3A_36] : memref<6144x16xf32, #tpu.memory_space<vmem_shared>> -> memref<128x16xf32, #tpu.memory_space<vmem_shared>>
      tpu.enqueue_dma source(%arg7 : memref<128x16xf32, #tpu.memory_space<vmem>>) target(%dma_start3A_37 : memref<128x16xf32, #tpu.memory_space<vmem_shared>>) target_semaphore(%run_scoped3A : memref<!tpu.dma_semaphore, #tpu.memory_space<semaphore_mem>>)
      %dma_wait3A = arith.constant 0 : i32
      %dma_wait3A_38 = tpu.memref_slice %arg8[%add3A_8, %dma_wait3A] : memref<6144x16xf32, #tpu.memory_space<vmem_shared>> -> memref<128x16xf32, #tpu.memory_space<vmem_shared>>
      %dma_wait3A_39 = arith.constant 0 : i32
      %dma_wait3A_40 = tpu.memref_slice %arg8[%add3A_8, %dma_wait3A_39] : memref<6144x16xf32, #tpu.memory_space<vmem_shared>> -> memref<128x16xf32, #tpu.memory_space<vmem_shared>>
      tpu.wait_dma2 semaphore(%run_scoped3A : memref<!tpu.dma_semaphore, #tpu.memory_space<semaphore_mem>>) src(%arg7 : memref<128x16xf32, #tpu.memory_space<vmem>>) dst(%dma_wait3A_40 : memref<128x16xf32, #tpu.memory_space<vmem_shared>>)
      tpu.yield
    }) : () -> ()
    %add3A_9 = arith.constant 128 : i32
    %add3A_10 = arith.addi %mul3A_7, %add3A_9 : i32
    "tpu.region"() ({
      %run_scoped3A = tpu.sem_alloc : memref<!tpu.dma_semaphore, #tpu.memory_space<semaphore_mem>>
      %dma_start3A = arith.constant 0 : i32
      %dma_start3A_35 = tpu.memref_slice %arg8[%add3A_10, %dma_start3A] : memref<6144x16xf32, #tpu.memory_space<vmem_shared>> -> memref<128x16xf32, #tpu.memory_space<vmem_shared>>
      %dma_start3A_36 = arith.constant 0 : i32
      %dma_start3A_37 = tpu.memref_slice %arg8[%add3A_10, %dma_start3A_36] : memref<6144x16xf32, #tpu.memory_space<vmem_shared>> -> memref<128x16xf32, #tpu.memory_space<vmem_shared>>
      tpu.enqueue_dma source(%arg7 : memref<128x16xf32, #tpu.memory_space<vmem>>) target(%dma_start3A_37 : memref<128x16xf32, #tpu.memory_space<vmem_shared>>) target_semaphore(%run_scoped3A : memref<!tpu.dma_semaphore, #tpu.memory_space<semaphore_mem>>)
      %dma_wait3A = arith.constant 0 : i32
      %dma_wait3A_38 = tpu.memref_slice %arg8[%add3A_10, %dma_wait3A] : memref<6144x16xf32, #tpu.memory_space<vmem_shared>> -> memref<128x16xf32, #tpu.memory_space<vmem_shared>>
      %dma_wait3A_39 = arith.constant 0 : i32
      %dma_wait3A_40 = tpu.memref_slice %arg8[%add3A_10, %dma_wait3A_39] : memref<6144x16xf32, #tpu.memory_space<vmem_shared>> -> memref<128x16xf32, #tpu.memory_space<vmem_shared>>
      tpu.wait_dma2 semaphore(%run_scoped3A : memref<!tpu.dma_semaphore, #tpu.memory_space<semaphore_mem>>) src(%arg7 : memref<128x16xf32, #tpu.memory_space<vmem>>) dst(%dma_wait3A_40 : memref<128x16xf32, #tpu.memory_space<vmem_shared>>)
      tpu.yield
    }) : () -> ()
    %add3A_11 = arith.constant 256 : i32
    %add3A_12 = arith.addi %mul3A_7, %add3A_11 : i32
    "tpu.region"() ({
      %run_scoped3A = tpu.sem_alloc : memref<!tpu.dma_semaphore, #tpu.memory_space<semaphore_mem>>
      %dma_start3A = arith.constant 0 : i32
      %dma_start3A_35 = tpu.memref_slice %arg8[%add3A_12, %dma_start3A] : memref<6144x16xf32, #tpu.memory_space<vmem_shared>> -> memref<128x16xf32, #tpu.memory_space<vmem_shared>>
      %dma_start3A_36 = arith.constant 0 : i32
      %dma_start3A_37 = tpu.memref_slice %arg8[%add3A_12, %dma_start3A_36] : memref<6144x16xf32, #tpu.memory_space<vmem_shared>> -> memref<128x16xf32, #tpu.memory_space<vmem_shared>>
      tpu.enqueue_dma source(%arg7 : memref<128x16xf32, #tpu.memory_space<vmem>>) target(%dma_start3A_37 : memref<128x16xf32, #tpu.memory_space<vmem_shared>>) target_semaphore(%run_scoped3A : memref<!tpu.dma_semaphore, #tpu.memory_space<semaphore_mem>>)
      %dma_wait3A = arith.constant 0 : i32
      %dma_wait3A_38 = tpu.memref_slice %arg8[%add3A_12, %dma_wait3A] : memref<6144x16xf32, #tpu.memory_space<vmem_shared>> -> memref<128x16xf32, #tpu.memory_space<vmem_shared>>
      %dma_wait3A_39 = arith.constant 0 : i32
      %dma_wait3A_40 = tpu.memref_slice %arg8[%add3A_12, %dma_wait3A_39] : memref<6144x16xf32, #tpu.memory_space<vmem_shared>> -> memref<128x16xf32, #tpu.memory_space<vmem_shared>>
      tpu.wait_dma2 semaphore(%run_scoped3A : memref<!tpu.dma_semaphore, #tpu.memory_space<semaphore_mem>>) src(%arg7 : memref<128x16xf32, #tpu.memory_space<vmem>>) dst(%dma_wait3A_40 : memref<128x16xf32, #tpu.memory_space<vmem_shared>>)
      tpu.yield
    }) : () -> ()
    %scan3A_13 = arith.constant 0 : i32
    %scan3A_14 = arith.constant 0 : i32
    %scan3A_15 = arith.constant 128 : i32
    %scan3A_16 = arith.addi %scan3A_14, %scan3A_15 : i32
    %scan3A_17 = arith.constant 1 : i32
    scf.for %scan3A_35 = %scan3A_14 to %scan3A_16 step %scan3A_17  : i32 {
      %broadcast_in_dim3A = arith.constant 1.000000e+00 : f32
      %broadcast_in_dim3A_36 = vector.broadcast %broadcast_in_dim3A : f32 to vector<16xf32>
      %swap3A = arith.index_cast %scan3A_35 : i32 to index
      %swap3A_37 = arith.constant 0 : index
      %swap3A_38 = tpu.vector_load %arg7[%swap3A, %swap3A_37] {strides = array<i32>} : memref<128x16xf32, #tpu.memory_space<vmem>>, vector<1x16xf32>,
      %swap3A_39 = vector.shape_cast %swap3A_38 : vector<1x16xf32> to vector<16xf32>
      %swap3A_40 = vector.shape_cast %broadcast_in_dim3A_36 : vector<16xf32> to vector<1x16xf32>
      tpu.vector_store %arg7[%swap3A, %swap3A_37], %swap3A_40 {strides = array<i32>} : memref<128x16xf32, #tpu.memory_space<vmem>>, vector<1x16xf32>,
    }
    %scan3A_18 = arith.constant 128 : i32
    %barrier3A = arith.constant 0 : index
    tpu.barrier barrier_id(%barrier3A)
    %while3A = arith.constant 0 : i32
    %while3A_19 = arith.constant 0 : i32
    %while3A_20 = arith.subi %squeeze3A, %while3A_19 : i32
    %while3A_21 = arith.addi %while3A_19, %while3A_20 : i32
    %while3A_22 = arith.constant 1 : i32
    %while3A_23 = arith.divsi %while3A_20, %while3A_22 : i32
    %while3A_24 = arith.muli %while3A_23, %while3A_22 : i32
    %while3A_25 = arith.addi %while3A_19, %while3A_24 : i32
    %while3A_26 = arith.constant 1 : i32
    scf.for %while3A_35 = %while3A_19 to %while3A_25 step %while3A_26  : i32 {
      "tpu.region"() ({
        %run_scoped3A = tpu.sem_alloc : memref<!tpu.dma_semaphore, #tpu.memory_space<semaphore_mem>>
        %dma_start3A = arith.constant 0 : i32
        %dma_start3A_36 = tpu.memref_slice %arg5[%while3A_35, %dma_start3A] : memref<158x128xi32, #tpu.memory_space<vmem>> -> memref<1x128xi32, #tpu.memory_space<vmem>>
        %dma_start3A_37 = tpu.memref_squeeze %dma_start3A_36 : memref<1x128xi32, #tpu.memory_space<vmem>> -> memref<128xi32, #tpu.memory_space<vmem>>
        %dma_start3A_38 = arith.constant 0 : i32
        %dma_start3A_39 = arith.constant 0 : i32
        %dma_start3A_40 = tpu.memref_slice %arg8[%dma_start3A_38, %dma_start3A_39] : memref<6144x16xf32, #tpu.memory_space<vmem_shared>> -> memref<6144x16xf32, #tpu.memory_space<vmem_shared>>
        tpu.enqueue_indirect_dma source(%arg7 : memref<128x16xf32, #tpu.memory_space<vmem>>) target(%dma_start3A_40 : memref<6144x16xf32, #tpu.memory_space<vmem_shared>>) offsets(%dma_start3A_37 : memref<128xi32, #tpu.memory_space<vmem>>) semaphore(%run_scoped3A : memref<!tpu.dma_semaphore, #tpu.memory_space<semaphore_mem>>) {add = true}
        %dma_wait3A = arith.constant 0 : i32
        %dma_wait3A_41 = tpu.memref_slice %arg5[%while3A_35, %dma_wait3A] : memref<158x128xi32, #tpu.memory_space<vmem>> -> memref<1x128xi32, #tpu.memory_space<vmem>>
        %dma_wait3A_42 = tpu.memref_squeeze %dma_wait3A_41 : memref<1x128xi32, #tpu.memory_space<vmem>> -> memref<128xi32, #tpu.memory_space<vmem>>
        %dma_wait3A_43 = arith.constant 0 : i32
        %dma_wait3A_44 = arith.constant 0 : i32
        %dma_wait3A_45 = tpu.memref_slice %arg8[%dma_wait3A_43, %dma_wait3A_44] : memref<6144x16xf32, #tpu.memory_space<vmem_shared>> -> memref<6144x16xf32, #tpu.memory_space<vmem_shared>>
        tpu.wait_indirect_dma semaphore(%run_scoped3A : memref<!tpu.dma_semaphore, #tpu.memory_space<semaphore_mem>>) src(%arg7 : memref<128x16xf32, #tpu.memory_space<vmem>>) dst(%dma_wait3A_45 : memref<6144x16xf32, #tpu.memory_space<vmem_shared>>)
        tpu.yield
      }) : () -> ()
    }
    %while3A_27 = arith.constant 1 : i32
    scf.for %while3A_35 = %while3A_25 to %while3A_21 step %while3A_27  : i32 {
      "tpu.region"() ({
        %run_scoped3A = tpu.sem_alloc : memref<!tpu.dma_semaphore, #tpu.memory_space<semaphore_mem>>
        %dma_start3A = arith.constant 0 : i32
        %dma_start3A_36 = tpu.memref_slice %arg5[%while3A_35, %dma_start3A] : memref<158x128xi32, #tpu.memory_space<vmem>> -> memref<1x128xi32, #tpu.memory_space<vmem>>
        %dma_start3A_37 = tpu.memref_squeeze %dma_start3A_36 : memref<1x128xi32, #tpu.memory_space<vmem>> -> memref<128xi32, #tpu.memory_space<vmem>>
        %dma_start3A_38 = arith.constant 0 : i32
        %dma_start3A_39 = arith.constant 0 : i32
        %dma_start3A_40 = tpu.memref_slice %arg8[%dma_start3A_38, %dma_start3A_39] : memref<6144x16xf32, #tpu.memory_space<vmem_shared>> -> memref<6144x16xf32, #tpu.memory_space<vmem_shared>>
        tpu.enqueue_indirect_dma source(%arg7 : memref<128x16xf32, #tpu.memory_space<vmem>>) target(%dma_start3A_40 : memref<6144x16xf32, #tpu.memory_space<vmem_shared>>) offsets(%dma_start3A_37 : memref<128xi32, #tpu.memory_space<vmem>>) semaphore(%run_scoped3A : memref<!tpu.dma_semaphore, #tpu.memory_space<semaphore_mem>>) {add = true}
        %dma_wait3A = arith.constant 0 : i32
        %dma_wait3A_41 = tpu.memref_slice %arg5[%while3A_35, %dma_wait3A] : memref<158x128xi32, #tpu.memory_space<vmem>> -> memref<1x128xi32, #tpu.memory_space<vmem>>
        %dma_wait3A_42 = tpu.memref_squeeze %dma_wait3A_41 : memref<1x128xi32, #tpu.memory_space<vmem>> -> memref<128xi32, #tpu.memory_space<vmem>>
        %dma_wait3A_43 = arith.constant 0 : i32
        %dma_wait3A_44 = arith.constant 0 : i32
        %dma_wait3A_45 = tpu.memref_slice %arg8[%dma_wait3A_43, %dma_wait3A_44] : memref<6144x16xf32, #tpu.memory_space<vmem_shared>> -> memref<6144x16xf32, #tpu.memory_space<vmem_shared>>
        tpu.wait_indirect_dma semaphore(%run_scoped3A : memref<!tpu.dma_semaphore, #tpu.memory_space<semaphore_mem>>) src(%arg7 : memref<128x16xf32, #tpu.memory_space<vmem>>) dst(%dma_wait3A_45 : memref<6144x16xf32, #tpu.memory_space<vmem_shared>>)
        tpu.yield
      }) : () -> ()
    }
    %barrier3A_28 = arith.constant 0 : index
    tpu.barrier barrier_id(%barrier3A_28)
    %add3A_29 = arith.constant 0 : i32
    %add3A_30 = arith.addi %mul3A_7, %add3A_29 : i32
    "tpu.region"() ({
      %run_scoped3A = tpu.sem_alloc : memref<!tpu.dma_semaphore, #tpu.memory_space<semaphore_mem>>
      %dma_start3A = arith.constant 0 : i32
      %dma_start3A_35 = tpu.memref_slice %arg4[%arg0, %add3A_30, %dma_start3A] : memref<2x6144x16xf32, #tpu.memory_space<hbm>> -> memref<1x128x16xf32, #tpu.memory_space<hbm>>
      %dma_start3A_36 = tpu.memref_squeeze %dma_start3A_35 : memref<1x128x16xf32, #tpu.memory_space<hbm>> -> memref<128x16xf32, #tpu.memory_space<hbm>>
      %dma_start3A_37 = arith.constant 0 : i32
      %dma_start3A_38 = tpu.memref_slice %arg8[%add3A_30, %dma_start3A_37] : memref<6144x16xf32, #tpu.memory_space<vmem_shared>> -> memref<128x16xf32, #tpu.memory_space<vmem_shared>>
      tpu.enqueue_dma source(%dma_start3A_38 : memref<128x16xf32, #tpu.memory_space<vmem_shared>>) target(%dma_start3A_36 : memref<128x16xf32, #tpu.memory_space<hbm>>) target_semaphore(%run_scoped3A : memref<!tpu.dma_semaphore, #tpu.memory_space<semaphore_mem>>)
      %dma_wait3A = arith.constant 0 : i32
      %dma_wait3A_39 = tpu.memref_slice %arg4[%arg0, %add3A_30, %dma_wait3A] : memref<2x6144x16xf32, #tpu.memory_space<hbm>> -> memref<1x128x16xf32, #tpu.memory_space<hbm>>
      %dma_wait3A_40 = tpu.memref_squeeze %dma_wait3A_39 : memref<1x128x16xf32, #tpu.memory_space<hbm>> -> memref<128x16xf32, #tpu.memory_space<hbm>>
      %dma_wait3A_41 = arith.constant 0 : i32
      %dma_wait3A_42 = tpu.memref_slice %arg8[%add3A_30, %dma_wait3A_41] : memref<6144x16xf32, #tpu.memory_space<vmem_shared>> -> memref<128x16xf32, #tpu.memory_space<vmem_shared>>
      tpu.wait_dma2 semaphore(%run_scoped3A : memref<!tpu.dma_semaphore, #tpu.memory_space<semaphore_mem>>) src(%dma_wait3A_42 : memref<128x16xf32, #tpu.memory_space<vmem_shared>>) dst(%dma_wait3A_40 : memref<128x16xf32, #tpu.memory_space<hbm>>)
      tpu.yield
    }) : () -> ()
    %add3A_31 = arith.constant 128 : i32
    %add3A_32 = arith.addi %mul3A_7, %add3A_31 : i32
    "tpu.region"() ({
      %run_scoped3A = tpu.sem_alloc : memref<!tpu.dma_semaphore, #tpu.memory_space<semaphore_mem>>
      %dma_start3A = arith.constant 0 : i32
      %dma_start3A_35 = tpu.memref_slice %arg4[%arg0, %add3A_32, %dma_start3A] : memref<2x6144x16xf32, #tpu.memory_space<hbm>> -> memref<1x128x16xf32, #tpu.memory_space<hbm>>
      %dma_start3A_36 = tpu.memref_squeeze %dma_start3A_35 : memref<1x128x16xf32, #tpu.memory_space<hbm>> -> memref<128x16xf32, #tpu.memory_space<hbm>>
      %dma_start3A_37 = arith.constant 0 : i32
      %dma_start3A_38 = tpu.memref_slice %arg8[%add3A_32, %dma_start3A_37] : memref<6144x16xf32, #tpu.memory_space<vmem_shared>> -> memref<128x16xf32, #tpu.memory_space<vmem_shared>>
      tpu.enqueue_dma source(%dma_start3A_38 : memref<128x16xf32, #tpu.memory_space<vmem_shared>>) target(%dma_start3A_36 : memref<128x16xf32, #tpu.memory_space<hbm>>) target_semaphore(%run_scoped3A : memref<!tpu.dma_semaphore, #tpu.memory_space<semaphore_mem>>)
      %dma_wait3A = arith.constant 0 : i32
      %dma_wait3A_39 = tpu.memref_slice %arg4[%arg0, %add3A_32, %dma_wait3A] : memref<2x6144x16xf32, #tpu.memory_space<hbm>> -> memref<1x128x16xf32, #tpu.memory_space<hbm>>
      %dma_wait3A_40 = tpu.memref_squeeze %dma_wait3A_39 : memref<1x128x16xf32, #tpu.memory_space<hbm>> -> memref<128x16xf32, #tpu.memory_space<hbm>>
      %dma_wait3A_41 = arith.constant 0 : i32
      %dma_wait3A_42 = tpu.memref_slice %arg8[%add3A_32, %dma_wait3A_41] : memref<6144x16xf32, #tpu.memory_space<vmem_shared>> -> memref<128x16xf32, #tpu.memory_space<vmem_shared>>
      tpu.wait_dma2 semaphore(%run_scoped3A : memref<!tpu.dma_semaphore, #tpu.memory_space<semaphore_mem>>) src(%dma_wait3A_42 : memref<128x16xf32, #tpu.memory_space<vmem_shared>>) dst(%dma_wait3A_40 : memref<128x16xf32, #tpu.memory_space<hbm>>)
      tpu.yield
    }) : () -> ()
    %add3A_33 = arith.constant 256 : i32
    %add3A_34 = arith.addi %mul3A_7, %add3A_33 : i32
    "tpu.region"() ({
      %run_scoped3A = tpu.sem_alloc : memref<!tpu.dma_semaphore, #tpu.memory_space<semaphore_mem>>
      %dma_start3A = arith.constant 0 : i32
      %dma_start3A_35 = tpu.memref_slice %arg4[%arg0, %add3A_34, %dma_start3A] : memref<2x6144x16xf32, #tpu.memory_space<hbm>> -> memref<1x128x16xf32, #tpu.memory_space<hbm>>
      %dma_start3A_36 = tpu.memref_squeeze %dma_start3A_35 : memref<1x128x16xf32, #tpu.memory_space<hbm>> -> memref<128x16xf32, #tpu.memory_space<hbm>>
      %dma_start3A_37 = arith.constant 0 : i32
      %dma_start3A_38 = tpu.memref_slice %arg8[%add3A_34, %dma_start3A_37] : memref<6144x16xf32, #tpu.memory_space<vmem_shared>> -> memref<128x16xf32, #tpu.memory_space<vmem_shared>>
      tpu.enqueue_dma source(%dma_start3A_38 : memref<128x16xf32, #tpu.memory_space<vmem_shared>>) target(%dma_start3A_36 : memref<128x16xf32, #tpu.memory_space<hbm>>) target_semaphore(%run_scoped3A : memref<!tpu.dma_semaphore, #tpu.memory_space<semaphore_mem>>)
      %dma_wait3A = arith.constant 0 : i32
      %dma_wait3A_39 = tpu.memref_slice %arg4[%arg0, %add3A_34, %dma_wait3A] : memref<2x6144x16xf32, #tpu.memory_space<hbm>> -> memref<1x128x16xf32, #tpu.memory_space<hbm>>
      %dma_wait3A_40 = tpu.memref_squeeze %dma_wait3A_39 : memref<1x128x16xf32, #tpu.memory_space<hbm>> -> memref<128x16xf32, #tpu.memory_space<hbm>>
      %dma_wait3A_41 = arith.constant 0 : i32
      %dma_wait3A_42 = tpu.memref_slice %arg8[%add3A_34, %dma_wait3A_41] : memref<6144x16xf32, #tpu.memory_space<vmem_shared>> -> memref<128x16xf32, #tpu.memory_space<vmem_shared>>
      tpu.wait_dma2 semaphore(%run_scoped3A : memref<!tpu.dma_semaphore, #tpu.memory_space<semaphore_mem>>) src(%dma_wait3A_42 : memref<128x16xf32, #tpu.memory_space<vmem_shared>>) dst(%dma_wait3A_40 : memref<128x16xf32, #tpu.memory_space<hbm>>)
      tpu.yield
    }) : () -> ()
    return
  }
}

#map = affine_map<(d0, d1) -> (0, 0)>
#map1 = affine_map<(d0, d1) -> (0, 0, 0, 0)>
#map2 = affine_map<(d0, d1) -> (0, 0, 0)>
module attributes {stable_mosaic.version = 14 : i64} {
  func.func @_agg_body(%arg0: i32, %arg1: i32, %arg2: memref<10000x128xf32, #tpu.memory_space<hbm>>, %arg3: memref<2x16x158x128xi32, #tpu.memory_space<hbm>>, %arg4: memref<2x16x158x128xi32, #tpu.memory_space<hbm>>, %arg5: memref<2x16xi32, #tpu.memory_space<hbm>>, %arg6: memref<2x6144x128xf32, #tpu.memory_space<hbm>>, %arg7: memref<158x128xi32, #tpu.memory_space<vmem>>, %arg8: memref<158x128xi32, #tpu.memory_space<vmem>>, %arg9: memref<16xi32, #tpu.memory_space<vmem>>, %arg10: memref<128x128xf32, #tpu.memory_space<vmem>>, %arg11: memref<128x128xf32, #tpu.memory_space<vmem>>, %arg12: memref<6144x128xf32, #tpu.memory_space<vmem_shared>>, %arg13: memref<!tpu.dma_semaphore, #tpu.memory_space<semaphore_mem>>, %arg14: memref<!tpu.dma_semaphore, #tpu.memory_space<semaphore_mem>>) attributes {dimension_semantics = [#tpu.dimension_semantics<core_parallel>, #tpu.dimension_semantics<subcore_parallel>], iteration_bounds = array<i64: 2, 16>, scalar_prefetch = 0 : i64, scratch_operands = 8 : i64, tpu.core_type = #tpu.core_type<sc_vector_subcore>, window_params = [{transform_indices = #map}, {transform_indices = #map1}, {transform_indices = #map1}, {transform_indices = #map}, {transform_indices = #map2}]} {
    "tpu.region"() ({
      %run_scoped3A = tpu.sem_alloc : memref<!tpu.dma_semaphore, #tpu.memory_space<semaphore_mem>>
      %dma_start3A = arith.constant 0 : i32
      %dma_start3A_52 = arith.constant 0 : i32
      %dma_start3A_53 = tpu.memref_slice %arg3[%arg0, %arg1, %dma_start3A, %dma_start3A_52] : memref<2x16x158x128xi32, #tpu.memory_space<hbm>> -> memref<1x1x158x128xi32, #tpu.memory_space<hbm>>
      %dma_start3A_54 = tpu.memref_squeeze %dma_start3A_53 : memref<1x1x158x128xi32, #tpu.memory_space<hbm>> -> memref<158x128xi32, #tpu.memory_space<hbm>>
      %dma_start3A_55 = arith.constant 0 : i32
      %dma_start3A_56 = arith.constant 0 : i32
      %dma_start3A_57 = tpu.memref_slice %arg3[%arg0, %arg1, %dma_start3A_55, %dma_start3A_56] : memref<2x16x158x128xi32, #tpu.memory_space<hbm>> -> memref<1x1x158x128xi32, #tpu.memory_space<hbm>>
      %dma_start3A_58 = tpu.memref_squeeze %dma_start3A_57 : memref<1x1x158x128xi32, #tpu.memory_space<hbm>> -> memref<158x128xi32, #tpu.memory_space<hbm>>
      tpu.enqueue_dma source(%dma_start3A_58 : memref<158x128xi32, #tpu.memory_space<hbm>>) target(%arg7 : memref<158x128xi32, #tpu.memory_space<vmem>>) target_semaphore(%run_scoped3A : memref<!tpu.dma_semaphore, #tpu.memory_space<semaphore_mem>>)
      %dma_wait3A = arith.constant 0 : i32
      %dma_wait3A_59 = arith.constant 0 : i32
      %dma_wait3A_60 = tpu.memref_slice %arg3[%arg0, %arg1, %dma_wait3A, %dma_wait3A_59] : memref<2x16x158x128xi32, #tpu.memory_space<hbm>> -> memref<1x1x158x128xi32, #tpu.memory_space<hbm>>
      %dma_wait3A_61 = tpu.memref_squeeze %dma_wait3A_60 : memref<1x1x158x128xi32, #tpu.memory_space<hbm>> -> memref<158x128xi32, #tpu.memory_space<hbm>>
      %dma_wait3A_62 = arith.constant 0 : i32
      %dma_wait3A_63 = arith.constant 0 : i32
      %dma_wait3A_64 = tpu.memref_slice %arg3[%arg0, %arg1, %dma_wait3A_62, %dma_wait3A_63] : memref<2x16x158x128xi32, #tpu.memory_space<hbm>> -> memref<1x1x158x128xi32, #tpu.memory_space<hbm>>
      %dma_wait3A_65 = tpu.memref_squeeze %dma_wait3A_64 : memref<1x1x158x128xi32, #tpu.memory_space<hbm>> -> memref<158x128xi32, #tpu.memory_space<hbm>>
      tpu.wait_dma2 semaphore(%run_scoped3A : memref<!tpu.dma_semaphore, #tpu.memory_space<semaphore_mem>>) src(%dma_wait3A_65 : memref<158x128xi32, #tpu.memory_space<hbm>>) dst(%arg7 : memref<158x128xi32, #tpu.memory_space<vmem>>)
      tpu.yield
    }) : () -> ()
    "tpu.region"() ({
      %run_scoped3A = tpu.sem_alloc : memref<!tpu.dma_semaphore, #tpu.memory_space<semaphore_mem>>
      %dma_start3A = arith.constant 0 : i32
      %dma_start3A_52 = arith.constant 0 : i32
      %dma_start3A_53 = tpu.memref_slice %arg4[%arg0, %arg1, %dma_start3A, %dma_start3A_52] : memref<2x16x158x128xi32, #tpu.memory_space<hbm>> -> memref<1x1x158x128xi32, #tpu.memory_space<hbm>>
      %dma_start3A_54 = tpu.memref_squeeze %dma_start3A_53 : memref<1x1x158x128xi32, #tpu.memory_space<hbm>> -> memref<158x128xi32, #tpu.memory_space<hbm>>
      %dma_start3A_55 = arith.constant 0 : i32
      %dma_start3A_56 = arith.constant 0 : i32
      %dma_start3A_57 = tpu.memref_slice %arg4[%arg0, %arg1, %dma_start3A_55, %dma_start3A_56] : memref<2x16x158x128xi32, #tpu.memory_space<hbm>> -> memref<1x1x158x128xi32, #tpu.memory_space<hbm>>
      %dma_start3A_58 = tpu.memref_squeeze %dma_start3A_57 : memref<1x1x158x128xi32, #tpu.memory_space<hbm>> -> memref<158x128xi32, #tpu.memory_space<hbm>>
      tpu.enqueue_dma source(%dma_start3A_58 : memref<158x128xi32, #tpu.memory_space<hbm>>) target(%arg8 : memref<158x128xi32, #tpu.memory_space<vmem>>) target_semaphore(%run_scoped3A : memref<!tpu.dma_semaphore, #tpu.memory_space<semaphore_mem>>)
      %dma_wait3A = arith.constant 0 : i32
      %dma_wait3A_59 = arith.constant 0 : i32
      %dma_wait3A_60 = tpu.memref_slice %arg4[%arg0, %arg1, %dma_wait3A, %dma_wait3A_59] : memref<2x16x158x128xi32, #tpu.memory_space<hbm>> -> memref<1x1x158x128xi32, #tpu.memory_space<hbm>>
      %dma_wait3A_61 = tpu.memref_squeeze %dma_wait3A_60 : memref<1x1x158x128xi32, #tpu.memory_space<hbm>> -> memref<158x128xi32, #tpu.memory_space<hbm>>
      %dma_wait3A_62 = arith.constant 0 : i32
      %dma_wait3A_63 = arith.constant 0 : i32
      %dma_wait3A_64 = tpu.memref_slice %arg4[%arg0, %arg1, %dma_wait3A_62, %dma_wait3A_63] : memref<2x16x158x128xi32, #tpu.memory_space<hbm>> -> memref<1x1x158x128xi32, #tpu.memory_space<hbm>>
      %dma_wait3A_65 = tpu.memref_squeeze %dma_wait3A_64 : memref<1x1x158x128xi32, #tpu.memory_space<hbm>> -> memref<158x128xi32, #tpu.memory_space<hbm>>
      tpu.wait_dma2 semaphore(%run_scoped3A : memref<!tpu.dma_semaphore, #tpu.memory_space<semaphore_mem>>) src(%dma_wait3A_65 : memref<158x128xi32, #tpu.memory_space<hbm>>) dst(%arg8 : memref<158x128xi32, #tpu.memory_space<vmem>>)
      tpu.yield
    }) : () -> ()
    "tpu.region"() ({
      %run_scoped3A = tpu.sem_alloc : memref<!tpu.dma_semaphore, #tpu.memory_space<semaphore_mem>>
      %dma_start3A = arith.constant 0 : i32
      %dma_start3A_52 = tpu.memref_slice %arg5[%arg0, %dma_start3A] : memref<2x16xi32, #tpu.memory_space<hbm>> -> memref<1x16xi32, #tpu.memory_space<hbm>>
      %dma_start3A_53 = tpu.memref_squeeze %dma_start3A_52 : memref<1x16xi32, #tpu.memory_space<hbm>> -> memref<16xi32, #tpu.memory_space<hbm>>
      %dma_start3A_54 = arith.constant 0 : i32
      %dma_start3A_55 = tpu.memref_slice %arg5[%arg0, %dma_start3A_54] : memref<2x16xi32, #tpu.memory_space<hbm>> -> memref<1x16xi32, #tpu.memory_space<hbm>>
      %dma_start3A_56 = tpu.memref_squeeze %dma_start3A_55 : memref<1x16xi32, #tpu.memory_space<hbm>> -> memref<16xi32, #tpu.memory_space<hbm>>
      tpu.enqueue_dma source(%dma_start3A_56 : memref<16xi32, #tpu.memory_space<hbm>>) target(%arg9 : memref<16xi32, #tpu.memory_space<vmem>>) target_semaphore(%run_scoped3A : memref<!tpu.dma_semaphore, #tpu.memory_space<semaphore_mem>>)
      %dma_wait3A = arith.constant 0 : i32
      %dma_wait3A_57 = tpu.memref_slice %arg5[%arg0, %dma_wait3A] : memref<2x16xi32, #tpu.memory_space<hbm>> -> memref<1x16xi32, #tpu.memory_space<hbm>>
      %dma_wait3A_58 = tpu.memref_squeeze %dma_wait3A_57 : memref<1x16xi32, #tpu.memory_space<hbm>> -> memref<16xi32, #tpu.memory_space<hbm>>
      %dma_wait3A_59 = arith.constant 0 : i32
      %dma_wait3A_60 = tpu.memref_slice %arg5[%arg0, %dma_wait3A_59] : memref<2x16xi32, #tpu.memory_space<hbm>> -> memref<1x16xi32, #tpu.memory_space<hbm>>
      %dma_wait3A_61 = tpu.memref_squeeze %dma_wait3A_60 : memref<1x16xi32, #tpu.memory_space<hbm>> -> memref<16xi32, #tpu.memory_space<hbm>>
      tpu.wait_dma2 semaphore(%run_scoped3A : memref<!tpu.dma_semaphore, #tpu.memory_space<semaphore_mem>>) src(%dma_wait3A_61 : memref<16xi32, #tpu.memory_space<hbm>>) dst(%arg9 : memref<16xi32, #tpu.memory_space<vmem>>)
      tpu.yield
    }) : () -> ()
    %get3A = arith.constant 0 : index
    %get3A_0 = tpu.vector_load %arg9[%get3A] {strides = array<i32>} : memref<16xi32, #tpu.memory_space<vmem>>, vector<16xi32>,
    %get3A_1 = vector.shape_cast %get3A_0 : vector<16xi32> to vector<16xi32>
    %slice3A = vector.extract_strided_slice %get3A_1 {offsets = [0], sizes = [1], strides = [1]} : vector<16xi32> to vector<1xi32>
    %squeeze3A = vector.extract %slice3A[0] : i32 from vector<1xi32>
    %scan3A = arith.constant 0 : i32
    %scan3A_2 = arith.constant 0 : i32
    %scan3A_3 = arith.constant 128 : i32
    %scan3A_4 = arith.addi %scan3A_2, %scan3A_3 : i32
    %scan3A_5 = arith.constant 1 : i32
    scf.for %scan3A_52 = %scan3A_2 to %scan3A_4 step %scan3A_5  : i32 {
      %broadcast_in_dim3A = arith.constant 0.000000e+00 : f32
      %broadcast_in_dim3A_53 = vector.broadcast %broadcast_in_dim3A : f32 to vector<16xf32>
      %swap3A = arith.index_cast %scan3A_52 : i32 to index
      %swap3A_54 = arith.constant 0 : index
      %swap3A_55 = tpu.vector_load %arg10[%swap3A, %swap3A_54] {strides = array<i32>} : memref<128x128xf32, #tpu.memory_space<vmem>>, vector<1x16xf32>,
      %swap3A_56 = vector.shape_cast %swap3A_55 : vector<1x16xf32> to vector<16xf32>
      %swap3A_57 = vector.shape_cast %broadcast_in_dim3A_53 : vector<16xf32> to vector<1x16xf32>
      tpu.vector_store %arg10[%swap3A, %swap3A_54], %swap3A_57 {strides = array<i32>} : memref<128x128xf32, #tpu.memory_space<vmem>>, vector<1x16xf32>,
      %broadcast_in_dim3A_58 = arith.constant 0.000000e+00 : f32
      %broadcast_in_dim3A_59 = vector.broadcast %broadcast_in_dim3A_58 : f32 to vector<16xf32>
      %swap3A_60 = arith.index_cast %scan3A_52 : i32 to index
      %swap3A_61 = arith.constant 16 : index
      %swap3A_62 = tpu.vector_load %arg10[%swap3A_60, %swap3A_61] {strides = array<i32>} : memref<128x128xf32, #tpu.memory_space<vmem>>, vector<1x16xf32>,
      %swap3A_63 = vector.shape_cast %swap3A_62 : vector<1x16xf32> to vector<16xf32>
      %swap3A_64 = vector.shape_cast %broadcast_in_dim3A_59 : vector<16xf32> to vector<1x16xf32>
      tpu.vector_store %arg10[%swap3A_60, %swap3A_61], %swap3A_64 {strides = array<i32>} : memref<128x128xf32, #tpu.memory_space<vmem>>, vector<1x16xf32>,
      %broadcast_in_dim3A_65 = arith.constant 0.000000e+00 : f32
      %broadcast_in_dim3A_66 = vector.broadcast %broadcast_in_dim3A_65 : f32 to vector<16xf32>
      %swap3A_67 = arith.index_cast %scan3A_52 : i32 to index
      %swap3A_68 = arith.constant 32 : index
      %swap3A_69 = tpu.vector_load %arg10[%swap3A_67, %swap3A_68] {strides = array<i32>} : memref<128x128xf32, #tpu.memory_space<vmem>>, vector<1x16xf32>,
      %swap3A_70 = vector.shape_cast %swap3A_69 : vector<1x16xf32> to vector<16xf32>
      %swap3A_71 = vector.shape_cast %broadcast_in_dim3A_66 : vector<16xf32> to vector<1x16xf32>
      tpu.vector_store %arg10[%swap3A_67, %swap3A_68], %swap3A_71 {strides = array<i32>} : memref<128x128xf32, #tpu.memory_space<vmem>>, vector<1x16xf32>,
      %broadcast_in_dim3A_72 = arith.constant 0.000000e+00 : f32
      %broadcast_in_dim3A_73 = vector.broadcast %broadcast_in_dim3A_72 : f32 to vector<16xf32>
      %swap3A_74 = arith.index_cast %scan3A_52 : i32 to index
      %swap3A_75 = arith.constant 48 : index
      %swap3A_76 = tpu.vector_load %arg10[%swap3A_74, %swap3A_75] {strides = array<i32>} : memref<128x128xf32, #tpu.memory_space<vmem>>, vector<1x16xf32>,
      %swap3A_77 = vector.shape_cast %swap3A_76 : vector<1x16xf32> to vector<16xf32>
      %swap3A_78 = vector.shape_cast %broadcast_in_dim3A_73 : vector<16xf32> to vector<1x16xf32>
      tpu.vector_store %arg10[%swap3A_74, %swap3A_75], %swap3A_78 {strides = array<i32>} : memref<128x128xf32, #tpu.memory_space<vmem>>, vector<1x16xf32>,
      %broadcast_in_dim3A_79 = arith.constant 0.000000e+00 : f32
      %broadcast_in_dim3A_80 = vector.broadcast %broadcast_in_dim3A_79 : f32 to vector<16xf32>
      %swap3A_81 = arith.index_cast %scan3A_52 : i32 to index
      %swap3A_82 = arith.constant 64 : index
      %swap3A_83 = tpu.vector_load %arg10[%swap3A_81, %swap3A_82] {strides = array<i32>} : memref<128x128xf32, #tpu.memory_space<vmem>>, vector<1x16xf32>,
      %swap3A_84 = vector.shape_cast %swap3A_83 : vector<1x16xf32> to vector<16xf32>
      %swap3A_85 = vector.shape_cast %broadcast_in_dim3A_80 : vector<16xf32> to vector<1x16xf32>
      tpu.vector_store %arg10[%swap3A_81, %swap3A_82], %swap3A_85 {strides = array<i32>} : memref<128x128xf32, #tpu.memory_space<vmem>>, vector<1x16xf32>,
      %broadcast_in_dim3A_86 = arith.constant 0.000000e+00 : f32
      %broadcast_in_dim3A_87 = vector.broadcast %broadcast_in_dim3A_86 : f32 to vector<16xf32>
      %swap3A_88 = arith.index_cast %scan3A_52 : i32 to index
      %swap3A_89 = arith.constant 80 : index
      %swap3A_90 = tpu.vector_load %arg10[%swap3A_88, %swap3A_89] {strides = array<i32>} : memref<128x128xf32, #tpu.memory_space<vmem>>, vector<1x16xf32>,
      %swap3A_91 = vector.shape_cast %swap3A_90 : vector<1x16xf32> to vector<16xf32>
      %swap3A_92 = vector.shape_cast %broadcast_in_dim3A_87 : vector<16xf32> to vector<1x16xf32>
      tpu.vector_store %arg10[%swap3A_88, %swap3A_89], %swap3A_92 {strides = array<i32>} : memref<128x128xf32, #tpu.memory_space<vmem>>, vector<1x16xf32>,
      %broadcast_in_dim3A_93 = arith.constant 0.000000e+00 : f32
      %broadcast_in_dim3A_94 = vector.broadcast %broadcast_in_dim3A_93 : f32 to vector<16xf32>
      %swap3A_95 = arith.index_cast %scan3A_52 : i32 to index
      %swap3A_96 = arith.constant 96 : index
      %swap3A_97 = tpu.vector_load %arg10[%swap3A_95, %swap3A_96] {strides = array<i32>} : memref<128x128xf32, #tpu.memory_space<vmem>>, vector<1x16xf32>,
      %swap3A_98 = vector.shape_cast %swap3A_97 : vector<1x16xf32> to vector<16xf32>
      %swap3A_99 = vector.shape_cast %broadcast_in_dim3A_94 : vector<16xf32> to vector<1x16xf32>
      tpu.vector_store %arg10[%swap3A_95, %swap3A_96], %swap3A_99 {strides = array<i32>} : memref<128x128xf32, #tpu.memory_space<vmem>>, vector<1x16xf32>,
      %broadcast_in_dim3A_100 = arith.constant 0.000000e+00 : f32
      %broadcast_in_dim3A_101 = vector.broadcast %broadcast_in_dim3A_100 : f32 to vector<16xf32>
      %swap3A_102 = arith.index_cast %scan3A_52 : i32 to index
      %swap3A_103 = arith.constant 112 : index
      %swap3A_104 = tpu.vector_load %arg10[%swap3A_102, %swap3A_103] {strides = array<i32>} : memref<128x128xf32, #tpu.memory_space<vmem>>, vector<1x16xf32>,
      %swap3A_105 = vector.shape_cast %swap3A_104 : vector<1x16xf32> to vector<16xf32>
      %swap3A_106 = vector.shape_cast %broadcast_in_dim3A_101 : vector<16xf32> to vector<1x16xf32>
      tpu.vector_store %arg10[%swap3A_102, %swap3A_103], %swap3A_106 {strides = array<i32>} : memref<128x128xf32, #tpu.memory_space<vmem>>, vector<1x16xf32>,
    }
    %scan3A_6 = arith.constant 128 : i32
    %mul3A = arith.constant 384 : i32
    %mul3A_7 = arith.muli %arg1, %mul3A : i32
    %add3A = arith.constant 0 : i32
    %add3A_8 = arith.addi %mul3A_7, %add3A : i32
    "tpu.region"() ({
      %run_scoped3A = tpu.sem_alloc : memref<!tpu.dma_semaphore, #tpu.memory_space<semaphore_mem>>
      %dma_start3A = arith.constant 0 : i32
      %dma_start3A_52 = tpu.memref_slice %arg12[%add3A_8, %dma_start3A] : memref<6144x128xf32, #tpu.memory_space<vmem_shared>> -> memref<128x128xf32, #tpu.memory_space<vmem_shared>>
      %dma_start3A_53 = arith.constant 0 : i32
      %dma_start3A_54 = tpu.memref_slice %arg12[%add3A_8, %dma_start3A_53] : memref<6144x128xf32, #tpu.memory_space<vmem_shared>> -> memref<128x128xf32, #tpu.memory_space<vmem_shared>>
      tpu.enqueue_dma source(%arg10 : memref<128x128xf32, #tpu.memory_space<vmem>>) target(%dma_start3A_54 : memref<128x128xf32, #tpu.memory_space<vmem_shared>>) target_semaphore(%run_scoped3A : memref<!tpu.dma_semaphore, #tpu.memory_space<semaphore_mem>>)
      %dma_wait3A = arith.constant 0 : i32
      %dma_wait3A_55 = tpu.memref_slice %arg12[%add3A_8, %dma_wait3A] : memref<6144x128xf32, #tpu.memory_space<vmem_shared>> -> memref<128x128xf32, #tpu.memory_space<vmem_shared>>
      %dma_wait3A_56 = arith.constant 0 : i32
      %dma_wait3A_57 = tpu.memref_slice %arg12[%add3A_8, %dma_wait3A_56] : memref<6144x128xf32, #tpu.memory_space<vmem_shared>> -> memref<128x128xf32, #tpu.memory_space<vmem_shared>>
      tpu.wait_dma2 semaphore(%run_scoped3A : memref<!tpu.dma_semaphore, #tpu.memory_space<semaphore_mem>>) src(%arg10 : memref<128x128xf32, #tpu.memory_space<vmem>>) dst(%dma_wait3A_57 : memref<128x128xf32, #tpu.memory_space<vmem_shared>>)
      tpu.yield
    }) : () -> ()
    %add3A_9 = arith.constant 128 : i32
    %add3A_10 = arith.addi %mul3A_7, %add3A_9 : i32
    "tpu.region"() ({
      %run_scoped3A = tpu.sem_alloc : memref<!tpu.dma_semaphore, #tpu.memory_space<semaphore_mem>>
      %dma_start3A = arith.constant 0 : i32
      %dma_start3A_52 = tpu.memref_slice %arg12[%add3A_10, %dma_start3A] : memref<6144x128xf32, #tpu.memory_space<vmem_shared>> -> memref<128x128xf32, #tpu.memory_space<vmem_shared>>
      %dma_start3A_53 = arith.constant 0 : i32
      %dma_start3A_54 = tpu.memref_slice %arg12[%add3A_10, %dma_start3A_53] : memref<6144x128xf32, #tpu.memory_space<vmem_shared>> -> memref<128x128xf32, #tpu.memory_space<vmem_shared>>
      tpu.enqueue_dma source(%arg10 : memref<128x128xf32, #tpu.memory_space<vmem>>) target(%dma_start3A_54 : memref<128x128xf32, #tpu.memory_space<vmem_shared>>) target_semaphore(%run_scoped3A : memref<!tpu.dma_semaphore, #tpu.memory_space<semaphore_mem>>)
      %dma_wait3A = arith.constant 0 : i32
      %dma_wait3A_55 = tpu.memref_slice %arg12[%add3A_10, %dma_wait3A] : memref<6144x128xf32, #tpu.memory_space<vmem_shared>> -> memref<128x128xf32, #tpu.memory_space<vmem_shared>>
      %dma_wait3A_56 = arith.constant 0 : i32
      %dma_wait3A_57 = tpu.memref_slice %arg12[%add3A_10, %dma_wait3A_56] : memref<6144x128xf32, #tpu.memory_space<vmem_shared>> -> memref<128x128xf32, #tpu.memory_space<vmem_shared>>
      tpu.wait_dma2 semaphore(%run_scoped3A : memref<!tpu.dma_semaphore, #tpu.memory_space<semaphore_mem>>) src(%arg10 : memref<128x128xf32, #tpu.memory_space<vmem>>) dst(%dma_wait3A_57 : memref<128x128xf32, #tpu.memory_space<vmem_shared>>)
      tpu.yield
    }) : () -> ()
    %add3A_11 = arith.constant 256 : i32
    %add3A_12 = arith.addi %mul3A_7, %add3A_11 : i32
    "tpu.region"() ({
      %run_scoped3A = tpu.sem_alloc : memref<!tpu.dma_semaphore, #tpu.memory_space<semaphore_mem>>
      %dma_start3A = arith.constant 0 : i32
      %dma_start3A_52 = tpu.memref_slice %arg12[%add3A_12, %dma_start3A] : memref<6144x128xf32, #tpu.memory_space<vmem_shared>> -> memref<128x128xf32, #tpu.memory_space<vmem_shared>>
      %dma_start3A_53 = arith.constant 0 : i32
      %dma_start3A_54 = tpu.memref_slice %arg12[%add3A_12, %dma_start3A_53] : memref<6144x128xf32, #tpu.memory_space<vmem_shared>> -> memref<128x128xf32, #tpu.memory_space<vmem_shared>>
      tpu.enqueue_dma source(%arg10 : memref<128x128xf32, #tpu.memory_space<vmem>>) target(%dma_start3A_54 : memref<128x128xf32, #tpu.memory_space<vmem_shared>>) target_semaphore(%run_scoped3A : memref<!tpu.dma_semaphore, #tpu.memory_space<semaphore_mem>>)
      %dma_wait3A = arith.constant 0 : i32
      %dma_wait3A_55 = tpu.memref_slice %arg12[%add3A_12, %dma_wait3A] : memref<6144x128xf32, #tpu.memory_space<vmem_shared>> -> memref<128x128xf32, #tpu.memory_space<vmem_shared>>
      %dma_wait3A_56 = arith.constant 0 : i32
      %dma_wait3A_57 = tpu.memref_slice %arg12[%add3A_12, %dma_wait3A_56] : memref<6144x128xf32, #tpu.memory_space<vmem_shared>> -> memref<128x128xf32, #tpu.memory_space<vmem_shared>>
      tpu.wait_dma2 semaphore(%run_scoped3A : memref<!tpu.dma_semaphore, #tpu.memory_space<semaphore_mem>>) src(%arg10 : memref<128x128xf32, #tpu.memory_space<vmem>>) dst(%dma_wait3A_57 : memref<128x128xf32, #tpu.memory_space<vmem_shared>>)
      tpu.yield
    }) : () -> ()
    %barrier3A = arith.constant 0 : index
    tpu.barrier barrier_id(%barrier3A)
    %gt3A = arith.constant 0 : i32
    %gt3A_13 = arith.cmpi sgt, %squeeze3A, %gt3A : i32
    %convert_element_type3A = arith.extui %gt3A_13 : i1 to i32
    %cond3A = arith.constant 0 : i32
    %cond3A_14 = arith.cmpi ne, %convert_element_type3A, %cond3A : i32
    scf.if %cond3A_14 {
      %dma_start3A = arith.constant 0 : i32
      %dma_start3A_52 = arith.constant 0 : i32
      %dma_start3A_53 = tpu.memref_slice %arg7[%dma_start3A, %dma_start3A_52] : memref<158x128xi32, #tpu.memory_space<vmem>> -> memref<1x128xi32, #tpu.memory_space<vmem>>
      %dma_start3A_54 = tpu.memref_squeeze %dma_start3A_53 : memref<1x128xi32, #tpu.memory_space<vmem>> -> memref<128xi32, #tpu.memory_space<vmem>>
      %dma_start3A_55 = arith.constant 0 : i32
      %dma_start3A_56 = arith.constant 0 : i32
      %dma_start3A_57 = tpu.memref_slice %arg2[%dma_start3A_55, %dma_start3A_56] : memref<10000x128xf32, #tpu.memory_space<hbm>> -> memref<10000x128xf32, #tpu.memory_space<hbm>>
      tpu.enqueue_indirect_dma source(%dma_start3A_57 : memref<10000x128xf32, #tpu.memory_space<hbm>>) target(%arg10 : memref<128x128xf32, #tpu.memory_space<vmem>>) offsets(%dma_start3A_54 : memref<128xi32, #tpu.memory_space<vmem>>) semaphore(%arg13 : memref<!tpu.dma_semaphore, #tpu.memory_space<semaphore_mem>>)
    } else {
    }
    %jit3A = arith.constant 2 : i32
    %div3A = arith.divsi %squeeze3A, %jit3A : i32
    %sign3A = arith.constant 0 : i32
    %sign3A_15 = arith.cmpi sgt, %squeeze3A, %sign3A : i32
    %sign3A_16 = arith.extui %sign3A_15 : i1 to i32
    %sign3A_17 = arith.constant 0 : i32
    %sign3A_18 = arith.cmpi slt, %squeeze3A, %sign3A_17 : i32
    %sign3A_19 = arith.extui %sign3A_18 : i1 to i32
    %sign3A_20 = arith.subi %sign3A_16, %sign3A_19 : i32
    %sign3A_21 = arith.constant 0 : i32
    %sign3A_22 = arith.cmpi sgt, %jit3A, %sign3A_21 : i32
    %sign3A_23 = arith.extui %sign3A_22 : i1 to i32
    %sign3A_24 = arith.constant 0 : i32
    %sign3A_25 = arith.cmpi slt, %jit3A, %sign3A_24 : i32
    %sign3A_26 = arith.extui %sign3A_25 : i1 to i32
    %sign3A_27 = arith.subi %sign3A_23, %sign3A_26 : i32
    %ne3A = arith.cmpi ne, %sign3A_20, %sign3A_27 : i32
    %rem3A = arith.remsi %squeeze3A, %jit3A : i32
    %ne3A_28 = arith.constant 0 : i32
    %ne3A_29 = arith.cmpi ne, %rem3A, %ne3A_28 : i32
    %and3A = arith.andi %ne3A, %ne3A_29 : i1
    %sub3A = arith.constant 1 : i32
    %sub3A_30 = arith.subi %div3A, %sub3A : i32
    %select_n3A = arith.select %and3A, %sub3A_30, %div3A : i32
    %while3A = arith.constant 0 : i32
    %while3A_31 = arith.constant 0 : i32
    %while3A_32 = arith.subi %select_n3A, %while3A_31 : i32
    %while3A_33 = arith.addi %while3A_31, %while3A_32 : i32
    %while3A_34 = arith.constant 1 : i32
    %while3A_35 = arith.divsi %while3A_32, %while3A_34 : i32
    %while3A_36 = arith.muli %while3A_35, %while3A_34 : i32
    %while3A_37 = arith.addi %while3A_31, %while3A_36 : i32
    %while3A_38 = arith.constant 1 : i32
    scf.for %while3A_52 = %while3A_31 to %while3A_37 step %while3A_38  : i32 {
      %mul3A_53 = arith.constant 2 : i32
      %mul3A_54 = arith.muli %while3A_52, %mul3A_53 : i32
      %add3A_55 = arith.constant 1 : i32
      %add3A_56 = arith.addi %mul3A_54, %add3A_55 : i32
      %dma_start3A = arith.constant 0 : i32
      %dma_start3A_57 = tpu.memref_slice %arg7[%add3A_56, %dma_start3A] : memref<158x128xi32, #tpu.memory_space<vmem>> -> memref<1x128xi32, #tpu.memory_space<vmem>>
      %dma_start3A_58 = tpu.memref_squeeze %dma_start3A_57 : memref<1x128xi32, #tpu.memory_space<vmem>> -> memref<128xi32, #tpu.memory_space<vmem>>
      %dma_start3A_59 = arith.constant 0 : i32
      %dma_start3A_60 = arith.constant 0 : i32
      %dma_start3A_61 = tpu.memref_slice %arg2[%dma_start3A_59, %dma_start3A_60] : memref<10000x128xf32, #tpu.memory_space<hbm>> -> memref<10000x128xf32, #tpu.memory_space<hbm>>
      tpu.enqueue_indirect_dma source(%dma_start3A_61 : memref<10000x128xf32, #tpu.memory_space<hbm>>) target(%arg11 : memref<128x128xf32, #tpu.memory_space<vmem>>) offsets(%dma_start3A_58 : memref<128xi32, #tpu.memory_space<vmem>>) semaphore(%arg14 : memref<!tpu.dma_semaphore, #tpu.memory_space<semaphore_mem>>)
      %dma_wait3A = arith.constant 0 : i32
      %dma_wait3A_62 = tpu.memref_slice %arg7[%mul3A_54, %dma_wait3A] : memref<158x128xi32, #tpu.memory_space<vmem>> -> memref<1x128xi32, #tpu.memory_space<vmem>>
      %dma_wait3A_63 = tpu.memref_squeeze %dma_wait3A_62 : memref<1x128xi32, #tpu.memory_space<vmem>> -> memref<128xi32, #tpu.memory_space<vmem>>
      %dma_wait3A_64 = arith.constant 0 : i32
      %dma_wait3A_65 = arith.constant 0 : i32
      %dma_wait3A_66 = tpu.memref_slice %arg2[%dma_wait3A_64, %dma_wait3A_65] : memref<10000x128xf32, #tpu.memory_space<hbm>> -> memref<10000x128xf32, #tpu.memory_space<hbm>>
      tpu.wait_indirect_dma semaphore(%arg13 : memref<!tpu.dma_semaphore, #tpu.memory_space<semaphore_mem>>) src(%dma_wait3A_66 : memref<10000x128xf32, #tpu.memory_space<hbm>>) dst(%arg10 : memref<128x128xf32, #tpu.memory_space<vmem>>)
      "tpu.region"() ({
        %run_scoped3A = tpu.sem_alloc : memref<!tpu.dma_semaphore, #tpu.memory_space<semaphore_mem>>
        %dma_start3A_85 = arith.constant 0 : i32
        %dma_start3A_86 = tpu.memref_slice %arg8[%mul3A_54, %dma_start3A_85] : memref<158x128xi32, #tpu.memory_space<vmem>> -> memref<1x128xi32, #tpu.memory_space<vmem>>
        %dma_start3A_87 = tpu.memref_squeeze %dma_start3A_86 : memref<1x128xi32, #tpu.memory_space<vmem>> -> memref<128xi32, #tpu.memory_space<vmem>>
        %dma_start3A_88 = arith.constant 0 : i32
        %dma_start3A_89 = arith.constant 0 : i32
        %dma_start3A_90 = tpu.memref_slice %arg12[%dma_start3A_88, %dma_start3A_89] : memref<6144x128xf32, #tpu.memory_space<vmem_shared>> -> memref<6144x128xf32, #tpu.memory_space<vmem_shared>>
        tpu.enqueue_indirect_dma source(%arg10 : memref<128x128xf32, #tpu.memory_space<vmem>>) target(%dma_start3A_90 : memref<6144x128xf32, #tpu.memory_space<vmem_shared>>) offsets(%dma_start3A_87 : memref<128xi32, #tpu.memory_space<vmem>>) semaphore(%run_scoped3A : memref<!tpu.dma_semaphore, #tpu.memory_space<semaphore_mem>>) {add = true}
        %dma_wait3A_91 = arith.constant 0 : i32
        %dma_wait3A_92 = tpu.memref_slice %arg8[%mul3A_54, %dma_wait3A_91] : memref<158x128xi32, #tpu.memory_space<vmem>> -> memref<1x128xi32, #tpu.memory_space<vmem>>
        %dma_wait3A_93 = tpu.memref_squeeze %dma_wait3A_92 : memref<1x128xi32, #tpu.memory_space<vmem>> -> memref<128xi32, #tpu.memory_space<vmem>>
        %dma_wait3A_94 = arith.constant 0 : i32
        %dma_wait3A_95 = arith.constant 0 : i32
        %dma_wait3A_96 = tpu.memref_slice %arg12[%dma_wait3A_94, %dma_wait3A_95] : memref<6144x128xf32, #tpu.memory_space<vmem_shared>> -> memref<6144x128xf32, #tpu.memory_space<vmem_shared>>
        tpu.wait_indirect_dma semaphore(%run_scoped3A : memref<!tpu.dma_semaphore, #tpu.memory_space<semaphore_mem>>) src(%arg10 : memref<128x128xf32, #tpu.memory_space<vmem>>) dst(%dma_wait3A_96 : memref<6144x128xf32, #tpu.memory_space<vmem_shared>>)
        tpu.yield
      }) : () -> ()
      %add3A_67 = arith.constant 2 : i32
      %add3A_68 = arith.addi %mul3A_54, %add3A_67 : i32
      %dma_start3A_69 = arith.constant 0 : i32
      %dma_start3A_70 = tpu.memref_slice %arg7[%add3A_68, %dma_start3A_69] : memref<158x128xi32, #tpu.memory_space<vmem>> -> memref<1x128xi32, #tpu.memory_space<vmem>>
      %dma_start3A_71 = tpu.memref_squeeze %dma_start3A_70 : memref<1x128xi32, #tpu.memory_space<vmem>> -> memref<128xi32, #tpu.memory_space<vmem>>
      %dma_start3A_72 = arith.constant 0 : i32
      %dma_start3A_73 = arith.constant 0 : i32
      %dma_start3A_74 = tpu.memref_slice %arg2[%dma_start3A_72, %dma_start3A_73] : memref<10000x128xf32, #tpu.memory_space<hbm>> -> memref<10000x128xf32, #tpu.memory_space<hbm>>
      tpu.enqueue_indirect_dma source(%dma_start3A_74 : memref<10000x128xf32, #tpu.memory_space<hbm>>) target(%arg10 : memref<128x128xf32, #tpu.memory_space<vmem>>) offsets(%dma_start3A_71 : memref<128xi32, #tpu.memory_space<vmem>>) semaphore(%arg13 : memref<!tpu.dma_semaphore, #tpu.memory_space<semaphore_mem>>)
      %add3A_75 = arith.constant 1 : i32
      %add3A_76 = arith.addi %mul3A_54, %add3A_75 : i32
      %dma_wait3A_77 = arith.constant 0 : i32
      %dma_wait3A_78 = tpu.memref_slice %arg7[%add3A_76, %dma_wait3A_77] : memref<158x128xi32, #tpu.memory_space<vmem>> -> memref<1x128xi32, #tpu.memory_space<vmem>>
      %dma_wait3A_79 = tpu.memref_squeeze %dma_wait3A_78 : memref<1x128xi32, #tpu.memory_space<vmem>> -> memref<128xi32, #tpu.memory_space<vmem>>
      %dma_wait3A_80 = arith.constant 0 : i32
      %dma_wait3A_81 = arith.constant 0 : i32
      %dma_wait3A_82 = tpu.memref_slice %arg2[%dma_wait3A_80, %dma_wait3A_81] : memref<10000x128xf32, #tpu.memory_space<hbm>> -> memref<10000x128xf32, #tpu.memory_space<hbm>>
      tpu.wait_indirect_dma semaphore(%arg14 : memref<!tpu.dma_semaphore, #tpu.memory_space<semaphore_mem>>) src(%dma_wait3A_82 : memref<10000x128xf32, #tpu.memory_space<hbm>>) dst(%arg11 : memref<128x128xf32, #tpu.memory_space<vmem>>)
      %add3A_83 = arith.constant 1 : i32
      %add3A_84 = arith.addi %mul3A_54, %add3A_83 : i32
      "tpu.region"() ({
        %run_scoped3A = tpu.sem_alloc : memref<!tpu.dma_semaphore, #tpu.memory_space<semaphore_mem>>
        %dma_start3A_85 = arith.constant 0 : i32
        %dma_start3A_86 = tpu.memref_slice %arg8[%add3A_84, %dma_start3A_85] : memref<158x128xi32, #tpu.memory_space<vmem>> -> memref<1x128xi32, #tpu.memory_space<vmem>>
        %dma_start3A_87 = tpu.memref_squeeze %dma_start3A_86 : memref<1x128xi32, #tpu.memory_space<vmem>> -> memref<128xi32, #tpu.memory_space<vmem>>
        %dma_start3A_88 = arith.constant 0 : i32
        %dma_start3A_89 = arith.constant 0 : i32
        %dma_start3A_90 = tpu.memref_slice %arg12[%dma_start3A_88, %dma_start3A_89] : memref<6144x128xf32, #tpu.memory_space<vmem_shared>> -> memref<6144x128xf32, #tpu.memory_space<vmem_shared>>
        tpu.enqueue_indirect_dma source(%arg11 : memref<128x128xf32, #tpu.memory_space<vmem>>) target(%dma_start3A_90 : memref<6144x128xf32, #tpu.memory_space<vmem_shared>>) offsets(%dma_start3A_87 : memref<128xi32, #tpu.memory_space<vmem>>) semaphore(%run_scoped3A : memref<!tpu.dma_semaphore, #tpu.memory_space<semaphore_mem>>) {add = true}
        %dma_wait3A_91 = arith.constant 0 : i32
        %dma_wait3A_92 = tpu.memref_slice %arg8[%add3A_84, %dma_wait3A_91] : memref<158x128xi32, #tpu.memory_space<vmem>> -> memref<1x128xi32, #tpu.memory_space<vmem>>
        %dma_wait3A_93 = tpu.memref_squeeze %dma_wait3A_92 : memref<1x128xi32, #tpu.memory_space<vmem>> -> memref<128xi32, #tpu.memory_space<vmem>>
        %dma_wait3A_94 = arith.constant 0 : i32
        %dma_wait3A_95 = arith.constant 0 : i32
        %dma_wait3A_96 = tpu.memref_slice %arg12[%dma_wait3A_94, %dma_wait3A_95] : memref<6144x128xf32, #tpu.memory_space<vmem_shared>> -> memref<6144x128xf32, #tpu.memory_space<vmem_shared>>
        tpu.wait_indirect_dma semaphore(%run_scoped3A : memref<!tpu.dma_semaphore, #tpu.memory_space<semaphore_mem>>) src(%arg11 : memref<128x128xf32, #tpu.memory_space<vmem>>) dst(%dma_wait3A_96 : memref<6144x128xf32, #tpu.memory_space<vmem_shared>>)
        tpu.yield
      }) : () -> ()
    }
    %while3A_39 = arith.constant 1 : i32
    scf.for %while3A_52 = %while3A_37 to %while3A_33 step %while3A_39  : i32 {
      %mul3A_53 = arith.constant 2 : i32
      %mul3A_54 = arith.muli %while3A_52, %mul3A_53 : i32
      %add3A_55 = arith.constant 1 : i32
      %add3A_56 = arith.addi %mul3A_54, %add3A_55 : i32
      %dma_start3A = arith.constant 0 : i32
      %dma_start3A_57 = tpu.memref_slice %arg7[%add3A_56, %dma_start3A] : memref<158x128xi32, #tpu.memory_space<vmem>> -> memref<1x128xi32, #tpu.memory_space<vmem>>
      %dma_start3A_58 = tpu.memref_squeeze %dma_start3A_57 : memref<1x128xi32, #tpu.memory_space<vmem>> -> memref<128xi32, #tpu.memory_space<vmem>>
      %dma_start3A_59 = arith.constant 0 : i32
      %dma_start3A_60 = arith.constant 0 : i32
      %dma_start3A_61 = tpu.memref_slice %arg2[%dma_start3A_59, %dma_start3A_60] : memref<10000x128xf32, #tpu.memory_space<hbm>> -> memref<10000x128xf32, #tpu.memory_space<hbm>>
      tpu.enqueue_indirect_dma source(%dma_start3A_61 : memref<10000x128xf32, #tpu.memory_space<hbm>>) target(%arg11 : memref<128x128xf32, #tpu.memory_space<vmem>>) offsets(%dma_start3A_58 : memref<128xi32, #tpu.memory_space<vmem>>) semaphore(%arg14 : memref<!tpu.dma_semaphore, #tpu.memory_space<semaphore_mem>>)
      %dma_wait3A = arith.constant 0 : i32
      %dma_wait3A_62 = tpu.memref_slice %arg7[%mul3A_54, %dma_wait3A] : memref<158x128xi32, #tpu.memory_space<vmem>> -> memref<1x128xi32, #tpu.memory_space<vmem>>
      %dma_wait3A_63 = tpu.memref_squeeze %dma_wait3A_62 : memref<1x128xi32, #tpu.memory_space<vmem>> -> memref<128xi32, #tpu.memory_space<vmem>>
      %dma_wait3A_64 = arith.constant 0 : i32
      %dma_wait3A_65 = arith.constant 0 : i32
      %dma_wait3A_66 = tpu.memref_slice %arg2[%dma_wait3A_64, %dma_wait3A_65] : memref<10000x128xf32, #tpu.memory_space<hbm>> -> memref<10000x128xf32, #tpu.memory_space<hbm>>
      tpu.wait_indirect_dma semaphore(%arg13 : memref<!tpu.dma_semaphore, #tpu.memory_space<semaphore_mem>>) src(%dma_wait3A_66 : memref<10000x128xf32, #tpu.memory_space<hbm>>) dst(%arg10 : memref<128x128xf32, #tpu.memory_space<vmem>>)
      "tpu.region"() ({
        %run_scoped3A = tpu.sem_alloc : memref<!tpu.dma_semaphore, #tpu.memory_space<semaphore_mem>>
        %dma_start3A_85 = arith.constant 0 : i32
        %dma_start3A_86 = tpu.memref_slice %arg8[%mul3A_54, %dma_start3A_85] : memref<158x128xi32, #tpu.memory_space<vmem>> -> memref<1x128xi32, #tpu.memory_space<vmem>>
        %dma_start3A_87 = tpu.memref_squeeze %dma_start3A_86 : memref<1x128xi32, #tpu.memory_space<vmem>> -> memref<128xi32, #tpu.memory_space<vmem>>
        %dma_start3A_88 = arith.constant 0 : i32
        %dma_start3A_89 = arith.constant 0 : i32
        %dma_start3A_90 = tpu.memref_slice %arg12[%dma_start3A_88, %dma_start3A_89] : memref<6144x128xf32, #tpu.memory_space<vmem_shared>> -> memref<6144x128xf32, #tpu.memory_space<vmem_shared>>
        tpu.enqueue_indirect_dma source(%arg10 : memref<128x128xf32, #tpu.memory_space<vmem>>) target(%dma_start3A_90 : memref<6144x128xf32, #tpu.memory_space<vmem_shared>>) offsets(%dma_start3A_87 : memref<128xi32, #tpu.memory_space<vmem>>) semaphore(%run_scoped3A : memref<!tpu.dma_semaphore, #tpu.memory_space<semaphore_mem>>) {add = true}
        %dma_wait3A_91 = arith.constant 0 : i32
        %dma_wait3A_92 = tpu.memref_slice %arg8[%mul3A_54, %dma_wait3A_91] : memref<158x128xi32, #tpu.memory_space<vmem>> -> memref<1x128xi32, #tpu.memory_space<vmem>>
        %dma_wait3A_93 = tpu.memref_squeeze %dma_wait3A_92 : memref<1x128xi32, #tpu.memory_space<vmem>> -> memref<128xi32, #tpu.memory_space<vmem>>
        %dma_wait3A_94 = arith.constant 0 : i32
        %dma_wait3A_95 = arith.constant 0 : i32
        %dma_wait3A_96 = tpu.memref_slice %arg12[%dma_wait3A_94, %dma_wait3A_95] : memref<6144x128xf32, #tpu.memory_space<vmem_shared>> -> memref<6144x128xf32, #tpu.memory_space<vmem_shared>>
        tpu.wait_indirect_dma semaphore(%run_scoped3A : memref<!tpu.dma_semaphore, #tpu.memory_space<semaphore_mem>>) src(%arg10 : memref<128x128xf32, #tpu.memory_space<vmem>>) dst(%dma_wait3A_96 : memref<6144x128xf32, #tpu.memory_space<vmem_shared>>)
        tpu.yield
      }) : () -> ()
      %add3A_67 = arith.constant 2 : i32
      %add3A_68 = arith.addi %mul3A_54, %add3A_67 : i32
      %dma_start3A_69 = arith.constant 0 : i32
      %dma_start3A_70 = tpu.memref_slice %arg7[%add3A_68, %dma_start3A_69] : memref<158x128xi32, #tpu.memory_space<vmem>> -> memref<1x128xi32, #tpu.memory_space<vmem>>
      %dma_start3A_71 = tpu.memref_squeeze %dma_start3A_70 : memref<1x128xi32, #tpu.memory_space<vmem>> -> memref<128xi32, #tpu.memory_space<vmem>>
      %dma_start3A_72 = arith.constant 0 : i32
      %dma_start3A_73 = arith.constant 0 : i32
      %dma_start3A_74 = tpu.memref_slice %arg2[%dma_start3A_72, %dma_start3A_73] : memref<10000x128xf32, #tpu.memory_space<hbm>> -> memref<10000x128xf32, #tpu.memory_space<hbm>>
      tpu.enqueue_indirect_dma source(%dma_start3A_74 : memref<10000x128xf32, #tpu.memory_space<hbm>>) target(%arg10 : memref<128x128xf32, #tpu.memory_space<vmem>>) offsets(%dma_start3A_71 : memref<128xi32, #tpu.memory_space<vmem>>) semaphore(%arg13 : memref<!tpu.dma_semaphore, #tpu.memory_space<semaphore_mem>>)
      %add3A_75 = arith.constant 1 : i32
      %add3A_76 = arith.addi %mul3A_54, %add3A_75 : i32
      %dma_wait3A_77 = arith.constant 0 : i32
      %dma_wait3A_78 = tpu.memref_slice %arg7[%add3A_76, %dma_wait3A_77] : memref<158x128xi32, #tpu.memory_space<vmem>> -> memref<1x128xi32, #tpu.memory_space<vmem>>
      %dma_wait3A_79 = tpu.memref_squeeze %dma_wait3A_78 : memref<1x128xi32, #tpu.memory_space<vmem>> -> memref<128xi32, #tpu.memory_space<vmem>>
      %dma_wait3A_80 = arith.constant 0 : i32
      %dma_wait3A_81 = arith.constant 0 : i32
      %dma_wait3A_82 = tpu.memref_slice %arg2[%dma_wait3A_80, %dma_wait3A_81] : memref<10000x128xf32, #tpu.memory_space<hbm>> -> memref<10000x128xf32, #tpu.memory_space<hbm>>
      tpu.wait_indirect_dma semaphore(%arg14 : memref<!tpu.dma_semaphore, #tpu.memory_space<semaphore_mem>>) src(%dma_wait3A_82 : memref<10000x128xf32, #tpu.memory_space<hbm>>) dst(%arg11 : memref<128x128xf32, #tpu.memory_space<vmem>>)
      %add3A_83 = arith.constant 1 : i32
      %add3A_84 = arith.addi %mul3A_54, %add3A_83 : i32
      "tpu.region"() ({
        %run_scoped3A = tpu.sem_alloc : memref<!tpu.dma_semaphore, #tpu.memory_space<semaphore_mem>>
        %dma_start3A_85 = arith.constant 0 : i32
        %dma_start3A_86 = tpu.memref_slice %arg8[%add3A_84, %dma_start3A_85] : memref<158x128xi32, #tpu.memory_space<vmem>> -> memref<1x128xi32, #tpu.memory_space<vmem>>
        %dma_start3A_87 = tpu.memref_squeeze %dma_start3A_86 : memref<1x128xi32, #tpu.memory_space<vmem>> -> memref<128xi32, #tpu.memory_space<vmem>>
        %dma_start3A_88 = arith.constant 0 : i32
        %dma_start3A_89 = arith.constant 0 : i32
        %dma_start3A_90 = tpu.memref_slice %arg12[%dma_start3A_88, %dma_start3A_89] : memref<6144x128xf32, #tpu.memory_space<vmem_shared>> -> memref<6144x128xf32, #tpu.memory_space<vmem_shared>>
        tpu.enqueue_indirect_dma source(%arg11 : memref<128x128xf32, #tpu.memory_space<vmem>>) target(%dma_start3A_90 : memref<6144x128xf32, #tpu.memory_space<vmem_shared>>) offsets(%dma_start3A_87 : memref<128xi32, #tpu.memory_space<vmem>>) semaphore(%run_scoped3A : memref<!tpu.dma_semaphore, #tpu.memory_space<semaphore_mem>>) {add = true}
        %dma_wait3A_91 = arith.constant 0 : i32
        %dma_wait3A_92 = tpu.memref_slice %arg8[%add3A_84, %dma_wait3A_91] : memref<158x128xi32, #tpu.memory_space<vmem>> -> memref<1x128xi32, #tpu.memory_space<vmem>>
        %dma_wait3A_93 = tpu.memref_squeeze %dma_wait3A_92 : memref<1x128xi32, #tpu.memory_space<vmem>> -> memref<128xi32, #tpu.memory_space<vmem>>
        %dma_wait3A_94 = arith.constant 0 : i32
        %dma_wait3A_95 = arith.constant 0 : i32
        %dma_wait3A_96 = tpu.memref_slice %arg12[%dma_wait3A_94, %dma_wait3A_95] : memref<6144x128xf32, #tpu.memory_space<vmem_shared>> -> memref<6144x128xf32, #tpu.memory_space<vmem_shared>>
        tpu.wait_indirect_dma semaphore(%run_scoped3A : memref<!tpu.dma_semaphore, #tpu.memory_space<semaphore_mem>>) src(%arg11 : memref<128x128xf32, #tpu.memory_space<vmem>>) dst(%dma_wait3A_96 : memref<6144x128xf32, #tpu.memory_space<vmem_shared>>)
        tpu.yield
      }) : () -> ()
    }
    %gt3A_40 = arith.constant 0 : i32
    %gt3A_41 = arith.cmpi sgt, %squeeze3A, %gt3A_40 : i32
    %convert_element_type3A_42 = arith.extui %gt3A_41 : i1 to i32
    %cond3A_43 = arith.constant 0 : i32
    %cond3A_44 = arith.cmpi ne, %convert_element_type3A_42, %cond3A_43 : i32
    scf.if %cond3A_44 {
      %sub3A_52 = arith.constant 1 : i32
      %sub3A_53 = arith.subi %squeeze3A, %sub3A_52 : i32
      %dma_wait3A = arith.constant 0 : i32
      %dma_wait3A_54 = tpu.memref_slice %arg7[%sub3A_53, %dma_wait3A] : memref<158x128xi32, #tpu.memory_space<vmem>> -> memref<1x128xi32, #tpu.memory_space<vmem>>
      %dma_wait3A_55 = tpu.memref_squeeze %dma_wait3A_54 : memref<1x128xi32, #tpu.memory_space<vmem>> -> memref<128xi32, #tpu.memory_space<vmem>>
      %dma_wait3A_56 = arith.constant 0 : i32
      %dma_wait3A_57 = arith.constant 0 : i32
      %dma_wait3A_58 = tpu.memref_slice %arg2[%dma_wait3A_56, %dma_wait3A_57] : memref<10000x128xf32, #tpu.memory_space<hbm>> -> memref<10000x128xf32, #tpu.memory_space<hbm>>
      tpu.wait_indirect_dma semaphore(%arg13 : memref<!tpu.dma_semaphore, #tpu.memory_space<semaphore_mem>>) src(%dma_wait3A_58 : memref<10000x128xf32, #tpu.memory_space<hbm>>) dst(%arg10 : memref<128x128xf32, #tpu.memory_space<vmem>>)
      %jit3A_59 = arith.constant 2 : i32
      %eq3A = arith.constant 0 : i32
      %eq3A_60 = arith.cmpi eq, %jit3A_59, %eq3A : i32
      %jit3A_61 = arith.constant 1 : i32
      %select_n3A_62 = arith.select %eq3A_60, %jit3A_61, %jit3A_59 : i32
      %rem3A_63 = arith.remsi %squeeze3A, %select_n3A_62 : i32
      %ne3A_64 = arith.constant 0 : i32
      %ne3A_65 = arith.cmpi ne, %rem3A_63, %ne3A_64 : i32
      %lt3A = arith.constant 0 : i32
      %lt3A_66 = arith.cmpi slt, %rem3A_63, %lt3A : i32
      %lt3A_67 = arith.constant 0 : i32
      %lt3A_68 = arith.cmpi slt, %select_n3A_62, %lt3A_67 : i32
      %ne3A_69 = arith.xori %lt3A_66, %lt3A_68 : i1
      %and3A_70 = arith.andi %ne3A_69, %ne3A_65 : i1
      %add3A_71 = arith.addi %rem3A_63, %select_n3A_62 : i32
      %select_n3A_72 = arith.select %and3A_70, %add3A_71, %rem3A_63 : i32
      %eq3A_73 = arith.constant 1 : i32
      %eq3A_74 = arith.cmpi eq, %select_n3A_72, %eq3A_73 : i32
      %convert_element_type3A_75 = arith.extui %eq3A_74 : i1 to i32
      %cond3A_76 = arith.constant 0 : i32
      %cond3A_77 = arith.cmpi ne, %convert_element_type3A_75, %cond3A_76 : i32
      scf.if %cond3A_77 {
        %sub3A_78 = arith.constant 1 : i32
        %sub3A_79 = arith.subi %squeeze3A, %sub3A_78 : i32
        "tpu.region"() ({
          %run_scoped3A = tpu.sem_alloc : memref<!tpu.dma_semaphore, #tpu.memory_space<semaphore_mem>>
          %dma_start3A = arith.constant 0 : i32
          %dma_start3A_80 = tpu.memref_slice %arg8[%sub3A_79, %dma_start3A] : memref<158x128xi32, #tpu.memory_space<vmem>> -> memref<1x128xi32, #tpu.memory_space<vmem>>
          %dma_start3A_81 = tpu.memref_squeeze %dma_start3A_80 : memref<1x128xi32, #tpu.memory_space<vmem>> -> memref<128xi32, #tpu.memory_space<vmem>>
          %dma_start3A_82 = arith.constant 0 : i32
          %dma_start3A_83 = arith.constant 0 : i32
          %dma_start3A_84 = tpu.memref_slice %arg12[%dma_start3A_82, %dma_start3A_83] : memref<6144x128xf32, #tpu.memory_space<vmem_shared>> -> memref<6144x128xf32, #tpu.memory_space<vmem_shared>>
          tpu.enqueue_indirect_dma source(%arg10 : memref<128x128xf32, #tpu.memory_space<vmem>>) target(%dma_start3A_84 : memref<6144x128xf32, #tpu.memory_space<vmem_shared>>) offsets(%dma_start3A_81 : memref<128xi32, #tpu.memory_space<vmem>>) semaphore(%run_scoped3A : memref<!tpu.dma_semaphore, #tpu.memory_space<semaphore_mem>>) {add = true}
          %dma_wait3A_85 = arith.constant 0 : i32
          %dma_wait3A_86 = tpu.memref_slice %arg8[%sub3A_79, %dma_wait3A_85] : memref<158x128xi32, #tpu.memory_space<vmem>> -> memref<1x128xi32, #tpu.memory_space<vmem>>
          %dma_wait3A_87 = tpu.memref_squeeze %dma_wait3A_86 : memref<1x128xi32, #tpu.memory_space<vmem>> -> memref<128xi32, #tpu.memory_space<vmem>>
          %dma_wait3A_88 = arith.constant 0 : i32
          %dma_wait3A_89 = arith.constant 0 : i32
          %dma_wait3A_90 = tpu.memref_slice %arg12[%dma_wait3A_88, %dma_wait3A_89] : memref<6144x128xf32, #tpu.memory_space<vmem_shared>> -> memref<6144x128xf32, #tpu.memory_space<vmem_shared>>
          tpu.wait_indirect_dma semaphore(%run_scoped3A : memref<!tpu.dma_semaphore, #tpu.memory_space<semaphore_mem>>) src(%arg10 : memref<128x128xf32, #tpu.memory_space<vmem>>) dst(%dma_wait3A_90 : memref<6144x128xf32, #tpu.memory_space<vmem_shared>>)
          tpu.yield
        }) : () -> ()
      } else {
      }
    } else {
    }
    %barrier3A_45 = arith.constant 0 : index
    tpu.barrier barrier_id(%barrier3A_45)
    %add3A_46 = arith.constant 0 : i32
    %add3A_47 = arith.addi %mul3A_7, %add3A_46 : i32
    "tpu.region"() ({
      %run_scoped3A = tpu.sem_alloc : memref<!tpu.dma_semaphore, #tpu.memory_space<semaphore_mem>>
      %dma_start3A = arith.constant 0 : i32
      %dma_start3A_52 = tpu.memref_slice %arg6[%arg0, %add3A_47, %dma_start3A] : memref<2x6144x128xf32, #tpu.memory_space<hbm>> -> memref<1x128x128xf32, #tpu.memory_space<hbm>>
      %dma_start3A_53 = tpu.memref_squeeze %dma_start3A_52 : memref<1x128x128xf32, #tpu.memory_space<hbm>> -> memref<128x128xf32, #tpu.memory_space<hbm>>
      %dma_start3A_54 = arith.constant 0 : i32
      %dma_start3A_55 = tpu.memref_slice %arg12[%add3A_47, %dma_start3A_54] : memref<6144x128xf32, #tpu.memory_space<vmem_shared>> -> memref<128x128xf32, #tpu.memory_space<vmem_shared>>
      tpu.enqueue_dma source(%dma_start3A_55 : memref<128x128xf32, #tpu.memory_space<vmem_shared>>) target(%dma_start3A_53 : memref<128x128xf32, #tpu.memory_space<hbm>>) target_semaphore(%run_scoped3A : memref<!tpu.dma_semaphore, #tpu.memory_space<semaphore_mem>>)
      %dma_wait3A = arith.constant 0 : i32
      %dma_wait3A_56 = tpu.memref_slice %arg6[%arg0, %add3A_47, %dma_wait3A] : memref<2x6144x128xf32, #tpu.memory_space<hbm>> -> memref<1x128x128xf32, #tpu.memory_space<hbm>>
      %dma_wait3A_57 = tpu.memref_squeeze %dma_wait3A_56 : memref<1x128x128xf32, #tpu.memory_space<hbm>> -> memref<128x128xf32, #tpu.memory_space<hbm>>
      %dma_wait3A_58 = arith.constant 0 : i32
      %dma_wait3A_59 = tpu.memref_slice %arg12[%add3A_47, %dma_wait3A_58] : memref<6144x128xf32, #tpu.memory_space<vmem_shared>> -> memref<128x128xf32, #tpu.memory_space<vmem_shared>>
      tpu.wait_dma2 semaphore(%run_scoped3A : memref<!tpu.dma_semaphore, #tpu.memory_space<semaphore_mem>>) src(%dma_wait3A_59 : memref<128x128xf32, #tpu.memory_space<vmem_shared>>) dst(%dma_wait3A_57 : memref<128x128xf32, #tpu.memory_space<hbm>>)
      tpu.yield
    }) : () -> ()
    %add3A_48 = arith.constant 128 : i32
    %add3A_49 = arith.addi %mul3A_7, %add3A_48 : i32
    "tpu.region"() ({
      %run_scoped3A = tpu.sem_alloc : memref<!tpu.dma_semaphore, #tpu.memory_space<semaphore_mem>>
      %dma_start3A = arith.constant 0 : i32
      %dma_start3A_52 = tpu.memref_slice %arg6[%arg0, %add3A_49, %dma_start3A] : memref<2x6144x128xf32, #tpu.memory_space<hbm>> -> memref<1x128x128xf32, #tpu.memory_space<hbm>>
      %dma_start3A_53 = tpu.memref_squeeze %dma_start3A_52 : memref<1x128x128xf32, #tpu.memory_space<hbm>> -> memref<128x128xf32, #tpu.memory_space<hbm>>
      %dma_start3A_54 = arith.constant 0 : i32
      %dma_start3A_55 = tpu.memref_slice %arg12[%add3A_49, %dma_start3A_54] : memref<6144x128xf32, #tpu.memory_space<vmem_shared>> -> memref<128x128xf32, #tpu.memory_space<vmem_shared>>
      tpu.enqueue_dma source(%dma_start3A_55 : memref<128x128xf32, #tpu.memory_space<vmem_shared>>) target(%dma_start3A_53 : memref<128x128xf32, #tpu.memory_space<hbm>>) target_semaphore(%run_scoped3A : memref<!tpu.dma_semaphore, #tpu.memory_space<semaphore_mem>>)
      %dma_wait3A = arith.constant 0 : i32
      %dma_wait3A_56 = tpu.memref_slice %arg6[%arg0, %add3A_49, %dma_wait3A] : memref<2x6144x128xf32, #tpu.memory_space<hbm>> -> memref<1x128x128xf32, #tpu.memory_space<hbm>>
      %dma_wait3A_57 = tpu.memref_squeeze %dma_wait3A_56 : memref<1x128x128xf32, #tpu.memory_space<hbm>> -> memref<128x128xf32, #tpu.memory_space<hbm>>
      %dma_wait3A_58 = arith.constant 0 : i32
      %dma_wait3A_59 = tpu.memref_slice %arg12[%add3A_49, %dma_wait3A_58] : memref<6144x128xf32, #tpu.memory_space<vmem_shared>> -> memref<128x128xf32, #tpu.memory_space<vmem_shared>>
      tpu.wait_dma2 semaphore(%run_scoped3A : memref<!tpu.dma_semaphore, #tpu.memory_space<semaphore_mem>>) src(%dma_wait3A_59 : memref<128x128xf32, #tpu.memory_space<vmem_shared>>) dst(%dma_wait3A_57 : memref<128x128xf32, #tpu.memory_space<hbm>>)
      tpu.yield
    }) : () -> ()
    %add3A_50 = arith.constant 256 : i32
    %add3A_51 = arith.addi %mul3A_7, %add3A_50 : i32
    "tpu.region"() ({
      %run_scoped3A = tpu.sem_alloc : memref<!tpu.dma_semaphore, #tpu.memory_space<semaphore_mem>>
      %dma_start3A = arith.constant 0 : i32
      %dma_start3A_52 = tpu.memref_slice %arg6[%arg0, %add3A_51, %dma_start3A] : memref<2x6144x128xf32, #tpu.memory_space<hbm>> -> memref<1x128x128xf32, #tpu.memory_space<hbm>>
      %dma_start3A_53 = tpu.memref_squeeze %dma_start3A_52 : memref<1x128x128xf32, #tpu.memory_space<hbm>> -> memref<128x128xf32, #tpu.memory_space<hbm>>
      %dma_start3A_54 = arith.constant 0 : i32
      %dma_start3A_55 = tpu.memref_slice %arg12[%add3A_51, %dma_start3A_54] : memref<6144x128xf32, #tpu.memory_space<vmem_shared>> -> memref<128x128xf32, #tpu.memory_space<vmem_shared>>
      tpu.enqueue_dma source(%dma_start3A_55 : memref<128x128xf32, #tpu.memory_space<vmem_shared>>) target(%dma_start3A_53 : memref<128x128xf32, #tpu.memory_space<hbm>>) target_semaphore(%run_scoped3A : memref<!tpu.dma_semaphore, #tpu.memory_space<semaphore_mem>>)
      %dma_wait3A = arith.constant 0 : i32
      %dma_wait3A_56 = tpu.memref_slice %arg6[%arg0, %add3A_51, %dma_wait3A] : memref<2x6144x128xf32, #tpu.memory_space<hbm>> -> memref<1x128x128xf32, #tpu.memory_space<hbm>>
      %dma_wait3A_57 = tpu.memref_squeeze %dma_wait3A_56 : memref<1x128x128xf32, #tpu.memory_space<hbm>> -> memref<128x128xf32, #tpu.memory_space<hbm>>
      %dma_wait3A_58 = arith.constant 0 : i32
      %dma_wait3A_59 = tpu.memref_slice %arg12[%add3A_51, %dma_wait3A_58] : memref<6144x128xf32, #tpu.memory_space<vmem_shared>> -> memref<128x128xf32, #tpu.memory_space<vmem_shared>>
      tpu.wait_dma2 semaphore(%run_scoped3A : memref<!tpu.dma_semaphore, #tpu.memory_space<semaphore_mem>>) src(%dma_wait3A_59 : memref<128x128xf32, #tpu.memory_space<vmem_shared>>) dst(%dma_wait3A_57 : memref<128x128xf32, #tpu.memory_space<hbm>>)
      tpu.yield
    }) : () -> ()
    return
  }
}

#map = affine_map<(d0, d1) -> (0, 0)>
#map1 = affine_map<(d0, d1) -> (0, 0, 0, 0)>
#map2 = affine_map<(d0, d1) -> (0, 0, 0)>
module attributes {stable_mosaic.version = 14 : i64} {
  func.func @_agg_body(%arg0: i32, %arg1: i32, %arg2: memref<10000x128xf32, #tpu.memory_space<hbm>>, %arg3: memref<2x16x158x128xi32, #tpu.memory_space<hbm>>, %arg4: memref<2x16x158x128xi32, #tpu.memory_space<hbm>>, %arg5: memref<2x16xi32, #tpu.memory_space<hbm>>, %arg6: memref<2x6144x128xf32, #tpu.memory_space<hbm>>, %arg7: memref<158x128xi32, #tpu.memory_space<vmem>>, %arg8: memref<158x128xi32, #tpu.memory_space<vmem>>, %arg9: memref<16xi32, #tpu.memory_space<vmem>>, %arg10: memref<128x128xf32, #tpu.memory_space<vmem>>, %arg11: memref<128x128xf32, #tpu.memory_space<vmem>>, %arg12: memref<6144x128xf32, #tpu.memory_space<vmem_shared>>, %arg13: memref<!tpu.dma_semaphore, #tpu.memory_space<semaphore_mem>>, %arg14: memref<!tpu.dma_semaphore, #tpu.memory_space<semaphore_mem>>) attributes {dimension_semantics = [#tpu.dimension_semantics<core_parallel>, #tpu.dimension_semantics<subcore_parallel>], iteration_bounds = array<i64: 2, 16>, scalar_prefetch = 0 : i64, scratch_operands = 8 : i64, tpu.core_type = #tpu.core_type<sc_vector_subcore>, window_params = [{transform_indices = #map}, {transform_indices = #map1}, {transform_indices = #map1}, {transform_indices = #map}, {transform_indices = #map2}]} {
    "tpu.region"() ({
      %run_scoped3A = tpu.sem_alloc : memref<!tpu.dma_semaphore, #tpu.memory_space<semaphore_mem>>
      %dma_start3A = arith.constant 0 : i32
      %dma_start3A_52 = arith.constant 0 : i32
      %dma_start3A_53 = tpu.memref_slice %arg3[%arg0, %arg1, %dma_start3A, %dma_start3A_52] : memref<2x16x158x128xi32, #tpu.memory_space<hbm>> -> memref<1x1x158x128xi32, #tpu.memory_space<hbm>>
      %dma_start3A_54 = tpu.memref_squeeze %dma_start3A_53 : memref<1x1x158x128xi32, #tpu.memory_space<hbm>> -> memref<158x128xi32, #tpu.memory_space<hbm>>
      %dma_start3A_55 = arith.constant 0 : i32
      %dma_start3A_56 = arith.constant 0 : i32
      %dma_start3A_57 = tpu.memref_slice %arg3[%arg0, %arg1, %dma_start3A_55, %dma_start3A_56] : memref<2x16x158x128xi32, #tpu.memory_space<hbm>> -> memref<1x1x158x128xi32, #tpu.memory_space<hbm>>
      %dma_start3A_58 = tpu.memref_squeeze %dma_start3A_57 : memref<1x1x158x128xi32, #tpu.memory_space<hbm>> -> memref<158x128xi32, #tpu.memory_space<hbm>>
      tpu.enqueue_dma source(%dma_start3A_58 : memref<158x128xi32, #tpu.memory_space<hbm>>) target(%arg7 : memref<158x128xi32, #tpu.memory_space<vmem>>) target_semaphore(%run_scoped3A : memref<!tpu.dma_semaphore, #tpu.memory_space<semaphore_mem>>)
      %dma_wait3A = arith.constant 0 : i32
      %dma_wait3A_59 = arith.constant 0 : i32
      %dma_wait3A_60 = tpu.memref_slice %arg3[%arg0, %arg1, %dma_wait3A, %dma_wait3A_59] : memref<2x16x158x128xi32, #tpu.memory_space<hbm>> -> memref<1x1x158x128xi32, #tpu.memory_space<hbm>>
      %dma_wait3A_61 = tpu.memref_squeeze %dma_wait3A_60 : memref<1x1x158x128xi32, #tpu.memory_space<hbm>> -> memref<158x128xi32, #tpu.memory_space<hbm>>
      %dma_wait3A_62 = arith.constant 0 : i32
      %dma_wait3A_63 = arith.constant 0 : i32
      %dma_wait3A_64 = tpu.memref_slice %arg3[%arg0, %arg1, %dma_wait3A_62, %dma_wait3A_63] : memref<2x16x158x128xi32, #tpu.memory_space<hbm>> -> memref<1x1x158x128xi32, #tpu.memory_space<hbm>>
      %dma_wait3A_65 = tpu.memref_squeeze %dma_wait3A_64 : memref<1x1x158x128xi32, #tpu.memory_space<hbm>> -> memref<158x128xi32, #tpu.memory_space<hbm>>
      tpu.wait_dma2 semaphore(%run_scoped3A : memref<!tpu.dma_semaphore, #tpu.memory_space<semaphore_mem>>) src(%dma_wait3A_65 : memref<158x128xi32, #tpu.memory_space<hbm>>) dst(%arg7 : memref<158x128xi32, #tpu.memory_space<vmem>>)
      tpu.yield
    }) : () -> ()
    "tpu.region"() ({
      %run_scoped3A = tpu.sem_alloc : memref<!tpu.dma_semaphore, #tpu.memory_space<semaphore_mem>>
      %dma_start3A = arith.constant 0 : i32
      %dma_start3A_52 = arith.constant 0 : i32
      %dma_start3A_53 = tpu.memref_slice %arg4[%arg0, %arg1, %dma_start3A, %dma_start3A_52] : memref<2x16x158x128xi32, #tpu.memory_space<hbm>> -> memref<1x1x158x128xi32, #tpu.memory_space<hbm>>
      %dma_start3A_54 = tpu.memref_squeeze %dma_start3A_53 : memref<1x1x158x128xi32, #tpu.memory_space<hbm>> -> memref<158x128xi32, #tpu.memory_space<hbm>>
      %dma_start3A_55 = arith.constant 0 : i32
      %dma_start3A_56 = arith.constant 0 : i32
      %dma_start3A_57 = tpu.memref_slice %arg4[%arg0, %arg1, %dma_start3A_55, %dma_start3A_56] : memref<2x16x158x128xi32, #tpu.memory_space<hbm>> -> memref<1x1x158x128xi32, #tpu.memory_space<hbm>>
      %dma_start3A_58 = tpu.memref_squeeze %dma_start3A_57 : memref<1x1x158x128xi32, #tpu.memory_space<hbm>> -> memref<158x128xi32, #tpu.memory_space<hbm>>
      tpu.enqueue_dma source(%dma_start3A_58 : memref<158x128xi32, #tpu.memory_space<hbm>>) target(%arg8 : memref<158x128xi32, #tpu.memory_space<vmem>>) target_semaphore(%run_scoped3A : memref<!tpu.dma_semaphore, #tpu.memory_space<semaphore_mem>>)
      %dma_wait3A = arith.constant 0 : i32
      %dma_wait3A_59 = arith.constant 0 : i32
      %dma_wait3A_60 = tpu.memref_slice %arg4[%arg0, %arg1, %dma_wait3A, %dma_wait3A_59] : memref<2x16x158x128xi32, #tpu.memory_space<hbm>> -> memref<1x1x158x128xi32, #tpu.memory_space<hbm>>
      %dma_wait3A_61 = tpu.memref_squeeze %dma_wait3A_60 : memref<1x1x158x128xi32, #tpu.memory_space<hbm>> -> memref<158x128xi32, #tpu.memory_space<hbm>>
      %dma_wait3A_62 = arith.constant 0 : i32
      %dma_wait3A_63 = arith.constant 0 : i32
      %dma_wait3A_64 = tpu.memref_slice %arg4[%arg0, %arg1, %dma_wait3A_62, %dma_wait3A_63] : memref<2x16x158x128xi32, #tpu.memory_space<hbm>> -> memref<1x1x158x128xi32, #tpu.memory_space<hbm>>
      %dma_wait3A_65 = tpu.memref_squeeze %dma_wait3A_64 : memref<1x1x158x128xi32, #tpu.memory_space<hbm>> -> memref<158x128xi32, #tpu.memory_space<hbm>>
      tpu.wait_dma2 semaphore(%run_scoped3A : memref<!tpu.dma_semaphore, #tpu.memory_space<semaphore_mem>>) src(%dma_wait3A_65 : memref<158x128xi32, #tpu.memory_space<hbm>>) dst(%arg8 : memref<158x128xi32, #tpu.memory_space<vmem>>)
      tpu.yield
    }) : () -> ()
    "tpu.region"() ({
      %run_scoped3A = tpu.sem_alloc : memref<!tpu.dma_semaphore, #tpu.memory_space<semaphore_mem>>
      %dma_start3A = arith.constant 0 : i32
      %dma_start3A_52 = tpu.memref_slice %arg5[%arg0, %dma_start3A] : memref<2x16xi32, #tpu.memory_space<hbm>> -> memref<1x16xi32, #tpu.memory_space<hbm>>
      %dma_start3A_53 = tpu.memref_squeeze %dma_start3A_52 : memref<1x16xi32, #tpu.memory_space<hbm>> -> memref<16xi32, #tpu.memory_space<hbm>>
      %dma_start3A_54 = arith.constant 0 : i32
      %dma_start3A_55 = tpu.memref_slice %arg5[%arg0, %dma_start3A_54] : memref<2x16xi32, #tpu.memory_space<hbm>> -> memref<1x16xi32, #tpu.memory_space<hbm>>
      %dma_start3A_56 = tpu.memref_squeeze %dma_start3A_55 : memref<1x16xi32, #tpu.memory_space<hbm>> -> memref<16xi32, #tpu.memory_space<hbm>>
      tpu.enqueue_dma source(%dma_start3A_56 : memref<16xi32, #tpu.memory_space<hbm>>) target(%arg9 : memref<16xi32, #tpu.memory_space<vmem>>) target_semaphore(%run_scoped3A : memref<!tpu.dma_semaphore, #tpu.memory_space<semaphore_mem>>)
      %dma_wait3A = arith.constant 0 : i32
      %dma_wait3A_57 = tpu.memref_slice %arg5[%arg0, %dma_wait3A] : memref<2x16xi32, #tpu.memory_space<hbm>> -> memref<1x16xi32, #tpu.memory_space<hbm>>
      %dma_wait3A_58 = tpu.memref_squeeze %dma_wait3A_57 : memref<1x16xi32, #tpu.memory_space<hbm>> -> memref<16xi32, #tpu.memory_space<hbm>>
      %dma_wait3A_59 = arith.constant 0 : i32
      %dma_wait3A_60 = tpu.memref_slice %arg5[%arg0, %dma_wait3A_59] : memref<2x16xi32, #tpu.memory_space<hbm>> -> memref<1x16xi32, #tpu.memory_space<hbm>>
      %dma_wait3A_61 = tpu.memref_squeeze %dma_wait3A_60 : memref<1x16xi32, #tpu.memory_space<hbm>> -> memref<16xi32, #tpu.memory_space<hbm>>
      tpu.wait_dma2 semaphore(%run_scoped3A : memref<!tpu.dma_semaphore, #tpu.memory_space<semaphore_mem>>) src(%dma_wait3A_61 : memref<16xi32, #tpu.memory_space<hbm>>) dst(%arg9 : memref<16xi32, #tpu.memory_space<vmem>>)
      tpu.yield
    }) : () -> ()
    %get3A = arith.constant 0 : index
    %get3A_0 = tpu.vector_load %arg9[%get3A] {strides = array<i32>} : memref<16xi32, #tpu.memory_space<vmem>>, vector<16xi32>,
    %get3A_1 = vector.shape_cast %get3A_0 : vector<16xi32> to vector<16xi32>
    %slice3A = vector.extract_strided_slice %get3A_1 {offsets = [0], sizes = [1], strides = [1]} : vector<16xi32> to vector<1xi32>
    %squeeze3A = vector.extract %slice3A[0] : i32 from vector<1xi32>
    %scan3A = arith.constant 0 : i32
    %scan3A_2 = arith.constant 0 : i32
    %scan3A_3 = arith.constant 128 : i32
    %scan3A_4 = arith.addi %scan3A_2, %scan3A_3 : i32
    %scan3A_5 = arith.constant 1 : i32
    scf.for %scan3A_52 = %scan3A_2 to %scan3A_4 step %scan3A_5  : i32 {
      %broadcast_in_dim3A = arith.constant 0.000000e+00 : f32
      %broadcast_in_dim3A_53 = vector.broadcast %broadcast_in_dim3A : f32 to vector<16xf32>
      %swap3A = arith.index_cast %scan3A_52 : i32 to index
      %swap3A_54 = arith.constant 0 : index
      %swap3A_55 = tpu.vector_load %arg10[%swap3A, %swap3A_54] {strides = array<i32>} : memref<128x128xf32, #tpu.memory_space<vmem>>, vector<1x16xf32>,
      %swap3A_56 = vector.shape_cast %swap3A_55 : vector<1x16xf32> to vector<16xf32>
      %swap3A_57 = vector.shape_cast %broadcast_in_dim3A_53 : vector<16xf32> to vector<1x16xf32>
      tpu.vector_store %arg10[%swap3A, %swap3A_54], %swap3A_57 {strides = array<i32>} : memref<128x128xf32, #tpu.memory_space<vmem>>, vector<1x16xf32>,
      %broadcast_in_dim3A_58 = arith.constant 0.000000e+00 : f32
      %broadcast_in_dim3A_59 = vector.broadcast %broadcast_in_dim3A_58 : f32 to vector<16xf32>
      %swap3A_60 = arith.index_cast %scan3A_52 : i32 to index
      %swap3A_61 = arith.constant 16 : index
      %swap3A_62 = tpu.vector_load %arg10[%swap3A_60, %swap3A_61] {strides = array<i32>} : memref<128x128xf32, #tpu.memory_space<vmem>>, vector<1x16xf32>,
      %swap3A_63 = vector.shape_cast %swap3A_62 : vector<1x16xf32> to vector<16xf32>
      %swap3A_64 = vector.shape_cast %broadcast_in_dim3A_59 : vector<16xf32> to vector<1x16xf32>
      tpu.vector_store %arg10[%swap3A_60, %swap3A_61], %swap3A_64 {strides = array<i32>} : memref<128x128xf32, #tpu.memory_space<vmem>>, vector<1x16xf32>,
      %broadcast_in_dim3A_65 = arith.constant 0.000000e+00 : f32
      %broadcast_in_dim3A_66 = vector.broadcast %broadcast_in_dim3A_65 : f32 to vector<16xf32>
      %swap3A_67 = arith.index_cast %scan3A_52 : i32 to index
      %swap3A_68 = arith.constant 32 : index
      %swap3A_69 = tpu.vector_load %arg10[%swap3A_67, %swap3A_68] {strides = array<i32>} : memref<128x128xf32, #tpu.memory_space<vmem>>, vector<1x16xf32>,
      %swap3A_70 = vector.shape_cast %swap3A_69 : vector<1x16xf32> to vector<16xf32>
      %swap3A_71 = vector.shape_cast %broadcast_in_dim3A_66 : vector<16xf32> to vector<1x16xf32>
      tpu.vector_store %arg10[%swap3A_67, %swap3A_68], %swap3A_71 {strides = array<i32>} : memref<128x128xf32, #tpu.memory_space<vmem>>, vector<1x16xf32>,
      %broadcast_in_dim3A_72 = arith.constant 0.000000e+00 : f32
      %broadcast_in_dim3A_73 = vector.broadcast %broadcast_in_dim3A_72 : f32 to vector<16xf32>
      %swap3A_74 = arith.index_cast %scan3A_52 : i32 to index
      %swap3A_75 = arith.constant 48 : index
      %swap3A_76 = tpu.vector_load %arg10[%swap3A_74, %swap3A_75] {strides = array<i32>} : memref<128x128xf32, #tpu.memory_space<vmem>>, vector<1x16xf32>,
      %swap3A_77 = vector.shape_cast %swap3A_76 : vector<1x16xf32> to vector<16xf32>
      %swap3A_78 = vector.shape_cast %broadcast_in_dim3A_73 : vector<16xf32> to vector<1x16xf32>
      tpu.vector_store %arg10[%swap3A_74, %swap3A_75], %swap3A_78 {strides = array<i32>} : memref<128x128xf32, #tpu.memory_space<vmem>>, vector<1x16xf32>,
      %broadcast_in_dim3A_79 = arith.constant 0.000000e+00 : f32
      %broadcast_in_dim3A_80 = vector.broadcast %broadcast_in_dim3A_79 : f32 to vector<16xf32>
      %swap3A_81 = arith.index_cast %scan3A_52 : i32 to index
      %swap3A_82 = arith.constant 64 : index
      %swap3A_83 = tpu.vector_load %arg10[%swap3A_81, %swap3A_82] {strides = array<i32>} : memref<128x128xf32, #tpu.memory_space<vmem>>, vector<1x16xf32>,
      %swap3A_84 = vector.shape_cast %swap3A_83 : vector<1x16xf32> to vector<16xf32>
      %swap3A_85 = vector.shape_cast %broadcast_in_dim3A_80 : vector<16xf32> to vector<1x16xf32>
      tpu.vector_store %arg10[%swap3A_81, %swap3A_82], %swap3A_85 {strides = array<i32>} : memref<128x128xf32, #tpu.memory_space<vmem>>, vector<1x16xf32>,
      %broadcast_in_dim3A_86 = arith.constant 0.000000e+00 : f32
      %broadcast_in_dim3A_87 = vector.broadcast %broadcast_in_dim3A_86 : f32 to vector<16xf32>
      %swap3A_88 = arith.index_cast %scan3A_52 : i32 to index
      %swap3A_89 = arith.constant 80 : index
      %swap3A_90 = tpu.vector_load %arg10[%swap3A_88, %swap3A_89] {strides = array<i32>} : memref<128x128xf32, #tpu.memory_space<vmem>>, vector<1x16xf32>,
      %swap3A_91 = vector.shape_cast %swap3A_90 : vector<1x16xf32> to vector<16xf32>
      %swap3A_92 = vector.shape_cast %broadcast_in_dim3A_87 : vector<16xf32> to vector<1x16xf32>
      tpu.vector_store %arg10[%swap3A_88, %swap3A_89], %swap3A_92 {strides = array<i32>} : memref<128x128xf32, #tpu.memory_space<vmem>>, vector<1x16xf32>,
      %broadcast_in_dim3A_93 = arith.constant 0.000000e+00 : f32
      %broadcast_in_dim3A_94 = vector.broadcast %broadcast_in_dim3A_93 : f32 to vector<16xf32>
      %swap3A_95 = arith.index_cast %scan3A_52 : i32 to index
      %swap3A_96 = arith.constant 96 : index
      %swap3A_97 = tpu.vector_load %arg10[%swap3A_95, %swap3A_96] {strides = array<i32>} : memref<128x128xf32, #tpu.memory_space<vmem>>, vector<1x16xf32>,
      %swap3A_98 = vector.shape_cast %swap3A_97 : vector<1x16xf32> to vector<16xf32>
      %swap3A_99 = vector.shape_cast %broadcast_in_dim3A_94 : vector<16xf32> to vector<1x16xf32>
      tpu.vector_store %arg10[%swap3A_95, %swap3A_96], %swap3A_99 {strides = array<i32>} : memref<128x128xf32, #tpu.memory_space<vmem>>, vector<1x16xf32>,
      %broadcast_in_dim3A_100 = arith.constant 0.000000e+00 : f32
      %broadcast_in_dim3A_101 = vector.broadcast %broadcast_in_dim3A_100 : f32 to vector<16xf32>
      %swap3A_102 = arith.index_cast %scan3A_52 : i32 to index
      %swap3A_103 = arith.constant 112 : index
      %swap3A_104 = tpu.vector_load %arg10[%swap3A_102, %swap3A_103] {strides = array<i32>} : memref<128x128xf32, #tpu.memory_space<vmem>>, vector<1x16xf32>,
      %swap3A_105 = vector.shape_cast %swap3A_104 : vector<1x16xf32> to vector<16xf32>
      %swap3A_106 = vector.shape_cast %broadcast_in_dim3A_101 : vector<16xf32> to vector<1x16xf32>
      tpu.vector_store %arg10[%swap3A_102, %swap3A_103], %swap3A_106 {strides = array<i32>} : memref<128x128xf32, #tpu.memory_space<vmem>>, vector<1x16xf32>,
    }
    %scan3A_6 = arith.constant 128 : i32
    %mul3A = arith.constant 384 : i32
    %mul3A_7 = arith.muli %arg1, %mul3A : i32
    %add3A = arith.constant 0 : i32
    %add3A_8 = arith.addi %mul3A_7, %add3A : i32
    "tpu.region"() ({
      %run_scoped3A = tpu.sem_alloc : memref<!tpu.dma_semaphore, #tpu.memory_space<semaphore_mem>>
      %dma_start3A = arith.constant 0 : i32
      %dma_start3A_52 = tpu.memref_slice %arg12[%add3A_8, %dma_start3A] : memref<6144x128xf32, #tpu.memory_space<vmem_shared>> -> memref<128x128xf32, #tpu.memory_space<vmem_shared>>
      %dma_start3A_53 = arith.constant 0 : i32
      %dma_start3A_54 = tpu.memref_slice %arg12[%add3A_8, %dma_start3A_53] : memref<6144x128xf32, #tpu.memory_space<vmem_shared>> -> memref<128x128xf32, #tpu.memory_space<vmem_shared>>
      tpu.enqueue_dma source(%arg10 : memref<128x128xf32, #tpu.memory_space<vmem>>) target(%dma_start3A_54 : memref<128x128xf32, #tpu.memory_space<vmem_shared>>) target_semaphore(%run_scoped3A : memref<!tpu.dma_semaphore, #tpu.memory_space<semaphore_mem>>)
      %dma_wait3A = arith.constant 0 : i32
      %dma_wait3A_55 = tpu.memref_slice %arg12[%add3A_8, %dma_wait3A] : memref<6144x128xf32, #tpu.memory_space<vmem_shared>> -> memref<128x128xf32, #tpu.memory_space<vmem_shared>>
      %dma_wait3A_56 = arith.constant 0 : i32
      %dma_wait3A_57 = tpu.memref_slice %arg12[%add3A_8, %dma_wait3A_56] : memref<6144x128xf32, #tpu.memory_space<vmem_shared>> -> memref<128x128xf32, #tpu.memory_space<vmem_shared>>
      tpu.wait_dma2 semaphore(%run_scoped3A : memref<!tpu.dma_semaphore, #tpu.memory_space<semaphore_mem>>) src(%arg10 : memref<128x128xf32, #tpu.memory_space<vmem>>) dst(%dma_wait3A_57 : memref<128x128xf32, #tpu.memory_space<vmem_shared>>)
      tpu.yield
    }) : () -> ()
    %add3A_9 = arith.constant 128 : i32
    %add3A_10 = arith.addi %mul3A_7, %add3A_9 : i32
    "tpu.region"() ({
      %run_scoped3A = tpu.sem_alloc : memref<!tpu.dma_semaphore, #tpu.memory_space<semaphore_mem>>
      %dma_start3A = arith.constant 0 : i32
      %dma_start3A_52 = tpu.memref_slice %arg12[%add3A_10, %dma_start3A] : memref<6144x128xf32, #tpu.memory_space<vmem_shared>> -> memref<128x128xf32, #tpu.memory_space<vmem_shared>>
      %dma_start3A_53 = arith.constant 0 : i32
      %dma_start3A_54 = tpu.memref_slice %arg12[%add3A_10, %dma_start3A_53] : memref<6144x128xf32, #tpu.memory_space<vmem_shared>> -> memref<128x128xf32, #tpu.memory_space<vmem_shared>>
      tpu.enqueue_dma source(%arg10 : memref<128x128xf32, #tpu.memory_space<vmem>>) target(%dma_start3A_54 : memref<128x128xf32, #tpu.memory_space<vmem_shared>>) target_semaphore(%run_scoped3A : memref<!tpu.dma_semaphore, #tpu.memory_space<semaphore_mem>>)
      %dma_wait3A = arith.constant 0 : i32
      %dma_wait3A_55 = tpu.memref_slice %arg12[%add3A_10, %dma_wait3A] : memref<6144x128xf32, #tpu.memory_space<vmem_shared>> -> memref<128x128xf32, #tpu.memory_space<vmem_shared>>
      %dma_wait3A_56 = arith.constant 0 : i32
      %dma_wait3A_57 = tpu.memref_slice %arg12[%add3A_10, %dma_wait3A_56] : memref<6144x128xf32, #tpu.memory_space<vmem_shared>> -> memref<128x128xf32, #tpu.memory_space<vmem_shared>>
      tpu.wait_dma2 semaphore(%run_scoped3A : memref<!tpu.dma_semaphore, #tpu.memory_space<semaphore_mem>>) src(%arg10 : memref<128x128xf32, #tpu.memory_space<vmem>>) dst(%dma_wait3A_57 : memref<128x128xf32, #tpu.memory_space<vmem_shared>>)
      tpu.yield
    }) : () -> ()
    %add3A_11 = arith.constant 256 : i32
    %add3A_12 = arith.addi %mul3A_7, %add3A_11 : i32
    "tpu.region"() ({
      %run_scoped3A = tpu.sem_alloc : memref<!tpu.dma_semaphore, #tpu.memory_space<semaphore_mem>>
      %dma_start3A = arith.constant 0 : i32
      %dma_start3A_52 = tpu.memref_slice %arg12[%add3A_12, %dma_start3A] : memref<6144x128xf32, #tpu.memory_space<vmem_shared>> -> memref<128x128xf32, #tpu.memory_space<vmem_shared>>
      %dma_start3A_53 = arith.constant 0 : i32
      %dma_start3A_54 = tpu.memref_slice %arg12[%add3A_12, %dma_start3A_53] : memref<6144x128xf32, #tpu.memory_space<vmem_shared>> -> memref<128x128xf32, #tpu.memory_space<vmem_shared>>
      tpu.enqueue_dma source(%arg10 : memref<128x128xf32, #tpu.memory_space<vmem>>) target(%dma_start3A_54 : memref<128x128xf32, #tpu.memory_space<vmem_shared>>) target_semaphore(%run_scoped3A : memref<!tpu.dma_semaphore, #tpu.memory_space<semaphore_mem>>)
      %dma_wait3A = arith.constant 0 : i32
      %dma_wait3A_55 = tpu.memref_slice %arg12[%add3A_12, %dma_wait3A] : memref<6144x128xf32, #tpu.memory_space<vmem_shared>> -> memref<128x128xf32, #tpu.memory_space<vmem_shared>>
      %dma_wait3A_56 = arith.constant 0 : i32
      %dma_wait3A_57 = tpu.memref_slice %arg12[%add3A_12, %dma_wait3A_56] : memref<6144x128xf32, #tpu.memory_space<vmem_shared>> -> memref<128x128xf32, #tpu.memory_space<vmem_shared>>
      tpu.wait_dma2 semaphore(%run_scoped3A : memref<!tpu.dma_semaphore, #tpu.memory_space<semaphore_mem>>) src(%arg10 : memref<128x128xf32, #tpu.memory_space<vmem>>) dst(%dma_wait3A_57 : memref<128x128xf32, #tpu.memory_space<vmem_shared>>)
      tpu.yield
    }) : () -> ()
    %barrier3A = arith.constant 0 : index
    tpu.barrier barrier_id(%barrier3A)
    %gt3A = arith.constant 0 : i32
    %gt3A_13 = arith.cmpi sgt, %squeeze3A, %gt3A : i32
    %convert_element_type3A = arith.extui %gt3A_13 : i1 to i32
    %cond3A = arith.constant 0 : i32
    %cond3A_14 = arith.cmpi ne, %convert_element_type3A, %cond3A : i32
    scf.if %cond3A_14 {
      %dma_start3A = arith.constant 0 : i32
      %dma_start3A_52 = arith.constant 0 : i32
      %dma_start3A_53 = tpu.memref_slice %arg7[%dma_start3A, %dma_start3A_52] : memref<158x128xi32, #tpu.memory_space<vmem>> -> memref<1x128xi32, #tpu.memory_space<vmem>>
      %dma_start3A_54 = tpu.memref_squeeze %dma_start3A_53 : memref<1x128xi32, #tpu.memory_space<vmem>> -> memref<128xi32, #tpu.memory_space<vmem>>
      %dma_start3A_55 = arith.constant 0 : i32
      %dma_start3A_56 = arith.constant 0 : i32
      %dma_start3A_57 = tpu.memref_slice %arg2[%dma_start3A_55, %dma_start3A_56] : memref<10000x128xf32, #tpu.memory_space<hbm>> -> memref<10000x128xf32, #tpu.memory_space<hbm>>
      tpu.enqueue_indirect_dma source(%dma_start3A_57 : memref<10000x128xf32, #tpu.memory_space<hbm>>) target(%arg10 : memref<128x128xf32, #tpu.memory_space<vmem>>) offsets(%dma_start3A_54 : memref<128xi32, #tpu.memory_space<vmem>>) semaphore(%arg13 : memref<!tpu.dma_semaphore, #tpu.memory_space<semaphore_mem>>)
    } else {
    }
    %jit3A = arith.constant 2 : i32
    %div3A = arith.divsi %squeeze3A, %jit3A : i32
    %sign3A = arith.constant 0 : i32
    %sign3A_15 = arith.cmpi sgt, %squeeze3A, %sign3A : i32
    %sign3A_16 = arith.extui %sign3A_15 : i1 to i32
    %sign3A_17 = arith.constant 0 : i32
    %sign3A_18 = arith.cmpi slt, %squeeze3A, %sign3A_17 : i32
    %sign3A_19 = arith.extui %sign3A_18 : i1 to i32
    %sign3A_20 = arith.subi %sign3A_16, %sign3A_19 : i32
    %sign3A_21 = arith.constant 0 : i32
    %sign3A_22 = arith.cmpi sgt, %jit3A, %sign3A_21 : i32
    %sign3A_23 = arith.extui %sign3A_22 : i1 to i32
    %sign3A_24 = arith.constant 0 : i32
    %sign3A_25 = arith.cmpi slt, %jit3A, %sign3A_24 : i32
    %sign3A_26 = arith.extui %sign3A_25 : i1 to i32
    %sign3A_27 = arith.subi %sign3A_23, %sign3A_26 : i32
    %ne3A = arith.cmpi ne, %sign3A_20, %sign3A_27 : i32
    %rem3A = arith.remsi %squeeze3A, %jit3A : i32
    %ne3A_28 = arith.constant 0 : i32
    %ne3A_29 = arith.cmpi ne, %rem3A, %ne3A_28 : i32
    %and3A = arith.andi %ne3A, %ne3A_29 : i1
    %sub3A = arith.constant 1 : i32
    %sub3A_30 = arith.subi %div3A, %sub3A : i32
    %select_n3A = arith.select %and3A, %sub3A_30, %div3A : i32
    %while3A = arith.constant 0 : i32
    %while3A_31 = arith.constant 0 : i32
    %while3A_32 = arith.subi %select_n3A, %while3A_31 : i32
    %while3A_33 = arith.addi %while3A_31, %while3A_32 : i32
    %while3A_34 = arith.constant 1 : i32
    %while3A_35 = arith.divsi %while3A_32, %while3A_34 : i32
    %while3A_36 = arith.muli %while3A_35, %while3A_34 : i32
    %while3A_37 = arith.addi %while3A_31, %while3A_36 : i32
    %while3A_38 = arith.constant 1 : i32
    scf.for %while3A_52 = %while3A_31 to %while3A_37 step %while3A_38  : i32 {
      %mul3A_53 = arith.constant 2 : i32
      %mul3A_54 = arith.muli %while3A_52, %mul3A_53 : i32
      %add3A_55 = arith.constant 1 : i32
      %add3A_56 = arith.addi %mul3A_54, %add3A_55 : i32
      %dma_start3A = arith.constant 0 : i32
      %dma_start3A_57 = tpu.memref_slice %arg7[%add3A_56, %dma_start3A] : memref<158x128xi32, #tpu.memory_space<vmem>> -> memref<1x128xi32, #tpu.memory_space<vmem>>
      %dma_start3A_58 = tpu.memref_squeeze %dma_start3A_57 : memref<1x128xi32, #tpu.memory_space<vmem>> -> memref<128xi32, #tpu.memory_space<vmem>>
      %dma_start3A_59 = arith.constant 0 : i32
      %dma_start3A_60 = arith.constant 0 : i32
      %dma_start3A_61 = tpu.memref_slice %arg2[%dma_start3A_59, %dma_start3A_60] : memref<10000x128xf32, #tpu.memory_space<hbm>> -> memref<10000x128xf32, #tpu.memory_space<hbm>>
      tpu.enqueue_indirect_dma source(%dma_start3A_61 : memref<10000x128xf32, #tpu.memory_space<hbm>>) target(%arg11 : memref<128x128xf32, #tpu.memory_space<vmem>>) offsets(%dma_start3A_58 : memref<128xi32, #tpu.memory_space<vmem>>) semaphore(%arg14 : memref<!tpu.dma_semaphore, #tpu.memory_space<semaphore_mem>>)
      %dma_wait3A = arith.constant 0 : i32
      %dma_wait3A_62 = tpu.memref_slice %arg7[%mul3A_54, %dma_wait3A] : memref<158x128xi32, #tpu.memory_space<vmem>> -> memref<1x128xi32, #tpu.memory_space<vmem>>
      %dma_wait3A_63 = tpu.memref_squeeze %dma_wait3A_62 : memref<1x128xi32, #tpu.memory_space<vmem>> -> memref<128xi32, #tpu.memory_space<vmem>>
      %dma_wait3A_64 = arith.constant 0 : i32
      %dma_wait3A_65 = arith.constant 0 : i32
      %dma_wait3A_66 = tpu.memref_slice %arg2[%dma_wait3A_64, %dma_wait3A_65] : memref<10000x128xf32, #tpu.memory_space<hbm>> -> memref<10000x128xf32, #tpu.memory_space<hbm>>
      tpu.wait_indirect_dma semaphore(%arg13 : memref<!tpu.dma_semaphore, #tpu.memory_space<semaphore_mem>>) src(%dma_wait3A_66 : memref<10000x128xf32, #tpu.memory_space<hbm>>) dst(%arg10 : memref<128x128xf32, #tpu.memory_space<vmem>>)
      "tpu.region"() ({
        %run_scoped3A = tpu.sem_alloc : memref<!tpu.dma_semaphore, #tpu.memory_space<semaphore_mem>>
        %dma_start3A_85 = arith.constant 0 : i32
        %dma_start3A_86 = tpu.memref_slice %arg8[%mul3A_54, %dma_start3A_85] : memref<158x128xi32, #tpu.memory_space<vmem>> -> memref<1x128xi32, #tpu.memory_space<vmem>>
        %dma_start3A_87 = tpu.memref_squeeze %dma_start3A_86 : memref<1x128xi32, #tpu.memory_space<vmem>> -> memref<128xi32, #tpu.memory_space<vmem>>
        %dma_start3A_88 = arith.constant 0 : i32
        %dma_start3A_89 = arith.constant 0 : i32
        %dma_start3A_90 = tpu.memref_slice %arg12[%dma_start3A_88, %dma_start3A_89] : memref<6144x128xf32, #tpu.memory_space<vmem_shared>> -> memref<6144x128xf32, #tpu.memory_space<vmem_shared>>
        tpu.enqueue_indirect_dma source(%arg10 : memref<128x128xf32, #tpu.memory_space<vmem>>) target(%dma_start3A_90 : memref<6144x128xf32, #tpu.memory_space<vmem_shared>>) offsets(%dma_start3A_87 : memref<128xi32, #tpu.memory_space<vmem>>) semaphore(%run_scoped3A : memref<!tpu.dma_semaphore, #tpu.memory_space<semaphore_mem>>) {add = true}
        %dma_wait3A_91 = arith.constant 0 : i32
        %dma_wait3A_92 = tpu.memref_slice %arg8[%mul3A_54, %dma_wait3A_91] : memref<158x128xi32, #tpu.memory_space<vmem>> -> memref<1x128xi32, #tpu.memory_space<vmem>>
        %dma_wait3A_93 = tpu.memref_squeeze %dma_wait3A_92 : memref<1x128xi32, #tpu.memory_space<vmem>> -> memref<128xi32, #tpu.memory_space<vmem>>
        %dma_wait3A_94 = arith.constant 0 : i32
        %dma_wait3A_95 = arith.constant 0 : i32
        %dma_wait3A_96 = tpu.memref_slice %arg12[%dma_wait3A_94, %dma_wait3A_95] : memref<6144x128xf32, #tpu.memory_space<vmem_shared>> -> memref<6144x128xf32, #tpu.memory_space<vmem_shared>>
        tpu.wait_indirect_dma semaphore(%run_scoped3A : memref<!tpu.dma_semaphore, #tpu.memory_space<semaphore_mem>>) src(%arg10 : memref<128x128xf32, #tpu.memory_space<vmem>>) dst(%dma_wait3A_96 : memref<6144x128xf32, #tpu.memory_space<vmem_shared>>)
        tpu.yield
      }) : () -> ()
      %add3A_67 = arith.constant 2 : i32
      %add3A_68 = arith.addi %mul3A_54, %add3A_67 : i32
      %dma_start3A_69 = arith.constant 0 : i32
      %dma_start3A_70 = tpu.memref_slice %arg7[%add3A_68, %dma_start3A_69] : memref<158x128xi32, #tpu.memory_space<vmem>> -> memref<1x128xi32, #tpu.memory_space<vmem>>
      %dma_start3A_71 = tpu.memref_squeeze %dma_start3A_70 : memref<1x128xi32, #tpu.memory_space<vmem>> -> memref<128xi32, #tpu.memory_space<vmem>>
      %dma_start3A_72 = arith.constant 0 : i32
      %dma_start3A_73 = arith.constant 0 : i32
      %dma_start3A_74 = tpu.memref_slice %arg2[%dma_start3A_72, %dma_start3A_73] : memref<10000x128xf32, #tpu.memory_space<hbm>> -> memref<10000x128xf32, #tpu.memory_space<hbm>>
      tpu.enqueue_indirect_dma source(%dma_start3A_74 : memref<10000x128xf32, #tpu.memory_space<hbm>>) target(%arg10 : memref<128x128xf32, #tpu.memory_space<vmem>>) offsets(%dma_start3A_71 : memref<128xi32, #tpu.memory_space<vmem>>) semaphore(%arg13 : memref<!tpu.dma_semaphore, #tpu.memory_space<semaphore_mem>>)
      %add3A_75 = arith.constant 1 : i32
      %add3A_76 = arith.addi %mul3A_54, %add3A_75 : i32
      %dma_wait3A_77 = arith.constant 0 : i32
      %dma_wait3A_78 = tpu.memref_slice %arg7[%add3A_76, %dma_wait3A_77] : memref<158x128xi32, #tpu.memory_space<vmem>> -> memref<1x128xi32, #tpu.memory_space<vmem>>
      %dma_wait3A_79 = tpu.memref_squeeze %dma_wait3A_78 : memref<1x128xi32, #tpu.memory_space<vmem>> -> memref<128xi32, #tpu.memory_space<vmem>>
      %dma_wait3A_80 = arith.constant 0 : i32
      %dma_wait3A_81 = arith.constant 0 : i32
      %dma_wait3A_82 = tpu.memref_slice %arg2[%dma_wait3A_80, %dma_wait3A_81] : memref<10000x128xf32, #tpu.memory_space<hbm>> -> memref<10000x128xf32, #tpu.memory_space<hbm>>
      tpu.wait_indirect_dma semaphore(%arg14 : memref<!tpu.dma_semaphore, #tpu.memory_space<semaphore_mem>>) src(%dma_wait3A_82 : memref<10000x128xf32, #tpu.memory_space<hbm>>) dst(%arg11 : memref<128x128xf32, #tpu.memory_space<vmem>>)
      %add3A_83 = arith.constant 1 : i32
      %add3A_84 = arith.addi %mul3A_54, %add3A_83 : i32
      "tpu.region"() ({
        %run_scoped3A = tpu.sem_alloc : memref<!tpu.dma_semaphore, #tpu.memory_space<semaphore_mem>>
        %dma_start3A_85 = arith.constant 0 : i32
        %dma_start3A_86 = tpu.memref_slice %arg8[%add3A_84, %dma_start3A_85] : memref<158x128xi32, #tpu.memory_space<vmem>> -> memref<1x128xi32, #tpu.memory_space<vmem>>
        %dma_start3A_87 = tpu.memref_squeeze %dma_start3A_86 : memref<1x128xi32, #tpu.memory_space<vmem>> -> memref<128xi32, #tpu.memory_space<vmem>>
        %dma_start3A_88 = arith.constant 0 : i32
        %dma_start3A_89 = arith.constant 0 : i32
        %dma_start3A_90 = tpu.memref_slice %arg12[%dma_start3A_88, %dma_start3A_89] : memref<6144x128xf32, #tpu.memory_space<vmem_shared>> -> memref<6144x128xf32, #tpu.memory_space<vmem_shared>>
        tpu.enqueue_indirect_dma source(%arg11 : memref<128x128xf32, #tpu.memory_space<vmem>>) target(%dma_start3A_90 : memref<6144x128xf32, #tpu.memory_space<vmem_shared>>) offsets(%dma_start3A_87 : memref<128xi32, #tpu.memory_space<vmem>>) semaphore(%run_scoped3A : memref<!tpu.dma_semaphore, #tpu.memory_space<semaphore_mem>>) {add = true}
        %dma_wait3A_91 = arith.constant 0 : i32
        %dma_wait3A_92 = tpu.memref_slice %arg8[%add3A_84, %dma_wait3A_91] : memref<158x128xi32, #tpu.memory_space<vmem>> -> memref<1x128xi32, #tpu.memory_space<vmem>>
        %dma_wait3A_93 = tpu.memref_squeeze %dma_wait3A_92 : memref<1x128xi32, #tpu.memory_space<vmem>> -> memref<128xi32, #tpu.memory_space<vmem>>
        %dma_wait3A_94 = arith.constant 0 : i32
        %dma_wait3A_95 = arith.constant 0 : i32
        %dma_wait3A_96 = tpu.memref_slice %arg12[%dma_wait3A_94, %dma_wait3A_95] : memref<6144x128xf32, #tpu.memory_space<vmem_shared>> -> memref<6144x128xf32, #tpu.memory_space<vmem_shared>>
        tpu.wait_indirect_dma semaphore(%run_scoped3A : memref<!tpu.dma_semaphore, #tpu.memory_space<semaphore_mem>>) src(%arg11 : memref<128x128xf32, #tpu.memory_space<vmem>>) dst(%dma_wait3A_96 : memref<6144x128xf32, #tpu.memory_space<vmem_shared>>)
        tpu.yield
      }) : () -> ()
    }
    %while3A_39 = arith.constant 1 : i32
    scf.for %while3A_52 = %while3A_37 to %while3A_33 step %while3A_39  : i32 {
      %mul3A_53 = arith.constant 2 : i32
      %mul3A_54 = arith.muli %while3A_52, %mul3A_53 : i32
      %add3A_55 = arith.constant 1 : i32
      %add3A_56 = arith.addi %mul3A_54, %add3A_55 : i32
      %dma_start3A = arith.constant 0 : i32
      %dma_start3A_57 = tpu.memref_slice %arg7[%add3A_56, %dma_start3A] : memref<158x128xi32, #tpu.memory_space<vmem>> -> memref<1x128xi32, #tpu.memory_space<vmem>>
      %dma_start3A_58 = tpu.memref_squeeze %dma_start3A_57 : memref<1x128xi32, #tpu.memory_space<vmem>> -> memref<128xi32, #tpu.memory_space<vmem>>
      %dma_start3A_59 = arith.constant 0 : i32
      %dma_start3A_60 = arith.constant 0 : i32
      %dma_start3A_61 = tpu.memref_slice %arg2[%dma_start3A_59, %dma_start3A_60] : memref<10000x128xf32, #tpu.memory_space<hbm>> -> memref<10000x128xf32, #tpu.memory_space<hbm>>
      tpu.enqueue_indirect_dma source(%dma_start3A_61 : memref<10000x128xf32, #tpu.memory_space<hbm>>) target(%arg11 : memref<128x128xf32, #tpu.memory_space<vmem>>) offsets(%dma_start3A_58 : memref<128xi32, #tpu.memory_space<vmem>>) semaphore(%arg14 : memref<!tpu.dma_semaphore, #tpu.memory_space<semaphore_mem>>)
      %dma_wait3A = arith.constant 0 : i32
      %dma_wait3A_62 = tpu.memref_slice %arg7[%mul3A_54, %dma_wait3A] : memref<158x128xi32, #tpu.memory_space<vmem>> -> memref<1x128xi32, #tpu.memory_space<vmem>>
      %dma_wait3A_63 = tpu.memref_squeeze %dma_wait3A_62 : memref<1x128xi32, #tpu.memory_space<vmem>> -> memref<128xi32, #tpu.memory_space<vmem>>
      %dma_wait3A_64 = arith.constant 0 : i32
      %dma_wait3A_65 = arith.constant 0 : i32
      %dma_wait3A_66 = tpu.memref_slice %arg2[%dma_wait3A_64, %dma_wait3A_65] : memref<10000x128xf32, #tpu.memory_space<hbm>> -> memref<10000x128xf32, #tpu.memory_space<hbm>>
      tpu.wait_indirect_dma semaphore(%arg13 : memref<!tpu.dma_semaphore, #tpu.memory_space<semaphore_mem>>) src(%dma_wait3A_66 : memref<10000x128xf32, #tpu.memory_space<hbm>>) dst(%arg10 : memref<128x128xf32, #tpu.memory_space<vmem>>)
      "tpu.region"() ({
        %run_scoped3A = tpu.sem_alloc : memref<!tpu.dma_semaphore, #tpu.memory_space<semaphore_mem>>
        %dma_start3A_85 = arith.constant 0 : i32
        %dma_start3A_86 = tpu.memref_slice %arg8[%mul3A_54, %dma_start3A_85] : memref<158x128xi32, #tpu.memory_space<vmem>> -> memref<1x128xi32, #tpu.memory_space<vmem>>
        %dma_start3A_87 = tpu.memref_squeeze %dma_start3A_86 : memref<1x128xi32, #tpu.memory_space<vmem>> -> memref<128xi32, #tpu.memory_space<vmem>>
        %dma_start3A_88 = arith.constant 0 : i32
        %dma_start3A_89 = arith.constant 0 : i32
        %dma_start3A_90 = tpu.memref_slice %arg12[%dma_start3A_88, %dma_start3A_89] : memref<6144x128xf32, #tpu.memory_space<vmem_shared>> -> memref<6144x128xf32, #tpu.memory_space<vmem_shared>>
        tpu.enqueue_indirect_dma source(%arg10 : memref<128x128xf32, #tpu.memory_space<vmem>>) target(%dma_start3A_90 : memref<6144x128xf32, #tpu.memory_space<vmem_shared>>) offsets(%dma_start3A_87 : memref<128xi32, #tpu.memory_space<vmem>>) semaphore(%run_scoped3A : memref<!tpu.dma_semaphore, #tpu.memory_space<semaphore_mem>>) {add = true}
        %dma_wait3A_91 = arith.constant 0 : i32
        %dma_wait3A_92 = tpu.memref_slice %arg8[%mul3A_54, %dma_wait3A_91] : memref<158x128xi32, #tpu.memory_space<vmem>> -> memref<1x128xi32, #tpu.memory_space<vmem>>
        %dma_wait3A_93 = tpu.memref_squeeze %dma_wait3A_92 : memref<1x128xi32, #tpu.memory_space<vmem>> -> memref<128xi32, #tpu.memory_space<vmem>>
        %dma_wait3A_94 = arith.constant 0 : i32
        %dma_wait3A_95 = arith.constant 0 : i32
        %dma_wait3A_96 = tpu.memref_slice %arg12[%dma_wait3A_94, %dma_wait3A_95] : memref<6144x128xf32, #tpu.memory_space<vmem_shared>> -> memref<6144x128xf32, #tpu.memory_space<vmem_shared>>
        tpu.wait_indirect_dma semaphore(%run_scoped3A : memref<!tpu.dma_semaphore, #tpu.memory_space<semaphore_mem>>) src(%arg10 : memref<128x128xf32, #tpu.memory_space<vmem>>) dst(%dma_wait3A_96 : memref<6144x128xf32, #tpu.memory_space<vmem_shared>>)
        tpu.yield
      }) : () -> ()
      %add3A_67 = arith.constant 2 : i32
      %add3A_68 = arith.addi %mul3A_54, %add3A_67 : i32
      %dma_start3A_69 = arith.constant 0 : i32
      %dma_start3A_70 = tpu.memref_slice %arg7[%add3A_68, %dma_start3A_69] : memref<158x128xi32, #tpu.memory_space<vmem>> -> memref<1x128xi32, #tpu.memory_space<vmem>>
      %dma_start3A_71 = tpu.memref_squeeze %dma_start3A_70 : memref<1x128xi32, #tpu.memory_space<vmem>> -> memref<128xi32, #tpu.memory_space<vmem>>
      %dma_start3A_72 = arith.constant 0 : i32
      %dma_start3A_73 = arith.constant 0 : i32
      %dma_start3A_74 = tpu.memref_slice %arg2[%dma_start3A_72, %dma_start3A_73] : memref<10000x128xf32, #tpu.memory_space<hbm>> -> memref<10000x128xf32, #tpu.memory_space<hbm>>
      tpu.enqueue_indirect_dma source(%dma_start3A_74 : memref<10000x128xf32, #tpu.memory_space<hbm>>) target(%arg10 : memref<128x128xf32, #tpu.memory_space<vmem>>) offsets(%dma_start3A_71 : memref<128xi32, #tpu.memory_space<vmem>>) semaphore(%arg13 : memref<!tpu.dma_semaphore, #tpu.memory_space<semaphore_mem>>)
      %add3A_75 = arith.constant 1 : i32
      %add3A_76 = arith.addi %mul3A_54, %add3A_75 : i32
      %dma_wait3A_77 = arith.constant 0 : i32
      %dma_wait3A_78 = tpu.memref_slice %arg7[%add3A_76, %dma_wait3A_77] : memref<158x128xi32, #tpu.memory_space<vmem>> -> memref<1x128xi32, #tpu.memory_space<vmem>>
      %dma_wait3A_79 = tpu.memref_squeeze %dma_wait3A_78 : memref<1x128xi32, #tpu.memory_space<vmem>> -> memref<128xi32, #tpu.memory_space<vmem>>
      %dma_wait3A_80 = arith.constant 0 : i32
      %dma_wait3A_81 = arith.constant 0 : i32
      %dma_wait3A_82 = tpu.memref_slice %arg2[%dma_wait3A_80, %dma_wait3A_81] : memref<10000x128xf32, #tpu.memory_space<hbm>> -> memref<10000x128xf32, #tpu.memory_space<hbm>>
      tpu.wait_indirect_dma semaphore(%arg14 : memref<!tpu.dma_semaphore, #tpu.memory_space<semaphore_mem>>) src(%dma_wait3A_82 : memref<10000x128xf32, #tpu.memory_space<hbm>>) dst(%arg11 : memref<128x128xf32, #tpu.memory_space<vmem>>)
      %add3A_83 = arith.constant 1 : i32
      %add3A_84 = arith.addi %mul3A_54, %add3A_83 : i32
      "tpu.region"() ({
        %run_scoped3A = tpu.sem_alloc : memref<!tpu.dma_semaphore, #tpu.memory_space<semaphore_mem>>
        %dma_start3A_85 = arith.constant 0 : i32
        %dma_start3A_86 = tpu.memref_slice %arg8[%add3A_84, %dma_start3A_85] : memref<158x128xi32, #tpu.memory_space<vmem>> -> memref<1x128xi32, #tpu.memory_space<vmem>>
        %dma_start3A_87 = tpu.memref_squeeze %dma_start3A_86 : memref<1x128xi32, #tpu.memory_space<vmem>> -> memref<128xi32, #tpu.memory_space<vmem>>
        %dma_start3A_88 = arith.constant 0 : i32
        %dma_start3A_89 = arith.constant 0 : i32
        %dma_start3A_90 = tpu.memref_slice %arg12[%dma_start3A_88, %dma_start3A_89] : memref<6144x128xf32, #tpu.memory_space<vmem_shared>> -> memref<6144x128xf32, #tpu.memory_space<vmem_shared>>
        tpu.enqueue_indirect_dma source(%arg11 : memref<128x128xf32, #tpu.memory_space<vmem>>) target(%dma_start3A_90 : memref<6144x128xf32, #tpu.memory_space<vmem_shared>>) offsets(%dma_start3A_87 : memref<128xi32, #tpu.memory_space<vmem>>) semaphore(%run_scoped3A : memref<!tpu.dma_semaphore, #tpu.memory_space<semaphore_mem>>) {add = true}
        %dma_wait3A_91 = arith.constant 0 : i32
        %dma_wait3A_92 = tpu.memref_slice %arg8[%add3A_84, %dma_wait3A_91] : memref<158x128xi32, #tpu.memory_space<vmem>> -> memref<1x128xi32, #tpu.memory_space<vmem>>
        %dma_wait3A_93 = tpu.memref_squeeze %dma_wait3A_92 : memref<1x128xi32, #tpu.memory_space<vmem>> -> memref<128xi32, #tpu.memory_space<vmem>>
        %dma_wait3A_94 = arith.constant 0 : i32
        %dma_wait3A_95 = arith.constant 0 : i32
        %dma_wait3A_96 = tpu.memref_slice %arg12[%dma_wait3A_94, %dma_wait3A_95] : memref<6144x128xf32, #tpu.memory_space<vmem_shared>> -> memref<6144x128xf32, #tpu.memory_space<vmem_shared>>
        tpu.wait_indirect_dma semaphore(%run_scoped3A : memref<!tpu.dma_semaphore, #tpu.memory_space<semaphore_mem>>) src(%arg11 : memref<128x128xf32, #tpu.memory_space<vmem>>) dst(%dma_wait3A_96 : memref<6144x128xf32, #tpu.memory_space<vmem_shared>>)
        tpu.yield
      }) : () -> ()
    }
    %gt3A_40 = arith.constant 0 : i32
    %gt3A_41 = arith.cmpi sgt, %squeeze3A, %gt3A_40 : i32
    %convert_element_type3A_42 = arith.extui %gt3A_41 : i1 to i32
    %cond3A_43 = arith.constant 0 : i32
    %cond3A_44 = arith.cmpi ne, %convert_element_type3A_42, %cond3A_43 : i32
    scf.if %cond3A_44 {
      %sub3A_52 = arith.constant 1 : i32
      %sub3A_53 = arith.subi %squeeze3A, %sub3A_52 : i32
      %dma_wait3A = arith.constant 0 : i32
      %dma_wait3A_54 = tpu.memref_slice %arg7[%sub3A_53, %dma_wait3A] : memref<158x128xi32, #tpu.memory_space<vmem>> -> memref<1x128xi32, #tpu.memory_space<vmem>>
      %dma_wait3A_55 = tpu.memref_squeeze %dma_wait3A_54 : memref<1x128xi32, #tpu.memory_space<vmem>> -> memref<128xi32, #tpu.memory_space<vmem>>
      %dma_wait3A_56 = arith.constant 0 : i32
      %dma_wait3A_57 = arith.constant 0 : i32
      %dma_wait3A_58 = tpu.memref_slice %arg2[%dma_wait3A_56, %dma_wait3A_57] : memref<10000x128xf32, #tpu.memory_space<hbm>> -> memref<10000x128xf32, #tpu.memory_space<hbm>>
      tpu.wait_indirect_dma semaphore(%arg13 : memref<!tpu.dma_semaphore, #tpu.memory_space<semaphore_mem>>) src(%dma_wait3A_58 : memref<10000x128xf32, #tpu.memory_space<hbm>>) dst(%arg10 : memref<128x128xf32, #tpu.memory_space<vmem>>)
      %jit3A_59 = arith.constant 2 : i32
      %eq3A = arith.constant 0 : i32
      %eq3A_60 = arith.cmpi eq, %jit3A_59, %eq3A : i32
      %jit3A_61 = arith.constant 1 : i32
      %select_n3A_62 = arith.select %eq3A_60, %jit3A_61, %jit3A_59 : i32
      %rem3A_63 = arith.remsi %squeeze3A, %select_n3A_62 : i32
      %ne3A_64 = arith.constant 0 : i32
      %ne3A_65 = arith.cmpi ne, %rem3A_63, %ne3A_64 : i32
      %lt3A = arith.constant 0 : i32
      %lt3A_66 = arith.cmpi slt, %rem3A_63, %lt3A : i32
      %lt3A_67 = arith.constant 0 : i32
      %lt3A_68 = arith.cmpi slt, %select_n3A_62, %lt3A_67 : i32
      %ne3A_69 = arith.xori %lt3A_66, %lt3A_68 : i1
      %and3A_70 = arith.andi %ne3A_69, %ne3A_65 : i1
      %add3A_71 = arith.addi %rem3A_63, %select_n3A_62 : i32
      %select_n3A_72 = arith.select %and3A_70, %add3A_71, %rem3A_63 : i32
      %eq3A_73 = arith.constant 1 : i32
      %eq3A_74 = arith.cmpi eq, %select_n3A_72, %eq3A_73 : i32
      %convert_element_type3A_75 = arith.extui %eq3A_74 : i1 to i32
      %cond3A_76 = arith.constant 0 : i32
      %cond3A_77 = arith.cmpi ne, %convert_element_type3A_75, %cond3A_76 : i32
      scf.if %cond3A_77 {
        %sub3A_78 = arith.constant 1 : i32
        %sub3A_79 = arith.subi %squeeze3A, %sub3A_78 : i32
        "tpu.region"() ({
          %run_scoped3A = tpu.sem_alloc : memref<!tpu.dma_semaphore, #tpu.memory_space<semaphore_mem>>
          %dma_start3A = arith.constant 0 : i32
          %dma_start3A_80 = tpu.memref_slice %arg8[%sub3A_79, %dma_start3A] : memref<158x128xi32, #tpu.memory_space<vmem>> -> memref<1x128xi32, #tpu.memory_space<vmem>>
          %dma_start3A_81 = tpu.memref_squeeze %dma_start3A_80 : memref<1x128xi32, #tpu.memory_space<vmem>> -> memref<128xi32, #tpu.memory_space<vmem>>
          %dma_start3A_82 = arith.constant 0 : i32
          %dma_start3A_83 = arith.constant 0 : i32
          %dma_start3A_84 = tpu.memref_slice %arg12[%dma_start3A_82, %dma_start3A_83] : memref<6144x128xf32, #tpu.memory_space<vmem_shared>> -> memref<6144x128xf32, #tpu.memory_space<vmem_shared>>
          tpu.enqueue_indirect_dma source(%arg10 : memref<128x128xf32, #tpu.memory_space<vmem>>) target(%dma_start3A_84 : memref<6144x128xf32, #tpu.memory_space<vmem_shared>>) offsets(%dma_start3A_81 : memref<128xi32, #tpu.memory_space<vmem>>) semaphore(%run_scoped3A : memref<!tpu.dma_semaphore, #tpu.memory_space<semaphore_mem>>) {add = true}
          %dma_wait3A_85 = arith.constant 0 : i32
          %dma_wait3A_86 = tpu.memref_slice %arg8[%sub3A_79, %dma_wait3A_85] : memref<158x128xi32, #tpu.memory_space<vmem>> -> memref<1x128xi32, #tpu.memory_space<vmem>>
          %dma_wait3A_87 = tpu.memref_squeeze %dma_wait3A_86 : memref<1x128xi32, #tpu.memory_space<vmem>> -> memref<128xi32, #tpu.memory_space<vmem>>
          %dma_wait3A_88 = arith.constant 0 : i32
          %dma_wait3A_89 = arith.constant 0 : i32
          %dma_wait3A_90 = tpu.memref_slice %arg12[%dma_wait3A_88, %dma_wait3A_89] : memref<6144x128xf32, #tpu.memory_space<vmem_shared>> -> memref<6144x128xf32, #tpu.memory_space<vmem_shared>>
          tpu.wait_indirect_dma semaphore(%run_scoped3A : memref<!tpu.dma_semaphore, #tpu.memory_space<semaphore_mem>>) src(%arg10 : memref<128x128xf32, #tpu.memory_space<vmem>>) dst(%dma_wait3A_90 : memref<6144x128xf32, #tpu.memory_space<vmem_shared>>)
          tpu.yield
        }) : () -> ()
      } else {
      }
    } else {
    }
    %barrier3A_45 = arith.constant 0 : index
    tpu.barrier barrier_id(%barrier3A_45)
    %add3A_46 = arith.constant 0 : i32
    %add3A_47 = arith.addi %mul3A_7, %add3A_46 : i32
    "tpu.region"() ({
      %run_scoped3A = tpu.sem_alloc : memref<!tpu.dma_semaphore, #tpu.memory_space<semaphore_mem>>
      %dma_start3A = arith.constant 0 : i32
      %dma_start3A_52 = tpu.memref_slice %arg6[%arg0, %add3A_47, %dma_start3A] : memref<2x6144x128xf32, #tpu.memory_space<hbm>> -> memref<1x128x128xf32, #tpu.memory_space<hbm>>
      %dma_start3A_53 = tpu.memref_squeeze %dma_start3A_52 : memref<1x128x128xf32, #tpu.memory_space<hbm>> -> memref<128x128xf32, #tpu.memory_space<hbm>>
      %dma_start3A_54 = arith.constant 0 : i32
      %dma_start3A_55 = tpu.memref_slice %arg12[%add3A_47, %dma_start3A_54] : memref<6144x128xf32, #tpu.memory_space<vmem_shared>> -> memref<128x128xf32, #tpu.memory_space<vmem_shared>>
      tpu.enqueue_dma source(%dma_start3A_55 : memref<128x128xf32, #tpu.memory_space<vmem_shared>>) target(%dma_start3A_53 : memref<128x128xf32, #tpu.memory_space<hbm>>) target_semaphore(%run_scoped3A : memref<!tpu.dma_semaphore, #tpu.memory_space<semaphore_mem>>)
      %dma_wait3A = arith.constant 0 : i32
      %dma_wait3A_56 = tpu.memref_slice %arg6[%arg0, %add3A_47, %dma_wait3A] : memref<2x6144x128xf32, #tpu.memory_space<hbm>> -> memref<1x128x128xf32, #tpu.memory_space<hbm>>
      %dma_wait3A_57 = tpu.memref_squeeze %dma_wait3A_56 : memref<1x128x128xf32, #tpu.memory_space<hbm>> -> memref<128x128xf32, #tpu.memory_space<hbm>>
      %dma_wait3A_58 = arith.constant 0 : i32
      %dma_wait3A_59 = tpu.memref_slice %arg12[%add3A_47, %dma_wait3A_58] : memref<6144x128xf32, #tpu.memory_space<vmem_shared>> -> memref<128x128xf32, #tpu.memory_space<vmem_shared>>
      tpu.wait_dma2 semaphore(%run_scoped3A : memref<!tpu.dma_semaphore, #tpu.memory_space<semaphore_mem>>) src(%dma_wait3A_59 : memref<128x128xf32, #tpu.memory_space<vmem_shared>>) dst(%dma_wait3A_57 : memref<128x128xf32, #tpu.memory_space<hbm>>)
      tpu.yield
    }) : () -> ()
    %add3A_48 = arith.constant 128 : i32
    %add3A_49 = arith.addi %mul3A_7, %add3A_48 : i32
    "tpu.region"() ({
      %run_scoped3A = tpu.sem_alloc : memref<!tpu.dma_semaphore, #tpu.memory_space<semaphore_mem>>
      %dma_start3A = arith.constant 0 : i32
      %dma_start3A_52 = tpu.memref_slice %arg6[%arg0, %add3A_49, %dma_start3A] : memref<2x6144x128xf32, #tpu.memory_space<hbm>> -> memref<1x128x128xf32, #tpu.memory_space<hbm>>
      %dma_start3A_53 = tpu.memref_squeeze %dma_start3A_52 : memref<1x128x128xf32, #tpu.memory_space<hbm>> -> memref<128x128xf32, #tpu.memory_space<hbm>>
      %dma_start3A_54 = arith.constant 0 : i32
      %dma_start3A_55 = tpu.memref_slice %arg12[%add3A_49, %dma_start3A_54] : memref<6144x128xf32, #tpu.memory_space<vmem_shared>> -> memref<128x128xf32, #tpu.memory_space<vmem_shared>>
      tpu.enqueue_dma source(%dma_start3A_55 : memref<128x128xf32, #tpu.memory_space<vmem_shared>>) target(%dma_start3A_53 : memref<128x128xf32, #tpu.memory_space<hbm>>) target_semaphore(%run_scoped3A : memref<!tpu.dma_semaphore, #tpu.memory_space<semaphore_mem>>)
      %dma_wait3A = arith.constant 0 : i32
      %dma_wait3A_56 = tpu.memref_slice %arg6[%arg0, %add3A_49, %dma_wait3A] : memref<2x6144x128xf32, #tpu.memory_space<hbm>> -> memref<1x128x128xf32, #tpu.memory_space<hbm>>
      %dma_wait3A_57 = tpu.memref_squeeze %dma_wait3A_56 : memref<1x128x128xf32, #tpu.memory_space<hbm>> -> memref<128x128xf32, #tpu.memory_space<hbm>>
      %dma_wait3A_58 = arith.constant 0 : i32
      %dma_wait3A_59 = tpu.memref_slice %arg12[%add3A_49, %dma_wait3A_58] : memref<6144x128xf32, #tpu.memory_space<vmem_shared>> -> memref<128x128xf32, #tpu.memory_space<vmem_shared>>
      tpu.wait_dma2 semaphore(%run_scoped3A : memref<!tpu.dma_semaphore, #tpu.memory_space<semaphore_mem>>) src(%dma_wait3A_59 : memref<128x128xf32, #tpu.memory_space<vmem_shared>>) dst(%dma_wait3A_57 : memref<128x128xf32, #tpu.memory_space<hbm>>)
      tpu.yield
    }) : () -> ()
    %add3A_50 = arith.constant 256 : i32
    %add3A_51 = arith.addi %mul3A_7, %add3A_50 : i32
    "tpu.region"() ({
      %run_scoped3A = tpu.sem_alloc : memref<!tpu.dma_semaphore, #tpu.memory_space<semaphore_mem>>
      %dma_start3A = arith.constant 0 : i32
      %dma_start3A_52 = tpu.memref_slice %arg6[%arg0, %add3A_51, %dma_start3A] : memref<2x6144x128xf32, #tpu.memory_space<hbm>> -> memref<1x128x128xf32, #tpu.memory_space<hbm>>
      %dma_start3A_53 = tpu.memref_squeeze %dma_start3A_52 : memref<1x128x128xf32, #tpu.memory_space<hbm>> -> memref<128x128xf32, #tpu.memory_space<hbm>>
      %dma_start3A_54 = arith.constant 0 : i32
      %dma_start3A_55 = tpu.memref_slice %arg12[%add3A_51, %dma_start3A_54] : memref<6144x128xf32, #tpu.memory_space<vmem_shared>> -> memref<128x128xf32, #tpu.memory_space<vmem_shared>>
      tpu.enqueue_dma source(%dma_start3A_55 : memref<128x128xf32, #tpu.memory_space<vmem_shared>>) target(%dma_start3A_53 : memref<128x128xf32, #tpu.memory_space<hbm>>) target_semaphore(%run_scoped3A : memref<!tpu.dma_semaphore, #tpu.memory_space<semaphore_mem>>)
      %dma_wait3A = arith.constant 0 : i32
      %dma_wait3A_56 = tpu.memref_slice %arg6[%arg0, %add3A_51, %dma_wait3A] : memref<2x6144x128xf32, #tpu.memory_space<hbm>> -> memref<1x128x128xf32, #tpu.memory_space<hbm>>
      %dma_wait3A_57 = tpu.memref_squeeze %dma_wait3A_56 : memref<1x128x128xf32, #tpu.memory_space<hbm>> -> memref<128x128xf32, #tpu.memory_space<hbm>>
      %dma_wait3A_58 = arith.constant 0 : i32
      %dma_wait3A_59 = tpu.memref_slice %arg12[%add3A_51, %dma_wait3A_58] : memref<6144x128xf32, #tpu.memory_space<vmem_shared>> -> memref<128x128xf32, #tpu.memory_space<vmem_shared>>
      tpu.wait_dma2 semaphore(%run_scoped3A : memref<!tpu.dma_semaphore, #tpu.memory_space<semaphore_mem>>) src(%dma_wait3A_59 : memref<128x128xf32, #tpu.memory_space<vmem_shared>>) dst(%dma_wait3A_57 : memref<128x128xf32, #tpu.memory_space<hbm>>)
      tpu.yield
    }) : () -> ()
    return
  }
}

#map = affine_map<(d0, d1) -> (0, 0)>
#map1 = affine_map<(d0, d1) -> (0, 0, 0, 0)>
#map2 = affine_map<(d0, d1) -> (0, 0, 0)>
module attributes {stable_mosaic.version = 14 : i64} {
  func.func @_agg_body(%arg0: i32, %arg1: i32, %arg2: memref<10000x128xf32, #tpu.memory_space<hbm>>, %arg3: memref<2x16x158x128xi32, #tpu.memory_space<hbm>>, %arg4: memref<2x16x158x128xi32, #tpu.memory_space<hbm>>, %arg5: memref<2x16xi32, #tpu.memory_space<hbm>>, %arg6: memref<2x6144x128xf32, #tpu.memory_space<hbm>>, %arg7: memref<158x128xi32, #tpu.memory_space<vmem>>, %arg8: memref<158x128xi32, #tpu.memory_space<vmem>>, %arg9: memref<16xi32, #tpu.memory_space<vmem>>, %arg10: memref<128x128xf32, #tpu.memory_space<vmem>>, %arg11: memref<128x128xf32, #tpu.memory_space<vmem>>, %arg12: memref<6144x128xf32, #tpu.memory_space<vmem_shared>>, %arg13: memref<!tpu.dma_semaphore, #tpu.memory_space<semaphore_mem>>, %arg14: memref<!tpu.dma_semaphore, #tpu.memory_space<semaphore_mem>>) attributes {dimension_semantics = [#tpu.dimension_semantics<core_parallel>, #tpu.dimension_semantics<subcore_parallel>], iteration_bounds = array<i64: 2, 16>, scalar_prefetch = 0 : i64, scratch_operands = 8 : i64, tpu.core_type = #tpu.core_type<sc_vector_subcore>, window_params = [{transform_indices = #map}, {transform_indices = #map1}, {transform_indices = #map1}, {transform_indices = #map}, {transform_indices = #map2}]} {
    "tpu.region"() ({
      %run_scoped3A = tpu.sem_alloc : memref<!tpu.dma_semaphore, #tpu.memory_space<semaphore_mem>>
      %dma_start3A = arith.constant 0 : i32
      %dma_start3A_52 = arith.constant 0 : i32
      %dma_start3A_53 = tpu.memref_slice %arg3[%arg0, %arg1, %dma_start3A, %dma_start3A_52] : memref<2x16x158x128xi32, #tpu.memory_space<hbm>> -> memref<1x1x158x128xi32, #tpu.memory_space<hbm>>
      %dma_start3A_54 = tpu.memref_squeeze %dma_start3A_53 : memref<1x1x158x128xi32, #tpu.memory_space<hbm>> -> memref<158x128xi32, #tpu.memory_space<hbm>>
      %dma_start3A_55 = arith.constant 0 : i32
      %dma_start3A_56 = arith.constant 0 : i32
      %dma_start3A_57 = tpu.memref_slice %arg3[%arg0, %arg1, %dma_start3A_55, %dma_start3A_56] : memref<2x16x158x128xi32, #tpu.memory_space<hbm>> -> memref<1x1x158x128xi32, #tpu.memory_space<hbm>>
      %dma_start3A_58 = tpu.memref_squeeze %dma_start3A_57 : memref<1x1x158x128xi32, #tpu.memory_space<hbm>> -> memref<158x128xi32, #tpu.memory_space<hbm>>
      tpu.enqueue_dma source(%dma_start3A_58 : memref<158x128xi32, #tpu.memory_space<hbm>>) target(%arg7 : memref<158x128xi32, #tpu.memory_space<vmem>>) target_semaphore(%run_scoped3A : memref<!tpu.dma_semaphore, #tpu.memory_space<semaphore_mem>>)
      %dma_wait3A = arith.constant 0 : i32
      %dma_wait3A_59 = arith.constant 0 : i32
      %dma_wait3A_60 = tpu.memref_slice %arg3[%arg0, %arg1, %dma_wait3A, %dma_wait3A_59] : memref<2x16x158x128xi32, #tpu.memory_space<hbm>> -> memref<1x1x158x128xi32, #tpu.memory_space<hbm>>
      %dma_wait3A_61 = tpu.memref_squeeze %dma_wait3A_60 : memref<1x1x158x128xi32, #tpu.memory_space<hbm>> -> memref<158x128xi32, #tpu.memory_space<hbm>>
      %dma_wait3A_62 = arith.constant 0 : i32
      %dma_wait3A_63 = arith.constant 0 : i32
      %dma_wait3A_64 = tpu.memref_slice %arg3[%arg0, %arg1, %dma_wait3A_62, %dma_wait3A_63] : memref<2x16x158x128xi32, #tpu.memory_space<hbm>> -> memref<1x1x158x128xi32, #tpu.memory_space<hbm>>
      %dma_wait3A_65 = tpu.memref_squeeze %dma_wait3A_64 : memref<1x1x158x128xi32, #tpu.memory_space<hbm>> -> memref<158x128xi32, #tpu.memory_space<hbm>>
      tpu.wait_dma2 semaphore(%run_scoped3A : memref<!tpu.dma_semaphore, #tpu.memory_space<semaphore_mem>>) src(%dma_wait3A_65 : memref<158x128xi32, #tpu.memory_space<hbm>>) dst(%arg7 : memref<158x128xi32, #tpu.memory_space<vmem>>)
      tpu.yield
    }) : () -> ()
    "tpu.region"() ({
      %run_scoped3A = tpu.sem_alloc : memref<!tpu.dma_semaphore, #tpu.memory_space<semaphore_mem>>
      %dma_start3A = arith.constant 0 : i32
      %dma_start3A_52 = arith.constant 0 : i32
      %dma_start3A_53 = tpu.memref_slice %arg4[%arg0, %arg1, %dma_start3A, %dma_start3A_52] : memref<2x16x158x128xi32, #tpu.memory_space<hbm>> -> memref<1x1x158x128xi32, #tpu.memory_space<hbm>>
      %dma_start3A_54 = tpu.memref_squeeze %dma_start3A_53 : memref<1x1x158x128xi32, #tpu.memory_space<hbm>> -> memref<158x128xi32, #tpu.memory_space<hbm>>
      %dma_start3A_55 = arith.constant 0 : i32
      %dma_start3A_56 = arith.constant 0 : i32
      %dma_start3A_57 = tpu.memref_slice %arg4[%arg0, %arg1, %dma_start3A_55, %dma_start3A_56] : memref<2x16x158x128xi32, #tpu.memory_space<hbm>> -> memref<1x1x158x128xi32, #tpu.memory_space<hbm>>
      %dma_start3A_58 = tpu.memref_squeeze %dma_start3A_57 : memref<1x1x158x128xi32, #tpu.memory_space<hbm>> -> memref<158x128xi32, #tpu.memory_space<hbm>>
      tpu.enqueue_dma source(%dma_start3A_58 : memref<158x128xi32, #tpu.memory_space<hbm>>) target(%arg8 : memref<158x128xi32, #tpu.memory_space<vmem>>) target_semaphore(%run_scoped3A : memref<!tpu.dma_semaphore, #tpu.memory_space<semaphore_mem>>)
      %dma_wait3A = arith.constant 0 : i32
      %dma_wait3A_59 = arith.constant 0 : i32
      %dma_wait3A_60 = tpu.memref_slice %arg4[%arg0, %arg1, %dma_wait3A, %dma_wait3A_59] : memref<2x16x158x128xi32, #tpu.memory_space<hbm>> -> memref<1x1x158x128xi32, #tpu.memory_space<hbm>>
      %dma_wait3A_61 = tpu.memref_squeeze %dma_wait3A_60 : memref<1x1x158x128xi32, #tpu.memory_space<hbm>> -> memref<158x128xi32, #tpu.memory_space<hbm>>
      %dma_wait3A_62 = arith.constant 0 : i32
      %dma_wait3A_63 = arith.constant 0 : i32
      %dma_wait3A_64 = tpu.memref_slice %arg4[%arg0, %arg1, %dma_wait3A_62, %dma_wait3A_63] : memref<2x16x158x128xi32, #tpu.memory_space<hbm>> -> memref<1x1x158x128xi32, #tpu.memory_space<hbm>>
      %dma_wait3A_65 = tpu.memref_squeeze %dma_wait3A_64 : memref<1x1x158x128xi32, #tpu.memory_space<hbm>> -> memref<158x128xi32, #tpu.memory_space<hbm>>
      tpu.wait_dma2 semaphore(%run_scoped3A : memref<!tpu.dma_semaphore, #tpu.memory_space<semaphore_mem>>) src(%dma_wait3A_65 : memref<158x128xi32, #tpu.memory_space<hbm>>) dst(%arg8 : memref<158x128xi32, #tpu.memory_space<vmem>>)
      tpu.yield
    }) : () -> ()
    "tpu.region"() ({
      %run_scoped3A = tpu.sem_alloc : memref<!tpu.dma_semaphore, #tpu.memory_space<semaphore_mem>>
      %dma_start3A = arith.constant 0 : i32
      %dma_start3A_52 = tpu.memref_slice %arg5[%arg0, %dma_start3A] : memref<2x16xi32, #tpu.memory_space<hbm>> -> memref<1x16xi32, #tpu.memory_space<hbm>>
      %dma_start3A_53 = tpu.memref_squeeze %dma_start3A_52 : memref<1x16xi32, #tpu.memory_space<hbm>> -> memref<16xi32, #tpu.memory_space<hbm>>
      %dma_start3A_54 = arith.constant 0 : i32
      %dma_start3A_55 = tpu.memref_slice %arg5[%arg0, %dma_start3A_54] : memref<2x16xi32, #tpu.memory_space<hbm>> -> memref<1x16xi32, #tpu.memory_space<hbm>>
      %dma_start3A_56 = tpu.memref_squeeze %dma_start3A_55 : memref<1x16xi32, #tpu.memory_space<hbm>> -> memref<16xi32, #tpu.memory_space<hbm>>
      tpu.enqueue_dma source(%dma_start3A_56 : memref<16xi32, #tpu.memory_space<hbm>>) target(%arg9 : memref<16xi32, #tpu.memory_space<vmem>>) target_semaphore(%run_scoped3A : memref<!tpu.dma_semaphore, #tpu.memory_space<semaphore_mem>>)
      %dma_wait3A = arith.constant 0 : i32
      %dma_wait3A_57 = tpu.memref_slice %arg5[%arg0, %dma_wait3A] : memref<2x16xi32, #tpu.memory_space<hbm>> -> memref<1x16xi32, #tpu.memory_space<hbm>>
      %dma_wait3A_58 = tpu.memref_squeeze %dma_wait3A_57 : memref<1x16xi32, #tpu.memory_space<hbm>> -> memref<16xi32, #tpu.memory_space<hbm>>
      %dma_wait3A_59 = arith.constant 0 : i32
      %dma_wait3A_60 = tpu.memref_slice %arg5[%arg0, %dma_wait3A_59] : memref<2x16xi32, #tpu.memory_space<hbm>> -> memref<1x16xi32, #tpu.memory_space<hbm>>
      %dma_wait3A_61 = tpu.memref_squeeze %dma_wait3A_60 : memref<1x16xi32, #tpu.memory_space<hbm>> -> memref<16xi32, #tpu.memory_space<hbm>>
      tpu.wait_dma2 semaphore(%run_scoped3A : memref<!tpu.dma_semaphore, #tpu.memory_space<semaphore_mem>>) src(%dma_wait3A_61 : memref<16xi32, #tpu.memory_space<hbm>>) dst(%arg9 : memref<16xi32, #tpu.memory_space<vmem>>)
      tpu.yield
    }) : () -> ()
    %get3A = arith.constant 0 : index
    %get3A_0 = tpu.vector_load %arg9[%get3A] {strides = array<i32>} : memref<16xi32, #tpu.memory_space<vmem>>, vector<16xi32>,
    %get3A_1 = vector.shape_cast %get3A_0 : vector<16xi32> to vector<16xi32>
    %slice3A = vector.extract_strided_slice %get3A_1 {offsets = [0], sizes = [1], strides = [1]} : vector<16xi32> to vector<1xi32>
    %squeeze3A = vector.extract %slice3A[0] : i32 from vector<1xi32>
    %scan3A = arith.constant 0 : i32
    %scan3A_2 = arith.constant 0 : i32
    %scan3A_3 = arith.constant 128 : i32
    %scan3A_4 = arith.addi %scan3A_2, %scan3A_3 : i32
    %scan3A_5 = arith.constant 1 : i32
    scf.for %scan3A_52 = %scan3A_2 to %scan3A_4 step %scan3A_5  : i32 {
      %broadcast_in_dim3A = arith.constant 0.000000e+00 : f32
      %broadcast_in_dim3A_53 = vector.broadcast %broadcast_in_dim3A : f32 to vector<16xf32>
      %swap3A = arith.index_cast %scan3A_52 : i32 to index
      %swap3A_54 = arith.constant 0 : index
      %swap3A_55 = tpu.vector_load %arg10[%swap3A, %swap3A_54] {strides = array<i32>} : memref<128x128xf32, #tpu.memory_space<vmem>>, vector<1x16xf32>,
      %swap3A_56 = vector.shape_cast %swap3A_55 : vector<1x16xf32> to vector<16xf32>
      %swap3A_57 = vector.shape_cast %broadcast_in_dim3A_53 : vector<16xf32> to vector<1x16xf32>
      tpu.vector_store %arg10[%swap3A, %swap3A_54], %swap3A_57 {strides = array<i32>} : memref<128x128xf32, #tpu.memory_space<vmem>>, vector<1x16xf32>,
      %broadcast_in_dim3A_58 = arith.constant 0.000000e+00 : f32
      %broadcast_in_dim3A_59 = vector.broadcast %broadcast_in_dim3A_58 : f32 to vector<16xf32>
      %swap3A_60 = arith.index_cast %scan3A_52 : i32 to index
      %swap3A_61 = arith.constant 16 : index
      %swap3A_62 = tpu.vector_load %arg10[%swap3A_60, %swap3A_61] {strides = array<i32>} : memref<128x128xf32, #tpu.memory_space<vmem>>, vector<1x16xf32>,
      %swap3A_63 = vector.shape_cast %swap3A_62 : vector<1x16xf32> to vector<16xf32>
      %swap3A_64 = vector.shape_cast %broadcast_in_dim3A_59 : vector<16xf32> to vector<1x16xf32>
      tpu.vector_store %arg10[%swap3A_60, %swap3A_61], %swap3A_64 {strides = array<i32>} : memref<128x128xf32, #tpu.memory_space<vmem>>, vector<1x16xf32>,
      %broadcast_in_dim3A_65 = arith.constant 0.000000e+00 : f32
      %broadcast_in_dim3A_66 = vector.broadcast %broadcast_in_dim3A_65 : f32 to vector<16xf32>
      %swap3A_67 = arith.index_cast %scan3A_52 : i32 to index
      %swap3A_68 = arith.constant 32 : index
      %swap3A_69 = tpu.vector_load %arg10[%swap3A_67, %swap3A_68] {strides = array<i32>} : memref<128x128xf32, #tpu.memory_space<vmem>>, vector<1x16xf32>,
      %swap3A_70 = vector.shape_cast %swap3A_69 : vector<1x16xf32> to vector<16xf32>
      %swap3A_71 = vector.shape_cast %broadcast_in_dim3A_66 : vector<16xf32> to vector<1x16xf32>
      tpu.vector_store %arg10[%swap3A_67, %swap3A_68], %swap3A_71 {strides = array<i32>} : memref<128x128xf32, #tpu.memory_space<vmem>>, vector<1x16xf32>,
      %broadcast_in_dim3A_72 = arith.constant 0.000000e+00 : f32
      %broadcast_in_dim3A_73 = vector.broadcast %broadcast_in_dim3A_72 : f32 to vector<16xf32>
      %swap3A_74 = arith.index_cast %scan3A_52 : i32 to index
      %swap3A_75 = arith.constant 48 : index
      %swap3A_76 = tpu.vector_load %arg10[%swap3A_74, %swap3A_75] {strides = array<i32>} : memref<128x128xf32, #tpu.memory_space<vmem>>, vector<1x16xf32>,
      %swap3A_77 = vector.shape_cast %swap3A_76 : vector<1x16xf32> to vector<16xf32>
      %swap3A_78 = vector.shape_cast %broadcast_in_dim3A_73 : vector<16xf32> to vector<1x16xf32>
      tpu.vector_store %arg10[%swap3A_74, %swap3A_75], %swap3A_78 {strides = array<i32>} : memref<128x128xf32, #tpu.memory_space<vmem>>, vector<1x16xf32>,
      %broadcast_in_dim3A_79 = arith.constant 0.000000e+00 : f32
      %broadcast_in_dim3A_80 = vector.broadcast %broadcast_in_dim3A_79 : f32 to vector<16xf32>
      %swap3A_81 = arith.index_cast %scan3A_52 : i32 to index
      %swap3A_82 = arith.constant 64 : index
      %swap3A_83 = tpu.vector_load %arg10[%swap3A_81, %swap3A_82] {strides = array<i32>} : memref<128x128xf32, #tpu.memory_space<vmem>>, vector<1x16xf32>,
      %swap3A_84 = vector.shape_cast %swap3A_83 : vector<1x16xf32> to vector<16xf32>
      %swap3A_85 = vector.shape_cast %broadcast_in_dim3A_80 : vector<16xf32> to vector<1x16xf32>
      tpu.vector_store %arg10[%swap3A_81, %swap3A_82], %swap3A_85 {strides = array<i32>} : memref<128x128xf32, #tpu.memory_space<vmem>>, vector<1x16xf32>,
      %broadcast_in_dim3A_86 = arith.constant 0.000000e+00 : f32
      %broadcast_in_dim3A_87 = vector.broadcast %broadcast_in_dim3A_86 : f32 to vector<16xf32>
      %swap3A_88 = arith.index_cast %scan3A_52 : i32 to index
      %swap3A_89 = arith.constant 80 : index
      %swap3A_90 = tpu.vector_load %arg10[%swap3A_88, %swap3A_89] {strides = array<i32>} : memref<128x128xf32, #tpu.memory_space<vmem>>, vector<1x16xf32>,
      %swap3A_91 = vector.shape_cast %swap3A_90 : vector<1x16xf32> to vector<16xf32>
      %swap3A_92 = vector.shape_cast %broadcast_in_dim3A_87 : vector<16xf32> to vector<1x16xf32>
      tpu.vector_store %arg10[%swap3A_88, %swap3A_89], %swap3A_92 {strides = array<i32>} : memref<128x128xf32, #tpu.memory_space<vmem>>, vector<1x16xf32>,
      %broadcast_in_dim3A_93 = arith.constant 0.000000e+00 : f32
      %broadcast_in_dim3A_94 = vector.broadcast %broadcast_in_dim3A_93 : f32 to vector<16xf32>
      %swap3A_95 = arith.index_cast %scan3A_52 : i32 to index
      %swap3A_96 = arith.constant 96 : index
      %swap3A_97 = tpu.vector_load %arg10[%swap3A_95, %swap3A_96] {strides = array<i32>} : memref<128x128xf32, #tpu.memory_space<vmem>>, vector<1x16xf32>,
      %swap3A_98 = vector.shape_cast %swap3A_97 : vector<1x16xf32> to vector<16xf32>
      %swap3A_99 = vector.shape_cast %broadcast_in_dim3A_94 : vector<16xf32> to vector<1x16xf32>
      tpu.vector_store %arg10[%swap3A_95, %swap3A_96], %swap3A_99 {strides = array<i32>} : memref<128x128xf32, #tpu.memory_space<vmem>>, vector<1x16xf32>,
      %broadcast_in_dim3A_100 = arith.constant 0.000000e+00 : f32
      %broadcast_in_dim3A_101 = vector.broadcast %broadcast_in_dim3A_100 : f32 to vector<16xf32>
      %swap3A_102 = arith.index_cast %scan3A_52 : i32 to index
      %swap3A_103 = arith.constant 112 : index
      %swap3A_104 = tpu.vector_load %arg10[%swap3A_102, %swap3A_103] {strides = array<i32>} : memref<128x128xf32, #tpu.memory_space<vmem>>, vector<1x16xf32>,
      %swap3A_105 = vector.shape_cast %swap3A_104 : vector<1x16xf32> to vector<16xf32>
      %swap3A_106 = vector.shape_cast %broadcast_in_dim3A_101 : vector<16xf32> to vector<1x16xf32>
      tpu.vector_store %arg10[%swap3A_102, %swap3A_103], %swap3A_106 {strides = array<i32>} : memref<128x128xf32, #tpu.memory_space<vmem>>, vector<1x16xf32>,
    }
    %scan3A_6 = arith.constant 128 : i32
    %mul3A = arith.constant 384 : i32
    %mul3A_7 = arith.muli %arg1, %mul3A : i32
    %add3A = arith.constant 0 : i32
    %add3A_8 = arith.addi %mul3A_7, %add3A : i32
    "tpu.region"() ({
      %run_scoped3A = tpu.sem_alloc : memref<!tpu.dma_semaphore, #tpu.memory_space<semaphore_mem>>
      %dma_start3A = arith.constant 0 : i32
      %dma_start3A_52 = tpu.memref_slice %arg12[%add3A_8, %dma_start3A] : memref<6144x128xf32, #tpu.memory_space<vmem_shared>> -> memref<128x128xf32, #tpu.memory_space<vmem_shared>>
      %dma_start3A_53 = arith.constant 0 : i32
      %dma_start3A_54 = tpu.memref_slice %arg12[%add3A_8, %dma_start3A_53] : memref<6144x128xf32, #tpu.memory_space<vmem_shared>> -> memref<128x128xf32, #tpu.memory_space<vmem_shared>>
      tpu.enqueue_dma source(%arg10 : memref<128x128xf32, #tpu.memory_space<vmem>>) target(%dma_start3A_54 : memref<128x128xf32, #tpu.memory_space<vmem_shared>>) target_semaphore(%run_scoped3A : memref<!tpu.dma_semaphore, #tpu.memory_space<semaphore_mem>>)
      %dma_wait3A = arith.constant 0 : i32
      %dma_wait3A_55 = tpu.memref_slice %arg12[%add3A_8, %dma_wait3A] : memref<6144x128xf32, #tpu.memory_space<vmem_shared>> -> memref<128x128xf32, #tpu.memory_space<vmem_shared>>
      %dma_wait3A_56 = arith.constant 0 : i32
      %dma_wait3A_57 = tpu.memref_slice %arg12[%add3A_8, %dma_wait3A_56] : memref<6144x128xf32, #tpu.memory_space<vmem_shared>> -> memref<128x128xf32, #tpu.memory_space<vmem_shared>>
      tpu.wait_dma2 semaphore(%run_scoped3A : memref<!tpu.dma_semaphore, #tpu.memory_space<semaphore_mem>>) src(%arg10 : memref<128x128xf32, #tpu.memory_space<vmem>>) dst(%dma_wait3A_57 : memref<128x128xf32, #tpu.memory_space<vmem_shared>>)
      tpu.yield
    }) : () -> ()
    %add3A_9 = arith.constant 128 : i32
    %add3A_10 = arith.addi %mul3A_7, %add3A_9 : i32
    "tpu.region"() ({
      %run_scoped3A = tpu.sem_alloc : memref<!tpu.dma_semaphore, #tpu.memory_space<semaphore_mem>>
      %dma_start3A = arith.constant 0 : i32
      %dma_start3A_52 = tpu.memref_slice %arg12[%add3A_10, %dma_start3A] : memref<6144x128xf32, #tpu.memory_space<vmem_shared>> -> memref<128x128xf32, #tpu.memory_space<vmem_shared>>
      %dma_start3A_53 = arith.constant 0 : i32
      %dma_start3A_54 = tpu.memref_slice %arg12[%add3A_10, %dma_start3A_53] : memref<6144x128xf32, #tpu.memory_space<vmem_shared>> -> memref<128x128xf32, #tpu.memory_space<vmem_shared>>
      tpu.enqueue_dma source(%arg10 : memref<128x128xf32, #tpu.memory_space<vmem>>) target(%dma_start3A_54 : memref<128x128xf32, #tpu.memory_space<vmem_shared>>) target_semaphore(%run_scoped3A : memref<!tpu.dma_semaphore, #tpu.memory_space<semaphore_mem>>)
      %dma_wait3A = arith.constant 0 : i32
      %dma_wait3A_55 = tpu.memref_slice %arg12[%add3A_10, %dma_wait3A] : memref<6144x128xf32, #tpu.memory_space<vmem_shared>> -> memref<128x128xf32, #tpu.memory_space<vmem_shared>>
      %dma_wait3A_56 = arith.constant 0 : i32
      %dma_wait3A_57 = tpu.memref_slice %arg12[%add3A_10, %dma_wait3A_56] : memref<6144x128xf32, #tpu.memory_space<vmem_shared>> -> memref<128x128xf32, #tpu.memory_space<vmem_shared>>
      tpu.wait_dma2 semaphore(%run_scoped3A : memref<!tpu.dma_semaphore, #tpu.memory_space<semaphore_mem>>) src(%arg10 : memref<128x128xf32, #tpu.memory_space<vmem>>) dst(%dma_wait3A_57 : memref<128x128xf32, #tpu.memory_space<vmem_shared>>)
      tpu.yield
    }) : () -> ()
    %add3A_11 = arith.constant 256 : i32
    %add3A_12 = arith.addi %mul3A_7, %add3A_11 : i32
    "tpu.region"() ({
      %run_scoped3A = tpu.sem_alloc : memref<!tpu.dma_semaphore, #tpu.memory_space<semaphore_mem>>
      %dma_start3A = arith.constant 0 : i32
      %dma_start3A_52 = tpu.memref_slice %arg12[%add3A_12, %dma_start3A] : memref<6144x128xf32, #tpu.memory_space<vmem_shared>> -> memref<128x128xf32, #tpu.memory_space<vmem_shared>>
      %dma_start3A_53 = arith.constant 0 : i32
      %dma_start3A_54 = tpu.memref_slice %arg12[%add3A_12, %dma_start3A_53] : memref<6144x128xf32, #tpu.memory_space<vmem_shared>> -> memref<128x128xf32, #tpu.memory_space<vmem_shared>>
      tpu.enqueue_dma source(%arg10 : memref<128x128xf32, #tpu.memory_space<vmem>>) target(%dma_start3A_54 : memref<128x128xf32, #tpu.memory_space<vmem_shared>>) target_semaphore(%run_scoped3A : memref<!tpu.dma_semaphore, #tpu.memory_space<semaphore_mem>>)
      %dma_wait3A = arith.constant 0 : i32
      %dma_wait3A_55 = tpu.memref_slice %arg12[%add3A_12, %dma_wait3A] : memref<6144x128xf32, #tpu.memory_space<vmem_shared>> -> memref<128x128xf32, #tpu.memory_space<vmem_shared>>
      %dma_wait3A_56 = arith.constant 0 : i32
      %dma_wait3A_57 = tpu.memref_slice %arg12[%add3A_12, %dma_wait3A_56] : memref<6144x128xf32, #tpu.memory_space<vmem_shared>> -> memref<128x128xf32, #tpu.memory_space<vmem_shared>>
      tpu.wait_dma2 semaphore(%run_scoped3A : memref<!tpu.dma_semaphore, #tpu.memory_space<semaphore_mem>>) src(%arg10 : memref<128x128xf32, #tpu.memory_space<vmem>>) dst(%dma_wait3A_57 : memref<128x128xf32, #tpu.memory_space<vmem_shared>>)
      tpu.yield
    }) : () -> ()
    %barrier3A = arith.constant 0 : index
    tpu.barrier barrier_id(%barrier3A)
    %gt3A = arith.constant 0 : i32
    %gt3A_13 = arith.cmpi sgt, %squeeze3A, %gt3A : i32
    %convert_element_type3A = arith.extui %gt3A_13 : i1 to i32
    %cond3A = arith.constant 0 : i32
    %cond3A_14 = arith.cmpi ne, %convert_element_type3A, %cond3A : i32
    scf.if %cond3A_14 {
      %dma_start3A = arith.constant 0 : i32
      %dma_start3A_52 = arith.constant 0 : i32
      %dma_start3A_53 = tpu.memref_slice %arg7[%dma_start3A, %dma_start3A_52] : memref<158x128xi32, #tpu.memory_space<vmem>> -> memref<1x128xi32, #tpu.memory_space<vmem>>
      %dma_start3A_54 = tpu.memref_squeeze %dma_start3A_53 : memref<1x128xi32, #tpu.memory_space<vmem>> -> memref<128xi32, #tpu.memory_space<vmem>>
      %dma_start3A_55 = arith.constant 0 : i32
      %dma_start3A_56 = arith.constant 0 : i32
      %dma_start3A_57 = tpu.memref_slice %arg2[%dma_start3A_55, %dma_start3A_56] : memref<10000x128xf32, #tpu.memory_space<hbm>> -> memref<10000x128xf32, #tpu.memory_space<hbm>>
      tpu.enqueue_indirect_dma source(%dma_start3A_57 : memref<10000x128xf32, #tpu.memory_space<hbm>>) target(%arg10 : memref<128x128xf32, #tpu.memory_space<vmem>>) offsets(%dma_start3A_54 : memref<128xi32, #tpu.memory_space<vmem>>) semaphore(%arg13 : memref<!tpu.dma_semaphore, #tpu.memory_space<semaphore_mem>>)
    } else {
    }
    %jit3A = arith.constant 2 : i32
    %div3A = arith.divsi %squeeze3A, %jit3A : i32
    %sign3A = arith.constant 0 : i32
    %sign3A_15 = arith.cmpi sgt, %squeeze3A, %sign3A : i32
    %sign3A_16 = arith.extui %sign3A_15 : i1 to i32
    %sign3A_17 = arith.constant 0 : i32
    %sign3A_18 = arith.cmpi slt, %squeeze3A, %sign3A_17 : i32
    %sign3A_19 = arith.extui %sign3A_18 : i1 to i32
    %sign3A_20 = arith.subi %sign3A_16, %sign3A_19 : i32
    %sign3A_21 = arith.constant 0 : i32
    %sign3A_22 = arith.cmpi sgt, %jit3A, %sign3A_21 : i32
    %sign3A_23 = arith.extui %sign3A_22 : i1 to i32
    %sign3A_24 = arith.constant 0 : i32
    %sign3A_25 = arith.cmpi slt, %jit3A, %sign3A_24 : i32
    %sign3A_26 = arith.extui %sign3A_25 : i1 to i32
    %sign3A_27 = arith.subi %sign3A_23, %sign3A_26 : i32
    %ne3A = arith.cmpi ne, %sign3A_20, %sign3A_27 : i32
    %rem3A = arith.remsi %squeeze3A, %jit3A : i32
    %ne3A_28 = arith.constant 0 : i32
    %ne3A_29 = arith.cmpi ne, %rem3A, %ne3A_28 : i32
    %and3A = arith.andi %ne3A, %ne3A_29 : i1
    %sub3A = arith.constant 1 : i32
    %sub3A_30 = arith.subi %div3A, %sub3A : i32
    %select_n3A = arith.select %and3A, %sub3A_30, %div3A : i32
    %while3A = arith.constant 0 : i32
    %while3A_31 = arith.constant 0 : i32
    %while3A_32 = arith.subi %select_n3A, %while3A_31 : i32
    %while3A_33 = arith.addi %while3A_31, %while3A_32 : i32
    %while3A_34 = arith.constant 1 : i32
    %while3A_35 = arith.divsi %while3A_32, %while3A_34 : i32
    %while3A_36 = arith.muli %while3A_35, %while3A_34 : i32
    %while3A_37 = arith.addi %while3A_31, %while3A_36 : i32
    %while3A_38 = arith.constant 1 : i32
    scf.for %while3A_52 = %while3A_31 to %while3A_37 step %while3A_38  : i32 {
      %mul3A_53 = arith.constant 2 : i32
      %mul3A_54 = arith.muli %while3A_52, %mul3A_53 : i32
      %add3A_55 = arith.constant 1 : i32
      %add3A_56 = arith.addi %mul3A_54, %add3A_55 : i32
      %dma_start3A = arith.constant 0 : i32
      %dma_start3A_57 = tpu.memref_slice %arg7[%add3A_56, %dma_start3A] : memref<158x128xi32, #tpu.memory_space<vmem>> -> memref<1x128xi32, #tpu.memory_space<vmem>>
      %dma_start3A_58 = tpu.memref_squeeze %dma_start3A_57 : memref<1x128xi32, #tpu.memory_space<vmem>> -> memref<128xi32, #tpu.memory_space<vmem>>
      %dma_start3A_59 = arith.constant 0 : i32
      %dma_start3A_60 = arith.constant 0 : i32
      %dma_start3A_61 = tpu.memref_slice %arg2[%dma_start3A_59, %dma_start3A_60] : memref<10000x128xf32, #tpu.memory_space<hbm>> -> memref<10000x128xf32, #tpu.memory_space<hbm>>
      tpu.enqueue_indirect_dma source(%dma_start3A_61 : memref<10000x128xf32, #tpu.memory_space<hbm>>) target(%arg11 : memref<128x128xf32, #tpu.memory_space<vmem>>) offsets(%dma_start3A_58 : memref<128xi32, #tpu.memory_space<vmem>>) semaphore(%arg14 : memref<!tpu.dma_semaphore, #tpu.memory_space<semaphore_mem>>)
      %dma_wait3A = arith.constant 0 : i32
      %dma_wait3A_62 = tpu.memref_slice %arg7[%mul3A_54, %dma_wait3A] : memref<158x128xi32, #tpu.memory_space<vmem>> -> memref<1x128xi32, #tpu.memory_space<vmem>>
      %dma_wait3A_63 = tpu.memref_squeeze %dma_wait3A_62 : memref<1x128xi32, #tpu.memory_space<vmem>> -> memref<128xi32, #tpu.memory_space<vmem>>
      %dma_wait3A_64 = arith.constant 0 : i32
      %dma_wait3A_65 = arith.constant 0 : i32
      %dma_wait3A_66 = tpu.memref_slice %arg2[%dma_wait3A_64, %dma_wait3A_65] : memref<10000x128xf32, #tpu.memory_space<hbm>> -> memref<10000x128xf32, #tpu.memory_space<hbm>>
      tpu.wait_indirect_dma semaphore(%arg13 : memref<!tpu.dma_semaphore, #tpu.memory_space<semaphore_mem>>) src(%dma_wait3A_66 : memref<10000x128xf32, #tpu.memory_space<hbm>>) dst(%arg10 : memref<128x128xf32, #tpu.memory_space<vmem>>)
      "tpu.region"() ({
        %run_scoped3A = tpu.sem_alloc : memref<!tpu.dma_semaphore, #tpu.memory_space<semaphore_mem>>
        %dma_start3A_85 = arith.constant 0 : i32
        %dma_start3A_86 = tpu.memref_slice %arg8[%mul3A_54, %dma_start3A_85] : memref<158x128xi32, #tpu.memory_space<vmem>> -> memref<1x128xi32, #tpu.memory_space<vmem>>
        %dma_start3A_87 = tpu.memref_squeeze %dma_start3A_86 : memref<1x128xi32, #tpu.memory_space<vmem>> -> memref<128xi32, #tpu.memory_space<vmem>>
        %dma_start3A_88 = arith.constant 0 : i32
        %dma_start3A_89 = arith.constant 0 : i32
        %dma_start3A_90 = tpu.memref_slice %arg12[%dma_start3A_88, %dma_start3A_89] : memref<6144x128xf32, #tpu.memory_space<vmem_shared>> -> memref<6144x128xf32, #tpu.memory_space<vmem_shared>>
        tpu.enqueue_indirect_dma source(%arg10 : memref<128x128xf32, #tpu.memory_space<vmem>>) target(%dma_start3A_90 : memref<6144x128xf32, #tpu.memory_space<vmem_shared>>) offsets(%dma_start3A_87 : memref<128xi32, #tpu.memory_space<vmem>>) semaphore(%run_scoped3A : memref<!tpu.dma_semaphore, #tpu.memory_space<semaphore_mem>>) {add = true}
        %dma_wait3A_91 = arith.constant 0 : i32
        %dma_wait3A_92 = tpu.memref_slice %arg8[%mul3A_54, %dma_wait3A_91] : memref<158x128xi32, #tpu.memory_space<vmem>> -> memref<1x128xi32, #tpu.memory_space<vmem>>
        %dma_wait3A_93 = tpu.memref_squeeze %dma_wait3A_92 : memref<1x128xi32, #tpu.memory_space<vmem>> -> memref<128xi32, #tpu.memory_space<vmem>>
        %dma_wait3A_94 = arith.constant 0 : i32
        %dma_wait3A_95 = arith.constant 0 : i32
        %dma_wait3A_96 = tpu.memref_slice %arg12[%dma_wait3A_94, %dma_wait3A_95] : memref<6144x128xf32, #tpu.memory_space<vmem_shared>> -> memref<6144x128xf32, #tpu.memory_space<vmem_shared>>
        tpu.wait_indirect_dma semaphore(%run_scoped3A : memref<!tpu.dma_semaphore, #tpu.memory_space<semaphore_mem>>) src(%arg10 : memref<128x128xf32, #tpu.memory_space<vmem>>) dst(%dma_wait3A_96 : memref<6144x128xf32, #tpu.memory_space<vmem_shared>>)
        tpu.yield
      }) : () -> ()
      %add3A_67 = arith.constant 2 : i32
      %add3A_68 = arith.addi %mul3A_54, %add3A_67 : i32
      %dma_start3A_69 = arith.constant 0 : i32
      %dma_start3A_70 = tpu.memref_slice %arg7[%add3A_68, %dma_start3A_69] : memref<158x128xi32, #tpu.memory_space<vmem>> -> memref<1x128xi32, #tpu.memory_space<vmem>>
      %dma_start3A_71 = tpu.memref_squeeze %dma_start3A_70 : memref<1x128xi32, #tpu.memory_space<vmem>> -> memref<128xi32, #tpu.memory_space<vmem>>
      %dma_start3A_72 = arith.constant 0 : i32
      %dma_start3A_73 = arith.constant 0 : i32
      %dma_start3A_74 = tpu.memref_slice %arg2[%dma_start3A_72, %dma_start3A_73] : memref<10000x128xf32, #tpu.memory_space<hbm>> -> memref<10000x128xf32, #tpu.memory_space<hbm>>
      tpu.enqueue_indirect_dma source(%dma_start3A_74 : memref<10000x128xf32, #tpu.memory_space<hbm>>) target(%arg10 : memref<128x128xf32, #tpu.memory_space<vmem>>) offsets(%dma_start3A_71 : memref<128xi32, #tpu.memory_space<vmem>>) semaphore(%arg13 : memref<!tpu.dma_semaphore, #tpu.memory_space<semaphore_mem>>)
      %add3A_75 = arith.constant 1 : i32
      %add3A_76 = arith.addi %mul3A_54, %add3A_75 : i32
      %dma_wait3A_77 = arith.constant 0 : i32
      %dma_wait3A_78 = tpu.memref_slice %arg7[%add3A_76, %dma_wait3A_77] : memref<158x128xi32, #tpu.memory_space<vmem>> -> memref<1x128xi32, #tpu.memory_space<vmem>>
      %dma_wait3A_79 = tpu.memref_squeeze %dma_wait3A_78 : memref<1x128xi32, #tpu.memory_space<vmem>> -> memref<128xi32, #tpu.memory_space<vmem>>
      %dma_wait3A_80 = arith.constant 0 : i32
      %dma_wait3A_81 = arith.constant 0 : i32
      %dma_wait3A_82 = tpu.memref_slice %arg2[%dma_wait3A_80, %dma_wait3A_81] : memref<10000x128xf32, #tpu.memory_space<hbm>> -> memref<10000x128xf32, #tpu.memory_space<hbm>>
      tpu.wait_indirect_dma semaphore(%arg14 : memref<!tpu.dma_semaphore, #tpu.memory_space<semaphore_mem>>) src(%dma_wait3A_82 : memref<10000x128xf32, #tpu.memory_space<hbm>>) dst(%arg11 : memref<128x128xf32, #tpu.memory_space<vmem>>)
      %add3A_83 = arith.constant 1 : i32
      %add3A_84 = arith.addi %mul3A_54, %add3A_83 : i32
      "tpu.region"() ({
        %run_scoped3A = tpu.sem_alloc : memref<!tpu.dma_semaphore, #tpu.memory_space<semaphore_mem>>
        %dma_start3A_85 = arith.constant 0 : i32
        %dma_start3A_86 = tpu.memref_slice %arg8[%add3A_84, %dma_start3A_85] : memref<158x128xi32, #tpu.memory_space<vmem>> -> memref<1x128xi32, #tpu.memory_space<vmem>>
        %dma_start3A_87 = tpu.memref_squeeze %dma_start3A_86 : memref<1x128xi32, #tpu.memory_space<vmem>> -> memref<128xi32, #tpu.memory_space<vmem>>
        %dma_start3A_88 = arith.constant 0 : i32
        %dma_start3A_89 = arith.constant 0 : i32
        %dma_start3A_90 = tpu.memref_slice %arg12[%dma_start3A_88, %dma_start3A_89] : memref<6144x128xf32, #tpu.memory_space<vmem_shared>> -> memref<6144x128xf32, #tpu.memory_space<vmem_shared>>
        tpu.enqueue_indirect_dma source(%arg11 : memref<128x128xf32, #tpu.memory_space<vmem>>) target(%dma_start3A_90 : memref<6144x128xf32, #tpu.memory_space<vmem_shared>>) offsets(%dma_start3A_87 : memref<128xi32, #tpu.memory_space<vmem>>) semaphore(%run_scoped3A : memref<!tpu.dma_semaphore, #tpu.memory_space<semaphore_mem>>) {add = true}
        %dma_wait3A_91 = arith.constant 0 : i32
        %dma_wait3A_92 = tpu.memref_slice %arg8[%add3A_84, %dma_wait3A_91] : memref<158x128xi32, #tpu.memory_space<vmem>> -> memref<1x128xi32, #tpu.memory_space<vmem>>
        %dma_wait3A_93 = tpu.memref_squeeze %dma_wait3A_92 : memref<1x128xi32, #tpu.memory_space<vmem>> -> memref<128xi32, #tpu.memory_space<vmem>>
        %dma_wait3A_94 = arith.constant 0 : i32
        %dma_wait3A_95 = arith.constant 0 : i32
        %dma_wait3A_96 = tpu.memref_slice %arg12[%dma_wait3A_94, %dma_wait3A_95] : memref<6144x128xf32, #tpu.memory_space<vmem_shared>> -> memref<6144x128xf32, #tpu.memory_space<vmem_shared>>
        tpu.wait_indirect_dma semaphore(%run_scoped3A : memref<!tpu.dma_semaphore, #tpu.memory_space<semaphore_mem>>) src(%arg11 : memref<128x128xf32, #tpu.memory_space<vmem>>) dst(%dma_wait3A_96 : memref<6144x128xf32, #tpu.memory_space<vmem_shared>>)
        tpu.yield
      }) : () -> ()
    }
    %while3A_39 = arith.constant 1 : i32
    scf.for %while3A_52 = %while3A_37 to %while3A_33 step %while3A_39  : i32 {
      %mul3A_53 = arith.constant 2 : i32
      %mul3A_54 = arith.muli %while3A_52, %mul3A_53 : i32
      %add3A_55 = arith.constant 1 : i32
      %add3A_56 = arith.addi %mul3A_54, %add3A_55 : i32
      %dma_start3A = arith.constant 0 : i32
      %dma_start3A_57 = tpu.memref_slice %arg7[%add3A_56, %dma_start3A] : memref<158x128xi32, #tpu.memory_space<vmem>> -> memref<1x128xi32, #tpu.memory_space<vmem>>
      %dma_start3A_58 = tpu.memref_squeeze %dma_start3A_57 : memref<1x128xi32, #tpu.memory_space<vmem>> -> memref<128xi32, #tpu.memory_space<vmem>>
      %dma_start3A_59 = arith.constant 0 : i32
      %dma_start3A_60 = arith.constant 0 : i32
      %dma_start3A_61 = tpu.memref_slice %arg2[%dma_start3A_59, %dma_start3A_60] : memref<10000x128xf32, #tpu.memory_space<hbm>> -> memref<10000x128xf32, #tpu.memory_space<hbm>>
      tpu.enqueue_indirect_dma source(%dma_start3A_61 : memref<10000x128xf32, #tpu.memory_space<hbm>>) target(%arg11 : memref<128x128xf32, #tpu.memory_space<vmem>>) offsets(%dma_start3A_58 : memref<128xi32, #tpu.memory_space<vmem>>) semaphore(%arg14 : memref<!tpu.dma_semaphore, #tpu.memory_space<semaphore_mem>>)
      %dma_wait3A = arith.constant 0 : i32
      %dma_wait3A_62 = tpu.memref_slice %arg7[%mul3A_54, %dma_wait3A] : memref<158x128xi32, #tpu.memory_space<vmem>> -> memref<1x128xi32, #tpu.memory_space<vmem>>
      %dma_wait3A_63 = tpu.memref_squeeze %dma_wait3A_62 : memref<1x128xi32, #tpu.memory_space<vmem>> -> memref<128xi32, #tpu.memory_space<vmem>>
      %dma_wait3A_64 = arith.constant 0 : i32
      %dma_wait3A_65 = arith.constant 0 : i32
      %dma_wait3A_66 = tpu.memref_slice %arg2[%dma_wait3A_64, %dma_wait3A_65] : memref<10000x128xf32, #tpu.memory_space<hbm>> -> memref<10000x128xf32, #tpu.memory_space<hbm>>
      tpu.wait_indirect_dma semaphore(%arg13 : memref<!tpu.dma_semaphore, #tpu.memory_space<semaphore_mem>>) src(%dma_wait3A_66 : memref<10000x128xf32, #tpu.memory_space<hbm>>) dst(%arg10 : memref<128x128xf32, #tpu.memory_space<vmem>>)
      "tpu.region"() ({
        %run_scoped3A = tpu.sem_alloc : memref<!tpu.dma_semaphore, #tpu.memory_space<semaphore_mem>>
        %dma_start3A_85 = arith.constant 0 : i32
        %dma_start3A_86 = tpu.memref_slice %arg8[%mul3A_54, %dma_start3A_85] : memref<158x128xi32, #tpu.memory_space<vmem>> -> memref<1x128xi32, #tpu.memory_space<vmem>>
        %dma_start3A_87 = tpu.memref_squeeze %dma_start3A_86 : memref<1x128xi32, #tpu.memory_space<vmem>> -> memref<128xi32, #tpu.memory_space<vmem>>
        %dma_start3A_88 = arith.constant 0 : i32
        %dma_start3A_89 = arith.constant 0 : i32
        %dma_start3A_90 = tpu.memref_slice %arg12[%dma_start3A_88, %dma_start3A_89] : memref<6144x128xf32, #tpu.memory_space<vmem_shared>> -> memref<6144x128xf32, #tpu.memory_space<vmem_shared>>
        tpu.enqueue_indirect_dma source(%arg10 : memref<128x128xf32, #tpu.memory_space<vmem>>) target(%dma_start3A_90 : memref<6144x128xf32, #tpu.memory_space<vmem_shared>>) offsets(%dma_start3A_87 : memref<128xi32, #tpu.memory_space<vmem>>) semaphore(%run_scoped3A : memref<!tpu.dma_semaphore, #tpu.memory_space<semaphore_mem>>) {add = true}
        %dma_wait3A_91 = arith.constant 0 : i32
        %dma_wait3A_92 = tpu.memref_slice %arg8[%mul3A_54, %dma_wait3A_91] : memref<158x128xi32, #tpu.memory_space<vmem>> -> memref<1x128xi32, #tpu.memory_space<vmem>>
        %dma_wait3A_93 = tpu.memref_squeeze %dma_wait3A_92 : memref<1x128xi32, #tpu.memory_space<vmem>> -> memref<128xi32, #tpu.memory_space<vmem>>
        %dma_wait3A_94 = arith.constant 0 : i32
        %dma_wait3A_95 = arith.constant 0 : i32
        %dma_wait3A_96 = tpu.memref_slice %arg12[%dma_wait3A_94, %dma_wait3A_95] : memref<6144x128xf32, #tpu.memory_space<vmem_shared>> -> memref<6144x128xf32, #tpu.memory_space<vmem_shared>>
        tpu.wait_indirect_dma semaphore(%run_scoped3A : memref<!tpu.dma_semaphore, #tpu.memory_space<semaphore_mem>>) src(%arg10 : memref<128x128xf32, #tpu.memory_space<vmem>>) dst(%dma_wait3A_96 : memref<6144x128xf32, #tpu.memory_space<vmem_shared>>)
        tpu.yield
      }) : () -> ()
      %add3A_67 = arith.constant 2 : i32
      %add3A_68 = arith.addi %mul3A_54, %add3A_67 : i32
      %dma_start3A_69 = arith.constant 0 : i32
      %dma_start3A_70 = tpu.memref_slice %arg7[%add3A_68, %dma_start3A_69] : memref<158x128xi32, #tpu.memory_space<vmem>> -> memref<1x128xi32, #tpu.memory_space<vmem>>
      %dma_start3A_71 = tpu.memref_squeeze %dma_start3A_70 : memref<1x128xi32, #tpu.memory_space<vmem>> -> memref<128xi32, #tpu.memory_space<vmem>>
      %dma_start3A_72 = arith.constant 0 : i32
      %dma_start3A_73 = arith.constant 0 : i32
      %dma_start3A_74 = tpu.memref_slice %arg2[%dma_start3A_72, %dma_start3A_73] : memref<10000x128xf32, #tpu.memory_space<hbm>> -> memref<10000x128xf32, #tpu.memory_space<hbm>>
      tpu.enqueue_indirect_dma source(%dma_start3A_74 : memref<10000x128xf32, #tpu.memory_space<hbm>>) target(%arg10 : memref<128x128xf32, #tpu.memory_space<vmem>>) offsets(%dma_start3A_71 : memref<128xi32, #tpu.memory_space<vmem>>) semaphore(%arg13 : memref<!tpu.dma_semaphore, #tpu.memory_space<semaphore_mem>>)
      %add3A_75 = arith.constant 1 : i32
      %add3A_76 = arith.addi %mul3A_54, %add3A_75 : i32
      %dma_wait3A_77 = arith.constant 0 : i32
      %dma_wait3A_78 = tpu.memref_slice %arg7[%add3A_76, %dma_wait3A_77] : memref<158x128xi32, #tpu.memory_space<vmem>> -> memref<1x128xi32, #tpu.memory_space<vmem>>
      %dma_wait3A_79 = tpu.memref_squeeze %dma_wait3A_78 : memref<1x128xi32, #tpu.memory_space<vmem>> -> memref<128xi32, #tpu.memory_space<vmem>>
      %dma_wait3A_80 = arith.constant 0 : i32
      %dma_wait3A_81 = arith.constant 0 : i32
      %dma_wait3A_82 = tpu.memref_slice %arg2[%dma_wait3A_80, %dma_wait3A_81] : memref<10000x128xf32, #tpu.memory_space<hbm>> -> memref<10000x128xf32, #tpu.memory_space<hbm>>
      tpu.wait_indirect_dma semaphore(%arg14 : memref<!tpu.dma_semaphore, #tpu.memory_space<semaphore_mem>>) src(%dma_wait3A_82 : memref<10000x128xf32, #tpu.memory_space<hbm>>) dst(%arg11 : memref<128x128xf32, #tpu.memory_space<vmem>>)
      %add3A_83 = arith.constant 1 : i32
      %add3A_84 = arith.addi %mul3A_54, %add3A_83 : i32
      "tpu.region"() ({
        %run_scoped3A = tpu.sem_alloc : memref<!tpu.dma_semaphore, #tpu.memory_space<semaphore_mem>>
        %dma_start3A_85 = arith.constant 0 : i32
        %dma_start3A_86 = tpu.memref_slice %arg8[%add3A_84, %dma_start3A_85] : memref<158x128xi32, #tpu.memory_space<vmem>> -> memref<1x128xi32, #tpu.memory_space<vmem>>
        %dma_start3A_87 = tpu.memref_squeeze %dma_start3A_86 : memref<1x128xi32, #tpu.memory_space<vmem>> -> memref<128xi32, #tpu.memory_space<vmem>>
        %dma_start3A_88 = arith.constant 0 : i32
        %dma_start3A_89 = arith.constant 0 : i32
        %dma_start3A_90 = tpu.memref_slice %arg12[%dma_start3A_88, %dma_start3A_89] : memref<6144x128xf32, #tpu.memory_space<vmem_shared>> -> memref<6144x128xf32, #tpu.memory_space<vmem_shared>>
        tpu.enqueue_indirect_dma source(%arg11 : memref<128x128xf32, #tpu.memory_space<vmem>>) target(%dma_start3A_90 : memref<6144x128xf32, #tpu.memory_space<vmem_shared>>) offsets(%dma_start3A_87 : memref<128xi32, #tpu.memory_space<vmem>>) semaphore(%run_scoped3A : memref<!tpu.dma_semaphore, #tpu.memory_space<semaphore_mem>>) {add = true}
        %dma_wait3A_91 = arith.constant 0 : i32
        %dma_wait3A_92 = tpu.memref_slice %arg8[%add3A_84, %dma_wait3A_91] : memref<158x128xi32, #tpu.memory_space<vmem>> -> memref<1x128xi32, #tpu.memory_space<vmem>>
        %dma_wait3A_93 = tpu.memref_squeeze %dma_wait3A_92 : memref<1x128xi32, #tpu.memory_space<vmem>> -> memref<128xi32, #tpu.memory_space<vmem>>
        %dma_wait3A_94 = arith.constant 0 : i32
        %dma_wait3A_95 = arith.constant 0 : i32
        %dma_wait3A_96 = tpu.memref_slice %arg12[%dma_wait3A_94, %dma_wait3A_95] : memref<6144x128xf32, #tpu.memory_space<vmem_shared>> -> memref<6144x128xf32, #tpu.memory_space<vmem_shared>>
        tpu.wait_indirect_dma semaphore(%run_scoped3A : memref<!tpu.dma_semaphore, #tpu.memory_space<semaphore_mem>>) src(%arg11 : memref<128x128xf32, #tpu.memory_space<vmem>>) dst(%dma_wait3A_96 : memref<6144x128xf32, #tpu.memory_space<vmem_shared>>)
        tpu.yield
      }) : () -> ()
    }
    %gt3A_40 = arith.constant 0 : i32
    %gt3A_41 = arith.cmpi sgt, %squeeze3A, %gt3A_40 : i32
    %convert_element_type3A_42 = arith.extui %gt3A_41 : i1 to i32
    %cond3A_43 = arith.constant 0 : i32
    %cond3A_44 = arith.cmpi ne, %convert_element_type3A_42, %cond3A_43 : i32
    scf.if %cond3A_44 {
      %sub3A_52 = arith.constant 1 : i32
      %sub3A_53 = arith.subi %squeeze3A, %sub3A_52 : i32
      %dma_wait3A = arith.constant 0 : i32
      %dma_wait3A_54 = tpu.memref_slice %arg7[%sub3A_53, %dma_wait3A] : memref<158x128xi32, #tpu.memory_space<vmem>> -> memref<1x128xi32, #tpu.memory_space<vmem>>
      %dma_wait3A_55 = tpu.memref_squeeze %dma_wait3A_54 : memref<1x128xi32, #tpu.memory_space<vmem>> -> memref<128xi32, #tpu.memory_space<vmem>>
      %dma_wait3A_56 = arith.constant 0 : i32
      %dma_wait3A_57 = arith.constant 0 : i32
      %dma_wait3A_58 = tpu.memref_slice %arg2[%dma_wait3A_56, %dma_wait3A_57] : memref<10000x128xf32, #tpu.memory_space<hbm>> -> memref<10000x128xf32, #tpu.memory_space<hbm>>
      tpu.wait_indirect_dma semaphore(%arg13 : memref<!tpu.dma_semaphore, #tpu.memory_space<semaphore_mem>>) src(%dma_wait3A_58 : memref<10000x128xf32, #tpu.memory_space<hbm>>) dst(%arg10 : memref<128x128xf32, #tpu.memory_space<vmem>>)
      %jit3A_59 = arith.constant 2 : i32
      %eq3A = arith.constant 0 : i32
      %eq3A_60 = arith.cmpi eq, %jit3A_59, %eq3A : i32
      %jit3A_61 = arith.constant 1 : i32
      %select_n3A_62 = arith.select %eq3A_60, %jit3A_61, %jit3A_59 : i32
      %rem3A_63 = arith.remsi %squeeze3A, %select_n3A_62 : i32
      %ne3A_64 = arith.constant 0 : i32
      %ne3A_65 = arith.cmpi ne, %rem3A_63, %ne3A_64 : i32
      %lt3A = arith.constant 0 : i32
      %lt3A_66 = arith.cmpi slt, %rem3A_63, %lt3A : i32
      %lt3A_67 = arith.constant 0 : i32
      %lt3A_68 = arith.cmpi slt, %select_n3A_62, %lt3A_67 : i32
      %ne3A_69 = arith.xori %lt3A_66, %lt3A_68 : i1
      %and3A_70 = arith.andi %ne3A_69, %ne3A_65 : i1
      %add3A_71 = arith.addi %rem3A_63, %select_n3A_62 : i32
      %select_n3A_72 = arith.select %and3A_70, %add3A_71, %rem3A_63 : i32
      %eq3A_73 = arith.constant 1 : i32
      %eq3A_74 = arith.cmpi eq, %select_n3A_72, %eq3A_73 : i32
      %convert_element_type3A_75 = arith.extui %eq3A_74 : i1 to i32
      %cond3A_76 = arith.constant 0 : i32
      %cond3A_77 = arith.cmpi ne, %convert_element_type3A_75, %cond3A_76 : i32
      scf.if %cond3A_77 {
        %sub3A_78 = arith.constant 1 : i32
        %sub3A_79 = arith.subi %squeeze3A, %sub3A_78 : i32
        "tpu.region"() ({
          %run_scoped3A = tpu.sem_alloc : memref<!tpu.dma_semaphore, #tpu.memory_space<semaphore_mem>>
          %dma_start3A = arith.constant 0 : i32
          %dma_start3A_80 = tpu.memref_slice %arg8[%sub3A_79, %dma_start3A] : memref<158x128xi32, #tpu.memory_space<vmem>> -> memref<1x128xi32, #tpu.memory_space<vmem>>
          %dma_start3A_81 = tpu.memref_squeeze %dma_start3A_80 : memref<1x128xi32, #tpu.memory_space<vmem>> -> memref<128xi32, #tpu.memory_space<vmem>>
          %dma_start3A_82 = arith.constant 0 : i32
          %dma_start3A_83 = arith.constant 0 : i32
          %dma_start3A_84 = tpu.memref_slice %arg12[%dma_start3A_82, %dma_start3A_83] : memref<6144x128xf32, #tpu.memory_space<vmem_shared>> -> memref<6144x128xf32, #tpu.memory_space<vmem_shared>>
          tpu.enqueue_indirect_dma source(%arg10 : memref<128x128xf32, #tpu.memory_space<vmem>>) target(%dma_start3A_84 : memref<6144x128xf32, #tpu.memory_space<vmem_shared>>) offsets(%dma_start3A_81 : memref<128xi32, #tpu.memory_space<vmem>>) semaphore(%run_scoped3A : memref<!tpu.dma_semaphore, #tpu.memory_space<semaphore_mem>>) {add = true}
          %dma_wait3A_85 = arith.constant 0 : i32
          %dma_wait3A_86 = tpu.memref_slice %arg8[%sub3A_79, %dma_wait3A_85] : memref<158x128xi32, #tpu.memory_space<vmem>> -> memref<1x128xi32, #tpu.memory_space<vmem>>
          %dma_wait3A_87 = tpu.memref_squeeze %dma_wait3A_86 : memref<1x128xi32, #tpu.memory_space<vmem>> -> memref<128xi32, #tpu.memory_space<vmem>>
          %dma_wait3A_88 = arith.constant 0 : i32
          %dma_wait3A_89 = arith.constant 0 : i32
          %dma_wait3A_90 = tpu.memref_slice %arg12[%dma_wait3A_88, %dma_wait3A_89] : memref<6144x128xf32, #tpu.memory_space<vmem_shared>> -> memref<6144x128xf32, #tpu.memory_space<vmem_shared>>
          tpu.wait_indirect_dma semaphore(%run_scoped3A : memref<!tpu.dma_semaphore, #tpu.memory_space<semaphore_mem>>) src(%arg10 : memref<128x128xf32, #tpu.memory_space<vmem>>) dst(%dma_wait3A_90 : memref<6144x128xf32, #tpu.memory_space<vmem_shared>>)
          tpu.yield
        }) : () -> ()
      } else {
      }
    } else {
    }
    %barrier3A_45 = arith.constant 0 : index
    tpu.barrier barrier_id(%barrier3A_45)
    %add3A_46 = arith.constant 0 : i32
    %add3A_47 = arith.addi %mul3A_7, %add3A_46 : i32
    "tpu.region"() ({
      %run_scoped3A = tpu.sem_alloc : memref<!tpu.dma_semaphore, #tpu.memory_space<semaphore_mem>>
      %dma_start3A = arith.constant 0 : i32
      %dma_start3A_52 = tpu.memref_slice %arg6[%arg0, %add3A_47, %dma_start3A] : memref<2x6144x128xf32, #tpu.memory_space<hbm>> -> memref<1x128x128xf32, #tpu.memory_space<hbm>>
      %dma_start3A_53 = tpu.memref_squeeze %dma_start3A_52 : memref<1x128x128xf32, #tpu.memory_space<hbm>> -> memref<128x128xf32, #tpu.memory_space<hbm>>
      %dma_start3A_54 = arith.constant 0 : i32
      %dma_start3A_55 = tpu.memref_slice %arg12[%add3A_47, %dma_start3A_54] : memref<6144x128xf32, #tpu.memory_space<vmem_shared>> -> memref<128x128xf32, #tpu.memory_space<vmem_shared>>
      tpu.enqueue_dma source(%dma_start3A_55 : memref<128x128xf32, #tpu.memory_space<vmem_shared>>) target(%dma_start3A_53 : memref<128x128xf32, #tpu.memory_space<hbm>>) target_semaphore(%run_scoped3A : memref<!tpu.dma_semaphore, #tpu.memory_space<semaphore_mem>>)
      %dma_wait3A = arith.constant 0 : i32
      %dma_wait3A_56 = tpu.memref_slice %arg6[%arg0, %add3A_47, %dma_wait3A] : memref<2x6144x128xf32, #tpu.memory_space<hbm>> -> memref<1x128x128xf32, #tpu.memory_space<hbm>>
      %dma_wait3A_57 = tpu.memref_squeeze %dma_wait3A_56 : memref<1x128x128xf32, #tpu.memory_space<hbm>> -> memref<128x128xf32, #tpu.memory_space<hbm>>
      %dma_wait3A_58 = arith.constant 0 : i32
      %dma_wait3A_59 = tpu.memref_slice %arg12[%add3A_47, %dma_wait3A_58] : memref<6144x128xf32, #tpu.memory_space<vmem_shared>> -> memref<128x128xf32, #tpu.memory_space<vmem_shared>>
      tpu.wait_dma2 semaphore(%run_scoped3A : memref<!tpu.dma_semaphore, #tpu.memory_space<semaphore_mem>>) src(%dma_wait3A_59 : memref<128x128xf32, #tpu.memory_space<vmem_shared>>) dst(%dma_wait3A_57 : memref<128x128xf32, #tpu.memory_space<hbm>>)
      tpu.yield
    }) : () -> ()
    %add3A_48 = arith.constant 128 : i32
    %add3A_49 = arith.addi %mul3A_7, %add3A_48 : i32
    "tpu.region"() ({
      %run_scoped3A = tpu.sem_alloc : memref<!tpu.dma_semaphore, #tpu.memory_space<semaphore_mem>>
      %dma_start3A = arith.constant 0 : i32
      %dma_start3A_52 = tpu.memref_slice %arg6[%arg0, %add3A_49, %dma_start3A] : memref<2x6144x128xf32, #tpu.memory_space<hbm>> -> memref<1x128x128xf32, #tpu.memory_space<hbm>>
      %dma_start3A_53 = tpu.memref_squeeze %dma_start3A_52 : memref<1x128x128xf32, #tpu.memory_space<hbm>> -> memref<128x128xf32, #tpu.memory_space<hbm>>
      %dma_start3A_54 = arith.constant 0 : i32
      %dma_start3A_55 = tpu.memref_slice %arg12[%add3A_49, %dma_start3A_54] : memref<6144x128xf32, #tpu.memory_space<vmem_shared>> -> memref<128x128xf32, #tpu.memory_space<vmem_shared>>
      tpu.enqueue_dma source(%dma_start3A_55 : memref<128x128xf32, #tpu.memory_space<vmem_shared>>) target(%dma_start3A_53 : memref<128x128xf32, #tpu.memory_space<hbm>>) target_semaphore(%run_scoped3A : memref<!tpu.dma_semaphore, #tpu.memory_space<semaphore_mem>>)
      %dma_wait3A = arith.constant 0 : i32
      %dma_wait3A_56 = tpu.memref_slice %arg6[%arg0, %add3A_49, %dma_wait3A] : memref<2x6144x128xf32, #tpu.memory_space<hbm>> -> memref<1x128x128xf32, #tpu.memory_space<hbm>>
      %dma_wait3A_57 = tpu.memref_squeeze %dma_wait3A_56 : memref<1x128x128xf32, #tpu.memory_space<hbm>> -> memref<128x128xf32, #tpu.memory_space<hbm>>
      %dma_wait3A_58 = arith.constant 0 : i32
      %dma_wait3A_59 = tpu.memref_slice %arg12[%add3A_49, %dma_wait3A_58] : memref<6144x128xf32, #tpu.memory_space<vmem_shared>> -> memref<128x128xf32, #tpu.memory_space<vmem_shared>>
      tpu.wait_dma2 semaphore(%run_scoped3A : memref<!tpu.dma_semaphore, #tpu.memory_space<semaphore_mem>>) src(%dma_wait3A_59 : memref<128x128xf32, #tpu.memory_space<vmem_shared>>) dst(%dma_wait3A_57 : memref<128x128xf32, #tpu.memory_space<hbm>>)
      tpu.yield
    }) : () -> ()
    %add3A_50 = arith.constant 256 : i32
    %add3A_51 = arith.addi %mul3A_7, %add3A_50 : i32
    "tpu.region"() ({
      %run_scoped3A = tpu.sem_alloc : memref<!tpu.dma_semaphore, #tpu.memory_space<semaphore_mem>>
      %dma_start3A = arith.constant 0 : i32
      %dma_start3A_52 = tpu.memref_slice %arg6[%arg0, %add3A_51, %dma_start3A] : memref<2x6144x128xf32, #tpu.memory_space<hbm>> -> memref<1x128x128xf32, #tpu.memory_space<hbm>>
      %dma_start3A_53 = tpu.memref_squeeze %dma_start3A_52 : memref<1x128x128xf32, #tpu.memory_space<hbm>> -> memref<128x128xf32, #tpu.memory_space<hbm>>
      %dma_start3A_54 = arith.constant 0 : i32
      %dma_start3A_55 = tpu.memref_slice %arg12[%add3A_51, %dma_start3A_54] : memref<6144x128xf32, #tpu.memory_space<vmem_shared>> -> memref<128x128xf32, #tpu.memory_space<vmem_shared>>
      tpu.enqueue_dma source(%dma_start3A_55 : memref<128x128xf32, #tpu.memory_space<vmem_shared>>) target(%dma_start3A_53 : memref<128x128xf32, #tpu.memory_space<hbm>>) target_semaphore(%run_scoped3A : memref<!tpu.dma_semaphore, #tpu.memory_space<semaphore_mem>>)
      %dma_wait3A = arith.constant 0 : i32
      %dma_wait3A_56 = tpu.memref_slice %arg6[%arg0, %add3A_51, %dma_wait3A] : memref<2x6144x128xf32, #tpu.memory_space<hbm>> -> memref<1x128x128xf32, #tpu.memory_space<hbm>>
      %dma_wait3A_57 = tpu.memref_squeeze %dma_wait3A_56 : memref<1x128x128xf32, #tpu.memory_space<hbm>> -> memref<128x128xf32, #tpu.memory_space<hbm>>
      %dma_wait3A_58 = arith.constant 0 : i32
      %dma_wait3A_59 = tpu.memref_slice %arg12[%add3A_51, %dma_wait3A_58] : memref<6144x128xf32, #tpu.memory_space<vmem_shared>> -> memref<128x128xf32, #tpu.memory_space<vmem_shared>>
      tpu.wait_dma2 semaphore(%run_scoped3A : memref<!tpu.dma_semaphore, #tpu.memory_space<semaphore_mem>>) src(%dma_wait3A_59 : memref<128x128xf32, #tpu.memory_space<vmem_shared>>) dst(%dma_wait3A_57 : memref<128x128xf32, #tpu.memory_space<hbm>>)
      tpu.yield
    }) : () -> ()
    return
  }
}

#map = affine_map<(d0, d1) -> (0, 0)>
#map1 = affine_map<(d0, d1) -> (0, 0, 0, 0)>
#map2 = affine_map<(d0, d1) -> (0, 0, 0)>
module attributes {stable_mosaic.version = 14 : i64} {
  func.func @_agg_body(%arg0: i32, %arg1: i32, %arg2: memref<10000x128xf32, #tpu.memory_space<hbm>>, %arg3: memref<2x16x158x128xi32, #tpu.memory_space<hbm>>, %arg4: memref<2x16x158x128xi32, #tpu.memory_space<hbm>>, %arg5: memref<2x16xi32, #tpu.memory_space<hbm>>, %arg6: memref<2x6144x128xf32, #tpu.memory_space<hbm>>, %arg7: memref<158x128xi32, #tpu.memory_space<vmem>>, %arg8: memref<158x128xi32, #tpu.memory_space<vmem>>, %arg9: memref<16xi32, #tpu.memory_space<vmem>>, %arg10: memref<128x128xf32, #tpu.memory_space<vmem>>, %arg11: memref<128x128xf32, #tpu.memory_space<vmem>>, %arg12: memref<6144x128xf32, #tpu.memory_space<vmem_shared>>, %arg13: memref<!tpu.dma_semaphore, #tpu.memory_space<semaphore_mem>>, %arg14: memref<!tpu.dma_semaphore, #tpu.memory_space<semaphore_mem>>) attributes {dimension_semantics = [#tpu.dimension_semantics<core_parallel>, #tpu.dimension_semantics<subcore_parallel>], iteration_bounds = array<i64: 2, 16>, scalar_prefetch = 0 : i64, scratch_operands = 8 : i64, tpu.core_type = #tpu.core_type<sc_vector_subcore>, window_params = [{transform_indices = #map}, {transform_indices = #map1}, {transform_indices = #map1}, {transform_indices = #map}, {transform_indices = #map2}]} {
    "tpu.region"() ({
      %run_scoped3A = tpu.sem_alloc : memref<!tpu.dma_semaphore, #tpu.memory_space<semaphore_mem>>
      %dma_start3A = arith.constant 0 : i32
      %dma_start3A_52 = arith.constant 0 : i32
      %dma_start3A_53 = tpu.memref_slice %arg3[%arg0, %arg1, %dma_start3A, %dma_start3A_52] : memref<2x16x158x128xi32, #tpu.memory_space<hbm>> -> memref<1x1x158x128xi32, #tpu.memory_space<hbm>>
      %dma_start3A_54 = tpu.memref_squeeze %dma_start3A_53 : memref<1x1x158x128xi32, #tpu.memory_space<hbm>> -> memref<158x128xi32, #tpu.memory_space<hbm>>
      %dma_start3A_55 = arith.constant 0 : i32
      %dma_start3A_56 = arith.constant 0 : i32
      %dma_start3A_57 = tpu.memref_slice %arg3[%arg0, %arg1, %dma_start3A_55, %dma_start3A_56] : memref<2x16x158x128xi32, #tpu.memory_space<hbm>> -> memref<1x1x158x128xi32, #tpu.memory_space<hbm>>
      %dma_start3A_58 = tpu.memref_squeeze %dma_start3A_57 : memref<1x1x158x128xi32, #tpu.memory_space<hbm>> -> memref<158x128xi32, #tpu.memory_space<hbm>>
      tpu.enqueue_dma source(%dma_start3A_58 : memref<158x128xi32, #tpu.memory_space<hbm>>) target(%arg7 : memref<158x128xi32, #tpu.memory_space<vmem>>) target_semaphore(%run_scoped3A : memref<!tpu.dma_semaphore, #tpu.memory_space<semaphore_mem>>)
      %dma_wait3A = arith.constant 0 : i32
      %dma_wait3A_59 = arith.constant 0 : i32
      %dma_wait3A_60 = tpu.memref_slice %arg3[%arg0, %arg1, %dma_wait3A, %dma_wait3A_59] : memref<2x16x158x128xi32, #tpu.memory_space<hbm>> -> memref<1x1x158x128xi32, #tpu.memory_space<hbm>>
      %dma_wait3A_61 = tpu.memref_squeeze %dma_wait3A_60 : memref<1x1x158x128xi32, #tpu.memory_space<hbm>> -> memref<158x128xi32, #tpu.memory_space<hbm>>
      %dma_wait3A_62 = arith.constant 0 : i32
      %dma_wait3A_63 = arith.constant 0 : i32
      %dma_wait3A_64 = tpu.memref_slice %arg3[%arg0, %arg1, %dma_wait3A_62, %dma_wait3A_63] : memref<2x16x158x128xi32, #tpu.memory_space<hbm>> -> memref<1x1x158x128xi32, #tpu.memory_space<hbm>>
      %dma_wait3A_65 = tpu.memref_squeeze %dma_wait3A_64 : memref<1x1x158x128xi32, #tpu.memory_space<hbm>> -> memref<158x128xi32, #tpu.memory_space<hbm>>
      tpu.wait_dma2 semaphore(%run_scoped3A : memref<!tpu.dma_semaphore, #tpu.memory_space<semaphore_mem>>) src(%dma_wait3A_65 : memref<158x128xi32, #tpu.memory_space<hbm>>) dst(%arg7 : memref<158x128xi32, #tpu.memory_space<vmem>>)
      tpu.yield
    }) : () -> ()
    "tpu.region"() ({
      %run_scoped3A = tpu.sem_alloc : memref<!tpu.dma_semaphore, #tpu.memory_space<semaphore_mem>>
      %dma_start3A = arith.constant 0 : i32
      %dma_start3A_52 = arith.constant 0 : i32
      %dma_start3A_53 = tpu.memref_slice %arg4[%arg0, %arg1, %dma_start3A, %dma_start3A_52] : memref<2x16x158x128xi32, #tpu.memory_space<hbm>> -> memref<1x1x158x128xi32, #tpu.memory_space<hbm>>
      %dma_start3A_54 = tpu.memref_squeeze %dma_start3A_53 : memref<1x1x158x128xi32, #tpu.memory_space<hbm>> -> memref<158x128xi32, #tpu.memory_space<hbm>>
      %dma_start3A_55 = arith.constant 0 : i32
      %dma_start3A_56 = arith.constant 0 : i32
      %dma_start3A_57 = tpu.memref_slice %arg4[%arg0, %arg1, %dma_start3A_55, %dma_start3A_56] : memref<2x16x158x128xi32, #tpu.memory_space<hbm>> -> memref<1x1x158x128xi32, #tpu.memory_space<hbm>>
      %dma_start3A_58 = tpu.memref_squeeze %dma_start3A_57 : memref<1x1x158x128xi32, #tpu.memory_space<hbm>> -> memref<158x128xi32, #tpu.memory_space<hbm>>
      tpu.enqueue_dma source(%dma_start3A_58 : memref<158x128xi32, #tpu.memory_space<hbm>>) target(%arg8 : memref<158x128xi32, #tpu.memory_space<vmem>>) target_semaphore(%run_scoped3A : memref<!tpu.dma_semaphore, #tpu.memory_space<semaphore_mem>>)
      %dma_wait3A = arith.constant 0 : i32
      %dma_wait3A_59 = arith.constant 0 : i32
      %dma_wait3A_60 = tpu.memref_slice %arg4[%arg0, %arg1, %dma_wait3A, %dma_wait3A_59] : memref<2x16x158x128xi32, #tpu.memory_space<hbm>> -> memref<1x1x158x128xi32, #tpu.memory_space<hbm>>
      %dma_wait3A_61 = tpu.memref_squeeze %dma_wait3A_60 : memref<1x1x158x128xi32, #tpu.memory_space<hbm>> -> memref<158x128xi32, #tpu.memory_space<hbm>>
      %dma_wait3A_62 = arith.constant 0 : i32
      %dma_wait3A_63 = arith.constant 0 : i32
      %dma_wait3A_64 = tpu.memref_slice %arg4[%arg0, %arg1, %dma_wait3A_62, %dma_wait3A_63] : memref<2x16x158x128xi32, #tpu.memory_space<hbm>> -> memref<1x1x158x128xi32, #tpu.memory_space<hbm>>
      %dma_wait3A_65 = tpu.memref_squeeze %dma_wait3A_64 : memref<1x1x158x128xi32, #tpu.memory_space<hbm>> -> memref<158x128xi32, #tpu.memory_space<hbm>>
      tpu.wait_dma2 semaphore(%run_scoped3A : memref<!tpu.dma_semaphore, #tpu.memory_space<semaphore_mem>>) src(%dma_wait3A_65 : memref<158x128xi32, #tpu.memory_space<hbm>>) dst(%arg8 : memref<158x128xi32, #tpu.memory_space<vmem>>)
      tpu.yield
    }) : () -> ()
    "tpu.region"() ({
      %run_scoped3A = tpu.sem_alloc : memref<!tpu.dma_semaphore, #tpu.memory_space<semaphore_mem>>
      %dma_start3A = arith.constant 0 : i32
      %dma_start3A_52 = tpu.memref_slice %arg5[%arg0, %dma_start3A] : memref<2x16xi32, #tpu.memory_space<hbm>> -> memref<1x16xi32, #tpu.memory_space<hbm>>
      %dma_start3A_53 = tpu.memref_squeeze %dma_start3A_52 : memref<1x16xi32, #tpu.memory_space<hbm>> -> memref<16xi32, #tpu.memory_space<hbm>>
      %dma_start3A_54 = arith.constant 0 : i32
      %dma_start3A_55 = tpu.memref_slice %arg5[%arg0, %dma_start3A_54] : memref<2x16xi32, #tpu.memory_space<hbm>> -> memref<1x16xi32, #tpu.memory_space<hbm>>
      %dma_start3A_56 = tpu.memref_squeeze %dma_start3A_55 : memref<1x16xi32, #tpu.memory_space<hbm>> -> memref<16xi32, #tpu.memory_space<hbm>>
      tpu.enqueue_dma source(%dma_start3A_56 : memref<16xi32, #tpu.memory_space<hbm>>) target(%arg9 : memref<16xi32, #tpu.memory_space<vmem>>) target_semaphore(%run_scoped3A : memref<!tpu.dma_semaphore, #tpu.memory_space<semaphore_mem>>)
      %dma_wait3A = arith.constant 0 : i32
      %dma_wait3A_57 = tpu.memref_slice %arg5[%arg0, %dma_wait3A] : memref<2x16xi32, #tpu.memory_space<hbm>> -> memref<1x16xi32, #tpu.memory_space<hbm>>
      %dma_wait3A_58 = tpu.memref_squeeze %dma_wait3A_57 : memref<1x16xi32, #tpu.memory_space<hbm>> -> memref<16xi32, #tpu.memory_space<hbm>>
      %dma_wait3A_59 = arith.constant 0 : i32
      %dma_wait3A_60 = tpu.memref_slice %arg5[%arg0, %dma_wait3A_59] : memref<2x16xi32, #tpu.memory_space<hbm>> -> memref<1x16xi32, #tpu.memory_space<hbm>>
      %dma_wait3A_61 = tpu.memref_squeeze %dma_wait3A_60 : memref<1x16xi32, #tpu.memory_space<hbm>> -> memref<16xi32, #tpu.memory_space<hbm>>
      tpu.wait_dma2 semaphore(%run_scoped3A : memref<!tpu.dma_semaphore, #tpu.memory_space<semaphore_mem>>) src(%dma_wait3A_61 : memref<16xi32, #tpu.memory_space<hbm>>) dst(%arg9 : memref<16xi32, #tpu.memory_space<vmem>>)
      tpu.yield
    }) : () -> ()
    %get3A = arith.constant 0 : index
    %get3A_0 = tpu.vector_load %arg9[%get3A] {strides = array<i32>} : memref<16xi32, #tpu.memory_space<vmem>>, vector<16xi32>,
    %get3A_1 = vector.shape_cast %get3A_0 : vector<16xi32> to vector<16xi32>
    %slice3A = vector.extract_strided_slice %get3A_1 {offsets = [0], sizes = [1], strides = [1]} : vector<16xi32> to vector<1xi32>
    %squeeze3A = vector.extract %slice3A[0] : i32 from vector<1xi32>
    %scan3A = arith.constant 0 : i32
    %scan3A_2 = arith.constant 0 : i32
    %scan3A_3 = arith.constant 128 : i32
    %scan3A_4 = arith.addi %scan3A_2, %scan3A_3 : i32
    %scan3A_5 = arith.constant 1 : i32
    scf.for %scan3A_52 = %scan3A_2 to %scan3A_4 step %scan3A_5  : i32 {
      %broadcast_in_dim3A = arith.constant 0.000000e+00 : f32
      %broadcast_in_dim3A_53 = vector.broadcast %broadcast_in_dim3A : f32 to vector<16xf32>
      %swap3A = arith.index_cast %scan3A_52 : i32 to index
      %swap3A_54 = arith.constant 0 : index
      %swap3A_55 = tpu.vector_load %arg10[%swap3A, %swap3A_54] {strides = array<i32>} : memref<128x128xf32, #tpu.memory_space<vmem>>, vector<1x16xf32>,
      %swap3A_56 = vector.shape_cast %swap3A_55 : vector<1x16xf32> to vector<16xf32>
      %swap3A_57 = vector.shape_cast %broadcast_in_dim3A_53 : vector<16xf32> to vector<1x16xf32>
      tpu.vector_store %arg10[%swap3A, %swap3A_54], %swap3A_57 {strides = array<i32>} : memref<128x128xf32, #tpu.memory_space<vmem>>, vector<1x16xf32>,
      %broadcast_in_dim3A_58 = arith.constant 0.000000e+00 : f32
      %broadcast_in_dim3A_59 = vector.broadcast %broadcast_in_dim3A_58 : f32 to vector<16xf32>
      %swap3A_60 = arith.index_cast %scan3A_52 : i32 to index
      %swap3A_61 = arith.constant 16 : index
      %swap3A_62 = tpu.vector_load %arg10[%swap3A_60, %swap3A_61] {strides = array<i32>} : memref<128x128xf32, #tpu.memory_space<vmem>>, vector<1x16xf32>,
      %swap3A_63 = vector.shape_cast %swap3A_62 : vector<1x16xf32> to vector<16xf32>
      %swap3A_64 = vector.shape_cast %broadcast_in_dim3A_59 : vector<16xf32> to vector<1x16xf32>
      tpu.vector_store %arg10[%swap3A_60, %swap3A_61], %swap3A_64 {strides = array<i32>} : memref<128x128xf32, #tpu.memory_space<vmem>>, vector<1x16xf32>,
      %broadcast_in_dim3A_65 = arith.constant 0.000000e+00 : f32
      %broadcast_in_dim3A_66 = vector.broadcast %broadcast_in_dim3A_65 : f32 to vector<16xf32>
      %swap3A_67 = arith.index_cast %scan3A_52 : i32 to index
      %swap3A_68 = arith.constant 32 : index
      %swap3A_69 = tpu.vector_load %arg10[%swap3A_67, %swap3A_68] {strides = array<i32>} : memref<128x128xf32, #tpu.memory_space<vmem>>, vector<1x16xf32>,
      %swap3A_70 = vector.shape_cast %swap3A_69 : vector<1x16xf32> to vector<16xf32>
      %swap3A_71 = vector.shape_cast %broadcast_in_dim3A_66 : vector<16xf32> to vector<1x16xf32>
      tpu.vector_store %arg10[%swap3A_67, %swap3A_68], %swap3A_71 {strides = array<i32>} : memref<128x128xf32, #tpu.memory_space<vmem>>, vector<1x16xf32>,
      %broadcast_in_dim3A_72 = arith.constant 0.000000e+00 : f32
      %broadcast_in_dim3A_73 = vector.broadcast %broadcast_in_dim3A_72 : f32 to vector<16xf32>
      %swap3A_74 = arith.index_cast %scan3A_52 : i32 to index
      %swap3A_75 = arith.constant 48 : index
      %swap3A_76 = tpu.vector_load %arg10[%swap3A_74, %swap3A_75] {strides = array<i32>} : memref<128x128xf32, #tpu.memory_space<vmem>>, vector<1x16xf32>,
      %swap3A_77 = vector.shape_cast %swap3A_76 : vector<1x16xf32> to vector<16xf32>
      %swap3A_78 = vector.shape_cast %broadcast_in_dim3A_73 : vector<16xf32> to vector<1x16xf32>
      tpu.vector_store %arg10[%swap3A_74, %swap3A_75], %swap3A_78 {strides = array<i32>} : memref<128x128xf32, #tpu.memory_space<vmem>>, vector<1x16xf32>,
      %broadcast_in_dim3A_79 = arith.constant 0.000000e+00 : f32
      %broadcast_in_dim3A_80 = vector.broadcast %broadcast_in_dim3A_79 : f32 to vector<16xf32>
      %swap3A_81 = arith.index_cast %scan3A_52 : i32 to index
      %swap3A_82 = arith.constant 64 : index
      %swap3A_83 = tpu.vector_load %arg10[%swap3A_81, %swap3A_82] {strides = array<i32>} : memref<128x128xf32, #tpu.memory_space<vmem>>, vector<1x16xf32>,
      %swap3A_84 = vector.shape_cast %swap3A_83 : vector<1x16xf32> to vector<16xf32>
      %swap3A_85 = vector.shape_cast %broadcast_in_dim3A_80 : vector<16xf32> to vector<1x16xf32>
      tpu.vector_store %arg10[%swap3A_81, %swap3A_82], %swap3A_85 {strides = array<i32>} : memref<128x128xf32, #tpu.memory_space<vmem>>, vector<1x16xf32>,
      %broadcast_in_dim3A_86 = arith.constant 0.000000e+00 : f32
      %broadcast_in_dim3A_87 = vector.broadcast %broadcast_in_dim3A_86 : f32 to vector<16xf32>
      %swap3A_88 = arith.index_cast %scan3A_52 : i32 to index
      %swap3A_89 = arith.constant 80 : index
      %swap3A_90 = tpu.vector_load %arg10[%swap3A_88, %swap3A_89] {strides = array<i32>} : memref<128x128xf32, #tpu.memory_space<vmem>>, vector<1x16xf32>,
      %swap3A_91 = vector.shape_cast %swap3A_90 : vector<1x16xf32> to vector<16xf32>
      %swap3A_92 = vector.shape_cast %broadcast_in_dim3A_87 : vector<16xf32> to vector<1x16xf32>
      tpu.vector_store %arg10[%swap3A_88, %swap3A_89], %swap3A_92 {strides = array<i32>} : memref<128x128xf32, #tpu.memory_space<vmem>>, vector<1x16xf32>,
      %broadcast_in_dim3A_93 = arith.constant 0.000000e+00 : f32
      %broadcast_in_dim3A_94 = vector.broadcast %broadcast_in_dim3A_93 : f32 to vector<16xf32>
      %swap3A_95 = arith.index_cast %scan3A_52 : i32 to index
      %swap3A_96 = arith.constant 96 : index
      %swap3A_97 = tpu.vector_load %arg10[%swap3A_95, %swap3A_96] {strides = array<i32>} : memref<128x128xf32, #tpu.memory_space<vmem>>, vector<1x16xf32>,
      %swap3A_98 = vector.shape_cast %swap3A_97 : vector<1x16xf32> to vector<16xf32>
      %swap3A_99 = vector.shape_cast %broadcast_in_dim3A_94 : vector<16xf32> to vector<1x16xf32>
      tpu.vector_store %arg10[%swap3A_95, %swap3A_96], %swap3A_99 {strides = array<i32>} : memref<128x128xf32, #tpu.memory_space<vmem>>, vector<1x16xf32>,
      %broadcast_in_dim3A_100 = arith.constant 0.000000e+00 : f32
      %broadcast_in_dim3A_101 = vector.broadcast %broadcast_in_dim3A_100 : f32 to vector<16xf32>
      %swap3A_102 = arith.index_cast %scan3A_52 : i32 to index
      %swap3A_103 = arith.constant 112 : index
      %swap3A_104 = tpu.vector_load %arg10[%swap3A_102, %swap3A_103] {strides = array<i32>} : memref<128x128xf32, #tpu.memory_space<vmem>>, vector<1x16xf32>,
      %swap3A_105 = vector.shape_cast %swap3A_104 : vector<1x16xf32> to vector<16xf32>
      %swap3A_106 = vector.shape_cast %broadcast_in_dim3A_101 : vector<16xf32> to vector<1x16xf32>
      tpu.vector_store %arg10[%swap3A_102, %swap3A_103], %swap3A_106 {strides = array<i32>} : memref<128x128xf32, #tpu.memory_space<vmem>>, vector<1x16xf32>,
    }
    %scan3A_6 = arith.constant 128 : i32
    %mul3A = arith.constant 384 : i32
    %mul3A_7 = arith.muli %arg1, %mul3A : i32
    %add3A = arith.constant 0 : i32
    %add3A_8 = arith.addi %mul3A_7, %add3A : i32
    "tpu.region"() ({
      %run_scoped3A = tpu.sem_alloc : memref<!tpu.dma_semaphore, #tpu.memory_space<semaphore_mem>>
      %dma_start3A = arith.constant 0 : i32
      %dma_start3A_52 = tpu.memref_slice %arg12[%add3A_8, %dma_start3A] : memref<6144x128xf32, #tpu.memory_space<vmem_shared>> -> memref<128x128xf32, #tpu.memory_space<vmem_shared>>
      %dma_start3A_53 = arith.constant 0 : i32
      %dma_start3A_54 = tpu.memref_slice %arg12[%add3A_8, %dma_start3A_53] : memref<6144x128xf32, #tpu.memory_space<vmem_shared>> -> memref<128x128xf32, #tpu.memory_space<vmem_shared>>
      tpu.enqueue_dma source(%arg10 : memref<128x128xf32, #tpu.memory_space<vmem>>) target(%dma_start3A_54 : memref<128x128xf32, #tpu.memory_space<vmem_shared>>) target_semaphore(%run_scoped3A : memref<!tpu.dma_semaphore, #tpu.memory_space<semaphore_mem>>)
      %dma_wait3A = arith.constant 0 : i32
      %dma_wait3A_55 = tpu.memref_slice %arg12[%add3A_8, %dma_wait3A] : memref<6144x128xf32, #tpu.memory_space<vmem_shared>> -> memref<128x128xf32, #tpu.memory_space<vmem_shared>>
      %dma_wait3A_56 = arith.constant 0 : i32
      %dma_wait3A_57 = tpu.memref_slice %arg12[%add3A_8, %dma_wait3A_56] : memref<6144x128xf32, #tpu.memory_space<vmem_shared>> -> memref<128x128xf32, #tpu.memory_space<vmem_shared>>
      tpu.wait_dma2 semaphore(%run_scoped3A : memref<!tpu.dma_semaphore, #tpu.memory_space<semaphore_mem>>) src(%arg10 : memref<128x128xf32, #tpu.memory_space<vmem>>) dst(%dma_wait3A_57 : memref<128x128xf32, #tpu.memory_space<vmem_shared>>)
      tpu.yield
    }) : () -> ()
    %add3A_9 = arith.constant 128 : i32
    %add3A_10 = arith.addi %mul3A_7, %add3A_9 : i32
    "tpu.region"() ({
      %run_scoped3A = tpu.sem_alloc : memref<!tpu.dma_semaphore, #tpu.memory_space<semaphore_mem>>
      %dma_start3A = arith.constant 0 : i32
      %dma_start3A_52 = tpu.memref_slice %arg12[%add3A_10, %dma_start3A] : memref<6144x128xf32, #tpu.memory_space<vmem_shared>> -> memref<128x128xf32, #tpu.memory_space<vmem_shared>>
      %dma_start3A_53 = arith.constant 0 : i32
      %dma_start3A_54 = tpu.memref_slice %arg12[%add3A_10, %dma_start3A_53] : memref<6144x128xf32, #tpu.memory_space<vmem_shared>> -> memref<128x128xf32, #tpu.memory_space<vmem_shared>>
      tpu.enqueue_dma source(%arg10 : memref<128x128xf32, #tpu.memory_space<vmem>>) target(%dma_start3A_54 : memref<128x128xf32, #tpu.memory_space<vmem_shared>>) target_semaphore(%run_scoped3A : memref<!tpu.dma_semaphore, #tpu.memory_space<semaphore_mem>>)
      %dma_wait3A = arith.constant 0 : i32
      %dma_wait3A_55 = tpu.memref_slice %arg12[%add3A_10, %dma_wait3A] : memref<6144x128xf32, #tpu.memory_space<vmem_shared>> -> memref<128x128xf32, #tpu.memory_space<vmem_shared>>
      %dma_wait3A_56 = arith.constant 0 : i32
      %dma_wait3A_57 = tpu.memref_slice %arg12[%add3A_10, %dma_wait3A_56] : memref<6144x128xf32, #tpu.memory_space<vmem_shared>> -> memref<128x128xf32, #tpu.memory_space<vmem_shared>>
      tpu.wait_dma2 semaphore(%run_scoped3A : memref<!tpu.dma_semaphore, #tpu.memory_space<semaphore_mem>>) src(%arg10 : memref<128x128xf32, #tpu.memory_space<vmem>>) dst(%dma_wait3A_57 : memref<128x128xf32, #tpu.memory_space<vmem_shared>>)
      tpu.yield
    }) : () -> ()
    %add3A_11 = arith.constant 256 : i32
    %add3A_12 = arith.addi %mul3A_7, %add3A_11 : i32
    "tpu.region"() ({
      %run_scoped3A = tpu.sem_alloc : memref<!tpu.dma_semaphore, #tpu.memory_space<semaphore_mem>>
      %dma_start3A = arith.constant 0 : i32
      %dma_start3A_52 = tpu.memref_slice %arg12[%add3A_12, %dma_start3A] : memref<6144x128xf32, #tpu.memory_space<vmem_shared>> -> memref<128x128xf32, #tpu.memory_space<vmem_shared>>
      %dma_start3A_53 = arith.constant 0 : i32
      %dma_start3A_54 = tpu.memref_slice %arg12[%add3A_12, %dma_start3A_53] : memref<6144x128xf32, #tpu.memory_space<vmem_shared>> -> memref<128x128xf32, #tpu.memory_space<vmem_shared>>
      tpu.enqueue_dma source(%arg10 : memref<128x128xf32, #tpu.memory_space<vmem>>) target(%dma_start3A_54 : memref<128x128xf32, #tpu.memory_space<vmem_shared>>) target_semaphore(%run_scoped3A : memref<!tpu.dma_semaphore, #tpu.memory_space<semaphore_mem>>)
      %dma_wait3A = arith.constant 0 : i32
      %dma_wait3A_55 = tpu.memref_slice %arg12[%add3A_12, %dma_wait3A] : memref<6144x128xf32, #tpu.memory_space<vmem_shared>> -> memref<128x128xf32, #tpu.memory_space<vmem_shared>>
      %dma_wait3A_56 = arith.constant 0 : i32
      %dma_wait3A_57 = tpu.memref_slice %arg12[%add3A_12, %dma_wait3A_56] : memref<6144x128xf32, #tpu.memory_space<vmem_shared>> -> memref<128x128xf32, #tpu.memory_space<vmem_shared>>
      tpu.wait_dma2 semaphore(%run_scoped3A : memref<!tpu.dma_semaphore, #tpu.memory_space<semaphore_mem>>) src(%arg10 : memref<128x128xf32, #tpu.memory_space<vmem>>) dst(%dma_wait3A_57 : memref<128x128xf32, #tpu.memory_space<vmem_shared>>)
      tpu.yield
    }) : () -> ()
    %barrier3A = arith.constant 0 : index
    tpu.barrier barrier_id(%barrier3A)
    %gt3A = arith.constant 0 : i32
    %gt3A_13 = arith.cmpi sgt, %squeeze3A, %gt3A : i32
    %convert_element_type3A = arith.extui %gt3A_13 : i1 to i32
    %cond3A = arith.constant 0 : i32
    %cond3A_14 = arith.cmpi ne, %convert_element_type3A, %cond3A : i32
    scf.if %cond3A_14 {
      %dma_start3A = arith.constant 0 : i32
      %dma_start3A_52 = arith.constant 0 : i32
      %dma_start3A_53 = tpu.memref_slice %arg7[%dma_start3A, %dma_start3A_52] : memref<158x128xi32, #tpu.memory_space<vmem>> -> memref<1x128xi32, #tpu.memory_space<vmem>>
      %dma_start3A_54 = tpu.memref_squeeze %dma_start3A_53 : memref<1x128xi32, #tpu.memory_space<vmem>> -> memref<128xi32, #tpu.memory_space<vmem>>
      %dma_start3A_55 = arith.constant 0 : i32
      %dma_start3A_56 = arith.constant 0 : i32
      %dma_start3A_57 = tpu.memref_slice %arg2[%dma_start3A_55, %dma_start3A_56] : memref<10000x128xf32, #tpu.memory_space<hbm>> -> memref<10000x128xf32, #tpu.memory_space<hbm>>
      tpu.enqueue_indirect_dma source(%dma_start3A_57 : memref<10000x128xf32, #tpu.memory_space<hbm>>) target(%arg10 : memref<128x128xf32, #tpu.memory_space<vmem>>) offsets(%dma_start3A_54 : memref<128xi32, #tpu.memory_space<vmem>>) semaphore(%arg13 : memref<!tpu.dma_semaphore, #tpu.memory_space<semaphore_mem>>)
    } else {
    }
    %jit3A = arith.constant 2 : i32
    %div3A = arith.divsi %squeeze3A, %jit3A : i32
    %sign3A = arith.constant 0 : i32
    %sign3A_15 = arith.cmpi sgt, %squeeze3A, %sign3A : i32
    %sign3A_16 = arith.extui %sign3A_15 : i1 to i32
    %sign3A_17 = arith.constant 0 : i32
    %sign3A_18 = arith.cmpi slt, %squeeze3A, %sign3A_17 : i32
    %sign3A_19 = arith.extui %sign3A_18 : i1 to i32
    %sign3A_20 = arith.subi %sign3A_16, %sign3A_19 : i32
    %sign3A_21 = arith.constant 0 : i32
    %sign3A_22 = arith.cmpi sgt, %jit3A, %sign3A_21 : i32
    %sign3A_23 = arith.extui %sign3A_22 : i1 to i32
    %sign3A_24 = arith.constant 0 : i32
    %sign3A_25 = arith.cmpi slt, %jit3A, %sign3A_24 : i32
    %sign3A_26 = arith.extui %sign3A_25 : i1 to i32
    %sign3A_27 = arith.subi %sign3A_23, %sign3A_26 : i32
    %ne3A = arith.cmpi ne, %sign3A_20, %sign3A_27 : i32
    %rem3A = arith.remsi %squeeze3A, %jit3A : i32
    %ne3A_28 = arith.constant 0 : i32
    %ne3A_29 = arith.cmpi ne, %rem3A, %ne3A_28 : i32
    %and3A = arith.andi %ne3A, %ne3A_29 : i1
    %sub3A = arith.constant 1 : i32
    %sub3A_30 = arith.subi %div3A, %sub3A : i32
    %select_n3A = arith.select %and3A, %sub3A_30, %div3A : i32
    %while3A = arith.constant 0 : i32
    %while3A_31 = arith.constant 0 : i32
    %while3A_32 = arith.subi %select_n3A, %while3A_31 : i32
    %while3A_33 = arith.addi %while3A_31, %while3A_32 : i32
    %while3A_34 = arith.constant 1 : i32
    %while3A_35 = arith.divsi %while3A_32, %while3A_34 : i32
    %while3A_36 = arith.muli %while3A_35, %while3A_34 : i32
    %while3A_37 = arith.addi %while3A_31, %while3A_36 : i32
    %while3A_38 = arith.constant 1 : i32
    scf.for %while3A_52 = %while3A_31 to %while3A_37 step %while3A_38  : i32 {
      %mul3A_53 = arith.constant 2 : i32
      %mul3A_54 = arith.muli %while3A_52, %mul3A_53 : i32
      %add3A_55 = arith.constant 1 : i32
      %add3A_56 = arith.addi %mul3A_54, %add3A_55 : i32
      %dma_start3A = arith.constant 0 : i32
      %dma_start3A_57 = tpu.memref_slice %arg7[%add3A_56, %dma_start3A] : memref<158x128xi32, #tpu.memory_space<vmem>> -> memref<1x128xi32, #tpu.memory_space<vmem>>
      %dma_start3A_58 = tpu.memref_squeeze %dma_start3A_57 : memref<1x128xi32, #tpu.memory_space<vmem>> -> memref<128xi32, #tpu.memory_space<vmem>>
      %dma_start3A_59 = arith.constant 0 : i32
      %dma_start3A_60 = arith.constant 0 : i32
      %dma_start3A_61 = tpu.memref_slice %arg2[%dma_start3A_59, %dma_start3A_60] : memref<10000x128xf32, #tpu.memory_space<hbm>> -> memref<10000x128xf32, #tpu.memory_space<hbm>>
      tpu.enqueue_indirect_dma source(%dma_start3A_61 : memref<10000x128xf32, #tpu.memory_space<hbm>>) target(%arg11 : memref<128x128xf32, #tpu.memory_space<vmem>>) offsets(%dma_start3A_58 : memref<128xi32, #tpu.memory_space<vmem>>) semaphore(%arg14 : memref<!tpu.dma_semaphore, #tpu.memory_space<semaphore_mem>>)
      %dma_wait3A = arith.constant 0 : i32
      %dma_wait3A_62 = tpu.memref_slice %arg7[%mul3A_54, %dma_wait3A] : memref<158x128xi32, #tpu.memory_space<vmem>> -> memref<1x128xi32, #tpu.memory_space<vmem>>
      %dma_wait3A_63 = tpu.memref_squeeze %dma_wait3A_62 : memref<1x128xi32, #tpu.memory_space<vmem>> -> memref<128xi32, #tpu.memory_space<vmem>>
      %dma_wait3A_64 = arith.constant 0 : i32
      %dma_wait3A_65 = arith.constant 0 : i32
      %dma_wait3A_66 = tpu.memref_slice %arg2[%dma_wait3A_64, %dma_wait3A_65] : memref<10000x128xf32, #tpu.memory_space<hbm>> -> memref<10000x128xf32, #tpu.memory_space<hbm>>
      tpu.wait_indirect_dma semaphore(%arg13 : memref<!tpu.dma_semaphore, #tpu.memory_space<semaphore_mem>>) src(%dma_wait3A_66 : memref<10000x128xf32, #tpu.memory_space<hbm>>) dst(%arg10 : memref<128x128xf32, #tpu.memory_space<vmem>>)
      "tpu.region"() ({
        %run_scoped3A = tpu.sem_alloc : memref<!tpu.dma_semaphore, #tpu.memory_space<semaphore_mem>>
        %dma_start3A_85 = arith.constant 0 : i32
        %dma_start3A_86 = tpu.memref_slice %arg8[%mul3A_54, %dma_start3A_85] : memref<158x128xi32, #tpu.memory_space<vmem>> -> memref<1x128xi32, #tpu.memory_space<vmem>>
        %dma_start3A_87 = tpu.memref_squeeze %dma_start3A_86 : memref<1x128xi32, #tpu.memory_space<vmem>> -> memref<128xi32, #tpu.memory_space<vmem>>
        %dma_start3A_88 = arith.constant 0 : i32
        %dma_start3A_89 = arith.constant 0 : i32
        %dma_start3A_90 = tpu.memref_slice %arg12[%dma_start3A_88, %dma_start3A_89] : memref<6144x128xf32, #tpu.memory_space<vmem_shared>> -> memref<6144x128xf32, #tpu.memory_space<vmem_shared>>
        tpu.enqueue_indirect_dma source(%arg10 : memref<128x128xf32, #tpu.memory_space<vmem>>) target(%dma_start3A_90 : memref<6144x128xf32, #tpu.memory_space<vmem_shared>>) offsets(%dma_start3A_87 : memref<128xi32, #tpu.memory_space<vmem>>) semaphore(%run_scoped3A : memref<!tpu.dma_semaphore, #tpu.memory_space<semaphore_mem>>) {add = true}
        %dma_wait3A_91 = arith.constant 0 : i32
        %dma_wait3A_92 = tpu.memref_slice %arg8[%mul3A_54, %dma_wait3A_91] : memref<158x128xi32, #tpu.memory_space<vmem>> -> memref<1x128xi32, #tpu.memory_space<vmem>>
        %dma_wait3A_93 = tpu.memref_squeeze %dma_wait3A_92 : memref<1x128xi32, #tpu.memory_space<vmem>> -> memref<128xi32, #tpu.memory_space<vmem>>
        %dma_wait3A_94 = arith.constant 0 : i32
        %dma_wait3A_95 = arith.constant 0 : i32
        %dma_wait3A_96 = tpu.memref_slice %arg12[%dma_wait3A_94, %dma_wait3A_95] : memref<6144x128xf32, #tpu.memory_space<vmem_shared>> -> memref<6144x128xf32, #tpu.memory_space<vmem_shared>>
        tpu.wait_indirect_dma semaphore(%run_scoped3A : memref<!tpu.dma_semaphore, #tpu.memory_space<semaphore_mem>>) src(%arg10 : memref<128x128xf32, #tpu.memory_space<vmem>>) dst(%dma_wait3A_96 : memref<6144x128xf32, #tpu.memory_space<vmem_shared>>)
        tpu.yield
      }) : () -> ()
      %add3A_67 = arith.constant 2 : i32
      %add3A_68 = arith.addi %mul3A_54, %add3A_67 : i32
      %dma_start3A_69 = arith.constant 0 : i32
      %dma_start3A_70 = tpu.memref_slice %arg7[%add3A_68, %dma_start3A_69] : memref<158x128xi32, #tpu.memory_space<vmem>> -> memref<1x128xi32, #tpu.memory_space<vmem>>
      %dma_start3A_71 = tpu.memref_squeeze %dma_start3A_70 : memref<1x128xi32, #tpu.memory_space<vmem>> -> memref<128xi32, #tpu.memory_space<vmem>>
      %dma_start3A_72 = arith.constant 0 : i32
      %dma_start3A_73 = arith.constant 0 : i32
      %dma_start3A_74 = tpu.memref_slice %arg2[%dma_start3A_72, %dma_start3A_73] : memref<10000x128xf32, #tpu.memory_space<hbm>> -> memref<10000x128xf32, #tpu.memory_space<hbm>>
      tpu.enqueue_indirect_dma source(%dma_start3A_74 : memref<10000x128xf32, #tpu.memory_space<hbm>>) target(%arg10 : memref<128x128xf32, #tpu.memory_space<vmem>>) offsets(%dma_start3A_71 : memref<128xi32, #tpu.memory_space<vmem>>) semaphore(%arg13 : memref<!tpu.dma_semaphore, #tpu.memory_space<semaphore_mem>>)
      %add3A_75 = arith.constant 1 : i32
      %add3A_76 = arith.addi %mul3A_54, %add3A_75 : i32
      %dma_wait3A_77 = arith.constant 0 : i32
      %dma_wait3A_78 = tpu.memref_slice %arg7[%add3A_76, %dma_wait3A_77] : memref<158x128xi32, #tpu.memory_space<vmem>> -> memref<1x128xi32, #tpu.memory_space<vmem>>
      %dma_wait3A_79 = tpu.memref_squeeze %dma_wait3A_78 : memref<1x128xi32, #tpu.memory_space<vmem>> -> memref<128xi32, #tpu.memory_space<vmem>>
      %dma_wait3A_80 = arith.constant 0 : i32
      %dma_wait3A_81 = arith.constant 0 : i32
      %dma_wait3A_82 = tpu.memref_slice %arg2[%dma_wait3A_80, %dma_wait3A_81] : memref<10000x128xf32, #tpu.memory_space<hbm>> -> memref<10000x128xf32, #tpu.memory_space<hbm>>
      tpu.wait_indirect_dma semaphore(%arg14 : memref<!tpu.dma_semaphore, #tpu.memory_space<semaphore_mem>>) src(%dma_wait3A_82 : memref<10000x128xf32, #tpu.memory_space<hbm>>) dst(%arg11 : memref<128x128xf32, #tpu.memory_space<vmem>>)
      %add3A_83 = arith.constant 1 : i32
      %add3A_84 = arith.addi %mul3A_54, %add3A_83 : i32
      "tpu.region"() ({
        %run_scoped3A = tpu.sem_alloc : memref<!tpu.dma_semaphore, #tpu.memory_space<semaphore_mem>>
        %dma_start3A_85 = arith.constant 0 : i32
        %dma_start3A_86 = tpu.memref_slice %arg8[%add3A_84, %dma_start3A_85] : memref<158x128xi32, #tpu.memory_space<vmem>> -> memref<1x128xi32, #tpu.memory_space<vmem>>
        %dma_start3A_87 = tpu.memref_squeeze %dma_start3A_86 : memref<1x128xi32, #tpu.memory_space<vmem>> -> memref<128xi32, #tpu.memory_space<vmem>>
        %dma_start3A_88 = arith.constant 0 : i32
        %dma_start3A_89 = arith.constant 0 : i32
        %dma_start3A_90 = tpu.memref_slice %arg12[%dma_start3A_88, %dma_start3A_89] : memref<6144x128xf32, #tpu.memory_space<vmem_shared>> -> memref<6144x128xf32, #tpu.memory_space<vmem_shared>>
        tpu.enqueue_indirect_dma source(%arg11 : memref<128x128xf32, #tpu.memory_space<vmem>>) target(%dma_start3A_90 : memref<6144x128xf32, #tpu.memory_space<vmem_shared>>) offsets(%dma_start3A_87 : memref<128xi32, #tpu.memory_space<vmem>>) semaphore(%run_scoped3A : memref<!tpu.dma_semaphore, #tpu.memory_space<semaphore_mem>>) {add = true}
        %dma_wait3A_91 = arith.constant 0 : i32
        %dma_wait3A_92 = tpu.memref_slice %arg8[%add3A_84, %dma_wait3A_91] : memref<158x128xi32, #tpu.memory_space<vmem>> -> memref<1x128xi32, #tpu.memory_space<vmem>>
        %dma_wait3A_93 = tpu.memref_squeeze %dma_wait3A_92 : memref<1x128xi32, #tpu.memory_space<vmem>> -> memref<128xi32, #tpu.memory_space<vmem>>
        %dma_wait3A_94 = arith.constant 0 : i32
        %dma_wait3A_95 = arith.constant 0 : i32
        %dma_wait3A_96 = tpu.memref_slice %arg12[%dma_wait3A_94, %dma_wait3A_95] : memref<6144x128xf32, #tpu.memory_space<vmem_shared>> -> memref<6144x128xf32, #tpu.memory_space<vmem_shared>>
        tpu.wait_indirect_dma semaphore(%run_scoped3A : memref<!tpu.dma_semaphore, #tpu.memory_space<semaphore_mem>>) src(%arg11 : memref<128x128xf32, #tpu.memory_space<vmem>>) dst(%dma_wait3A_96 : memref<6144x128xf32, #tpu.memory_space<vmem_shared>>)
        tpu.yield
      }) : () -> ()
    }
    %while3A_39 = arith.constant 1 : i32
    scf.for %while3A_52 = %while3A_37 to %while3A_33 step %while3A_39  : i32 {
      %mul3A_53 = arith.constant 2 : i32
      %mul3A_54 = arith.muli %while3A_52, %mul3A_53 : i32
      %add3A_55 = arith.constant 1 : i32
      %add3A_56 = arith.addi %mul3A_54, %add3A_55 : i32
      %dma_start3A = arith.constant 0 : i32
      %dma_start3A_57 = tpu.memref_slice %arg7[%add3A_56, %dma_start3A] : memref<158x128xi32, #tpu.memory_space<vmem>> -> memref<1x128xi32, #tpu.memory_space<vmem>>
      %dma_start3A_58 = tpu.memref_squeeze %dma_start3A_57 : memref<1x128xi32, #tpu.memory_space<vmem>> -> memref<128xi32, #tpu.memory_space<vmem>>
      %dma_start3A_59 = arith.constant 0 : i32
      %dma_start3A_60 = arith.constant 0 : i32
      %dma_start3A_61 = tpu.memref_slice %arg2[%dma_start3A_59, %dma_start3A_60] : memref<10000x128xf32, #tpu.memory_space<hbm>> -> memref<10000x128xf32, #tpu.memory_space<hbm>>
      tpu.enqueue_indirect_dma source(%dma_start3A_61 : memref<10000x128xf32, #tpu.memory_space<hbm>>) target(%arg11 : memref<128x128xf32, #tpu.memory_space<vmem>>) offsets(%dma_start3A_58 : memref<128xi32, #tpu.memory_space<vmem>>) semaphore(%arg14 : memref<!tpu.dma_semaphore, #tpu.memory_space<semaphore_mem>>)
      %dma_wait3A = arith.constant 0 : i32
      %dma_wait3A_62 = tpu.memref_slice %arg7[%mul3A_54, %dma_wait3A] : memref<158x128xi32, #tpu.memory_space<vmem>> -> memref<1x128xi32, #tpu.memory_space<vmem>>
      %dma_wait3A_63 = tpu.memref_squeeze %dma_wait3A_62 : memref<1x128xi32, #tpu.memory_space<vmem>> -> memref<128xi32, #tpu.memory_space<vmem>>
      %dma_wait3A_64 = arith.constant 0 : i32
      %dma_wait3A_65 = arith.constant 0 : i32
      %dma_wait3A_66 = tpu.memref_slice %arg2[%dma_wait3A_64, %dma_wait3A_65] : memref<10000x128xf32, #tpu.memory_space<hbm>> -> memref<10000x128xf32, #tpu.memory_space<hbm>>
      tpu.wait_indirect_dma semaphore(%arg13 : memref<!tpu.dma_semaphore, #tpu.memory_space<semaphore_mem>>) src(%dma_wait3A_66 : memref<10000x128xf32, #tpu.memory_space<hbm>>) dst(%arg10 : memref<128x128xf32, #tpu.memory_space<vmem>>)
      "tpu.region"() ({
        %run_scoped3A = tpu.sem_alloc : memref<!tpu.dma_semaphore, #tpu.memory_space<semaphore_mem>>
        %dma_start3A_85 = arith.constant 0 : i32
        %dma_start3A_86 = tpu.memref_slice %arg8[%mul3A_54, %dma_start3A_85] : memref<158x128xi32, #tpu.memory_space<vmem>> -> memref<1x128xi32, #tpu.memory_space<vmem>>
        %dma_start3A_87 = tpu.memref_squeeze %dma_start3A_86 : memref<1x128xi32, #tpu.memory_space<vmem>> -> memref<128xi32, #tpu.memory_space<vmem>>
        %dma_start3A_88 = arith.constant 0 : i32
        %dma_start3A_89 = arith.constant 0 : i32
        %dma_start3A_90 = tpu.memref_slice %arg12[%dma_start3A_88, %dma_start3A_89] : memref<6144x128xf32, #tpu.memory_space<vmem_shared>> -> memref<6144x128xf32, #tpu.memory_space<vmem_shared>>
        tpu.enqueue_indirect_dma source(%arg10 : memref<128x128xf32, #tpu.memory_space<vmem>>) target(%dma_start3A_90 : memref<6144x128xf32, #tpu.memory_space<vmem_shared>>) offsets(%dma_start3A_87 : memref<128xi32, #tpu.memory_space<vmem>>) semaphore(%run_scoped3A : memref<!tpu.dma_semaphore, #tpu.memory_space<semaphore_mem>>) {add = true}
        %dma_wait3A_91 = arith.constant 0 : i32
        %dma_wait3A_92 = tpu.memref_slice %arg8[%mul3A_54, %dma_wait3A_91] : memref<158x128xi32, #tpu.memory_space<vmem>> -> memref<1x128xi32, #tpu.memory_space<vmem>>
        %dma_wait3A_93 = tpu.memref_squeeze %dma_wait3A_92 : memref<1x128xi32, #tpu.memory_space<vmem>> -> memref<128xi32, #tpu.memory_space<vmem>>
        %dma_wait3A_94 = arith.constant 0 : i32
        %dma_wait3A_95 = arith.constant 0 : i32
        %dma_wait3A_96 = tpu.memref_slice %arg12[%dma_wait3A_94, %dma_wait3A_95] : memref<6144x128xf32, #tpu.memory_space<vmem_shared>> -> memref<6144x128xf32, #tpu.memory_space<vmem_shared>>
        tpu.wait_indirect_dma semaphore(%run_scoped3A : memref<!tpu.dma_semaphore, #tpu.memory_space<semaphore_mem>>) src(%arg10 : memref<128x128xf32, #tpu.memory_space<vmem>>) dst(%dma_wait3A_96 : memref<6144x128xf32, #tpu.memory_space<vmem_shared>>)
        tpu.yield
      }) : () -> ()
      %add3A_67 = arith.constant 2 : i32
      %add3A_68 = arith.addi %mul3A_54, %add3A_67 : i32
      %dma_start3A_69 = arith.constant 0 : i32
      %dma_start3A_70 = tpu.memref_slice %arg7[%add3A_68, %dma_start3A_69] : memref<158x128xi32, #tpu.memory_space<vmem>> -> memref<1x128xi32, #tpu.memory_space<vmem>>
      %dma_start3A_71 = tpu.memref_squeeze %dma_start3A_70 : memref<1x128xi32, #tpu.memory_space<vmem>> -> memref<128xi32, #tpu.memory_space<vmem>>
      %dma_start3A_72 = arith.constant 0 : i32
      %dma_start3A_73 = arith.constant 0 : i32
      %dma_start3A_74 = tpu.memref_slice %arg2[%dma_start3A_72, %dma_start3A_73] : memref<10000x128xf32, #tpu.memory_space<hbm>> -> memref<10000x128xf32, #tpu.memory_space<hbm>>
      tpu.enqueue_indirect_dma source(%dma_start3A_74 : memref<10000x128xf32, #tpu.memory_space<hbm>>) target(%arg10 : memref<128x128xf32, #tpu.memory_space<vmem>>) offsets(%dma_start3A_71 : memref<128xi32, #tpu.memory_space<vmem>>) semaphore(%arg13 : memref<!tpu.dma_semaphore, #tpu.memory_space<semaphore_mem>>)
      %add3A_75 = arith.constant 1 : i32
      %add3A_76 = arith.addi %mul3A_54, %add3A_75 : i32
      %dma_wait3A_77 = arith.constant 0 : i32
      %dma_wait3A_78 = tpu.memref_slice %arg7[%add3A_76, %dma_wait3A_77] : memref<158x128xi32, #tpu.memory_space<vmem>> -> memref<1x128xi32, #tpu.memory_space<vmem>>
      %dma_wait3A_79 = tpu.memref_squeeze %dma_wait3A_78 : memref<1x128xi32, #tpu.memory_space<vmem>> -> memref<128xi32, #tpu.memory_space<vmem>>
      %dma_wait3A_80 = arith.constant 0 : i32
      %dma_wait3A_81 = arith.constant 0 : i32
      %dma_wait3A_82 = tpu.memref_slice %arg2[%dma_wait3A_80, %dma_wait3A_81] : memref<10000x128xf32, #tpu.memory_space<hbm>> -> memref<10000x128xf32, #tpu.memory_space<hbm>>
      tpu.wait_indirect_dma semaphore(%arg14 : memref<!tpu.dma_semaphore, #tpu.memory_space<semaphore_mem>>) src(%dma_wait3A_82 : memref<10000x128xf32, #tpu.memory_space<hbm>>) dst(%arg11 : memref<128x128xf32, #tpu.memory_space<vmem>>)
      %add3A_83 = arith.constant 1 : i32
      %add3A_84 = arith.addi %mul3A_54, %add3A_83 : i32
      "tpu.region"() ({
        %run_scoped3A = tpu.sem_alloc : memref<!tpu.dma_semaphore, #tpu.memory_space<semaphore_mem>>
        %dma_start3A_85 = arith.constant 0 : i32
        %dma_start3A_86 = tpu.memref_slice %arg8[%add3A_84, %dma_start3A_85] : memref<158x128xi32, #tpu.memory_space<vmem>> -> memref<1x128xi32, #tpu.memory_space<vmem>>
        %dma_start3A_87 = tpu.memref_squeeze %dma_start3A_86 : memref<1x128xi32, #tpu.memory_space<vmem>> -> memref<128xi32, #tpu.memory_space<vmem>>
        %dma_start3A_88 = arith.constant 0 : i32
        %dma_start3A_89 = arith.constant 0 : i32
        %dma_start3A_90 = tpu.memref_slice %arg12[%dma_start3A_88, %dma_start3A_89] : memref<6144x128xf32, #tpu.memory_space<vmem_shared>> -> memref<6144x128xf32, #tpu.memory_space<vmem_shared>>
        tpu.enqueue_indirect_dma source(%arg11 : memref<128x128xf32, #tpu.memory_space<vmem>>) target(%dma_start3A_90 : memref<6144x128xf32, #tpu.memory_space<vmem_shared>>) offsets(%dma_start3A_87 : memref<128xi32, #tpu.memory_space<vmem>>) semaphore(%run_scoped3A : memref<!tpu.dma_semaphore, #tpu.memory_space<semaphore_mem>>) {add = true}
        %dma_wait3A_91 = arith.constant 0 : i32
        %dma_wait3A_92 = tpu.memref_slice %arg8[%add3A_84, %dma_wait3A_91] : memref<158x128xi32, #tpu.memory_space<vmem>> -> memref<1x128xi32, #tpu.memory_space<vmem>>
        %dma_wait3A_93 = tpu.memref_squeeze %dma_wait3A_92 : memref<1x128xi32, #tpu.memory_space<vmem>> -> memref<128xi32, #tpu.memory_space<vmem>>
        %dma_wait3A_94 = arith.constant 0 : i32
        %dma_wait3A_95 = arith.constant 0 : i32
        %dma_wait3A_96 = tpu.memref_slice %arg12[%dma_wait3A_94, %dma_wait3A_95] : memref<6144x128xf32, #tpu.memory_space<vmem_shared>> -> memref<6144x128xf32, #tpu.memory_space<vmem_shared>>
        tpu.wait_indirect_dma semaphore(%run_scoped3A : memref<!tpu.dma_semaphore, #tpu.memory_space<semaphore_mem>>) src(%arg11 : memref<128x128xf32, #tpu.memory_space<vmem>>) dst(%dma_wait3A_96 : memref<6144x128xf32, #tpu.memory_space<vmem_shared>>)
        tpu.yield
      }) : () -> ()
    }
    %gt3A_40 = arith.constant 0 : i32
    %gt3A_41 = arith.cmpi sgt, %squeeze3A, %gt3A_40 : i32
    %convert_element_type3A_42 = arith.extui %gt3A_41 : i1 to i32
    %cond3A_43 = arith.constant 0 : i32
    %cond3A_44 = arith.cmpi ne, %convert_element_type3A_42, %cond3A_43 : i32
    scf.if %cond3A_44 {
      %sub3A_52 = arith.constant 1 : i32
      %sub3A_53 = arith.subi %squeeze3A, %sub3A_52 : i32
      %dma_wait3A = arith.constant 0 : i32
      %dma_wait3A_54 = tpu.memref_slice %arg7[%sub3A_53, %dma_wait3A] : memref<158x128xi32, #tpu.memory_space<vmem>> -> memref<1x128xi32, #tpu.memory_space<vmem>>
      %dma_wait3A_55 = tpu.memref_squeeze %dma_wait3A_54 : memref<1x128xi32, #tpu.memory_space<vmem>> -> memref<128xi32, #tpu.memory_space<vmem>>
      %dma_wait3A_56 = arith.constant 0 : i32
      %dma_wait3A_57 = arith.constant 0 : i32
      %dma_wait3A_58 = tpu.memref_slice %arg2[%dma_wait3A_56, %dma_wait3A_57] : memref<10000x128xf32, #tpu.memory_space<hbm>> -> memref<10000x128xf32, #tpu.memory_space<hbm>>
      tpu.wait_indirect_dma semaphore(%arg13 : memref<!tpu.dma_semaphore, #tpu.memory_space<semaphore_mem>>) src(%dma_wait3A_58 : memref<10000x128xf32, #tpu.memory_space<hbm>>) dst(%arg10 : memref<128x128xf32, #tpu.memory_space<vmem>>)
      %jit3A_59 = arith.constant 2 : i32
      %eq3A = arith.constant 0 : i32
      %eq3A_60 = arith.cmpi eq, %jit3A_59, %eq3A : i32
      %jit3A_61 = arith.constant 1 : i32
      %select_n3A_62 = arith.select %eq3A_60, %jit3A_61, %jit3A_59 : i32
      %rem3A_63 = arith.remsi %squeeze3A, %select_n3A_62 : i32
      %ne3A_64 = arith.constant 0 : i32
      %ne3A_65 = arith.cmpi ne, %rem3A_63, %ne3A_64 : i32
      %lt3A = arith.constant 0 : i32
      %lt3A_66 = arith.cmpi slt, %rem3A_63, %lt3A : i32
      %lt3A_67 = arith.constant 0 : i32
      %lt3A_68 = arith.cmpi slt, %select_n3A_62, %lt3A_67 : i32
      %ne3A_69 = arith.xori %lt3A_66, %lt3A_68 : i1
      %and3A_70 = arith.andi %ne3A_69, %ne3A_65 : i1
      %add3A_71 = arith.addi %rem3A_63, %select_n3A_62 : i32
      %select_n3A_72 = arith.select %and3A_70, %add3A_71, %rem3A_63 : i32
      %eq3A_73 = arith.constant 1 : i32
      %eq3A_74 = arith.cmpi eq, %select_n3A_72, %eq3A_73 : i32
      %convert_element_type3A_75 = arith.extui %eq3A_74 : i1 to i32
      %cond3A_76 = arith.constant 0 : i32
      %cond3A_77 = arith.cmpi ne, %convert_element_type3A_75, %cond3A_76 : i32
      scf.if %cond3A_77 {
        %sub3A_78 = arith.constant 1 : i32
        %sub3A_79 = arith.subi %squeeze3A, %sub3A_78 : i32
        "tpu.region"() ({
          %run_scoped3A = tpu.sem_alloc : memref<!tpu.dma_semaphore, #tpu.memory_space<semaphore_mem>>
          %dma_start3A = arith.constant 0 : i32
          %dma_start3A_80 = tpu.memref_slice %arg8[%sub3A_79, %dma_start3A] : memref<158x128xi32, #tpu.memory_space<vmem>> -> memref<1x128xi32, #tpu.memory_space<vmem>>
          %dma_start3A_81 = tpu.memref_squeeze %dma_start3A_80 : memref<1x128xi32, #tpu.memory_space<vmem>> -> memref<128xi32, #tpu.memory_space<vmem>>
          %dma_start3A_82 = arith.constant 0 : i32
          %dma_start3A_83 = arith.constant 0 : i32
          %dma_start3A_84 = tpu.memref_slice %arg12[%dma_start3A_82, %dma_start3A_83] : memref<6144x128xf32, #tpu.memory_space<vmem_shared>> -> memref<6144x128xf32, #tpu.memory_space<vmem_shared>>
          tpu.enqueue_indirect_dma source(%arg10 : memref<128x128xf32, #tpu.memory_space<vmem>>) target(%dma_start3A_84 : memref<6144x128xf32, #tpu.memory_space<vmem_shared>>) offsets(%dma_start3A_81 : memref<128xi32, #tpu.memory_space<vmem>>) semaphore(%run_scoped3A : memref<!tpu.dma_semaphore, #tpu.memory_space<semaphore_mem>>) {add = true}
          %dma_wait3A_85 = arith.constant 0 : i32
          %dma_wait3A_86 = tpu.memref_slice %arg8[%sub3A_79, %dma_wait3A_85] : memref<158x128xi32, #tpu.memory_space<vmem>> -> memref<1x128xi32, #tpu.memory_space<vmem>>
          %dma_wait3A_87 = tpu.memref_squeeze %dma_wait3A_86 : memref<1x128xi32, #tpu.memory_space<vmem>> -> memref<128xi32, #tpu.memory_space<vmem>>
          %dma_wait3A_88 = arith.constant 0 : i32
          %dma_wait3A_89 = arith.constant 0 : i32
          %dma_wait3A_90 = tpu.memref_slice %arg12[%dma_wait3A_88, %dma_wait3A_89] : memref<6144x128xf32, #tpu.memory_space<vmem_shared>> -> memref<6144x128xf32, #tpu.memory_space<vmem_shared>>
          tpu.wait_indirect_dma semaphore(%run_scoped3A : memref<!tpu.dma_semaphore, #tpu.memory_space<semaphore_mem>>) src(%arg10 : memref<128x128xf32, #tpu.memory_space<vmem>>) dst(%dma_wait3A_90 : memref<6144x128xf32, #tpu.memory_space<vmem_shared>>)
          tpu.yield
        }) : () -> ()
      } else {
      }
    } else {
    }
    %barrier3A_45 = arith.constant 0 : index
    tpu.barrier barrier_id(%barrier3A_45)
    %add3A_46 = arith.constant 0 : i32
    %add3A_47 = arith.addi %mul3A_7, %add3A_46 : i32
    "tpu.region"() ({
      %run_scoped3A = tpu.sem_alloc : memref<!tpu.dma_semaphore, #tpu.memory_space<semaphore_mem>>
      %dma_start3A = arith.constant 0 : i32
      %dma_start3A_52 = tpu.memref_slice %arg6[%arg0, %add3A_47, %dma_start3A] : memref<2x6144x128xf32, #tpu.memory_space<hbm>> -> memref<1x128x128xf32, #tpu.memory_space<hbm>>
      %dma_start3A_53 = tpu.memref_squeeze %dma_start3A_52 : memref<1x128x128xf32, #tpu.memory_space<hbm>> -> memref<128x128xf32, #tpu.memory_space<hbm>>
      %dma_start3A_54 = arith.constant 0 : i32
      %dma_start3A_55 = tpu.memref_slice %arg12[%add3A_47, %dma_start3A_54] : memref<6144x128xf32, #tpu.memory_space<vmem_shared>> -> memref<128x128xf32, #tpu.memory_space<vmem_shared>>
      tpu.enqueue_dma source(%dma_start3A_55 : memref<128x128xf32, #tpu.memory_space<vmem_shared>>) target(%dma_start3A_53 : memref<128x128xf32, #tpu.memory_space<hbm>>) target_semaphore(%run_scoped3A : memref<!tpu.dma_semaphore, #tpu.memory_space<semaphore_mem>>)
      %dma_wait3A = arith.constant 0 : i32
      %dma_wait3A_56 = tpu.memref_slice %arg6[%arg0, %add3A_47, %dma_wait3A] : memref<2x6144x128xf32, #tpu.memory_space<hbm>> -> memref<1x128x128xf32, #tpu.memory_space<hbm>>
      %dma_wait3A_57 = tpu.memref_squeeze %dma_wait3A_56 : memref<1x128x128xf32, #tpu.memory_space<hbm>> -> memref<128x128xf32, #tpu.memory_space<hbm>>
      %dma_wait3A_58 = arith.constant 0 : i32
      %dma_wait3A_59 = tpu.memref_slice %arg12[%add3A_47, %dma_wait3A_58] : memref<6144x128xf32, #tpu.memory_space<vmem_shared>> -> memref<128x128xf32, #tpu.memory_space<vmem_shared>>
      tpu.wait_dma2 semaphore(%run_scoped3A : memref<!tpu.dma_semaphore, #tpu.memory_space<semaphore_mem>>) src(%dma_wait3A_59 : memref<128x128xf32, #tpu.memory_space<vmem_shared>>) dst(%dma_wait3A_57 : memref<128x128xf32, #tpu.memory_space<hbm>>)
      tpu.yield
    }) : () -> ()
    %add3A_48 = arith.constant 128 : i32
    %add3A_49 = arith.addi %mul3A_7, %add3A_48 : i32
    "tpu.region"() ({
      %run_scoped3A = tpu.sem_alloc : memref<!tpu.dma_semaphore, #tpu.memory_space<semaphore_mem>>
      %dma_start3A = arith.constant 0 : i32
      %dma_start3A_52 = tpu.memref_slice %arg6[%arg0, %add3A_49, %dma_start3A] : memref<2x6144x128xf32, #tpu.memory_space<hbm>> -> memref<1x128x128xf32, #tpu.memory_space<hbm>>
      %dma_start3A_53 = tpu.memref_squeeze %dma_start3A_52 : memref<1x128x128xf32, #tpu.memory_space<hbm>> -> memref<128x128xf32, #tpu.memory_space<hbm>>
      %dma_start3A_54 = arith.constant 0 : i32
      %dma_start3A_55 = tpu.memref_slice %arg12[%add3A_49, %dma_start3A_54] : memref<6144x128xf32, #tpu.memory_space<vmem_shared>> -> memref<128x128xf32, #tpu.memory_space<vmem_shared>>
      tpu.enqueue_dma source(%dma_start3A_55 : memref<128x128xf32, #tpu.memory_space<vmem_shared>>) target(%dma_start3A_53 : memref<128x128xf32, #tpu.memory_space<hbm>>) target_semaphore(%run_scoped3A : memref<!tpu.dma_semaphore, #tpu.memory_space<semaphore_mem>>)
      %dma_wait3A = arith.constant 0 : i32
      %dma_wait3A_56 = tpu.memref_slice %arg6[%arg0, %add3A_49, %dma_wait3A] : memref<2x6144x128xf32, #tpu.memory_space<hbm>> -> memref<1x128x128xf32, #tpu.memory_space<hbm>>
      %dma_wait3A_57 = tpu.memref_squeeze %dma_wait3A_56 : memref<1x128x128xf32, #tpu.memory_space<hbm>> -> memref<128x128xf32, #tpu.memory_space<hbm>>
      %dma_wait3A_58 = arith.constant 0 : i32
      %dma_wait3A_59 = tpu.memref_slice %arg12[%add3A_49, %dma_wait3A_58] : memref<6144x128xf32, #tpu.memory_space<vmem_shared>> -> memref<128x128xf32, #tpu.memory_space<vmem_shared>>
      tpu.wait_dma2 semaphore(%run_scoped3A : memref<!tpu.dma_semaphore, #tpu.memory_space<semaphore_mem>>) src(%dma_wait3A_59 : memref<128x128xf32, #tpu.memory_space<vmem_shared>>) dst(%dma_wait3A_57 : memref<128x128xf32, #tpu.memory_space<hbm>>)
      tpu.yield
    }) : () -> ()
    %add3A_50 = arith.constant 256 : i32
    %add3A_51 = arith.addi %mul3A_7, %add3A_50 : i32
    "tpu.region"() ({
      %run_scoped3A = tpu.sem_alloc : memref<!tpu.dma_semaphore, #tpu.memory_space<semaphore_mem>>
      %dma_start3A = arith.constant 0 : i32
      %dma_start3A_52 = tpu.memref_slice %arg6[%arg0, %add3A_51, %dma_start3A] : memref<2x6144x128xf32, #tpu.memory_space<hbm>> -> memref<1x128x128xf32, #tpu.memory_space<hbm>>
      %dma_start3A_53 = tpu.memref_squeeze %dma_start3A_52 : memref<1x128x128xf32, #tpu.memory_space<hbm>> -> memref<128x128xf32, #tpu.memory_space<hbm>>
      %dma_start3A_54 = arith.constant 0 : i32
      %dma_start3A_55 = tpu.memref_slice %arg12[%add3A_51, %dma_start3A_54] : memref<6144x128xf32, #tpu.memory_space<vmem_shared>> -> memref<128x128xf32, #tpu.memory_space<vmem_shared>>
      tpu.enqueue_dma source(%dma_start3A_55 : memref<128x128xf32, #tpu.memory_space<vmem_shared>>) target(%dma_start3A_53 : memref<128x128xf32, #tpu.memory_space<hbm>>) target_semaphore(%run_scoped3A : memref<!tpu.dma_semaphore, #tpu.memory_space<semaphore_mem>>)
      %dma_wait3A = arith.constant 0 : i32
      %dma_wait3A_56 = tpu.memref_slice %arg6[%arg0, %add3A_51, %dma_wait3A] : memref<2x6144x128xf32, #tpu.memory_space<hbm>> -> memref<1x128x128xf32, #tpu.memory_space<hbm>>
      %dma_wait3A_57 = tpu.memref_squeeze %dma_wait3A_56 : memref<1x128x128xf32, #tpu.memory_space<hbm>> -> memref<128x128xf32, #tpu.memory_space<hbm>>
      %dma_wait3A_58 = arith.constant 0 : i32
      %dma_wait3A_59 = tpu.memref_slice %arg12[%add3A_51, %dma_wait3A_58] : memref<6144x128xf32, #tpu.memory_space<vmem_shared>> -> memref<128x128xf32, #tpu.memory_space<vmem_shared>>
      tpu.wait_dma2 semaphore(%run_scoped3A : memref<!tpu.dma_semaphore, #tpu.memory_space<semaphore_mem>>) src(%dma_wait3A_59 : memref<128x128xf32, #tpu.memory_space<vmem_shared>>) dst(%dma_wait3A_57 : memref<128x128xf32, #tpu.memory_space<hbm>>)
      tpu.yield
    }) : () -> ()
    return
  }
}

#map = affine_map<(d0, d1) -> (0, 0)>
#map1 = affine_map<(d0, d1) -> (0, 0, 0, 0)>
#map2 = affine_map<(d0, d1) -> (0, 0, 0)>
module attributes {stable_mosaic.version = 14 : i64} {
  func.func @_agg_body(%arg0: i32, %arg1: i32, %arg2: memref<10000x128xf32, #tpu.memory_space<hbm>>, %arg3: memref<2x16x158x128xi32, #tpu.memory_space<hbm>>, %arg4: memref<2x16x158x128xi32, #tpu.memory_space<hbm>>, %arg5: memref<2x16xi32, #tpu.memory_space<hbm>>, %arg6: memref<2x6144x128xf32, #tpu.memory_space<hbm>>, %arg7: memref<158x128xi32, #tpu.memory_space<vmem>>, %arg8: memref<158x128xi32, #tpu.memory_space<vmem>>, %arg9: memref<16xi32, #tpu.memory_space<vmem>>, %arg10: memref<128x128xf32, #tpu.memory_space<vmem>>, %arg11: memref<128x128xf32, #tpu.memory_space<vmem>>, %arg12: memref<6144x128xf32, #tpu.memory_space<vmem_shared>>, %arg13: memref<!tpu.dma_semaphore, #tpu.memory_space<semaphore_mem>>, %arg14: memref<!tpu.dma_semaphore, #tpu.memory_space<semaphore_mem>>) attributes {dimension_semantics = [#tpu.dimension_semantics<core_parallel>, #tpu.dimension_semantics<subcore_parallel>], iteration_bounds = array<i64: 2, 16>, scalar_prefetch = 0 : i64, scratch_operands = 8 : i64, tpu.core_type = #tpu.core_type<sc_vector_subcore>, window_params = [{transform_indices = #map}, {transform_indices = #map1}, {transform_indices = #map1}, {transform_indices = #map}, {transform_indices = #map2}]} {
    "tpu.region"() ({
      %run_scoped3A = tpu.sem_alloc : memref<!tpu.dma_semaphore, #tpu.memory_space<semaphore_mem>>
      %dma_start3A = arith.constant 0 : i32
      %dma_start3A_52 = arith.constant 0 : i32
      %dma_start3A_53 = tpu.memref_slice %arg3[%arg0, %arg1, %dma_start3A, %dma_start3A_52] : memref<2x16x158x128xi32, #tpu.memory_space<hbm>> -> memref<1x1x158x128xi32, #tpu.memory_space<hbm>>
      %dma_start3A_54 = tpu.memref_squeeze %dma_start3A_53 : memref<1x1x158x128xi32, #tpu.memory_space<hbm>> -> memref<158x128xi32, #tpu.memory_space<hbm>>
      %dma_start3A_55 = arith.constant 0 : i32
      %dma_start3A_56 = arith.constant 0 : i32
      %dma_start3A_57 = tpu.memref_slice %arg3[%arg0, %arg1, %dma_start3A_55, %dma_start3A_56] : memref<2x16x158x128xi32, #tpu.memory_space<hbm>> -> memref<1x1x158x128xi32, #tpu.memory_space<hbm>>
      %dma_start3A_58 = tpu.memref_squeeze %dma_start3A_57 : memref<1x1x158x128xi32, #tpu.memory_space<hbm>> -> memref<158x128xi32, #tpu.memory_space<hbm>>
      tpu.enqueue_dma source(%dma_start3A_58 : memref<158x128xi32, #tpu.memory_space<hbm>>) target(%arg7 : memref<158x128xi32, #tpu.memory_space<vmem>>) target_semaphore(%run_scoped3A : memref<!tpu.dma_semaphore, #tpu.memory_space<semaphore_mem>>)
      %dma_wait3A = arith.constant 0 : i32
      %dma_wait3A_59 = arith.constant 0 : i32
      %dma_wait3A_60 = tpu.memref_slice %arg3[%arg0, %arg1, %dma_wait3A, %dma_wait3A_59] : memref<2x16x158x128xi32, #tpu.memory_space<hbm>> -> memref<1x1x158x128xi32, #tpu.memory_space<hbm>>
      %dma_wait3A_61 = tpu.memref_squeeze %dma_wait3A_60 : memref<1x1x158x128xi32, #tpu.memory_space<hbm>> -> memref<158x128xi32, #tpu.memory_space<hbm>>
      %dma_wait3A_62 = arith.constant 0 : i32
      %dma_wait3A_63 = arith.constant 0 : i32
      %dma_wait3A_64 = tpu.memref_slice %arg3[%arg0, %arg1, %dma_wait3A_62, %dma_wait3A_63] : memref<2x16x158x128xi32, #tpu.memory_space<hbm>> -> memref<1x1x158x128xi32, #tpu.memory_space<hbm>>
      %dma_wait3A_65 = tpu.memref_squeeze %dma_wait3A_64 : memref<1x1x158x128xi32, #tpu.memory_space<hbm>> -> memref<158x128xi32, #tpu.memory_space<hbm>>
      tpu.wait_dma2 semaphore(%run_scoped3A : memref<!tpu.dma_semaphore, #tpu.memory_space<semaphore_mem>>) src(%dma_wait3A_65 : memref<158x128xi32, #tpu.memory_space<hbm>>) dst(%arg7 : memref<158x128xi32, #tpu.memory_space<vmem>>)
      tpu.yield
    }) : () -> ()
    "tpu.region"() ({
      %run_scoped3A = tpu.sem_alloc : memref<!tpu.dma_semaphore, #tpu.memory_space<semaphore_mem>>
      %dma_start3A = arith.constant 0 : i32
      %dma_start3A_52 = arith.constant 0 : i32
      %dma_start3A_53 = tpu.memref_slice %arg4[%arg0, %arg1, %dma_start3A, %dma_start3A_52] : memref<2x16x158x128xi32, #tpu.memory_space<hbm>> -> memref<1x1x158x128xi32, #tpu.memory_space<hbm>>
      %dma_start3A_54 = tpu.memref_squeeze %dma_start3A_53 : memref<1x1x158x128xi32, #tpu.memory_space<hbm>> -> memref<158x128xi32, #tpu.memory_space<hbm>>
      %dma_start3A_55 = arith.constant 0 : i32
      %dma_start3A_56 = arith.constant 0 : i32
      %dma_start3A_57 = tpu.memref_slice %arg4[%arg0, %arg1, %dma_start3A_55, %dma_start3A_56] : memref<2x16x158x128xi32, #tpu.memory_space<hbm>> -> memref<1x1x158x128xi32, #tpu.memory_space<hbm>>
      %dma_start3A_58 = tpu.memref_squeeze %dma_start3A_57 : memref<1x1x158x128xi32, #tpu.memory_space<hbm>> -> memref<158x128xi32, #tpu.memory_space<hbm>>
      tpu.enqueue_dma source(%dma_start3A_58 : memref<158x128xi32, #tpu.memory_space<hbm>>) target(%arg8 : memref<158x128xi32, #tpu.memory_space<vmem>>) target_semaphore(%run_scoped3A : memref<!tpu.dma_semaphore, #tpu.memory_space<semaphore_mem>>)
      %dma_wait3A = arith.constant 0 : i32
      %dma_wait3A_59 = arith.constant 0 : i32
      %dma_wait3A_60 = tpu.memref_slice %arg4[%arg0, %arg1, %dma_wait3A, %dma_wait3A_59] : memref<2x16x158x128xi32, #tpu.memory_space<hbm>> -> memref<1x1x158x128xi32, #tpu.memory_space<hbm>>
      %dma_wait3A_61 = tpu.memref_squeeze %dma_wait3A_60 : memref<1x1x158x128xi32, #tpu.memory_space<hbm>> -> memref<158x128xi32, #tpu.memory_space<hbm>>
      %dma_wait3A_62 = arith.constant 0 : i32
      %dma_wait3A_63 = arith.constant 0 : i32
      %dma_wait3A_64 = tpu.memref_slice %arg4[%arg0, %arg1, %dma_wait3A_62, %dma_wait3A_63] : memref<2x16x158x128xi32, #tpu.memory_space<hbm>> -> memref<1x1x158x128xi32, #tpu.memory_space<hbm>>
      %dma_wait3A_65 = tpu.memref_squeeze %dma_wait3A_64 : memref<1x1x158x128xi32, #tpu.memory_space<hbm>> -> memref<158x128xi32, #tpu.memory_space<hbm>>
      tpu.wait_dma2 semaphore(%run_scoped3A : memref<!tpu.dma_semaphore, #tpu.memory_space<semaphore_mem>>) src(%dma_wait3A_65 : memref<158x128xi32, #tpu.memory_space<hbm>>) dst(%arg8 : memref<158x128xi32, #tpu.memory_space<vmem>>)
      tpu.yield
    }) : () -> ()
    "tpu.region"() ({
      %run_scoped3A = tpu.sem_alloc : memref<!tpu.dma_semaphore, #tpu.memory_space<semaphore_mem>>
      %dma_start3A = arith.constant 0 : i32
      %dma_start3A_52 = tpu.memref_slice %arg5[%arg0, %dma_start3A] : memref<2x16xi32, #tpu.memory_space<hbm>> -> memref<1x16xi32, #tpu.memory_space<hbm>>
      %dma_start3A_53 = tpu.memref_squeeze %dma_start3A_52 : memref<1x16xi32, #tpu.memory_space<hbm>> -> memref<16xi32, #tpu.memory_space<hbm>>
      %dma_start3A_54 = arith.constant 0 : i32
      %dma_start3A_55 = tpu.memref_slice %arg5[%arg0, %dma_start3A_54] : memref<2x16xi32, #tpu.memory_space<hbm>> -> memref<1x16xi32, #tpu.memory_space<hbm>>
      %dma_start3A_56 = tpu.memref_squeeze %dma_start3A_55 : memref<1x16xi32, #tpu.memory_space<hbm>> -> memref<16xi32, #tpu.memory_space<hbm>>
      tpu.enqueue_dma source(%dma_start3A_56 : memref<16xi32, #tpu.memory_space<hbm>>) target(%arg9 : memref<16xi32, #tpu.memory_space<vmem>>) target_semaphore(%run_scoped3A : memref<!tpu.dma_semaphore, #tpu.memory_space<semaphore_mem>>)
      %dma_wait3A = arith.constant 0 : i32
      %dma_wait3A_57 = tpu.memref_slice %arg5[%arg0, %dma_wait3A] : memref<2x16xi32, #tpu.memory_space<hbm>> -> memref<1x16xi32, #tpu.memory_space<hbm>>
      %dma_wait3A_58 = tpu.memref_squeeze %dma_wait3A_57 : memref<1x16xi32, #tpu.memory_space<hbm>> -> memref<16xi32, #tpu.memory_space<hbm>>
      %dma_wait3A_59 = arith.constant 0 : i32
      %dma_wait3A_60 = tpu.memref_slice %arg5[%arg0, %dma_wait3A_59] : memref<2x16xi32, #tpu.memory_space<hbm>> -> memref<1x16xi32, #tpu.memory_space<hbm>>
      %dma_wait3A_61 = tpu.memref_squeeze %dma_wait3A_60 : memref<1x16xi32, #tpu.memory_space<hbm>> -> memref<16xi32, #tpu.memory_space<hbm>>
      tpu.wait_dma2 semaphore(%run_scoped3A : memref<!tpu.dma_semaphore, #tpu.memory_space<semaphore_mem>>) src(%dma_wait3A_61 : memref<16xi32, #tpu.memory_space<hbm>>) dst(%arg9 : memref<16xi32, #tpu.memory_space<vmem>>)
      tpu.yield
    }) : () -> ()
    %get3A = arith.constant 0 : index
    %get3A_0 = tpu.vector_load %arg9[%get3A] {strides = array<i32>} : memref<16xi32, #tpu.memory_space<vmem>>, vector<16xi32>,
    %get3A_1 = vector.shape_cast %get3A_0 : vector<16xi32> to vector<16xi32>
    %slice3A = vector.extract_strided_slice %get3A_1 {offsets = [0], sizes = [1], strides = [1]} : vector<16xi32> to vector<1xi32>
    %squeeze3A = vector.extract %slice3A[0] : i32 from vector<1xi32>
    %scan3A = arith.constant 0 : i32
    %scan3A_2 = arith.constant 0 : i32
    %scan3A_3 = arith.constant 128 : i32
    %scan3A_4 = arith.addi %scan3A_2, %scan3A_3 : i32
    %scan3A_5 = arith.constant 1 : i32
    scf.for %scan3A_52 = %scan3A_2 to %scan3A_4 step %scan3A_5  : i32 {
      %broadcast_in_dim3A = arith.constant 0.000000e+00 : f32
      %broadcast_in_dim3A_53 = vector.broadcast %broadcast_in_dim3A : f32 to vector<16xf32>
      %swap3A = arith.index_cast %scan3A_52 : i32 to index
      %swap3A_54 = arith.constant 0 : index
      %swap3A_55 = tpu.vector_load %arg10[%swap3A, %swap3A_54] {strides = array<i32>} : memref<128x128xf32, #tpu.memory_space<vmem>>, vector<1x16xf32>,
      %swap3A_56 = vector.shape_cast %swap3A_55 : vector<1x16xf32> to vector<16xf32>
      %swap3A_57 = vector.shape_cast %broadcast_in_dim3A_53 : vector<16xf32> to vector<1x16xf32>
      tpu.vector_store %arg10[%swap3A, %swap3A_54], %swap3A_57 {strides = array<i32>} : memref<128x128xf32, #tpu.memory_space<vmem>>, vector<1x16xf32>,
      %broadcast_in_dim3A_58 = arith.constant 0.000000e+00 : f32
      %broadcast_in_dim3A_59 = vector.broadcast %broadcast_in_dim3A_58 : f32 to vector<16xf32>
      %swap3A_60 = arith.index_cast %scan3A_52 : i32 to index
      %swap3A_61 = arith.constant 16 : index
      %swap3A_62 = tpu.vector_load %arg10[%swap3A_60, %swap3A_61] {strides = array<i32>} : memref<128x128xf32, #tpu.memory_space<vmem>>, vector<1x16xf32>,
      %swap3A_63 = vector.shape_cast %swap3A_62 : vector<1x16xf32> to vector<16xf32>
      %swap3A_64 = vector.shape_cast %broadcast_in_dim3A_59 : vector<16xf32> to vector<1x16xf32>
      tpu.vector_store %arg10[%swap3A_60, %swap3A_61], %swap3A_64 {strides = array<i32>} : memref<128x128xf32, #tpu.memory_space<vmem>>, vector<1x16xf32>,
      %broadcast_in_dim3A_65 = arith.constant 0.000000e+00 : f32
      %broadcast_in_dim3A_66 = vector.broadcast %broadcast_in_dim3A_65 : f32 to vector<16xf32>
      %swap3A_67 = arith.index_cast %scan3A_52 : i32 to index
      %swap3A_68 = arith.constant 32 : index
      %swap3A_69 = tpu.vector_load %arg10[%swap3A_67, %swap3A_68] {strides = array<i32>} : memref<128x128xf32, #tpu.memory_space<vmem>>, vector<1x16xf32>,
      %swap3A_70 = vector.shape_cast %swap3A_69 : vector<1x16xf32> to vector<16xf32>
      %swap3A_71 = vector.shape_cast %broadcast_in_dim3A_66 : vector<16xf32> to vector<1x16xf32>
      tpu.vector_store %arg10[%swap3A_67, %swap3A_68], %swap3A_71 {strides = array<i32>} : memref<128x128xf32, #tpu.memory_space<vmem>>, vector<1x16xf32>,
      %broadcast_in_dim3A_72 = arith.constant 0.000000e+00 : f32
      %broadcast_in_dim3A_73 = vector.broadcast %broadcast_in_dim3A_72 : f32 to vector<16xf32>
      %swap3A_74 = arith.index_cast %scan3A_52 : i32 to index
      %swap3A_75 = arith.constant 48 : index
      %swap3A_76 = tpu.vector_load %arg10[%swap3A_74, %swap3A_75] {strides = array<i32>} : memref<128x128xf32, #tpu.memory_space<vmem>>, vector<1x16xf32>,
      %swap3A_77 = vector.shape_cast %swap3A_76 : vector<1x16xf32> to vector<16xf32>
      %swap3A_78 = vector.shape_cast %broadcast_in_dim3A_73 : vector<16xf32> to vector<1x16xf32>
      tpu.vector_store %arg10[%swap3A_74, %swap3A_75], %swap3A_78 {strides = array<i32>} : memref<128x128xf32, #tpu.memory_space<vmem>>, vector<1x16xf32>,
      %broadcast_in_dim3A_79 = arith.constant 0.000000e+00 : f32
      %broadcast_in_dim3A_80 = vector.broadcast %broadcast_in_dim3A_79 : f32 to vector<16xf32>
      %swap3A_81 = arith.index_cast %scan3A_52 : i32 to index
      %swap3A_82 = arith.constant 64 : index
      %swap3A_83 = tpu.vector_load %arg10[%swap3A_81, %swap3A_82] {strides = array<i32>} : memref<128x128xf32, #tpu.memory_space<vmem>>, vector<1x16xf32>,
      %swap3A_84 = vector.shape_cast %swap3A_83 : vector<1x16xf32> to vector<16xf32>
      %swap3A_85 = vector.shape_cast %broadcast_in_dim3A_80 : vector<16xf32> to vector<1x16xf32>
      tpu.vector_store %arg10[%swap3A_81, %swap3A_82], %swap3A_85 {strides = array<i32>} : memref<128x128xf32, #tpu.memory_space<vmem>>, vector<1x16xf32>,
      %broadcast_in_dim3A_86 = arith.constant 0.000000e+00 : f32
      %broadcast_in_dim3A_87 = vector.broadcast %broadcast_in_dim3A_86 : f32 to vector<16xf32>
      %swap3A_88 = arith.index_cast %scan3A_52 : i32 to index
      %swap3A_89 = arith.constant 80 : index
      %swap3A_90 = tpu.vector_load %arg10[%swap3A_88, %swap3A_89] {strides = array<i32>} : memref<128x128xf32, #tpu.memory_space<vmem>>, vector<1x16xf32>,
      %swap3A_91 = vector.shape_cast %swap3A_90 : vector<1x16xf32> to vector<16xf32>
      %swap3A_92 = vector.shape_cast %broadcast_in_dim3A_87 : vector<16xf32> to vector<1x16xf32>
      tpu.vector_store %arg10[%swap3A_88, %swap3A_89], %swap3A_92 {strides = array<i32>} : memref<128x128xf32, #tpu.memory_space<vmem>>, vector<1x16xf32>,
      %broadcast_in_dim3A_93 = arith.constant 0.000000e+00 : f32
      %broadcast_in_dim3A_94 = vector.broadcast %broadcast_in_dim3A_93 : f32 to vector<16xf32>
      %swap3A_95 = arith.index_cast %scan3A_52 : i32 to index
      %swap3A_96 = arith.constant 96 : index
      %swap3A_97 = tpu.vector_load %arg10[%swap3A_95, %swap3A_96] {strides = array<i32>} : memref<128x128xf32, #tpu.memory_space<vmem>>, vector<1x16xf32>,
      %swap3A_98 = vector.shape_cast %swap3A_97 : vector<1x16xf32> to vector<16xf32>
      %swap3A_99 = vector.shape_cast %broadcast_in_dim3A_94 : vector<16xf32> to vector<1x16xf32>
      tpu.vector_store %arg10[%swap3A_95, %swap3A_96], %swap3A_99 {strides = array<i32>} : memref<128x128xf32, #tpu.memory_space<vmem>>, vector<1x16xf32>,
      %broadcast_in_dim3A_100 = arith.constant 0.000000e+00 : f32
      %broadcast_in_dim3A_101 = vector.broadcast %broadcast_in_dim3A_100 : f32 to vector<16xf32>
      %swap3A_102 = arith.index_cast %scan3A_52 : i32 to index
      %swap3A_103 = arith.constant 112 : index
      %swap3A_104 = tpu.vector_load %arg10[%swap3A_102, %swap3A_103] {strides = array<i32>} : memref<128x128xf32, #tpu.memory_space<vmem>>, vector<1x16xf32>,
      %swap3A_105 = vector.shape_cast %swap3A_104 : vector<1x16xf32> to vector<16xf32>
      %swap3A_106 = vector.shape_cast %broadcast_in_dim3A_101 : vector<16xf32> to vector<1x16xf32>
      tpu.vector_store %arg10[%swap3A_102, %swap3A_103], %swap3A_106 {strides = array<i32>} : memref<128x128xf32, #tpu.memory_space<vmem>>, vector<1x16xf32>,
    }
    %scan3A_6 = arith.constant 128 : i32
    %mul3A = arith.constant 384 : i32
    %mul3A_7 = arith.muli %arg1, %mul3A : i32
    %add3A = arith.constant 0 : i32
    %add3A_8 = arith.addi %mul3A_7, %add3A : i32
    "tpu.region"() ({
      %run_scoped3A = tpu.sem_alloc : memref<!tpu.dma_semaphore, #tpu.memory_space<semaphore_mem>>
      %dma_start3A = arith.constant 0 : i32
      %dma_start3A_52 = tpu.memref_slice %arg12[%add3A_8, %dma_start3A] : memref<6144x128xf32, #tpu.memory_space<vmem_shared>> -> memref<128x128xf32, #tpu.memory_space<vmem_shared>>
      %dma_start3A_53 = arith.constant 0 : i32
      %dma_start3A_54 = tpu.memref_slice %arg12[%add3A_8, %dma_start3A_53] : memref<6144x128xf32, #tpu.memory_space<vmem_shared>> -> memref<128x128xf32, #tpu.memory_space<vmem_shared>>
      tpu.enqueue_dma source(%arg10 : memref<128x128xf32, #tpu.memory_space<vmem>>) target(%dma_start3A_54 : memref<128x128xf32, #tpu.memory_space<vmem_shared>>) target_semaphore(%run_scoped3A : memref<!tpu.dma_semaphore, #tpu.memory_space<semaphore_mem>>)
      %dma_wait3A = arith.constant 0 : i32
      %dma_wait3A_55 = tpu.memref_slice %arg12[%add3A_8, %dma_wait3A] : memref<6144x128xf32, #tpu.memory_space<vmem_shared>> -> memref<128x128xf32, #tpu.memory_space<vmem_shared>>
      %dma_wait3A_56 = arith.constant 0 : i32
      %dma_wait3A_57 = tpu.memref_slice %arg12[%add3A_8, %dma_wait3A_56] : memref<6144x128xf32, #tpu.memory_space<vmem_shared>> -> memref<128x128xf32, #tpu.memory_space<vmem_shared>>
      tpu.wait_dma2 semaphore(%run_scoped3A : memref<!tpu.dma_semaphore, #tpu.memory_space<semaphore_mem>>) src(%arg10 : memref<128x128xf32, #tpu.memory_space<vmem>>) dst(%dma_wait3A_57 : memref<128x128xf32, #tpu.memory_space<vmem_shared>>)
      tpu.yield
    }) : () -> ()
    %add3A_9 = arith.constant 128 : i32
    %add3A_10 = arith.addi %mul3A_7, %add3A_9 : i32
    "tpu.region"() ({
      %run_scoped3A = tpu.sem_alloc : memref<!tpu.dma_semaphore, #tpu.memory_space<semaphore_mem>>
      %dma_start3A = arith.constant 0 : i32
      %dma_start3A_52 = tpu.memref_slice %arg12[%add3A_10, %dma_start3A] : memref<6144x128xf32, #tpu.memory_space<vmem_shared>> -> memref<128x128xf32, #tpu.memory_space<vmem_shared>>
      %dma_start3A_53 = arith.constant 0 : i32
      %dma_start3A_54 = tpu.memref_slice %arg12[%add3A_10, %dma_start3A_53] : memref<6144x128xf32, #tpu.memory_space<vmem_shared>> -> memref<128x128xf32, #tpu.memory_space<vmem_shared>>
      tpu.enqueue_dma source(%arg10 : memref<128x128xf32, #tpu.memory_space<vmem>>) target(%dma_start3A_54 : memref<128x128xf32, #tpu.memory_space<vmem_shared>>) target_semaphore(%run_scoped3A : memref<!tpu.dma_semaphore, #tpu.memory_space<semaphore_mem>>)
      %dma_wait3A = arith.constant 0 : i32
      %dma_wait3A_55 = tpu.memref_slice %arg12[%add3A_10, %dma_wait3A] : memref<6144x128xf32, #tpu.memory_space<vmem_shared>> -> memref<128x128xf32, #tpu.memory_space<vmem_shared>>
      %dma_wait3A_56 = arith.constant 0 : i32
      %dma_wait3A_57 = tpu.memref_slice %arg12[%add3A_10, %dma_wait3A_56] : memref<6144x128xf32, #tpu.memory_space<vmem_shared>> -> memref<128x128xf32, #tpu.memory_space<vmem_shared>>
      tpu.wait_dma2 semaphore(%run_scoped3A : memref<!tpu.dma_semaphore, #tpu.memory_space<semaphore_mem>>) src(%arg10 : memref<128x128xf32, #tpu.memory_space<vmem>>) dst(%dma_wait3A_57 : memref<128x128xf32, #tpu.memory_space<vmem_shared>>)
      tpu.yield
    }) : () -> ()
    %add3A_11 = arith.constant 256 : i32
    %add3A_12 = arith.addi %mul3A_7, %add3A_11 : i32
    "tpu.region"() ({
      %run_scoped3A = tpu.sem_alloc : memref<!tpu.dma_semaphore, #tpu.memory_space<semaphore_mem>>
      %dma_start3A = arith.constant 0 : i32
      %dma_start3A_52 = tpu.memref_slice %arg12[%add3A_12, %dma_start3A] : memref<6144x128xf32, #tpu.memory_space<vmem_shared>> -> memref<128x128xf32, #tpu.memory_space<vmem_shared>>
      %dma_start3A_53 = arith.constant 0 : i32
      %dma_start3A_54 = tpu.memref_slice %arg12[%add3A_12, %dma_start3A_53] : memref<6144x128xf32, #tpu.memory_space<vmem_shared>> -> memref<128x128xf32, #tpu.memory_space<vmem_shared>>
      tpu.enqueue_dma source(%arg10 : memref<128x128xf32, #tpu.memory_space<vmem>>) target(%dma_start3A_54 : memref<128x128xf32, #tpu.memory_space<vmem_shared>>) target_semaphore(%run_scoped3A : memref<!tpu.dma_semaphore, #tpu.memory_space<semaphore_mem>>)
      %dma_wait3A = arith.constant 0 : i32
      %dma_wait3A_55 = tpu.memref_slice %arg12[%add3A_12, %dma_wait3A] : memref<6144x128xf32, #tpu.memory_space<vmem_shared>> -> memref<128x128xf32, #tpu.memory_space<vmem_shared>>
      %dma_wait3A_56 = arith.constant 0 : i32
      %dma_wait3A_57 = tpu.memref_slice %arg12[%add3A_12, %dma_wait3A_56] : memref<6144x128xf32, #tpu.memory_space<vmem_shared>> -> memref<128x128xf32, #tpu.memory_space<vmem_shared>>
      tpu.wait_dma2 semaphore(%run_scoped3A : memref<!tpu.dma_semaphore, #tpu.memory_space<semaphore_mem>>) src(%arg10 : memref<128x128xf32, #tpu.memory_space<vmem>>) dst(%dma_wait3A_57 : memref<128x128xf32, #tpu.memory_space<vmem_shared>>)
      tpu.yield
    }) : () -> ()
    %barrier3A = arith.constant 0 : index
    tpu.barrier barrier_id(%barrier3A)
    %gt3A = arith.constant 0 : i32
    %gt3A_13 = arith.cmpi sgt, %squeeze3A, %gt3A : i32
    %convert_element_type3A = arith.extui %gt3A_13 : i1 to i32
    %cond3A = arith.constant 0 : i32
    %cond3A_14 = arith.cmpi ne, %convert_element_type3A, %cond3A : i32
    scf.if %cond3A_14 {
      %dma_start3A = arith.constant 0 : i32
      %dma_start3A_52 = arith.constant 0 : i32
      %dma_start3A_53 = tpu.memref_slice %arg7[%dma_start3A, %dma_start3A_52] : memref<158x128xi32, #tpu.memory_space<vmem>> -> memref<1x128xi32, #tpu.memory_space<vmem>>
      %dma_start3A_54 = tpu.memref_squeeze %dma_start3A_53 : memref<1x128xi32, #tpu.memory_space<vmem>> -> memref<128xi32, #tpu.memory_space<vmem>>
      %dma_start3A_55 = arith.constant 0 : i32
      %dma_start3A_56 = arith.constant 0 : i32
      %dma_start3A_57 = tpu.memref_slice %arg2[%dma_start3A_55, %dma_start3A_56] : memref<10000x128xf32, #tpu.memory_space<hbm>> -> memref<10000x128xf32, #tpu.memory_space<hbm>>
      tpu.enqueue_indirect_dma source(%dma_start3A_57 : memref<10000x128xf32, #tpu.memory_space<hbm>>) target(%arg10 : memref<128x128xf32, #tpu.memory_space<vmem>>) offsets(%dma_start3A_54 : memref<128xi32, #tpu.memory_space<vmem>>) semaphore(%arg13 : memref<!tpu.dma_semaphore, #tpu.memory_space<semaphore_mem>>)
    } else {
    }
    %jit3A = arith.constant 2 : i32
    %div3A = arith.divsi %squeeze3A, %jit3A : i32
    %sign3A = arith.constant 0 : i32
    %sign3A_15 = arith.cmpi sgt, %squeeze3A, %sign3A : i32
    %sign3A_16 = arith.extui %sign3A_15 : i1 to i32
    %sign3A_17 = arith.constant 0 : i32
    %sign3A_18 = arith.cmpi slt, %squeeze3A, %sign3A_17 : i32
    %sign3A_19 = arith.extui %sign3A_18 : i1 to i32
    %sign3A_20 = arith.subi %sign3A_16, %sign3A_19 : i32
    %sign3A_21 = arith.constant 0 : i32
    %sign3A_22 = arith.cmpi sgt, %jit3A, %sign3A_21 : i32
    %sign3A_23 = arith.extui %sign3A_22 : i1 to i32
    %sign3A_24 = arith.constant 0 : i32
    %sign3A_25 = arith.cmpi slt, %jit3A, %sign3A_24 : i32
    %sign3A_26 = arith.extui %sign3A_25 : i1 to i32
    %sign3A_27 = arith.subi %sign3A_23, %sign3A_26 : i32
    %ne3A = arith.cmpi ne, %sign3A_20, %sign3A_27 : i32
    %rem3A = arith.remsi %squeeze3A, %jit3A : i32
    %ne3A_28 = arith.constant 0 : i32
    %ne3A_29 = arith.cmpi ne, %rem3A, %ne3A_28 : i32
    %and3A = arith.andi %ne3A, %ne3A_29 : i1
    %sub3A = arith.constant 1 : i32
    %sub3A_30 = arith.subi %div3A, %sub3A : i32
    %select_n3A = arith.select %and3A, %sub3A_30, %div3A : i32
    %while3A = arith.constant 0 : i32
    %while3A_31 = arith.constant 0 : i32
    %while3A_32 = arith.subi %select_n3A, %while3A_31 : i32
    %while3A_33 = arith.addi %while3A_31, %while3A_32 : i32
    %while3A_34 = arith.constant 1 : i32
    %while3A_35 = arith.divsi %while3A_32, %while3A_34 : i32
    %while3A_36 = arith.muli %while3A_35, %while3A_34 : i32
    %while3A_37 = arith.addi %while3A_31, %while3A_36 : i32
    %while3A_38 = arith.constant 1 : i32
    scf.for %while3A_52 = %while3A_31 to %while3A_37 step %while3A_38  : i32 {
      %mul3A_53 = arith.constant 2 : i32
      %mul3A_54 = arith.muli %while3A_52, %mul3A_53 : i32
      %add3A_55 = arith.constant 1 : i32
      %add3A_56 = arith.addi %mul3A_54, %add3A_55 : i32
      %dma_start3A = arith.constant 0 : i32
      %dma_start3A_57 = tpu.memref_slice %arg7[%add3A_56, %dma_start3A] : memref<158x128xi32, #tpu.memory_space<vmem>> -> memref<1x128xi32, #tpu.memory_space<vmem>>
      %dma_start3A_58 = tpu.memref_squeeze %dma_start3A_57 : memref<1x128xi32, #tpu.memory_space<vmem>> -> memref<128xi32, #tpu.memory_space<vmem>>
      %dma_start3A_59 = arith.constant 0 : i32
      %dma_start3A_60 = arith.constant 0 : i32
      %dma_start3A_61 = tpu.memref_slice %arg2[%dma_start3A_59, %dma_start3A_60] : memref<10000x128xf32, #tpu.memory_space<hbm>> -> memref<10000x128xf32, #tpu.memory_space<hbm>>
      tpu.enqueue_indirect_dma source(%dma_start3A_61 : memref<10000x128xf32, #tpu.memory_space<hbm>>) target(%arg11 : memref<128x128xf32, #tpu.memory_space<vmem>>) offsets(%dma_start3A_58 : memref<128xi32, #tpu.memory_space<vmem>>) semaphore(%arg14 : memref<!tpu.dma_semaphore, #tpu.memory_space<semaphore_mem>>)
      %dma_wait3A = arith.constant 0 : i32
      %dma_wait3A_62 = tpu.memref_slice %arg7[%mul3A_54, %dma_wait3A] : memref<158x128xi32, #tpu.memory_space<vmem>> -> memref<1x128xi32, #tpu.memory_space<vmem>>
      %dma_wait3A_63 = tpu.memref_squeeze %dma_wait3A_62 : memref<1x128xi32, #tpu.memory_space<vmem>> -> memref<128xi32, #tpu.memory_space<vmem>>
      %dma_wait3A_64 = arith.constant 0 : i32
      %dma_wait3A_65 = arith.constant 0 : i32
      %dma_wait3A_66 = tpu.memref_slice %arg2[%dma_wait3A_64, %dma_wait3A_65] : memref<10000x128xf32, #tpu.memory_space<hbm>> -> memref<10000x128xf32, #tpu.memory_space<hbm>>
      tpu.wait_indirect_dma semaphore(%arg13 : memref<!tpu.dma_semaphore, #tpu.memory_space<semaphore_mem>>) src(%dma_wait3A_66 : memref<10000x128xf32, #tpu.memory_space<hbm>>) dst(%arg10 : memref<128x128xf32, #tpu.memory_space<vmem>>)
      "tpu.region"() ({
        %run_scoped3A = tpu.sem_alloc : memref<!tpu.dma_semaphore, #tpu.memory_space<semaphore_mem>>
        %dma_start3A_85 = arith.constant 0 : i32
        %dma_start3A_86 = tpu.memref_slice %arg8[%mul3A_54, %dma_start3A_85] : memref<158x128xi32, #tpu.memory_space<vmem>> -> memref<1x128xi32, #tpu.memory_space<vmem>>
        %dma_start3A_87 = tpu.memref_squeeze %dma_start3A_86 : memref<1x128xi32, #tpu.memory_space<vmem>> -> memref<128xi32, #tpu.memory_space<vmem>>
        %dma_start3A_88 = arith.constant 0 : i32
        %dma_start3A_89 = arith.constant 0 : i32
        %dma_start3A_90 = tpu.memref_slice %arg12[%dma_start3A_88, %dma_start3A_89] : memref<6144x128xf32, #tpu.memory_space<vmem_shared>> -> memref<6144x128xf32, #tpu.memory_space<vmem_shared>>
        tpu.enqueue_indirect_dma source(%arg10 : memref<128x128xf32, #tpu.memory_space<vmem>>) target(%dma_start3A_90 : memref<6144x128xf32, #tpu.memory_space<vmem_shared>>) offsets(%dma_start3A_87 : memref<128xi32, #tpu.memory_space<vmem>>) semaphore(%run_scoped3A : memref<!tpu.dma_semaphore, #tpu.memory_space<semaphore_mem>>) {add = true}
        %dma_wait3A_91 = arith.constant 0 : i32
        %dma_wait3A_92 = tpu.memref_slice %arg8[%mul3A_54, %dma_wait3A_91] : memref<158x128xi32, #tpu.memory_space<vmem>> -> memref<1x128xi32, #tpu.memory_space<vmem>>
        %dma_wait3A_93 = tpu.memref_squeeze %dma_wait3A_92 : memref<1x128xi32, #tpu.memory_space<vmem>> -> memref<128xi32, #tpu.memory_space<vmem>>
        %dma_wait3A_94 = arith.constant 0 : i32
        %dma_wait3A_95 = arith.constant 0 : i32
        %dma_wait3A_96 = tpu.memref_slice %arg12[%dma_wait3A_94, %dma_wait3A_95] : memref<6144x128xf32, #tpu.memory_space<vmem_shared>> -> memref<6144x128xf32, #tpu.memory_space<vmem_shared>>
        tpu.wait_indirect_dma semaphore(%run_scoped3A : memref<!tpu.dma_semaphore, #tpu.memory_space<semaphore_mem>>) src(%arg10 : memref<128x128xf32, #tpu.memory_space<vmem>>) dst(%dma_wait3A_96 : memref<6144x128xf32, #tpu.memory_space<vmem_shared>>)
        tpu.yield
      }) : () -> ()
      %add3A_67 = arith.constant 2 : i32
      %add3A_68 = arith.addi %mul3A_54, %add3A_67 : i32
      %dma_start3A_69 = arith.constant 0 : i32
      %dma_start3A_70 = tpu.memref_slice %arg7[%add3A_68, %dma_start3A_69] : memref<158x128xi32, #tpu.memory_space<vmem>> -> memref<1x128xi32, #tpu.memory_space<vmem>>
      %dma_start3A_71 = tpu.memref_squeeze %dma_start3A_70 : memref<1x128xi32, #tpu.memory_space<vmem>> -> memref<128xi32, #tpu.memory_space<vmem>>
      %dma_start3A_72 = arith.constant 0 : i32
      %dma_start3A_73 = arith.constant 0 : i32
      %dma_start3A_74 = tpu.memref_slice %arg2[%dma_start3A_72, %dma_start3A_73] : memref<10000x128xf32, #tpu.memory_space<hbm>> -> memref<10000x128xf32, #tpu.memory_space<hbm>>
      tpu.enqueue_indirect_dma source(%dma_start3A_74 : memref<10000x128xf32, #tpu.memory_space<hbm>>) target(%arg10 : memref<128x128xf32, #tpu.memory_space<vmem>>) offsets(%dma_start3A_71 : memref<128xi32, #tpu.memory_space<vmem>>) semaphore(%arg13 : memref<!tpu.dma_semaphore, #tpu.memory_space<semaphore_mem>>)
      %add3A_75 = arith.constant 1 : i32
      %add3A_76 = arith.addi %mul3A_54, %add3A_75 : i32
      %dma_wait3A_77 = arith.constant 0 : i32
      %dma_wait3A_78 = tpu.memref_slice %arg7[%add3A_76, %dma_wait3A_77] : memref<158x128xi32, #tpu.memory_space<vmem>> -> memref<1x128xi32, #tpu.memory_space<vmem>>
      %dma_wait3A_79 = tpu.memref_squeeze %dma_wait3A_78 : memref<1x128xi32, #tpu.memory_space<vmem>> -> memref<128xi32, #tpu.memory_space<vmem>>
      %dma_wait3A_80 = arith.constant 0 : i32
      %dma_wait3A_81 = arith.constant 0 : i32
      %dma_wait3A_82 = tpu.memref_slice %arg2[%dma_wait3A_80, %dma_wait3A_81] : memref<10000x128xf32, #tpu.memory_space<hbm>> -> memref<10000x128xf32, #tpu.memory_space<hbm>>
      tpu.wait_indirect_dma semaphore(%arg14 : memref<!tpu.dma_semaphore, #tpu.memory_space<semaphore_mem>>) src(%dma_wait3A_82 : memref<10000x128xf32, #tpu.memory_space<hbm>>) dst(%arg11 : memref<128x128xf32, #tpu.memory_space<vmem>>)
      %add3A_83 = arith.constant 1 : i32
      %add3A_84 = arith.addi %mul3A_54, %add3A_83 : i32
      "tpu.region"() ({
        %run_scoped3A = tpu.sem_alloc : memref<!tpu.dma_semaphore, #tpu.memory_space<semaphore_mem>>
        %dma_start3A_85 = arith.constant 0 : i32
        %dma_start3A_86 = tpu.memref_slice %arg8[%add3A_84, %dma_start3A_85] : memref<158x128xi32, #tpu.memory_space<vmem>> -> memref<1x128xi32, #tpu.memory_space<vmem>>
        %dma_start3A_87 = tpu.memref_squeeze %dma_start3A_86 : memref<1x128xi32, #tpu.memory_space<vmem>> -> memref<128xi32, #tpu.memory_space<vmem>>
        %dma_start3A_88 = arith.constant 0 : i32
        %dma_start3A_89 = arith.constant 0 : i32
        %dma_start3A_90 = tpu.memref_slice %arg12[%dma_start3A_88, %dma_start3A_89] : memref<6144x128xf32, #tpu.memory_space<vmem_shared>> -> memref<6144x128xf32, #tpu.memory_space<vmem_shared>>
        tpu.enqueue_indirect_dma source(%arg11 : memref<128x128xf32, #tpu.memory_space<vmem>>) target(%dma_start3A_90 : memref<6144x128xf32, #tpu.memory_space<vmem_shared>>) offsets(%dma_start3A_87 : memref<128xi32, #tpu.memory_space<vmem>>) semaphore(%run_scoped3A : memref<!tpu.dma_semaphore, #tpu.memory_space<semaphore_mem>>) {add = true}
        %dma_wait3A_91 = arith.constant 0 : i32
        %dma_wait3A_92 = tpu.memref_slice %arg8[%add3A_84, %dma_wait3A_91] : memref<158x128xi32, #tpu.memory_space<vmem>> -> memref<1x128xi32, #tpu.memory_space<vmem>>
        %dma_wait3A_93 = tpu.memref_squeeze %dma_wait3A_92 : memref<1x128xi32, #tpu.memory_space<vmem>> -> memref<128xi32, #tpu.memory_space<vmem>>
        %dma_wait3A_94 = arith.constant 0 : i32
        %dma_wait3A_95 = arith.constant 0 : i32
        %dma_wait3A_96 = tpu.memref_slice %arg12[%dma_wait3A_94, %dma_wait3A_95] : memref<6144x128xf32, #tpu.memory_space<vmem_shared>> -> memref<6144x128xf32, #tpu.memory_space<vmem_shared>>
        tpu.wait_indirect_dma semaphore(%run_scoped3A : memref<!tpu.dma_semaphore, #tpu.memory_space<semaphore_mem>>) src(%arg11 : memref<128x128xf32, #tpu.memory_space<vmem>>) dst(%dma_wait3A_96 : memref<6144x128xf32, #tpu.memory_space<vmem_shared>>)
        tpu.yield
      }) : () -> ()
    }
    %while3A_39 = arith.constant 1 : i32
    scf.for %while3A_52 = %while3A_37 to %while3A_33 step %while3A_39  : i32 {
      %mul3A_53 = arith.constant 2 : i32
      %mul3A_54 = arith.muli %while3A_52, %mul3A_53 : i32
      %add3A_55 = arith.constant 1 : i32
      %add3A_56 = arith.addi %mul3A_54, %add3A_55 : i32
      %dma_start3A = arith.constant 0 : i32
      %dma_start3A_57 = tpu.memref_slice %arg7[%add3A_56, %dma_start3A] : memref<158x128xi32, #tpu.memory_space<vmem>> -> memref<1x128xi32, #tpu.memory_space<vmem>>
      %dma_start3A_58 = tpu.memref_squeeze %dma_start3A_57 : memref<1x128xi32, #tpu.memory_space<vmem>> -> memref<128xi32, #tpu.memory_space<vmem>>
      %dma_start3A_59 = arith.constant 0 : i32
      %dma_start3A_60 = arith.constant 0 : i32
      %dma_start3A_61 = tpu.memref_slice %arg2[%dma_start3A_59, %dma_start3A_60] : memref<10000x128xf32, #tpu.memory_space<hbm>> -> memref<10000x128xf32, #tpu.memory_space<hbm>>
      tpu.enqueue_indirect_dma source(%dma_start3A_61 : memref<10000x128xf32, #tpu.memory_space<hbm>>) target(%arg11 : memref<128x128xf32, #tpu.memory_space<vmem>>) offsets(%dma_start3A_58 : memref<128xi32, #tpu.memory_space<vmem>>) semaphore(%arg14 : memref<!tpu.dma_semaphore, #tpu.memory_space<semaphore_mem>>)
      %dma_wait3A = arith.constant 0 : i32
      %dma_wait3A_62 = tpu.memref_slice %arg7[%mul3A_54, %dma_wait3A] : memref<158x128xi32, #tpu.memory_space<vmem>> -> memref<1x128xi32, #tpu.memory_space<vmem>>
      %dma_wait3A_63 = tpu.memref_squeeze %dma_wait3A_62 : memref<1x128xi32, #tpu.memory_space<vmem>> -> memref<128xi32, #tpu.memory_space<vmem>>
      %dma_wait3A_64 = arith.constant 0 : i32
      %dma_wait3A_65 = arith.constant 0 : i32
      %dma_wait3A_66 = tpu.memref_slice %arg2[%dma_wait3A_64, %dma_wait3A_65] : memref<10000x128xf32, #tpu.memory_space<hbm>> -> memref<10000x128xf32, #tpu.memory_space<hbm>>
      tpu.wait_indirect_dma semaphore(%arg13 : memref<!tpu.dma_semaphore, #tpu.memory_space<semaphore_mem>>) src(%dma_wait3A_66 : memref<10000x128xf32, #tpu.memory_space<hbm>>) dst(%arg10 : memref<128x128xf32, #tpu.memory_space<vmem>>)
      "tpu.region"() ({
        %run_scoped3A = tpu.sem_alloc : memref<!tpu.dma_semaphore, #tpu.memory_space<semaphore_mem>>
        %dma_start3A_85 = arith.constant 0 : i32
        %dma_start3A_86 = tpu.memref_slice %arg8[%mul3A_54, %dma_start3A_85] : memref<158x128xi32, #tpu.memory_space<vmem>> -> memref<1x128xi32, #tpu.memory_space<vmem>>
        %dma_start3A_87 = tpu.memref_squeeze %dma_start3A_86 : memref<1x128xi32, #tpu.memory_space<vmem>> -> memref<128xi32, #tpu.memory_space<vmem>>
        %dma_start3A_88 = arith.constant 0 : i32
        %dma_start3A_89 = arith.constant 0 : i32
        %dma_start3A_90 = tpu.memref_slice %arg12[%dma_start3A_88, %dma_start3A_89] : memref<6144x128xf32, #tpu.memory_space<vmem_shared>> -> memref<6144x128xf32, #tpu.memory_space<vmem_shared>>
        tpu.enqueue_indirect_dma source(%arg10 : memref<128x128xf32, #tpu.memory_space<vmem>>) target(%dma_start3A_90 : memref<6144x128xf32, #tpu.memory_space<vmem_shared>>) offsets(%dma_start3A_87 : memref<128xi32, #tpu.memory_space<vmem>>) semaphore(%run_scoped3A : memref<!tpu.dma_semaphore, #tpu.memory_space<semaphore_mem>>) {add = true}
        %dma_wait3A_91 = arith.constant 0 : i32
        %dma_wait3A_92 = tpu.memref_slice %arg8[%mul3A_54, %dma_wait3A_91] : memref<158x128xi32, #tpu.memory_space<vmem>> -> memref<1x128xi32, #tpu.memory_space<vmem>>
        %dma_wait3A_93 = tpu.memref_squeeze %dma_wait3A_92 : memref<1x128xi32, #tpu.memory_space<vmem>> -> memref<128xi32, #tpu.memory_space<vmem>>
        %dma_wait3A_94 = arith.constant 0 : i32
        %dma_wait3A_95 = arith.constant 0 : i32
        %dma_wait3A_96 = tpu.memref_slice %arg12[%dma_wait3A_94, %dma_wait3A_95] : memref<6144x128xf32, #tpu.memory_space<vmem_shared>> -> memref<6144x128xf32, #tpu.memory_space<vmem_shared>>
        tpu.wait_indirect_dma semaphore(%run_scoped3A : memref<!tpu.dma_semaphore, #tpu.memory_space<semaphore_mem>>) src(%arg10 : memref<128x128xf32, #tpu.memory_space<vmem>>) dst(%dma_wait3A_96 : memref<6144x128xf32, #tpu.memory_space<vmem_shared>>)
        tpu.yield
      }) : () -> ()
      %add3A_67 = arith.constant 2 : i32
      %add3A_68 = arith.addi %mul3A_54, %add3A_67 : i32
      %dma_start3A_69 = arith.constant 0 : i32
      %dma_start3A_70 = tpu.memref_slice %arg7[%add3A_68, %dma_start3A_69] : memref<158x128xi32, #tpu.memory_space<vmem>> -> memref<1x128xi32, #tpu.memory_space<vmem>>
      %dma_start3A_71 = tpu.memref_squeeze %dma_start3A_70 : memref<1x128xi32, #tpu.memory_space<vmem>> -> memref<128xi32, #tpu.memory_space<vmem>>
      %dma_start3A_72 = arith.constant 0 : i32
      %dma_start3A_73 = arith.constant 0 : i32
      %dma_start3A_74 = tpu.memref_slice %arg2[%dma_start3A_72, %dma_start3A_73] : memref<10000x128xf32, #tpu.memory_space<hbm>> -> memref<10000x128xf32, #tpu.memory_space<hbm>>
      tpu.enqueue_indirect_dma source(%dma_start3A_74 : memref<10000x128xf32, #tpu.memory_space<hbm>>) target(%arg10 : memref<128x128xf32, #tpu.memory_space<vmem>>) offsets(%dma_start3A_71 : memref<128xi32, #tpu.memory_space<vmem>>) semaphore(%arg13 : memref<!tpu.dma_semaphore, #tpu.memory_space<semaphore_mem>>)
      %add3A_75 = arith.constant 1 : i32
      %add3A_76 = arith.addi %mul3A_54, %add3A_75 : i32
      %dma_wait3A_77 = arith.constant 0 : i32
      %dma_wait3A_78 = tpu.memref_slice %arg7[%add3A_76, %dma_wait3A_77] : memref<158x128xi32, #tpu.memory_space<vmem>> -> memref<1x128xi32, #tpu.memory_space<vmem>>
      %dma_wait3A_79 = tpu.memref_squeeze %dma_wait3A_78 : memref<1x128xi32, #tpu.memory_space<vmem>> -> memref<128xi32, #tpu.memory_space<vmem>>
      %dma_wait3A_80 = arith.constant 0 : i32
      %dma_wait3A_81 = arith.constant 0 : i32
      %dma_wait3A_82 = tpu.memref_slice %arg2[%dma_wait3A_80, %dma_wait3A_81] : memref<10000x128xf32, #tpu.memory_space<hbm>> -> memref<10000x128xf32, #tpu.memory_space<hbm>>
      tpu.wait_indirect_dma semaphore(%arg14 : memref<!tpu.dma_semaphore, #tpu.memory_space<semaphore_mem>>) src(%dma_wait3A_82 : memref<10000x128xf32, #tpu.memory_space<hbm>>) dst(%arg11 : memref<128x128xf32, #tpu.memory_space<vmem>>)
      %add3A_83 = arith.constant 1 : i32
      %add3A_84 = arith.addi %mul3A_54, %add3A_83 : i32
      "tpu.region"() ({
        %run_scoped3A = tpu.sem_alloc : memref<!tpu.dma_semaphore, #tpu.memory_space<semaphore_mem>>
        %dma_start3A_85 = arith.constant 0 : i32
        %dma_start3A_86 = tpu.memref_slice %arg8[%add3A_84, %dma_start3A_85] : memref<158x128xi32, #tpu.memory_space<vmem>> -> memref<1x128xi32, #tpu.memory_space<vmem>>
        %dma_start3A_87 = tpu.memref_squeeze %dma_start3A_86 : memref<1x128xi32, #tpu.memory_space<vmem>> -> memref<128xi32, #tpu.memory_space<vmem>>
        %dma_start3A_88 = arith.constant 0 : i32
        %dma_start3A_89 = arith.constant 0 : i32
        %dma_start3A_90 = tpu.memref_slice %arg12[%dma_start3A_88, %dma_start3A_89] : memref<6144x128xf32, #tpu.memory_space<vmem_shared>> -> memref<6144x128xf32, #tpu.memory_space<vmem_shared>>
        tpu.enqueue_indirect_dma source(%arg11 : memref<128x128xf32, #tpu.memory_space<vmem>>) target(%dma_start3A_90 : memref<6144x128xf32, #tpu.memory_space<vmem_shared>>) offsets(%dma_start3A_87 : memref<128xi32, #tpu.memory_space<vmem>>) semaphore(%run_scoped3A : memref<!tpu.dma_semaphore, #tpu.memory_space<semaphore_mem>>) {add = true}
        %dma_wait3A_91 = arith.constant 0 : i32
        %dma_wait3A_92 = tpu.memref_slice %arg8[%add3A_84, %dma_wait3A_91] : memref<158x128xi32, #tpu.memory_space<vmem>> -> memref<1x128xi32, #tpu.memory_space<vmem>>
        %dma_wait3A_93 = tpu.memref_squeeze %dma_wait3A_92 : memref<1x128xi32, #tpu.memory_space<vmem>> -> memref<128xi32, #tpu.memory_space<vmem>>
        %dma_wait3A_94 = arith.constant 0 : i32
        %dma_wait3A_95 = arith.constant 0 : i32
        %dma_wait3A_96 = tpu.memref_slice %arg12[%dma_wait3A_94, %dma_wait3A_95] : memref<6144x128xf32, #tpu.memory_space<vmem_shared>> -> memref<6144x128xf32, #tpu.memory_space<vmem_shared>>
        tpu.wait_indirect_dma semaphore(%run_scoped3A : memref<!tpu.dma_semaphore, #tpu.memory_space<semaphore_mem>>) src(%arg11 : memref<128x128xf32, #tpu.memory_space<vmem>>) dst(%dma_wait3A_96 : memref<6144x128xf32, #tpu.memory_space<vmem_shared>>)
        tpu.yield
      }) : () -> ()
    }
    %gt3A_40 = arith.constant 0 : i32
    %gt3A_41 = arith.cmpi sgt, %squeeze3A, %gt3A_40 : i32
    %convert_element_type3A_42 = arith.extui %gt3A_41 : i1 to i32
    %cond3A_43 = arith.constant 0 : i32
    %cond3A_44 = arith.cmpi ne, %convert_element_type3A_42, %cond3A_43 : i32
    scf.if %cond3A_44 {
      %sub3A_52 = arith.constant 1 : i32
      %sub3A_53 = arith.subi %squeeze3A, %sub3A_52 : i32
      %dma_wait3A = arith.constant 0 : i32
      %dma_wait3A_54 = tpu.memref_slice %arg7[%sub3A_53, %dma_wait3A] : memref<158x128xi32, #tpu.memory_space<vmem>> -> memref<1x128xi32, #tpu.memory_space<vmem>>
      %dma_wait3A_55 = tpu.memref_squeeze %dma_wait3A_54 : memref<1x128xi32, #tpu.memory_space<vmem>> -> memref<128xi32, #tpu.memory_space<vmem>>
      %dma_wait3A_56 = arith.constant 0 : i32
      %dma_wait3A_57 = arith.constant 0 : i32
      %dma_wait3A_58 = tpu.memref_slice %arg2[%dma_wait3A_56, %dma_wait3A_57] : memref<10000x128xf32, #tpu.memory_space<hbm>> -> memref<10000x128xf32, #tpu.memory_space<hbm>>
      tpu.wait_indirect_dma semaphore(%arg13 : memref<!tpu.dma_semaphore, #tpu.memory_space<semaphore_mem>>) src(%dma_wait3A_58 : memref<10000x128xf32, #tpu.memory_space<hbm>>) dst(%arg10 : memref<128x128xf32, #tpu.memory_space<vmem>>)
      %jit3A_59 = arith.constant 2 : i32
      %eq3A = arith.constant 0 : i32
      %eq3A_60 = arith.cmpi eq, %jit3A_59, %eq3A : i32
      %jit3A_61 = arith.constant 1 : i32
      %select_n3A_62 = arith.select %eq3A_60, %jit3A_61, %jit3A_59 : i32
      %rem3A_63 = arith.remsi %squeeze3A, %select_n3A_62 : i32
      %ne3A_64 = arith.constant 0 : i32
      %ne3A_65 = arith.cmpi ne, %rem3A_63, %ne3A_64 : i32
      %lt3A = arith.constant 0 : i32
      %lt3A_66 = arith.cmpi slt, %rem3A_63, %lt3A : i32
      %lt3A_67 = arith.constant 0 : i32
      %lt3A_68 = arith.cmpi slt, %select_n3A_62, %lt3A_67 : i32
      %ne3A_69 = arith.xori %lt3A_66, %lt3A_68 : i1
      %and3A_70 = arith.andi %ne3A_69, %ne3A_65 : i1
      %add3A_71 = arith.addi %rem3A_63, %select_n3A_62 : i32
      %select_n3A_72 = arith.select %and3A_70, %add3A_71, %rem3A_63 : i32
      %eq3A_73 = arith.constant 1 : i32
      %eq3A_74 = arith.cmpi eq, %select_n3A_72, %eq3A_73 : i32
      %convert_element_type3A_75 = arith.extui %eq3A_74 : i1 to i32
      %cond3A_76 = arith.constant 0 : i32
      %cond3A_77 = arith.cmpi ne, %convert_element_type3A_75, %cond3A_76 : i32
      scf.if %cond3A_77 {
        %sub3A_78 = arith.constant 1 : i32
        %sub3A_79 = arith.subi %squeeze3A, %sub3A_78 : i32
        "tpu.region"() ({
          %run_scoped3A = tpu.sem_alloc : memref<!tpu.dma_semaphore, #tpu.memory_space<semaphore_mem>>
          %dma_start3A = arith.constant 0 : i32
          %dma_start3A_80 = tpu.memref_slice %arg8[%sub3A_79, %dma_start3A] : memref<158x128xi32, #tpu.memory_space<vmem>> -> memref<1x128xi32, #tpu.memory_space<vmem>>
          %dma_start3A_81 = tpu.memref_squeeze %dma_start3A_80 : memref<1x128xi32, #tpu.memory_space<vmem>> -> memref<128xi32, #tpu.memory_space<vmem>>
          %dma_start3A_82 = arith.constant 0 : i32
          %dma_start3A_83 = arith.constant 0 : i32
          %dma_start3A_84 = tpu.memref_slice %arg12[%dma_start3A_82, %dma_start3A_83] : memref<6144x128xf32, #tpu.memory_space<vmem_shared>> -> memref<6144x128xf32, #tpu.memory_space<vmem_shared>>
          tpu.enqueue_indirect_dma source(%arg10 : memref<128x128xf32, #tpu.memory_space<vmem>>) target(%dma_start3A_84 : memref<6144x128xf32, #tpu.memory_space<vmem_shared>>) offsets(%dma_start3A_81 : memref<128xi32, #tpu.memory_space<vmem>>) semaphore(%run_scoped3A : memref<!tpu.dma_semaphore, #tpu.memory_space<semaphore_mem>>) {add = true}
          %dma_wait3A_85 = arith.constant 0 : i32
          %dma_wait3A_86 = tpu.memref_slice %arg8[%sub3A_79, %dma_wait3A_85] : memref<158x128xi32, #tpu.memory_space<vmem>> -> memref<1x128xi32, #tpu.memory_space<vmem>>
          %dma_wait3A_87 = tpu.memref_squeeze %dma_wait3A_86 : memref<1x128xi32, #tpu.memory_space<vmem>> -> memref<128xi32, #tpu.memory_space<vmem>>
          %dma_wait3A_88 = arith.constant 0 : i32
          %dma_wait3A_89 = arith.constant 0 : i32
          %dma_wait3A_90 = tpu.memref_slice %arg12[%dma_wait3A_88, %dma_wait3A_89] : memref<6144x128xf32, #tpu.memory_space<vmem_shared>> -> memref<6144x128xf32, #tpu.memory_space<vmem_shared>>
          tpu.wait_indirect_dma semaphore(%run_scoped3A : memref<!tpu.dma_semaphore, #tpu.memory_space<semaphore_mem>>) src(%arg10 : memref<128x128xf32, #tpu.memory_space<vmem>>) dst(%dma_wait3A_90 : memref<6144x128xf32, #tpu.memory_space<vmem_shared>>)
          tpu.yield
        }) : () -> ()
      } else {
      }
    } else {
    }
    %barrier3A_45 = arith.constant 0 : index
    tpu.barrier barrier_id(%barrier3A_45)
    %add3A_46 = arith.constant 0 : i32
    %add3A_47 = arith.addi %mul3A_7, %add3A_46 : i32
    "tpu.region"() ({
      %run_scoped3A = tpu.sem_alloc : memref<!tpu.dma_semaphore, #tpu.memory_space<semaphore_mem>>
      %dma_start3A = arith.constant 0 : i32
      %dma_start3A_52 = tpu.memref_slice %arg6[%arg0, %add3A_47, %dma_start3A] : memref<2x6144x128xf32, #tpu.memory_space<hbm>> -> memref<1x128x128xf32, #tpu.memory_space<hbm>>
      %dma_start3A_53 = tpu.memref_squeeze %dma_start3A_52 : memref<1x128x128xf32, #tpu.memory_space<hbm>> -> memref<128x128xf32, #tpu.memory_space<hbm>>
      %dma_start3A_54 = arith.constant 0 : i32
      %dma_start3A_55 = tpu.memref_slice %arg12[%add3A_47, %dma_start3A_54] : memref<6144x128xf32, #tpu.memory_space<vmem_shared>> -> memref<128x128xf32, #tpu.memory_space<vmem_shared>>
      tpu.enqueue_dma source(%dma_start3A_55 : memref<128x128xf32, #tpu.memory_space<vmem_shared>>) target(%dma_start3A_53 : memref<128x128xf32, #tpu.memory_space<hbm>>) target_semaphore(%run_scoped3A : memref<!tpu.dma_semaphore, #tpu.memory_space<semaphore_mem>>)
      %dma_wait3A = arith.constant 0 : i32
      %dma_wait3A_56 = tpu.memref_slice %arg6[%arg0, %add3A_47, %dma_wait3A] : memref<2x6144x128xf32, #tpu.memory_space<hbm>> -> memref<1x128x128xf32, #tpu.memory_space<hbm>>
      %dma_wait3A_57 = tpu.memref_squeeze %dma_wait3A_56 : memref<1x128x128xf32, #tpu.memory_space<hbm>> -> memref<128x128xf32, #tpu.memory_space<hbm>>
      %dma_wait3A_58 = arith.constant 0 : i32
      %dma_wait3A_59 = tpu.memref_slice %arg12[%add3A_47, %dma_wait3A_58] : memref<6144x128xf32, #tpu.memory_space<vmem_shared>> -> memref<128x128xf32, #tpu.memory_space<vmem_shared>>
      tpu.wait_dma2 semaphore(%run_scoped3A : memref<!tpu.dma_semaphore, #tpu.memory_space<semaphore_mem>>) src(%dma_wait3A_59 : memref<128x128xf32, #tpu.memory_space<vmem_shared>>) dst(%dma_wait3A_57 : memref<128x128xf32, #tpu.memory_space<hbm>>)
      tpu.yield
    }) : () -> ()
    %add3A_48 = arith.constant 128 : i32
    %add3A_49 = arith.addi %mul3A_7, %add3A_48 : i32
    "tpu.region"() ({
      %run_scoped3A = tpu.sem_alloc : memref<!tpu.dma_semaphore, #tpu.memory_space<semaphore_mem>>
      %dma_start3A = arith.constant 0 : i32
      %dma_start3A_52 = tpu.memref_slice %arg6[%arg0, %add3A_49, %dma_start3A] : memref<2x6144x128xf32, #tpu.memory_space<hbm>> -> memref<1x128x128xf32, #tpu.memory_space<hbm>>
      %dma_start3A_53 = tpu.memref_squeeze %dma_start3A_52 : memref<1x128x128xf32, #tpu.memory_space<hbm>> -> memref<128x128xf32, #tpu.memory_space<hbm>>
      %dma_start3A_54 = arith.constant 0 : i32
      %dma_start3A_55 = tpu.memref_slice %arg12[%add3A_49, %dma_start3A_54] : memref<6144x128xf32, #tpu.memory_space<vmem_shared>> -> memref<128x128xf32, #tpu.memory_space<vmem_shared>>
      tpu.enqueue_dma source(%dma_start3A_55 : memref<128x128xf32, #tpu.memory_space<vmem_shared>>) target(%dma_start3A_53 : memref<128x128xf32, #tpu.memory_space<hbm>>) target_semaphore(%run_scoped3A : memref<!tpu.dma_semaphore, #tpu.memory_space<semaphore_mem>>)
      %dma_wait3A = arith.constant 0 : i32
      %dma_wait3A_56 = tpu.memref_slice %arg6[%arg0, %add3A_49, %dma_wait3A] : memref<2x6144x128xf32, #tpu.memory_space<hbm>> -> memref<1x128x128xf32, #tpu.memory_space<hbm>>
      %dma_wait3A_57 = tpu.memref_squeeze %dma_wait3A_56 : memref<1x128x128xf32, #tpu.memory_space<hbm>> -> memref<128x128xf32, #tpu.memory_space<hbm>>
      %dma_wait3A_58 = arith.constant 0 : i32
      %dma_wait3A_59 = tpu.memref_slice %arg12[%add3A_49, %dma_wait3A_58] : memref<6144x128xf32, #tpu.memory_space<vmem_shared>> -> memref<128x128xf32, #tpu.memory_space<vmem_shared>>
      tpu.wait_dma2 semaphore(%run_scoped3A : memref<!tpu.dma_semaphore, #tpu.memory_space<semaphore_mem>>) src(%dma_wait3A_59 : memref<128x128xf32, #tpu.memory_space<vmem_shared>>) dst(%dma_wait3A_57 : memref<128x128xf32, #tpu.memory_space<hbm>>)
      tpu.yield
    }) : () -> ()
    %add3A_50 = arith.constant 256 : i32
    %add3A_51 = arith.addi %mul3A_7, %add3A_50 : i32
    "tpu.region"() ({
      %run_scoped3A = tpu.sem_alloc : memref<!tpu.dma_semaphore, #tpu.memory_space<semaphore_mem>>
      %dma_start3A = arith.constant 0 : i32
      %dma_start3A_52 = tpu.memref_slice %arg6[%arg0, %add3A_51, %dma_start3A] : memref<2x6144x128xf32, #tpu.memory_space<hbm>> -> memref<1x128x128xf32, #tpu.memory_space<hbm>>
      %dma_start3A_53 = tpu.memref_squeeze %dma_start3A_52 : memref<1x128x128xf32, #tpu.memory_space<hbm>> -> memref<128x128xf32, #tpu.memory_space<hbm>>
      %dma_start3A_54 = arith.constant 0 : i32
      %dma_start3A_55 = tpu.memref_slice %arg12[%add3A_51, %dma_start3A_54] : memref<6144x128xf32, #tpu.memory_space<vmem_shared>> -> memref<128x128xf32, #tpu.memory_space<vmem_shared>>
      tpu.enqueue_dma source(%dma_start3A_55 : memref<128x128xf32, #tpu.memory_space<vmem_shared>>) target(%dma_start3A_53 : memref<128x128xf32, #tpu.memory_space<hbm>>) target_semaphore(%run_scoped3A : memref<!tpu.dma_semaphore, #tpu.memory_space<semaphore_mem>>)
      %dma_wait3A = arith.constant 0 : i32
      %dma_wait3A_56 = tpu.memref_slice %arg6[%arg0, %add3A_51, %dma_wait3A] : memref<2x6144x128xf32, #tpu.memory_space<hbm>> -> memref<1x128x128xf32, #tpu.memory_space<hbm>>
      %dma_wait3A_57 = tpu.memref_squeeze %dma_wait3A_56 : memref<1x128x128xf32, #tpu.memory_space<hbm>> -> memref<128x128xf32, #tpu.memory_space<hbm>>
      %dma_wait3A_58 = arith.constant 0 : i32
      %dma_wait3A_59 = tpu.memref_slice %arg12[%add3A_51, %dma_wait3A_58] : memref<6144x128xf32, #tpu.memory_space<vmem_shared>> -> memref<128x128xf32, #tpu.memory_space<vmem_shared>>
      tpu.wait_dma2 semaphore(%run_scoped3A : memref<!tpu.dma_semaphore, #tpu.memory_space<semaphore_mem>>) src(%dma_wait3A_59 : memref<128x128xf32, #tpu.memory_space<vmem_shared>>) dst(%dma_wait3A_57 : memref<128x128xf32, #tpu.memory_space<hbm>>)
      tpu.yield
    }) : () -> ()
    return
  }
}

module attributes {stable_mosaic.version = 14 : i64} {
  func.func @_prep_body(%arg0: i32, %arg1: memref<1x1000x16xf32, #tpu.memory_space<vmem>>, %arg2: memref<1000x128xf32, #tpu.memory_space<vmem>>, %arg3: memref<1000x32xf32, #tpu.memory_space<vmem>>, %arg4: memref<1000x128xf32, #tpu.memory_space<vmem>>) attributes {dimension_semantics = [#tpu.dimension_semantics<arbitrary>], iteration_bounds = array<i64: 10>, scalar_prefetch = 0 : i64, scratch_operands = 0 : i64, tpu.core_type = #tpu.core_type<tc>, window_params = [{transform_indices = @transform_0, window_bounds = array<i64: 1, 1000, 16>}, {transform_indices = @transform_1, window_bounds = array<i64: 1000, 128>}, {transform_indices = @transform_2, window_bounds = array<i64: 1000, 32>}, {transform_indices = @transform_3, window_bounds = array<i64: 1000, 128>}]} {
    %get3A = arith.constant 0 : index
    %get3A_0 = arith.constant 0 : index
    %get3A_1 = arith.constant 0 : index
    %get3A_2 = vector.load %arg1[%get3A, %get3A_0, %get3A_1] : memref<1x1000x16xf32, #tpu.memory_space<vmem>>, vector<1x1000x1xf32>
    %get3A_3 = vector.shape_cast %get3A_2 : vector<1x1000x1xf32> to vector<1000x1xf32>
    %add3A = arith.constant 1.000000e+00 : f32
    %add3A_4 = vector.broadcast %add3A : f32 to vector<1000x1xf32>
    %add3A_5 = arith.addf %get3A_3, %add3A_4 : vector<1000x1xf32>
    %rsqrt3A = math.rsqrt %add3A_5 : vector<1000x1xf32>
    %broadcast_in_dim3A = vector.shape_cast %rsqrt3A : vector<1000x1xf32> to vector<1000x1xf32>
    %broadcast_in_dim3A_6 = vector.broadcast %broadcast_in_dim3A : vector<1000x1xf32> to vector<1000x32xf32>
    %swap3A = arith.constant 0 : index
    %swap3A_7 = arith.constant 0 : index
    %swap3A_8 = vector.load %arg3[%swap3A, %swap3A_7] : memref<1000x32xf32, #tpu.memory_space<vmem>>, vector<1000x32xf32>
    tpu.vector_store %arg3[%swap3A, %swap3A_7], %broadcast_in_dim3A_6 {strides = array<i32>} : memref<1000x32xf32, #tpu.memory_space<vmem>>, vector<1000x32xf32>,
    %get3A_9 = arith.constant 0 : index
    %get3A_10 = arith.constant 0 : index
    %get3A_11 = vector.load %arg2[%get3A_9, %get3A_10] : memref<1000x128xf32, #tpu.memory_space<vmem>>, vector<1000x128xf32>
    %broadcast_in_dim3A_12 = vector.shape_cast %rsqrt3A : vector<1000x1xf32> to vector<1000x1xf32>
    %broadcast_in_dim3A_13 = vector.broadcast %broadcast_in_dim3A_12 : vector<1000x1xf32> to vector<1000x128xf32>
    %mul3A = arith.mulf %get3A_11, %broadcast_in_dim3A_13 : vector<1000x128xf32>
    %swap3A_14 = arith.constant 0 : index
    %swap3A_15 = arith.constant 0 : index
    %swap3A_16 = vector.load %arg4[%swap3A_14, %swap3A_15] : memref<1000x128xf32, #tpu.memory_space<vmem>>, vector<1000x128xf32>
    tpu.vector_store %arg4[%swap3A_14, %swap3A_15], %mul3A {strides = array<i32>} : memref<1000x128xf32, #tpu.memory_space<vmem>>, vector<1000x128xf32>,
    return
  }
  func.func @transform_0(%arg0: i32) -> (i32, i32, i32) {
    %jit3A = arith.constant 5 : i32
    %div3A = arith.divsi %arg0, %jit3A : i32
    %sign3A = arith.constant 0 : i32
    %sign3A_0 = arith.cmpi sgt, %arg0, %sign3A : i32
    %sign3A_1 = arith.extui %sign3A_0 : i1 to i32
    %sign3A_2 = arith.constant 0 : i32
    %sign3A_3 = arith.cmpi slt, %arg0, %sign3A_2 : i32
    %sign3A_4 = arith.extui %sign3A_3 : i1 to i32
    %sign3A_5 = arith.subi %sign3A_1, %sign3A_4 : i32
    %sign3A_6 = arith.constant 0 : i32
    %sign3A_7 = arith.cmpi sgt, %jit3A, %sign3A_6 : i32
    %sign3A_8 = arith.extui %sign3A_7 : i1 to i32
    %sign3A_9 = arith.constant 0 : i32
    %sign3A_10 = arith.cmpi slt, %jit3A, %sign3A_9 : i32
    %sign3A_11 = arith.extui %sign3A_10 : i1 to i32
    %sign3A_12 = arith.subi %sign3A_8, %sign3A_11 : i32
    %ne3A = arith.cmpi ne, %sign3A_5, %sign3A_12 : i32
    %rem3A = arith.remsi %arg0, %jit3A : i32
    %ne3A_13 = arith.constant 0 : i32
    %ne3A_14 = arith.cmpi ne, %rem3A, %ne3A_13 : i32
    %and3A = arith.andi %ne3A, %ne3A_14 : i1
    %sub3A = arith.constant 1 : i32
    %sub3A_15 = arith.subi %div3A, %sub3A : i32
    %select_n3A = arith.select %and3A, %sub3A_15, %div3A : i32
    %jit3A_16 = arith.constant 5 : i32
    %eq3A = arith.constant 0 : i32
    %eq3A_17 = arith.cmpi eq, %jit3A_16, %eq3A : i32
    %jit3A_18 = arith.constant 1 : i32
    %select_n3A_19 = arith.select %eq3A_17, %jit3A_18, %jit3A_16 : i32
    %rem3A_20 = arith.remsi %arg0, %select_n3A_19 : i32
    %ne3A_21 = arith.constant 0 : i32
    %ne3A_22 = arith.cmpi ne, %rem3A_20, %ne3A_21 : i32
    %lt3A = arith.constant 0 : i32
    %lt3A_23 = arith.cmpi slt, %rem3A_20, %lt3A : i32
    %lt3A_24 = arith.constant 0 : i32
    %lt3A_25 = arith.cmpi slt, %select_n3A_19, %lt3A_24 : i32
    %ne3A_26 = arith.xori %lt3A_23, %lt3A_25 : i1
    %and3A_27 = arith.andi %ne3A_26, %ne3A_22 : i1
    %add3A = arith.addi %rem3A_20, %select_n3A_19 : i32
    %select_n3A_28 = arith.select %and3A_27, %add3A, %rem3A_20 : i32
    %c0_i32 = arith.constant 0 : i32
    %c0_i32_29 = arith.constant 0 : i32
    return %select_n3A, %select_n3A_28, %c0_i32 : i32, i32, i32
  }
  func.func @transform_1(%arg0: i32) -> (i32, i32) {
    %c0_i32 = arith.constant 0 : i32
    %c0_i32_0 = arith.constant 0 : i32
    return %arg0, %c0_i32 : i32, i32
  }
  func.func @transform_2(%arg0: i32) -> (i32, i32) {
    %c0_i32 = arith.constant 0 : i32
    %c0_i32_0 = arith.constant 0 : i32
    return %arg0, %c0_i32 : i32, i32
  }
  func.func @transform_3(%arg0: i32) -> (i32, i32) {
    %c0_i32 = arith.constant 0 : i32
    %c0_i32_0 = arith.constant 0 : i32
    return %arg0, %c0_i32 : i32, i32
  }
}

module attributes {stable_mosaic.version = 14 : i64} {
  func.func @_layer_body(%arg0: i32, %arg1: memref<1x1000x128xf32, #tpu.memory_space<vmem>>, %arg2: memref<1000x128xf32, #tpu.memory_space<vmem>>, %arg3: memref<1000x32xf32, #tpu.memory_space<vmem>>, %arg4: memref<128x128xf32, #tpu.memory_space<vmem>>, %arg5: memref<1x128xf32, #tpu.memory_space<vmem>>, %arg6: memref<1000x128xf32, #tpu.memory_space<vmem>>) attributes {dimension_semantics = [#tpu.dimension_semantics<arbitrary>], iteration_bounds = array<i64: 10>, scalar_prefetch = 0 : i64, scratch_operands = 0 : i64, tpu.core_type = #tpu.core_type<tc>, window_params = [{transform_indices = @transform_0, window_bounds = array<i64: 1, 1000, 128>}, {transform_indices = @transform_1, window_bounds = array<i64: 1000, 128>}, {transform_indices = @transform_2, window_bounds = array<i64: 1000, 32>}, {pipeline_mode = #tpu.pipeline_mode<synchronous>, transform_indices = @transform_3, window_bounds = array<i64: 128, 128>}, {pipeline_mode = #tpu.pipeline_mode<synchronous>, transform_indices = @transform_4, window_bounds = array<i64: 1, 128>}, {transform_indices = @transform_5, window_bounds = array<i64: 1000, 128>}]} {
    %get3A = arith.constant 0 : index
    %get3A_0 = arith.constant 0 : index
    %get3A_1 = vector.load %arg3[%get3A, %get3A_0] : memref<1000x32xf32, #tpu.memory_space<vmem>>, vector<1000x1xf32>
    %broadcast_in_dim3A = vector.shape_cast %get3A_1 : vector<1000x1xf32> to vector<1000x1xf32>
    %broadcast_in_dim3A_2 = vector.broadcast %broadcast_in_dim3A : vector<1000x1xf32> to vector<1000x128xf32>
    %get3A_3 = arith.constant 0 : index
    %get3A_4 = arith.constant 0 : index
    %get3A_5 = arith.constant 0 : index
    %get3A_6 = vector.load %arg1[%get3A_3, %get3A_4, %get3A_5] : memref<1x1000x128xf32, #tpu.memory_space<vmem>>, vector<1x1000x128xf32>
    %get3A_7 = vector.shape_cast %get3A_6 : vector<1x1000x128xf32> to vector<1000x128xf32>
    %get3A_8 = arith.constant 0 : index
    %get3A_9 = arith.constant 0 : index
    %get3A_10 = vector.load %arg2[%get3A_8, %get3A_9] : memref<1000x128xf32, #tpu.memory_space<vmem>>, vector<1000x128xf32>
    %add3A = arith.addf %get3A_7, %get3A_10 : vector<1000x128xf32>
    %mul3A = arith.mulf %add3A, %broadcast_in_dim3A_2 : vector<1000x128xf32>
    %get3A_11 = arith.constant 0 : index
    %get3A_12 = arith.constant 0 : index
    %get3A_13 = vector.load %arg4[%get3A_11, %get3A_12] : memref<128x128xf32, #tpu.memory_space<vmem>>, vector<128x128xf32>
    %dot_general3A = arith.constant dense<0.000000e+00> : vector<1000x128xf32>
    %dot_general3A_14 = tpu.matmul %mul3A, %get3A_13, %dot_general3A {dimension_numbers = #tpu.dot_dimension_numbers<[1], [0], [0], [1], [0, 0, 1, 1], [], []>, transpose_lhs_hint = false} : vector<1000x128xf32>, vector<128x128xf32>, vector<1000x128xf32> -> vector<1000x128xf32>
    %get3A_15 = arith.constant 0 : index
    %get3A_16 = arith.constant 0 : index
    %get3A_17 = vector.load %arg5[%get3A_15, %get3A_16] : memref<1x128xf32, #tpu.memory_space<vmem>>, vector<1x128xf32>
    %add3A_18 = vector.broadcast %get3A_17 : vector<1x128xf32> to vector<1000x128xf32>
    %add3A_19 = arith.addf %dot_general3A_14, %add3A_18 : vector<1000x128xf32>
    %max3A = arith.constant 0.000000e+00 : f32
    %max3A_20 = vector.broadcast %max3A : f32 to vector<1000x128xf32>
    %max3A_21 = arith.maximumf %add3A_19, %max3A_20 : vector<1000x128xf32>
    %mul3A_22 = arith.mulf %max3A_21, %broadcast_in_dim3A_2 : vector<1000x128xf32>
    %swap3A = arith.constant 0 : index
    %swap3A_23 = arith.constant 0 : index
    %swap3A_24 = vector.load %arg6[%swap3A, %swap3A_23] : memref<1000x128xf32, #tpu.memory_space<vmem>>, vector<1000x128xf32>
    tpu.vector_store %arg6[%swap3A, %swap3A_23], %mul3A_22 {strides = array<i32>} : memref<1000x128xf32, #tpu.memory_space<vmem>>, vector<1000x128xf32>,
    return
  }
  func.func @transform_0(%arg0: i32) -> (i32, i32, i32) {
    %jit3A = arith.constant 5 : i32
    %div3A = arith.divsi %arg0, %jit3A : i32
    %sign3A = arith.constant 0 : i32
    %sign3A_0 = arith.cmpi sgt, %arg0, %sign3A : i32
    %sign3A_1 = arith.extui %sign3A_0 : i1 to i32
    %sign3A_2 = arith.constant 0 : i32
    %sign3A_3 = arith.cmpi slt, %arg0, %sign3A_2 : i32
    %sign3A_4 = arith.extui %sign3A_3 : i1 to i32
    %sign3A_5 = arith.subi %sign3A_1, %sign3A_4 : i32
    %sign3A_6 = arith.constant 0 : i32
    %sign3A_7 = arith.cmpi sgt, %jit3A, %sign3A_6 : i32
    %sign3A_8 = arith.extui %sign3A_7 : i1 to i32
    %sign3A_9 = arith.constant 0 : i32
    %sign3A_10 = arith.cmpi slt, %jit3A, %sign3A_9 : i32
    %sign3A_11 = arith.extui %sign3A_10 : i1 to i32
    %sign3A_12 = arith.subi %sign3A_8, %sign3A_11 : i32
    %ne3A = arith.cmpi ne, %sign3A_5, %sign3A_12 : i32
    %rem3A = arith.remsi %arg0, %jit3A : i32
    %ne3A_13 = arith.constant 0 : i32
    %ne3A_14 = arith.cmpi ne, %rem3A, %ne3A_13 : i32
    %and3A = arith.andi %ne3A, %ne3A_14 : i1
    %sub3A = arith.constant 1 : i32
    %sub3A_15 = arith.subi %div3A, %sub3A : i32
    %select_n3A = arith.select %and3A, %sub3A_15, %div3A : i32
    %jit3A_16 = arith.constant 5 : i32
    %eq3A = arith.constant 0 : i32
    %eq3A_17 = arith.cmpi eq, %jit3A_16, %eq3A : i32
    %jit3A_18 = arith.constant 1 : i32
    %select_n3A_19 = arith.select %eq3A_17, %jit3A_18, %jit3A_16 : i32
    %rem3A_20 = arith.remsi %arg0, %select_n3A_19 : i32
    %ne3A_21 = arith.constant 0 : i32
    %ne3A_22 = arith.cmpi ne, %rem3A_20, %ne3A_21 : i32
    %lt3A = arith.constant 0 : i32
    %lt3A_23 = arith.cmpi slt, %rem3A_20, %lt3A : i32
    %lt3A_24 = arith.constant 0 : i32
    %lt3A_25 = arith.cmpi slt, %select_n3A_19, %lt3A_24 : i32
    %ne3A_26 = arith.xori %lt3A_23, %lt3A_25 : i1
    %and3A_27 = arith.andi %ne3A_26, %ne3A_22 : i1
    %add3A = arith.addi %rem3A_20, %select_n3A_19 : i32
    %select_n3A_28 = arith.select %and3A_27, %add3A, %rem3A_20 : i32
    %c0_i32 = arith.constant 0 : i32
    %c0_i32_29 = arith.constant 0 : i32
    return %select_n3A, %select_n3A_28, %c0_i32 : i32, i32, i32
  }
  func.func @transform_1(%arg0: i32) -> (i32, i32) {
    %c0_i32 = arith.constant 0 : i32
    %c0_i32_0 = arith.constant 0 : i32
    return %arg0, %c0_i32 : i32, i32
  }
  func.func @transform_2(%arg0: i32) -> (i32, i32) {
    %c0_i32 = arith.constant 0 : i32
    %c0_i32_0 = arith.constant 0 : i32
    return %arg0, %c0_i32 : i32, i32
  }
  func.func @transform_3(%arg0: i32) -> (i32, i32) {
    %c0_i32 = arith.constant 0 : i32
    %c0_i32_0 = arith.constant 0 : i32
    %c0_i32_1 = arith.constant 0 : i32
    return %c0_i32, %c0_i32_0 : i32, i32
  }
  func.func @transform_4(%arg0: i32) -> (i32, i32) {
    %c0_i32 = arith.constant 0 : i32
    %c0_i32_0 = arith.constant 0 : i32
    %c0_i32_1 = arith.constant 0 : i32
    return %c0_i32, %c0_i32_0 : i32, i32
  }
  func.func @transform_5(%arg0: i32) -> (i32, i32) {
    %c0_i32 = arith.constant 0 : i32
    %c0_i32_0 = arith.constant 0 : i32
    return %arg0, %c0_i32 : i32, i32
  }
}

module attributes {stable_mosaic.version = 14 : i64} {
  func.func @_layer_body(%arg0: i32, %arg1: memref<1x1000x128xf32, #tpu.memory_space<vmem>>, %arg2: memref<1000x128xf32, #tpu.memory_space<vmem>>, %arg3: memref<1000x32xf32, #tpu.memory_space<vmem>>, %arg4: memref<128x128xf32, #tpu.memory_space<vmem>>, %arg5: memref<1x128xf32, #tpu.memory_space<vmem>>, %arg6: memref<1000x128xf32, #tpu.memory_space<vmem>>) attributes {dimension_semantics = [#tpu.dimension_semantics<arbitrary>], iteration_bounds = array<i64: 10>, scalar_prefetch = 0 : i64, scratch_operands = 0 : i64, tpu.core_type = #tpu.core_type<tc>, window_params = [{transform_indices = @transform_0, window_bounds = array<i64: 1, 1000, 128>}, {transform_indices = @transform_1, window_bounds = array<i64: 1000, 128>}, {transform_indices = @transform_2, window_bounds = array<i64: 1000, 32>}, {pipeline_mode = #tpu.pipeline_mode<synchronous>, transform_indices = @transform_3, window_bounds = array<i64: 128, 128>}, {pipeline_mode = #tpu.pipeline_mode<synchronous>, transform_indices = @transform_4, window_bounds = array<i64: 1, 128>}, {transform_indices = @transform_5, window_bounds = array<i64: 1000, 128>}]} {
    %get3A = arith.constant 0 : index
    %get3A_0 = arith.constant 0 : index
    %get3A_1 = vector.load %arg3[%get3A, %get3A_0] : memref<1000x32xf32, #tpu.memory_space<vmem>>, vector<1000x1xf32>
    %broadcast_in_dim3A = vector.shape_cast %get3A_1 : vector<1000x1xf32> to vector<1000x1xf32>
    %broadcast_in_dim3A_2 = vector.broadcast %broadcast_in_dim3A : vector<1000x1xf32> to vector<1000x128xf32>
    %get3A_3 = arith.constant 0 : index
    %get3A_4 = arith.constant 0 : index
    %get3A_5 = arith.constant 0 : index
    %get3A_6 = vector.load %arg1[%get3A_3, %get3A_4, %get3A_5] : memref<1x1000x128xf32, #tpu.memory_space<vmem>>, vector<1x1000x128xf32>
    %get3A_7 = vector.shape_cast %get3A_6 : vector<1x1000x128xf32> to vector<1000x128xf32>
    %get3A_8 = arith.constant 0 : index
    %get3A_9 = arith.constant 0 : index
    %get3A_10 = vector.load %arg2[%get3A_8, %get3A_9] : memref<1000x128xf32, #tpu.memory_space<vmem>>, vector<1000x128xf32>
    %add3A = arith.addf %get3A_7, %get3A_10 : vector<1000x128xf32>
    %mul3A = arith.mulf %add3A, %broadcast_in_dim3A_2 : vector<1000x128xf32>
    %get3A_11 = arith.constant 0 : index
    %get3A_12 = arith.constant 0 : index
    %get3A_13 = vector.load %arg4[%get3A_11, %get3A_12] : memref<128x128xf32, #tpu.memory_space<vmem>>, vector<128x128xf32>
    %dot_general3A = arith.constant dense<0.000000e+00> : vector<1000x128xf32>
    %dot_general3A_14 = tpu.matmul %mul3A, %get3A_13, %dot_general3A {dimension_numbers = #tpu.dot_dimension_numbers<[1], [0], [0], [1], [0, 0, 1, 1], [], []>, transpose_lhs_hint = false} : vector<1000x128xf32>, vector<128x128xf32>, vector<1000x128xf32> -> vector<1000x128xf32>
    %get3A_15 = arith.constant 0 : index
    %get3A_16 = arith.constant 0 : index
    %get3A_17 = vector.load %arg5[%get3A_15, %get3A_16] : memref<1x128xf32, #tpu.memory_space<vmem>>, vector<1x128xf32>
    %add3A_18 = vector.broadcast %get3A_17 : vector<1x128xf32> to vector<1000x128xf32>
    %add3A_19 = arith.addf %dot_general3A_14, %add3A_18 : vector<1000x128xf32>
    %mul3A_20 = arith.mulf %add3A_19, %broadcast_in_dim3A_2 : vector<1000x128xf32>
    %swap3A = arith.constant 0 : index
    %swap3A_21 = arith.constant 0 : index
    %swap3A_22 = vector.load %arg6[%swap3A, %swap3A_21] : memref<1000x128xf32, #tpu.memory_space<vmem>>, vector<1000x128xf32>
    tpu.vector_store %arg6[%swap3A, %swap3A_21], %mul3A_20 {strides = array<i32>} : memref<1000x128xf32, #tpu.memory_space<vmem>>, vector<1000x128xf32>,
    return
  }
  func.func @transform_0(%arg0: i32) -> (i32, i32, i32) {
    %jit3A = arith.constant 5 : i32
    %div3A = arith.divsi %arg0, %jit3A : i32
    %sign3A = arith.constant 0 : i32
    %sign3A_0 = arith.cmpi sgt, %arg0, %sign3A : i32
    %sign3A_1 = arith.extui %sign3A_0 : i1 to i32
    %sign3A_2 = arith.constant 0 : i32
    %sign3A_3 = arith.cmpi slt, %arg0, %sign3A_2 : i32
    %sign3A_4 = arith.extui %sign3A_3 : i1 to i32
    %sign3A_5 = arith.subi %sign3A_1, %sign3A_4 : i32
    %sign3A_6 = arith.constant 0 : i32
    %sign3A_7 = arith.cmpi sgt, %jit3A, %sign3A_6 : i32
    %sign3A_8 = arith.extui %sign3A_7 : i1 to i32
    %sign3A_9 = arith.constant 0 : i32
    %sign3A_10 = arith.cmpi slt, %jit3A, %sign3A_9 : i32
    %sign3A_11 = arith.extui %sign3A_10 : i1 to i32
    %sign3A_12 = arith.subi %sign3A_8, %sign3A_11 : i32
    %ne3A = arith.cmpi ne, %sign3A_5, %sign3A_12 : i32
    %rem3A = arith.remsi %arg0, %jit3A : i32
    %ne3A_13 = arith.constant 0 : i32
    %ne3A_14 = arith.cmpi ne, %rem3A, %ne3A_13 : i32
    %and3A = arith.andi %ne3A, %ne3A_14 : i1
    %sub3A = arith.constant 1 : i32
    %sub3A_15 = arith.subi %div3A, %sub3A : i32
    %select_n3A = arith.select %and3A, %sub3A_15, %div3A : i32
    %jit3A_16 = arith.constant 5 : i32
    %eq3A = arith.constant 0 : i32
    %eq3A_17 = arith.cmpi eq, %jit3A_16, %eq3A : i32
    %jit3A_18 = arith.constant 1 : i32
    %select_n3A_19 = arith.select %eq3A_17, %jit3A_18, %jit3A_16 : i32
    %rem3A_20 = arith.remsi %arg0, %select_n3A_19 : i32
    %ne3A_21 = arith.constant 0 : i32
    %ne3A_22 = arith.cmpi ne, %rem3A_20, %ne3A_21 : i32
    %lt3A = arith.constant 0 : i32
    %lt3A_23 = arith.cmpi slt, %rem3A_20, %lt3A : i32
    %lt3A_24 = arith.constant 0 : i32
    %lt3A_25 = arith.cmpi slt, %select_n3A_19, %lt3A_24 : i32
    %ne3A_26 = arith.xori %lt3A_23, %lt3A_25 : i1
    %and3A_27 = arith.andi %ne3A_26, %ne3A_22 : i1
    %add3A = arith.addi %rem3A_20, %select_n3A_19 : i32
    %select_n3A_28 = arith.select %and3A_27, %add3A, %rem3A_20 : i32
    %c0_i32 = arith.constant 0 : i32
    %c0_i32_29 = arith.constant 0 : i32
    return %select_n3A, %select_n3A_28, %c0_i32 : i32, i32, i32
  }
  func.func @transform_1(%arg0: i32) -> (i32, i32) {
    %c0_i32 = arith.constant 0 : i32
    %c0_i32_0 = arith.constant 0 : i32
    return %arg0, %c0_i32 : i32, i32
  }
  func.func @transform_2(%arg0: i32) -> (i32, i32) {
    %c0_i32 = arith.constant 0 : i32
    %c0_i32_0 = arith.constant 0 : i32
    return %arg0, %c0_i32 : i32, i32
  }
  func.func @transform_3(%arg0: i32) -> (i32, i32) {
    %c0_i32 = arith.constant 0 : i32
    %c0_i32_0 = arith.constant 0 : i32
    %c0_i32_1 = arith.constant 0 : i32
    return %c0_i32, %c0_i32_0 : i32, i32
  }
  func.func @transform_4(%arg0: i32) -> (i32, i32) {
    %c0_i32 = arith.constant 0 : i32
    %c0_i32_0 = arith.constant 0 : i32
    %c0_i32_1 = arith.constant 0 : i32
    return %c0_i32, %c0_i32_0 : i32, i32
  }
  func.func @transform_5(%arg0: i32) -> (i32, i32) {
    %c0_i32 = arith.constant 0 : i32
    %c0_i32_0 = arith.constant 0 : i32
    return %arg0, %c0_i32 : i32, i32
  }
}

module attributes {stable_mosaic.version = 14 : i64} {
  func.func @_final_body(%arg0: i32, %arg1: memref<1x1000x128xf32, #tpu.memory_space<vmem>>, %arg2: memref<1000x128xf32, #tpu.memory_space<vmem>>, %arg3: memref<1000x32xf32, #tpu.memory_space<vmem>>, %arg4: memref<128x256xf32, #tpu.memory_space<vmem>>, %arg5: memref<1x256xf32, #tpu.memory_space<vmem>>, %arg6: memref<256x256xf32, #tpu.memory_space<vmem>>, %arg7: memref<1x256xf32, #tpu.memory_space<vmem>>, %arg8: memref<1000x256xf32, #tpu.memory_space<vmem>>) attributes {dimension_semantics = [#tpu.dimension_semantics<arbitrary>], iteration_bounds = array<i64: 10>, scalar_prefetch = 0 : i64, scratch_operands = 0 : i64, tpu.core_type = #tpu.core_type<tc>, window_params = [{transform_indices = @transform_0, window_bounds = array<i64: 1, 1000, 128>}, {transform_indices = @transform_1, window_bounds = array<i64: 1000, 128>}, {transform_indices = @transform_2, window_bounds = array<i64: 1000, 32>}, {pipeline_mode = #tpu.pipeline_mode<synchronous>, transform_indices = @transform_3, window_bounds = array<i64: 128, 256>}, {pipeline_mode = #tpu.pipeline_mode<synchronous>, transform_indices = @transform_4, window_bounds = array<i64: 1, 256>}, {pipeline_mode = #tpu.pipeline_mode<synchronous>, transform_indices = @transform_5, window_bounds = array<i64: 256, 256>}, {pipeline_mode = #tpu.pipeline_mode<synchronous>, transform_indices = @transform_6, window_bounds = array<i64: 1, 256>}, {transform_indices = @transform_7, window_bounds = array<i64: 1000, 256>}]} {
    %get3A = arith.constant 0 : index
    %get3A_0 = arith.constant 0 : index
    %get3A_1 = vector.load %arg3[%get3A, %get3A_0] : memref<1000x32xf32, #tpu.memory_space<vmem>>, vector<1000x1xf32>
    %broadcast_in_dim3A = vector.shape_cast %get3A_1 : vector<1000x1xf32> to vector<1000x1xf32>
    %broadcast_in_dim3A_2 = vector.broadcast %broadcast_in_dim3A : vector<1000x1xf32> to vector<1000x128xf32>
    %get3A_3 = arith.constant 0 : index
    %get3A_4 = arith.constant 0 : index
    %get3A_5 = arith.constant 0 : index
    %get3A_6 = vector.load %arg1[%get3A_3, %get3A_4, %get3A_5] : memref<1x1000x128xf32, #tpu.memory_space<vmem>>, vector<1x1000x128xf32>
    %get3A_7 = vector.shape_cast %get3A_6 : vector<1x1000x128xf32> to vector<1000x128xf32>
    %get3A_8 = arith.constant 0 : index
    %get3A_9 = arith.constant 0 : index
    %get3A_10 = vector.load %arg2[%get3A_8, %get3A_9] : memref<1000x128xf32, #tpu.memory_space<vmem>>, vector<1000x128xf32>
    %add3A = arith.addf %get3A_7, %get3A_10 : vector<1000x128xf32>
    %mul3A = arith.mulf %add3A, %broadcast_in_dim3A_2 : vector<1000x128xf32>
    %get3A_11 = arith.constant 0 : index
    %get3A_12 = arith.constant 0 : index
    %get3A_13 = vector.load %arg4[%get3A_11, %get3A_12] : memref<128x256xf32, #tpu.memory_space<vmem>>, vector<128x256xf32>
    %dot_general3A = arith.constant dense<0.000000e+00> : vector<1000x256xf32>
    %dot_general3A_14 = tpu.matmul %mul3A, %get3A_13, %dot_general3A {dimension_numbers = #tpu.dot_dimension_numbers<[1], [0], [0], [1], [0, 0, 1, 1], [], []>, transpose_lhs_hint = false} : vector<1000x128xf32>, vector<128x256xf32>, vector<1000x256xf32> -> vector<1000x256xf32>
    %get3A_15 = arith.constant 0 : index
    %get3A_16 = arith.constant 0 : index
    %get3A_17 = vector.load %arg5[%get3A_15, %get3A_16] : memref<1x256xf32, #tpu.memory_space<vmem>>, vector<1x256xf32>
    %add3A_18 = vector.broadcast %get3A_17 : vector<1x256xf32> to vector<1000x256xf32>
    %add3A_19 = arith.addf %dot_general3A_14, %add3A_18 : vector<1000x256xf32>
    %get3A_20 = arith.constant 0 : index
    %get3A_21 = arith.constant 0 : index
    %get3A_22 = vector.load %arg6[%get3A_20, %get3A_21] : memref<256x256xf32, #tpu.memory_space<vmem>>, vector<256x256xf32>
    %dot_general3A_23 = arith.constant dense<0.000000e+00> : vector<1000x256xf32>
    %dot_general3A_24 = tpu.matmul %add3A_19, %get3A_22, %dot_general3A_23 {dimension_numbers = #tpu.dot_dimension_numbers<[1], [0], [0], [1], [0, 0, 1, 1], [], []>, transpose_lhs_hint = false} : vector<1000x256xf32>, vector<256x256xf32>, vector<1000x256xf32> -> vector<1000x256xf32>
    %get3A_25 = arith.constant 0 : index
    %get3A_26 = arith.constant 0 : index
    %get3A_27 = vector.load %arg7[%get3A_25, %get3A_26] : memref<1x256xf32, #tpu.memory_space<vmem>>, vector<1x256xf32>
    %add3A_28 = vector.broadcast %get3A_27 : vector<1x256xf32> to vector<1000x256xf32>
    %add3A_29 = arith.addf %dot_general3A_24, %add3A_28 : vector<1000x256xf32>
    %swap3A = arith.constant 0 : index
    %swap3A_30 = arith.constant 0 : index
    %swap3A_31 = vector.load %arg8[%swap3A, %swap3A_30] : memref<1000x256xf32, #tpu.memory_space<vmem>>, vector<1000x256xf32>
    tpu.vector_store %arg8[%swap3A, %swap3A_30], %add3A_29 {strides = array<i32>} : memref<1000x256xf32, #tpu.memory_space<vmem>>, vector<1000x256xf32>,
    return
  }
  func.func @transform_0(%arg0: i32) -> (i32, i32, i32) {
    %jit3A = arith.constant 5 : i32
    %div3A = arith.divsi %arg0, %jit3A : i32
    %sign3A = arith.constant 0 : i32
    %sign3A_0 = arith.cmpi sgt, %arg0, %sign3A : i32
    %sign3A_1 = arith.extui %sign3A_0 : i1 to i32
    %sign3A_2 = arith.constant 0 : i32
    %sign3A_3 = arith.cmpi slt, %arg0, %sign3A_2 : i32
    %sign3A_4 = arith.extui %sign3A_3 : i1 to i32
    %sign3A_5 = arith.subi %sign3A_1, %sign3A_4 : i32
    %sign3A_6 = arith.constant 0 : i32
    %sign3A_7 = arith.cmpi sgt, %jit3A, %sign3A_6 : i32
    %sign3A_8 = arith.extui %sign3A_7 : i1 to i32
    %sign3A_9 = arith.constant 0 : i32
    %sign3A_10 = arith.cmpi slt, %jit3A, %sign3A_9 : i32
    %sign3A_11 = arith.extui %sign3A_10 : i1 to i32
    %sign3A_12 = arith.subi %sign3A_8, %sign3A_11 : i32
    %ne3A = arith.cmpi ne, %sign3A_5, %sign3A_12 : i32
    %rem3A = arith.remsi %arg0, %jit3A : i32
    %ne3A_13 = arith.constant 0 : i32
    %ne3A_14 = arith.cmpi ne, %rem3A, %ne3A_13 : i32
    %and3A = arith.andi %ne3A, %ne3A_14 : i1
    %sub3A = arith.constant 1 : i32
    %sub3A_15 = arith.subi %div3A, %sub3A : i32
    %select_n3A = arith.select %and3A, %sub3A_15, %div3A : i32
    %jit3A_16 = arith.constant 5 : i32
    %eq3A = arith.constant 0 : i32
    %eq3A_17 = arith.cmpi eq, %jit3A_16, %eq3A : i32
    %jit3A_18 = arith.constant 1 : i32
    %select_n3A_19 = arith.select %eq3A_17, %jit3A_18, %jit3A_16 : i32
    %rem3A_20 = arith.remsi %arg0, %select_n3A_19 : i32
    %ne3A_21 = arith.constant 0 : i32
    %ne3A_22 = arith.cmpi ne, %rem3A_20, %ne3A_21 : i32
    %lt3A = arith.constant 0 : i32
    %lt3A_23 = arith.cmpi slt, %rem3A_20, %lt3A : i32
    %lt3A_24 = arith.constant 0 : i32
    %lt3A_25 = arith.cmpi slt, %select_n3A_19, %lt3A_24 : i32
    %ne3A_26 = arith.xori %lt3A_23, %lt3A_25 : i1
    %and3A_27 = arith.andi %ne3A_26, %ne3A_22 : i1
    %add3A = arith.addi %rem3A_20, %select_n3A_19 : i32
    %select_n3A_28 = arith.select %and3A_27, %add3A, %rem3A_20 : i32
    %c0_i32 = arith.constant 0 : i32
    %c0_i32_29 = arith.constant 0 : i32
    return %select_n3A, %select_n3A_28, %c0_i32 : i32, i32, i32
  }
  func.func @transform_1(%arg0: i32) -> (i32, i32) {
    %c0_i32 = arith.constant 0 : i32
    %c0_i32_0 = arith.constant 0 : i32
    return %arg0, %c0_i32 : i32, i32
  }
  func.func @transform_2(%arg0: i32) -> (i32, i32) {
    %c0_i32 = arith.constant 0 : i32
    %c0_i32_0 = arith.constant 0 : i32
    return %arg0, %c0_i32 : i32, i32
  }
  func.func @transform_3(%arg0: i32) -> (i32, i32) {
    %c0_i32 = arith.constant 0 : i32
    %c0_i32_0 = arith.constant 0 : i32
    %c0_i32_1 = arith.constant 0 : i32
    return %c0_i32, %c0_i32_0 : i32, i32
  }
  func.func @transform_4(%arg0: i32) -> (i32, i32) {
    %c0_i32 = arith.constant 0 : i32
    %c0_i32_0 = arith.constant 0 : i32
    %c0_i32_1 = arith.constant 0 : i32
    return %c0_i32, %c0_i32_0 : i32, i32
  }
  func.func @transform_5(%arg0: i32) -> (i32, i32) {
    %c0_i32 = arith.constant 0 : i32
    %c0_i32_0 = arith.constant 0 : i32
    %c0_i32_1 = arith.constant 0 : i32
    return %c0_i32, %c0_i32_0 : i32, i32
  }
  func.func @transform_6(%arg0: i32) -> (i32, i32) {
    %c0_i32 = arith.constant 0 : i32
    %c0_i32_0 = arith.constant 0 : i32
    %c0_i32_1 = arith.constant 0 : i32
    return %c0_i32, %c0_i32_0 : i32, i32
  }
  func.func @transform_7(%arg0: i32) -> (i32, i32) {
    %c0_i32 = arith.constant 0 : i32
    %c0_i32_0 = arith.constant 0 : i32
    return %arg0, %c0_i32 : i32, i32
  }
}

</mosaic_0001>

<sc_bundles>
// kernel: kernel.14.cloned.1.call-start
scs
__scs_entry_jumppad:
0x0: {  	(pc) =	sbr.rel $0x88, $3  }
0x1: {  	(tag) =	ssettag $0x0;
	lr =	simm.s32 $0x1  }
0x2: {  	[smem:$0x3F93] =	sst lr;
	_ =	strace $0xD0000000  }
0x3: {  	_ = 	snop  }
0x4: {  	_ = 	snop  }
0x5: {  	_ = 	snop  }
0x6: {  	_ = 	snop  }
0x7: {  	_ = 	snop  }
__scs_overlays_trampoline_lowered:
0x8: {  	[smem:$0x3FA2] =	sst s0  }
0x9: {  	[smem:$0x3FA3] =	sst s1  }
0xa: {  	[smem:$0x3FA4] =	sst s2  }
0xb: {  	[smem:$0x3FA5] =	sst s3  }
0xc: {  	[smem:$0x3FA6] =	sst s4  }
0xd: {  	[smem:$0x3FA7] =	sst s5  }
0xe: {  	[smem:$0x3FA8] =	sst s6  }
0xf: {  	[smem:$0x3FA9] =	sst s7  }
0x10: {  	[smem:$0x3FAA] =	sst s8  }
0x11: {  	[smem:$0x3FAB] =	sst s9;
	s0 =	simm.s32 @!p0 $0x0  }
0x12: {  	s1 =	sld [smem:$0x3F91];
	s0 =	simm.s32 @p0 $0x1  }
0x13: {  	[smem:$0x3FAC] =	sst s0;
	s0 =	simm.s32 @!p1 $0x0  }
0x14: {  	s2 =	sld [smem:$0x3F90];
	s0 =	simm.s32 @p1 $0x1  }
0x15: {  	[smem:$0x3FAD] =	sst s0;
	s0 =	simm.s32 @!p2 $0x0  }
0x16: {  	s3 =	sld [smem:$0x3FDB];
	s0 =	simm.s32 @p2 $0x1  }
0x17: {  	s4 =	simm.s32 $0x1BF5;
	[smem:$0x3FAF] =	sst s0  }
0x18: {  	s0 =	sld [smem:$0x3F92];
	_ =	swait.ge [sflag:s4], $0x0  }
0x19: {  	s7 =	sld [smem:$0x3F93]  }
0x1a: {  	s8 =	sadd.s32 $0xFFFFE003, lr  }
0x1b: {  	s9 =	sadd.s32 $0xFFFFFEF7, lr;
	s5 =	simm.s32 $0xFFFFFFFF;
	p2 =	slt.u32 s8, $0xFFFFF086  }
0x1c: {  	p1 =	slt.u32 s9, $0xF7A;
	s5 =	simm.s32 @!p2 $0x0  }
0x1d: {  	s5 =	simm.s32 @p1 $0x1;
	p0 =	seq.s32 s7, s2  }
0x1e: {  	s7 =	smul.u32 @!p0 $0xF7A, s2;
	p2 =	seq.s32 @!p0 s5, $0x0  }
0x1f: {  	s9 =	smul.u32 $0xF7A, s1;
	s8 =	simm.s32 @!p0 $0x1BF5;
	p2 =	por !p2, p0  }
0x20: {  	[sflag:s8] =	ssyncset.s32 @!p0 $0xFFFFF086;
	s6 =	sadd.s32 @!p0 s3, s7;
	s7 =	simm.s32 @!p0 $0x108  }
0x21: {  	s3 =	sadd.s32 s3, s9;
	s6 =	sadd.s32 @!p0 $0x88, s6;
	s7 =	simm.s32 @p2 $0x1082  }
0x22: {  	[simem:s7], [sflag:s8] =	dma.local @!p0 [hbm:s6], $0xF7A  }
0x23: {  	s9 =	sor.u32 $0xD0000000, s2;
	s6 =	simm.s32 $0x108;
	_ =	swait.ge @!p0 [sflag:s8], $0x0  }
0x24: {  	s3 =	sadd.s32 $0x88, s3;
	s6 =	simm.s32 @!p1 $0x1082;
	[sflag:s4] =	ssyncset.s32 $0xFFFFF086  }
0x25: {  	[simem:s6], [sflag:s4] =	dma.local [hbm:s3], $0xF7A  }
0x26: {  	[smem:$0x3F93] =	sst s1;
	(tag) =	ssettag s2;
	_ =	strace s9  }
0x27: {  	s1 =	sld [smem:$0x3FA3]  }
0x28: {  	s2 =	sld [smem:$0x3FA4]  }
0x29: {  	s4 =	sld [smem:$0x3FA6]  }
0x2a: {  	p0 =	seq.s32 s5, $0x0;
	s5 =	sld [smem:$0x3FA7]  }
0x2b: {  	s6 =	sld [smem:$0x3FA8]  }
0x2c: {  	s7 =	sld [smem:$0x3FA9]  }
0x2d: {  	s3 =	simm.s32 $0x108;
	s8 =	sld [smem:$0x3FAA]  }
0x2e: {  	s3 =	simm.s32 @!p0 $0x1082;
	s9 =	sld [smem:$0x3FAB]  }
0x2f: {  	lr =	sadd.s32 s0, s3;
	s0 =	sld [smem:$0x3FA2]  }
0x30: {  	s3 =	sld [smem:$0x3FA5]  }
0x31: {  	[smem:$0x3FAE] =	sst s10  }
0x32: {  	s10 =	sld [smem:$0x3FAC];
	_ =	sdelay $0x3  }
0x33: {  	p0 =	seq.s32 s10, $0x1;
	s10 =	sld [smem:$0x3FAE];
	_ =	sdelay $0x3  }
0x34: {  	[smem:$0x3FAE] =	sst s10  }
0x35: {  	s10 =	sld [smem:$0x3FAD];
	_ =	sdelay $0x3  }
0x36: {  	p1 =	seq.s32 s10, $0x1;
	s10 =	sld [smem:$0x3FAE];
	_ =	sdelay $0x3  }
0x37: {  	[smem:$0x3FAE] =	sst s10  }
0x38: {  	s10 =	sld [smem:$0x3FAF]  }
0x39: {  	_ = 	snop;
	(pc) =	sbr.ind lr, $3  }
0x3a: {  	_ = 	snop  }
0x3b: {  	_ = 	snop  }
0x3c: {  	p2 =	seq.s32 s10, $0x1;
	s10 =	sld [smem:$0x3FAE]  }
0x3d: {  	_ =	shalt  }
0x3e: {  	_ =	shalt  }
0x3f: {  	_ =	shalt  }
0x40: {  	_ =	shalt  }
0x41: {  	_ =	shalt  }
0x42: {  	_ =	shalt  }
0x43: {  	_ =	shalt  }
0x44: {  	_ =	shalt  }
0x45: {  	_ =	shalt  }
0x46: {  	_ =	shalt  }
0x47: {  	_ =	shalt  }
0x48: {  	_ =	shalt  }
0x49: {  	_ =	shalt  }
0x4a: {  	_ =	shalt  }
0x4b: {  	_ =	shalt  }
0x4c: {  	_ =	shalt  }
0x4d: {  	_ =	shalt  }
0x4e: {  	_ =	shalt  }
0x4f: {  	_ =	shalt  }
0x50: {  	_ =	shalt  }
0x51: {  	_ =	shalt  }
0x52: {  	_ =	shalt  }
0x53: {  	_ =	shalt  }
0x54: {  	_ =	shalt  }
0x55: {  	_ =	shalt  }
0x56: {  	_ =	shalt  }
0x57: {  	_ =	shalt  }
0x58: {  	_ =	shalt  }
0x59: {  	_ =	shalt  }
0x5a: {  	_ =	shalt  }
0x5b: {  	_ =	shalt  }
0x5c: {  	_ =	shalt  }
0x5d: {  	_ =	shalt  }
0x5e: {  	_ =	shalt  }
0x5f: {  	_ =	shalt  }
0x60: {  	_ =	shalt  }
0x61: {  	_ =	shalt  }
0x62: {  	_ =	shalt  }
0x63: {  	_ =	shalt  }
0x64: {  	_ =	shalt  }
0x65: {  	_ =	shalt  }
0x66: {  	_ =	shalt  }
0x67: {  	_ =	shalt  }
0x68: {  	_ =	shalt  }
0x69: {  	_ =	shalt  }
0x6a: {  	_ =	shalt  }
0x6b: {  	_ =	shalt  }
0x6c: {  	_ =	shalt  }
0x6d: {  	_ =	shalt  }
0x6e: {  	_ =	shalt  }
0x6f: {  	_ =	shalt  }
0x70: {  	_ =	shalt  }
0x71: {  	_ =	shalt  }
0x72: {  	_ =	shalt  }
0x73: {  	_ =	shalt  }
0x74: {  	_ =	shalt  }
0x75: {  	_ =	shalt  }
0x76: {  	_ =	shalt  }
0x77: {  	_ =	shalt  }
0x78: {  	_ =	shalt  }
0x79: {  	_ =	shalt  }
0x7a: {  	_ =	shalt  }
0x7b: {  	_ =	shalt  }
0x7c: {  	_ =	shalt  }
0x7d: {  	_ =	shalt  }
0x7e: {  	_ =	shalt  }
0x7f: {  	_ =	shalt  }
0x80: {  	_ =	shalt  }
0x81: {  	_ =	shalt  }
0x82: {  	_ =	shalt  }
0x83: {  	_ =	shalt  }
0x84: {  	_ =	shalt  }
0x85: {  	_ =	shalt  }
0x86: {  	_ =	shalt  }
0x87: {  	_ =	shalt  }
.Lfunc_end0:
.L_simem_size_0:
called_computation_lowered:
.L_overlay_start_0:
0x88: {  	s2 =	sld [smem:$0x3FD9]  }
0x89: {  	s3 =	sld [smem:$0x3FFE];
	_ =	sdelay $0x1  }
0x8a: {  	s1 =	srdreg.scid  }
0x8b: {  	s0 =	sand.u32 $0x1, s1  }
0x8c: {  	s17 =	sshll.u32 s0, $0xA;
	s2 =	sadd.s32 s3, s2  }
0x8d: {  	s2 =	sadd.s32 s2, s17  }
0x8e: {  	[smem:$0x3FBA] =	sst s2  }
0x8f: {  	_ = 	snop  }
0x90: {  	s2 =	sld [smem:$0x3FD0];
	(tm) =	ssettm $0x1  }
0x91: {  	s18 =	sld [smem:$0x3FFB];
	_ =	sdelay $0x3  }
0x92: {  	_ =	strace s18  }
0x93: {  	s3 =	sld [smem:$0x3FFC];
	_ =	sdelay $0x3  }
0x94: {  	_ =	strace s3  }
0x95: {  	s3 =	sld [smem:$0x3FFD];
	_ =	sdelay $0x3  }
0x96: {  	_ =	strace s3  }
0x97: {  	_ =	strace $0x8FFFFFFF  }
0x98: {  	s19 =	sld [smem:$0x3FDB];
	_ =	sdelay $0x1  }
0x99: {  	s4 =	simm.s32 $_scs_section_size  }
0x9a: {  	s5 =	simm.s32 $_size__tile_overlayer_lowered;
	s6 =	simm.s32 $_tile_overlayer_lowered  }
0x9b: {  	s22 =	simm.s32 $0x1BFF;
	s21 =	sshll.u32 s6, $0x1;
	s3 =	sadd.s32 s4, s19  }
0x9c: {  	s7 =	simm.s32 $0x0;
	s20 =	sshll.u32 s5, $0x1;
	s5 =	sadd.s32 s21, s3  }
0x9d: {  	[timem:s7], [sflag:s22] =	dma.local [hbm:s5], s20  }
0x9e: {  	_ =	swait.ge [sflag:s22], s20  }
0x9f: {  	s4 =	ssub.s32 $0x0, s20;
	[sflag:s22] =	ssyncset.done $0x0  }
0xa0: {  	[sflag:s22] =	ssyncadd.s32 s4;
	_ =	sdelay $0x1  }
0xa1: {  	s23 =	simm.s32 $0x1B8B  }
0xa2: {  	_ =	swait.ge [sflag:s23], $0x1  }
0xa3: {  	[sflag:s23] =	ssyncset.done $0x0  }
0xa4: {  	s25 =	simm.s32 $0x1B8E;
	s24 =	sld [smem:$0x3FFE];
	[sflag:s23] =	ssyncadd.s32 $0xFFFFFFFF  }
0xa5: {  	s26 =	simm.s32 $execute0_lowered;
	[smem:$0x3FD2] =	sst s25  }
0xa6: {  	s5 =	sshll.u32 s26, $0x1;
	_ =	strace $0x80000046;
	[dreg:$0x1] =	wrdreg $0xFFFFFFFF  }
0xa7: {  	s28 =	simm.s32 $_size_execute0_lowered;
	s3 =	sadd.s32 s3, s5;
	[dreg:$0x0] =	wrdreg $0x0  }
0xa8: {  	s5 =	sshll.u32 s28, $0x1;
	[dreg:$0x2] =	wrdreg s3  }
0xa9: {  	[dreg:$0x3] =	wrdreg s5  }
0xaa: {  	[dreg:$0x4] =	wrdreg $0xC0  }
0xab: {  	_ =	task [dreg:s7], $0x5FFFF  }
0xac: {  	[dreg:$0x1] =	wrdreg $0xFFFFFFFF  }
0xad: {  	[dreg:$0x0] =	wrdreg $0x60  }
0xae: {  	[dreg:$0x2] =	wrdreg s24  }
0xaf: {  	[dreg:$0x3] =	wrdreg s2  }
0xb0: {  	[dreg:$0x4] =	wrdreg $0x90800  }
0xb1: {  	[dreg:$0x5] =	wrdreg $0x9  }
0xb2: {  	_ =	task.clear_ibuf [dreg:s7], $0x6FFFF;
	_ =	strace $0x90000046  }
0xb3: {  	s29 =	simm.s32 $0x9;
	_ =	strace $0x80000048  }
0xb4: {  	_ =	swait.ge [sflag:s29], $0x1  }
0xb5: {  	[sflag:s29] =	ssyncadd.s32 $0xFFFFFFFF  }
0xb6: {  	_ =	strace $0x90000048  }
0xb7: {  	_ =	sfence  }
0xb8: {  	s30 =	sld [smem:$0x0];
	_ =	sdelay $0x2  }
0xb9: {  	s31 =	sshll.u32 s1, $0xD;
	s1 =	sshrl.u32 s1, $0x2  }
0xba: {  	s3 =	sand.u32 $0x4000, s31;
	s1 =	sadd.s32 s1, s30  }
0xbb: {  	s0 =	sor.u32 s3, s0;
	s1 =	sshll.u32 s1, $0x11  }
0xbc: {  	s0 =	sor.u32 s1, s0  }
0xbd: {  	s0 =	sadd.s32 $0x8F2B, s0  }
0xbe: {  	[sflag:s0] =	ssyncadd.remote.s32 $0x1  }
0xbf: {  	_ =	sfence.sel $0xFFFF  }
0xc0: {  	[dreg:$0x0] =	wrdreg $0xFFFFFFFF;
	(pc) =	sbr.abs _section_cstart, $3  }
0xc1: {  	[dreg:$0x1] =	wrdreg $0xFFFFFFFF  }
0xc2: {  	_ =	task.clear_ibuf [dreg:s7], $0x2FFFF;
	_ =	strace $0x9FFFFFFF  }
0xc3: {  	(tm) =	ssettm $0x7FFFFFFF  }
tec
execute0_lowered:
.L_overlay_start_1:
0x0: {  	(tag) =	ssettag $0x1  }
0x1: {  	s4 =	rddreg [dreg:$0x0]  }
0x2: {  	s11 =	rddreg [dreg:$0x1]  }
0x3: {  	s0 =	srdreg.scid;
	s2 =	rddreg [dreg:$0x2]  }
0x4: {  	s1 =	rddreg [dreg:$0x3];
	s6 =	sand.u32 $0x1, s0  }
0x5: {  	s0 =	stileid.u32;
	s5 =	smul.u32 $0x50000, s6  }
0x6: {  	s3 =	simm.s32 $0x0;
	s15 =	simm.s32 $0x5080;
	s7 =	smul.u32 $0x5000, s0  }
0x7: {  	s16 =	simm.s32 $0x80;
	[smem:$0x7FF] =	sst s3;
	s10 =	smul.u32 $0x30000, s0  }
0x8: {  	s17 =	simm.s32 $0x0;
	_ =	strace $0x80000047;
	s29 =	smul.u32 $0xC000, s0  }
0x9: {  	s28 =	ssub.s32 $0x2, s6;
	s8 =	sshll.u32 s6, $0x4;
	s14 =	smul.u32 $0xC0000, s6  }
0xa: {  	s9 =	sshrl.u32 s28, $0x1;
	s8 =	sadd.s32 s8, s4;
	s5 =	sadd.s32 s7, s5  }
0xb: {  	s12 =	ssub.s32 s28, s9;
	s30 =	sshrl.u32 s10, $0x2;
	s31 =	sadd.s32 $0x4000, s29  }
0xc: {  	s13 =	sadd.s32 $0x8000, s29;
	s9 =	sadd.s32 s29, s14;
	s5 =	sshrl.u32 s5, $0x3  }
0xd: {  	s6 =	sadd.s32 s30, s2;
	s7 =	sadd.s32 s31, s2;
	s10 =	sadd.s32 s14, s31  }
.Ltmp0:
0xe: {  	s9 =	sshrl.u32 s9, $0x3;
	s5 =	sadd.s32 s5, s4;
	(pc) =	sbr.rel .LBB2_1-.Ltmp0, $4  }
0xf: {  	s12 =	smax.u32 s12, $0x1;
	s10 =	sshrl.u32 s10, $0x3;
	s4 =	sadd.s32 $0x1F800, s5  }
0x10: {  	s5 =	sadd.s32 $0x1800, s8;
	s8 =	sadd.s32 s13, s2;
	s13 =	sadd.s32 s14, s13  }
0x11: {  	s9 =	sadd.s32 s11, s9;
	s10 =	sadd.s32 s11, s10;
	s13 =	sshrl.u32 s13, $0x3  }
0x12: {  	v0 =	vimm.f32 $0.0e+00;
	v1 =	vimm.f32 $1.000000000e+00;
	s14 =	simm.s32 $0x5000;
	s11 =	sadd.s32 s11, s13;
	s13 =	simm.s32 $0x1  }
.LBB2_8:
0x13: {  	[sflag:s13] =	ssyncadd.s32 $0xFFFFF800  }
.LBB2_9:
0x14: {  	s18 =	sshll.u32 s0, $0x6  }
0x15: {  	[bflag:$0x0] =	sbarrier.arrive $0xFFFF;
	s19 =	sshrl.u32 s6, $0x3;
	s18 =	sor.u32 $0x1C01, s18  }
0x16: {  	[hbm:s9], [sflag:s18] =	dma.local [spmem:s19], $0x800  }
0x17: {  	_ =	swait.ge [sflag:s13], $0x800  }
0x18: {  	[sflag:s13] =	ssyncset.done $0x0  }
0x19: {  	s30 =	sshrl.u32 s7, $0x3;
	[sflag:s13] =	ssyncadd.s32 $0xFFFFF800  }
0x1a: {  	[hbm:s10], [sflag:s18] =	dma.local [spmem:s30], $0x800  }
0x1b: {  	s17 =	sadd.s32 $0x1, s17;
	_ =	swait.ge [sflag:s13], $0x800  }
0x1c: {  	p0 =	sne.s32 s17, s12;
	[sflag:s13] =	ssyncset.done $0x0  }
.Ltmp1:
0x1d: {  	s31 =	sshrl.u32 s8, $0x3;
	[sflag:s13] =	ssyncadd.s32 $0xFFFFF800;
	(pc) =	sbr.rel @!p0 .LBB2_10-.Ltmp1, $4  }
0x1e: {  	[hbm:s11], [sflag:s18] =	dma.local [spmem:s31], $0x800  }
0x1f: {  	_ =	swait.ge [sflag:s13], $0x800  }
0x20: {  	[sflag:s13] =	ssyncset.done $0x0  }
0x21: {  	[sflag:s13] =	ssyncadd.s32 $0xFFFFF800  }
.LBB2_1:
0x22: {  	[tilespmem:s3], [sflag:$0x1] =	stream.linear.gather [hbm4b:s4+s3], $0x4F00, $0x38;
	[tilespmem:$0xA880] =	vst v63  }
0x23: {  	_ =	swait.ge [sflag:s13], $0x4F00  }
0x24: {  	[sflag:s13] =	ssyncset.done $0x0  }
0x25: {  	[sflag:s13] =	ssyncadd.s32 $0xFFFFB100  }
0x26: {  	[tilespmem:s14], [sflag:$0x1] =	stream.linear.gather [hbm4b:s5+s3], $0x80, $0x38;
	[tilespmem:$0xA880] =	vst v63  }
0x27: {  	_ =	swait.ge [sflag:s13], $0x80  }
0x28: {  	[sflag:s13] =	ssyncset.done $0x0  }
0x29: {  	[sflag:s13] =	ssyncadd.s32 $0xFFFFFF80  }
0x2a: {  	s18 =	simm.s32 $0x200;
	s19 =	simm.s32 $0x0;
	v2 =	vld [tilespmem:$0x5000]  }
.LBB2_2:
0x2b: {  	p0 =	sne.s32 s18, $0xFE00;
	[tilespmem:s19+$0x5080] =	vst v0;
	s19 =	smov.u32 s18;
	s18 =	sadd.s32 $0x200, s18  }
.Ltmp2:
0x2c: {  	(pc) =	sbr.rel @p0 .LBB2_2-.Ltmp2, $2  }
0x2d: {  	_ =	sdelay $0x2  }
0x2e: {  	s19 =	sshra.s32 s19, $0x2  }
0x2f: {  	[tilespmem:s19+$0x5080] =	vst v0  }
0x30: {  	[spmem:s6] =	stream.linear.scatter [tilespmem:s15], [sflag:$0x1], $0x4000, $0x38;
	[tilespmem:$0xA880] =	vst v63  }
0x31: {  	_ =	swait.ge [sflag:s13], $0x4000  }
0x32: {  	[sflag:s13] =	ssyncset.done $0x0  }
0x33: {  	[sflag:s13] =	ssyncadd.s32 $0xFFFFC000  }
0x34: {  	[spmem:s7] =	stream.linear.scatter [tilespmem:s15], [sflag:$0x1], $0x4000, $0x38;
	[tilespmem:$0xA880] =	vst v63  }
0x35: {  	_ =	swait.ge [sflag:s13], $0x4000  }
0x36: {  	[sflag:s13] =	ssyncset.done $0x0  }
0x37: {  	[sflag:s13] =	ssyncadd.s32 $0xFFFFC000  }
0x38: {  	[spmem:s8] =	stream.linear.scatter [tilespmem:s15], [sflag:$0x1], $0x4000, $0x38;
	[tilespmem:$0xA880] =	vst v63  }
0x39: {  	_ =	swait.ge [sflag:s13], $0x4000  }
0x3a: {  	[sflag:s13] =	ssyncset.done $0x0  }
0x3b: {  	s18 =	simm.s32 $0x200;
	s20 =	simm.s32 $0x0;
	[sflag:s13] =	ssyncadd.s32 $0xFFFFC000  }
.LBB2_4:
0x3c: {  	p0 =	sne.s32 s18, $0xFE00;
	[tilespmem:s20+$0x5080] =	vst v1;
	s19 =	smov.u32 s18;
	s18 =	sadd.s32 $0x200, s18  }
.Ltmp3:
0x3d: {  	(pc) =	sbr.rel @p0 .LBB2_4-.Ltmp3, $2  }
0x3e: {  	_ =	sdelay $0x2  }
0x3f: {  	s20 =	sshra.s32 s19, $0x2  }
0x40: {  	(v2sf) =	vpush v2, $0x0;
	_ =	sdelay $0xe  }
0x41: {  	s19 =	spop (v2sf)  }
0x42: {  	p0 =	slt.s32 s19, $0x1  }
.Ltmp4:
0x43: {  	_ = 	snop;
	(pc) =	sbr.rel @p0 .LBB2_9-.Ltmp4, $4  }
0x44: {  	_ = 	snop  }
0x45: {  	[tilespmem:s20+$0x5080] =	vst v1  }
0x46: {  	[bflag:$0x0] =	sbarrier.arrive $0xFFFF  }
0x47: {  	s18 =	simm.s32 $0x0  }
0x48: {  	p0 =	sne.s32 s19, $0x1  }
.Ltmp5:
0x49: {  	_ = 	snop;
	(pc) =	sbr.rel @!p0 .LBB2_8-.Ltmp5, $4  }
0x4a: {  	_ = 	snop  }
0x4b: {  	[spmem:s2] =	stream.indirect.scatter.add.f32 [tilespmem:s15], [sflag:$0x1], $0x10, s18, s16, $0xb8;
	[tilespmem:$0xA880] =	vst v63  }
0x4c: {  	_ =	swait.ge [sflag:s13], $0x800  }
0x4d: {  	s19 =	sadd.s32 $0xFFFFFFFF, s19;
	[sflag:s13] =	ssyncset.done $0x0  }
.LBB2_7:
0x4e: {  	p0 =	sne.s32 s19, $0x1;
	[sflag:s13] =	ssyncadd.s32 $0xFFFFF800;
	s18 =	sadd.s32 $0x80, s18  }
.Ltmp6:
0x4f: {  	s19 =	sadd.s32 $0xFFFFFFFF, s19;
	(pc) =	sbr.rel @p0 .LBB2_7-.Ltmp6, $4  }
0x50: {  	_ = 	snop  }
0x51: {  	[spmem:s2] =	stream.indirect.scatter.add.f32 [tilespmem:s15], [sflag:$0x1], $0x10, s18, s16, $0xb8;
	[tilespmem:$0xA880] =	vst v63  }
0x52: {  	_ =	swait.ge [sflag:s13], $0x800  }
0x53: {  	[sflag:s13] =	ssyncset.done $0x0  }
.Ltmp7:
0x54: {  	_ = 	snop;
	(pc) =	sbr.rel .LBB2_8-.Ltmp7, $1  }
0x55: {  	_ =	sdelay $0x3  }
.LBB2_10:
0x56: {  	_ =	sfence.sel $0x180000  }
0x57: {  	[bflag:$0x0] =	sbarrier.arrive $0xFFFF  }
0x58: {  	p0 =	sne.s32 s0, $0x0;
	_ =	strace $0x90000047  }
0x59: {  	s0 =	sadd.s32 @!p0 $0x100000, s1;
	[bflag:$0x2] =	sbarrier.arrive $0xFFFF  }
0x5a: {  	[sflag:s0] =	ssyncadd.tile.s32 @!p0 $0x1;
	_ =	shalt  }
.Lfunc_end2:
_tile_overlayer_lowered:
.L_overlay_start_2:
0x5b: {  	(tag) =	ssettag $0x2  }
0x5c: {  	s0 =	rddreg [dreg:$0x0];
	s2 =	stileid.u32  }
0x5d: {  	s1 =	rddreg [dreg:$0x1];
	p0 =	sne.s32 s2, $0x0  }
0x5e: {  	s3 =	rddreg [dreg:$0x2];
	[bflag:$0x3] =	sbarrier.arrive $0xFFFF;
	s2 =	simm.s32 @!p0 $0x1C01  }
0x5f: {  	[timem:s3], [sflag:s2] =	dma.local @!p0 [hbm:s0], s1  }
0x60: {  	s0 =	simm.s32 @!p0 $0x1  }
0x61: {  	_ =	swait.ge @!p0 [sflag:s0], s1  }
0x62: {  	s1 =	ssub.s32 @!p0 $0x0, s1;
	[sflag:s0] =	ssyncset.done @!p0 $0x0  }
0x63: {  	[sflag:s0] =	ssyncadd.s32 @!p0 s1  }
0x64: {  	[bflag:$0x3] =	sbarrier.arrive $0xFFFF  }
0x65: {  	_ =	shalt  }

// kernel: kernel.17.cloned.1.call-start
scs
__scs_entry_jumppad:
0x0: {  	(pc) =	sbr.rel $0x88, $3  }
0x1: {  	(tag) =	ssettag $0x0;
	lr =	simm.s32 $0x1  }
0x2: {  	[smem:$0x3F93] =	sst lr;
	_ =	strace $0xD0000000  }
0x3: {  	_ = 	snop  }
0x4: {  	_ = 	snop  }
0x5: {  	_ = 	snop  }
0x6: {  	_ = 	snop  }
0x7: {  	_ = 	snop  }
__scs_overlays_trampoline_lowered:
0x8: {  	[smem:$0x3FA2] =	sst s0  }
0x9: {  	[smem:$0x3FA3] =	sst s1  }
0xa: {  	[smem:$0x3FA4] =	sst s2  }
0xb: {  	[smem:$0x3FA5] =	sst s3  }
0xc: {  	[smem:$0x3FA6] =	sst s4  }
0xd: {  	[smem:$0x3FA7] =	sst s5  }
0xe: {  	[smem:$0x3FA8] =	sst s6  }
0xf: {  	[smem:$0x3FA9] =	sst s7  }
0x10: {  	[smem:$0x3FAA] =	sst s8  }
0x11: {  	[smem:$0x3FAB] =	sst s9;
	s0 =	simm.s32 @!p0 $0x0  }
0x12: {  	s1 =	sld [smem:$0x3F91];
	s0 =	simm.s32 @p0 $0x1  }
0x13: {  	[smem:$0x3FAC] =	sst s0;
	s0 =	simm.s32 @!p1 $0x0  }
0x14: {  	s2 =	sld [smem:$0x3F90];
	s0 =	simm.s32 @p1 $0x1  }
0x15: {  	[smem:$0x3FAD] =	sst s0;
	s0 =	simm.s32 @!p2 $0x0  }
0x16: {  	s3 =	sld [smem:$0x3FDB];
	s0 =	simm.s32 @p2 $0x1  }
0x17: {  	s4 =	simm.s32 $0x1BF5;
	[smem:$0x3FAF] =	sst s0  }
0x18: {  	s0 =	sld [smem:$0x3F92];
	_ =	swait.ge [sflag:s4], $0x0  }
0x19: {  	s7 =	sld [smem:$0x3F93]  }
0x1a: {  	s8 =	sadd.s32 $0xFFFFE003, lr  }
0x1b: {  	s9 =	sadd.s32 $0xFFFFFEF7, lr;
	s5 =	simm.s32 $0xFFFFFFFF;
	p2 =	slt.u32 s8, $0xFFFFF086  }
0x1c: {  	p1 =	slt.u32 s9, $0xF7A;
	s5 =	simm.s32 @!p2 $0x0  }
0x1d: {  	s5 =	simm.s32 @p1 $0x1;
	p0 =	seq.s32 s7, s2  }
0x1e: {  	s7 =	smul.u32 @!p0 $0xF7A, s2;
	p2 =	seq.s32 @!p0 s5, $0x0  }
0x1f: {  	s9 =	smul.u32 $0xF7A, s1;
	s8 =	simm.s32 @!p0 $0x1BF5;
	p2 =	por !p2, p0  }
0x20: {  	[sflag:s8] =	ssyncset.s32 @!p0 $0xFFFFF086;
	s6 =	sadd.s32 @!p0 s3, s7;
	s7 =	simm.s32 @!p0 $0x108  }
0x21: {  	s3 =	sadd.s32 s3, s9;
	s6 =	sadd.s32 @!p0 $0x88, s6;
	s7 =	simm.s32 @p2 $0x1082  }
0x22: {  	[simem:s7], [sflag:s8] =	dma.local @!p0 [hbm:s6], $0xF7A  }
0x23: {  	s9 =	sor.u32 $0xD0000000, s2;
	s6 =	simm.s32 $0x108;
	_ =	swait.ge @!p0 [sflag:s8], $0x0  }
0x24: {  	s3 =	sadd.s32 $0x88, s3;
	s6 =	simm.s32 @!p1 $0x1082;
	[sflag:s4] =	ssyncset.s32 $0xFFFFF086  }
0x25: {  	[simem:s6], [sflag:s4] =	dma.local [hbm:s3], $0xF7A  }
0x26: {  	[smem:$0x3F93] =	sst s1;
	(tag) =	ssettag s2;
	_ =	strace s9  }
0x27: {  	s1 =	sld [smem:$0x3FA3]  }
0x28: {  	s2 =	sld [smem:$0x3FA4]  }
0x29: {  	s4 =	sld [smem:$0x3FA6]  }
0x2a: {  	p0 =	seq.s32 s5, $0x0;
	s5 =	sld [smem:$0x3FA7]  }
0x2b: {  	s6 =	sld [smem:$0x3FA8]  }
0x2c: {  	s7 =	sld [smem:$0x3FA9]  }
0x2d: {  	s3 =	simm.s32 $0x108;
	s8 =	sld [smem:$0x3FAA]  }
0x2e: {  	s3 =	simm.s32 @!p0 $0x1082;
	s9 =	sld [smem:$0x3FAB]  }
0x2f: {  	lr =	sadd.s32 s0, s3;
	s0 =	sld [smem:$0x3FA2]  }
0x30: {  	s3 =	sld [smem:$0x3FA5]  }
0x31: {  	[smem:$0x3FAE] =	sst s10  }
0x32: {  	s10 =	sld [smem:$0x3FAC];
	_ =	sdelay $0x3  }
0x33: {  	p0 =	seq.s32 s10, $0x1;
	s10 =	sld [smem:$0x3FAE];
	_ =	sdelay $0x3  }
0x34: {  	[smem:$0x3FAE] =	sst s10  }
0x35: {  	s10 =	sld [smem:$0x3FAD];
	_ =	sdelay $0x3  }
0x36: {  	p1 =	seq.s32 s10, $0x1;
	s10 =	sld [smem:$0x3FAE];
	_ =	sdelay $0x3  }
0x37: {  	[smem:$0x3FAE] =	sst s10  }
0x38: {  	s10 =	sld [smem:$0x3FAF]  }
0x39: {  	_ = 	snop;
	(pc) =	sbr.ind lr, $3  }
0x3a: {  	_ = 	snop  }
0x3b: {  	_ = 	snop  }
0x3c: {  	p2 =	seq.s32 s10, $0x1;
	s10 =	sld [smem:$0x3FAE]  }
0x3d: {  	_ =	shalt  }
0x3e: {  	_ =	shalt  }
0x3f: {  	_ =	shalt  }
0x40: {  	_ =	shalt  }
0x41: {  	_ =	shalt  }
0x42: {  	_ =	shalt  }
0x43: {  	_ =	shalt  }
0x44: {  	_ =	shalt  }
0x45: {  	_ =	shalt  }
0x46: {  	_ =	shalt  }
0x47: {  	_ =	shalt  }
0x48: {  	_ =	shalt  }
0x49: {  	_ =	shalt  }
0x4a: {  	_ =	shalt  }
0x4b: {  	_ =	shalt  }
0x4c: {  	_ =	shalt  }
0x4d: {  	_ =	shalt  }
0x4e: {  	_ =	shalt  }
0x4f: {  	_ =	shalt  }
0x50: {  	_ =	shalt  }
0x51: {  	_ =	shalt  }
0x52: {  	_ =	shalt  }
0x53: {  	_ =	shalt  }
0x54: {  	_ =	shalt  }
0x55: {  	_ =	shalt  }
0x56: {  	_ =	shalt  }
0x57: {  	_ =	shalt  }
0x58: {  	_ =	shalt  }
0x59: {  	_ =	shalt  }
0x5a: {  	_ =	shalt  }
0x5b: {  	_ =	shalt  }
0x5c: {  	_ =	shalt  }
0x5d: {  	_ =	shalt  }
0x5e: {  	_ =	shalt  }
0x5f: {  	_ =	shalt  }
0x60: {  	_ =	shalt  }
0x61: {  	_ =	shalt  }
0x62: {  	_ =	shalt  }
0x63: {  	_ =	shalt  }
0x64: {  	_ =	shalt  }
0x65: {  	_ =	shalt  }
0x66: {  	_ =	shalt  }
0x67: {  	_ =	shalt  }
0x68: {  	_ =	shalt  }
0x69: {  	_ =	shalt  }
0x6a: {  	_ =	shalt  }
0x6b: {  	_ =	shalt  }
0x6c: {  	_ =	shalt  }
0x6d: {  	_ =	shalt  }
0x6e: {  	_ =	shalt  }
0x6f: {  	_ =	shalt  }
0x70: {  	_ =	shalt  }
0x71: {  	_ =	shalt  }
0x72: {  	_ =	shalt  }
0x73: {  	_ =	shalt  }
0x74: {  	_ =	shalt  }
0x75: {  	_ =	shalt  }
0x76: {  	_ =	shalt  }
0x77: {  	_ =	shalt  }
0x78: {  	_ =	shalt  }
0x79: {  	_ =	shalt  }
0x7a: {  	_ =	shalt  }
0x7b: {  	_ =	shalt  }
0x7c: {  	_ =	shalt  }
0x7d: {  	_ =	shalt  }
0x7e: {  	_ =	shalt  }
0x7f: {  	_ =	shalt  }
0x80: {  	_ =	shalt  }
0x81: {  	_ =	shalt  }
0x82: {  	_ =	shalt  }
0x83: {  	_ =	shalt  }
0x84: {  	_ =	shalt  }
0x85: {  	_ =	shalt  }
0x86: {  	_ =	shalt  }
0x87: {  	_ =	shalt  }
.Lfunc_end0:
.L_simem_size_0:
called_computation.1_lowered:
.L_overlay_start_0:
0x88: {  	s2 =	sld [smem:$0x3FD9]  }
0x89: {  	s3 =	sld [smem:$0x3FFE];
	_ =	sdelay $0x1  }
0x8a: {  	s1 =	srdreg.scid  }
0x8b: {  	s0 =	sand.u32 $0x1, s1  }
0x8c: {  	s17 =	sshll.u32 s0, $0xA;
	s2 =	sadd.s32 s3, s2  }
0x8d: {  	s2 =	sadd.s32 s2, s17  }
0x8e: {  	[smem:$0x3FBA] =	sst s2  }
0x8f: {  	_ = 	snop  }
0x90: {  	s2 =	sld [smem:$0x3FD0];
	(tm) =	ssettm $0x1  }
0x91: {  	s18 =	sld [smem:$0x3FFB];
	_ =	sdelay $0x3  }
0x92: {  	_ =	strace s18  }
0x93: {  	s3 =	sld [smem:$0x3FFC];
	_ =	sdelay $0x3  }
0x94: {  	_ =	strace s3  }
0x95: {  	s3 =	sld [smem:$0x3FFD];
	_ =	sdelay $0x3  }
0x96: {  	_ =	strace s3  }
0x97: {  	_ =	strace $0x8FFFFFFF  }
0x98: {  	s19 =	sld [smem:$0x3FDB];
	_ =	sdelay $0x1  }
0x99: {  	s4 =	simm.s32 $_scs_section_size  }
0x9a: {  	s5 =	simm.s32 $_size__tile_overlayer_lowered;
	s6 =	simm.s32 $_tile_overlayer_lowered  }
0x9b: {  	s22 =	simm.s32 $0x1BFF;
	s21 =	sshll.u32 s6, $0x1;
	s3 =	sadd.s32 s4, s19  }
0x9c: {  	s7 =	simm.s32 $0x0;
	s20 =	sshll.u32 s5, $0x1;
	s5 =	sadd.s32 s21, s3  }
0x9d: {  	[timem:s7], [sflag:s22] =	dma.local [hbm:s5], s20  }
0x9e: {  	_ =	swait.ge [sflag:s22], s20  }
0x9f: {  	s4 =	ssub.s32 $0x0, s20;
	[sflag:s22] =	ssyncset.done $0x0  }
0xa0: {  	[sflag:s22] =	ssyncadd.s32 s4;
	_ =	sdelay $0x1  }
0xa1: {  	s23 =	simm.s32 $0x1B8B  }
0xa2: {  	_ =	swait.ge [sflag:s23], $0x1  }
0xa3: {  	[sflag:s23] =	ssyncset.done $0x0  }
0xa4: {  	s25 =	simm.s32 $0x1B8E;
	s24 =	sld [smem:$0x3FFE];
	[sflag:s23] =	ssyncadd.s32 $0xFFFFFFFF  }
0xa5: {  	s26 =	simm.s32 $execute0_lowered;
	[smem:$0x3FD2] =	sst s25  }
0xa6: {  	s5 =	sshll.u32 s26, $0x1;
	_ =	strace $0x80000049;
	[dreg:$0x1] =	wrdreg $0xFFFFFFFF  }
0xa7: {  	s28 =	simm.s32 $_size_execute0_lowered;
	s3 =	sadd.s32 s3, s5;
	[dreg:$0x0] =	wrdreg $0x0  }
0xa8: {  	s5 =	sshll.u32 s28, $0x1;
	[dreg:$0x2] =	wrdreg s3  }
0xa9: {  	[dreg:$0x3] =	wrdreg s5  }
0xaa: {  	[dreg:$0x4] =	wrdreg $0xC0  }
0xab: {  	_ =	task [dreg:s7], $0x5FFFF  }
0xac: {  	[dreg:$0x1] =	wrdreg $0xFFFFFFFF  }
0xad: {  	[dreg:$0x0] =	wrdreg $0x60  }
0xae: {  	[dreg:$0x2] =	wrdreg s24  }
0xaf: {  	[dreg:$0x3] =	wrdreg s2  }
0xb0: {  	[dreg:$0x4] =	wrdreg $0x120800  }
0xb1: {  	[dreg:$0x5] =	wrdreg $0x9  }
0xb2: {  	_ =	task.clear_ibuf [dreg:s7], $0x6FFFF;
	_ =	strace $0x90000049  }
0xb3: {  	s29 =	simm.s32 $0x9;
	_ =	strace $0x8000004B  }
0xb4: {  	_ =	swait.ge [sflag:s29], $0x1  }
0xb5: {  	[sflag:s29] =	ssyncadd.s32 $0xFFFFFFFF  }
0xb6: {  	_ =	strace $0x9000004B  }
0xb7: {  	_ =	sfence  }
0xb8: {  	s30 =	sld [smem:$0x0];
	_ =	sdelay $0x2  }
0xb9: {  	s31 =	sshll.u32 s1, $0xD;
	s1 =	sshrl.u32 s1, $0x2  }
0xba: {  	s3 =	sand.u32 $0x4000, s31;
	s1 =	sadd.s32 s1, s30  }
0xbb: {  	s0 =	sor.u32 s3, s0;
	s1 =	sshll.u32 s1, $0x11  }
0xbc: {  	s0 =	sor.u32 s1, s0  }
0xbd: {  	s0 =	sadd.s32 $0x8F2B, s0  }
0xbe: {  	[sflag:s0] =	ssyncadd.remote.s32 $0x1  }
0xbf: {  	_ =	sfence.sel $0xFFFF  }
0xc0: {  	[dreg:$0x0] =	wrdreg $0xFFFFFFFF;
	(pc) =	sbr.abs _section_cstart, $3  }
0xc1: {  	[dreg:$0x1] =	wrdreg $0xFFFFFFFF  }
0xc2: {  	_ =	task.clear_ibuf [dreg:s7], $0x2FFFF;
	_ =	strace $0x9FFFFFFF  }
0xc3: {  	(tm) =	ssettm $0x7FFFFFFF  }
tec
execute0_lowered:
.L_overlay_start_1:
0x0: {  	(tag) =	ssettag $0x1  }
0x1: {  	s5 =	rddreg [dreg:$0x0]  }
0x2: {  	s13 =	rddreg [dreg:$0x1];
	s0 =	srdreg.scid  }
0x3: {  	s2 =	rddreg [dreg:$0x2];
	s1 =	stileid.u32  }
0x4: {  	s3 =	simm.s32 $0x0;
	s17 =	simm.s32 $0xA000;
	s18 =	simm.s32 $0xA080  }
0x5: {  	s19 =	simm.s32 $0x1;
	s20 =	simm.s32 $0x80;
	s6 =	smul.u32 $0x5000, s1  }
0x6: {  	s21 =	simm.s32 $0xE080;
	s22 =	simm.s32 $0x2;
	s30 =	smul.u32 $0x30000, s1  }
0x7: {  	s8 =	sand.u32 $0x1, s0;
	s0 =	rddreg [dreg:$0x3];
	s11 =	smul.u32 $0xC000, s1  }
0x8: {  	s23 =	simm.s32 $0x0;
	[smem:$0x7FF] =	sst s3;
	s4 =	smul.u32 $0x50000, s8  }
0x9: {  	_ =	strace $0x8000004A;
	s7 =	ssub.s32 $0x2, s8;
	s9 =	sshll.u32 s8, $0x4  }
0xa: {  	s12 =	smul.u32 $0xC0000, s8;
	s10 =	sshrl.u32 s7, $0x1;
	s9 =	sadd.s32 s9, s5  }
0xb: {  	s31 =	sshrl.u32 s30, $0x2;
	s15 =	sadd.s32 $0x4000, s11;
	s16 =	sadd.s32 $0x8000, s11  }
0xc: {  	s6 =	sadd.s32 s6, s4;
	s4 =	sadd.s32 $0x33800, s5;
	s14 =	ssub.s32 s7, s10  }
0xd: {  	s7 =	sadd.s32 $0x1800, s9;
	s8 =	sadd.s32 s31, s2;
	s9 =	sadd.s32 s15, s2  }
0xe: {  	s10 =	sadd.s32 s16, s2;
	s11 =	sadd.s32 s11, s12;
	s15 =	sadd.s32 s12, s15  }
.Ltmp0:
0xf: {  	s12 =	sadd.s32 s12, s16;
	s6 =	sshrl.u32 s6, $0x3;
	(pc) =	sbr.rel .LBB2_1-.Ltmp0, $4  }
0x10: {  	s11 =	sshrl.u32 s11, $0x3;
	s15 =	sshrl.u32 s15, $0x3;
	s16 =	sshrl.u32 s12, $0x3  }
0x11: {  	s14 =	smax.u32 s14, $0x1;
	s6 =	sadd.s32 s6, s5;
	s11 =	sadd.s32 s13, s11  }
0x12: {  	s12 =	sadd.s32 s13, s15;
	s13 =	sadd.s32 s13, s16;
	s15 =	simm.s32 $0x3  }
0x13: {  	v0 =	vimm.f32 $0.0e+00;
	s16 =	simm.s32 $0x5000;
	s5 =	sadd.s32 $0xB800, s6;
	s6 =	sadd.s32 $0x1F800, s6  }
.LBB2_5:
0x14: {  	s29 =	simm.s32 $0x5000  }
.LBB2_9:
0x15: {  	s30 =	sadd.s32 $0xFFFFFF80, s28;
	[sflag:s15] =	ssyncadd.s32 @p1 $0xFFFFC000  }
0x16: {  	[tilespmem:s21], [sflag:$0x2] =	stream.indirect.gather [hbm4b:s4+s20], $0x80, s30, s20, $0xb8;
	[tilespmem:$0x1E080] =	vst v63  }
0x17: {  	_ =	swait.ge [sflag:s19], $0x4000  }
0x18: {  	s29 =	sadd.s32 @p1 $0x100, s29;
	[sflag:s19] =	ssyncset.done $0x0  }
0x19: {  	s26 =	smov.u32 @p1 s29;
	[sflag:s19] =	ssyncadd.s32 $0xFFFFC000  }
0x1a: {  	[spmem:s2] =	stream.indirect.scatter.add.f32 [tilespmem:s18], [sflag:$0x3], $0x80, s26, s20, $0xb8;
	[tilespmem:$0x1E080] =	vst v63  }
0x1b: {  	_ =	swait.ge [sflag:s15], $0x4000  }
0x1c: {  	[sflag:s15] =	ssyncset.done $0x0  }
0x1d: {  	[sflag:s15] =	ssyncadd.s32 $0xFFFFC000  }
0x1e: {  	[tilespmem:s18], [sflag:$0x1] =	stream.indirect.gather [hbm4b:s4+s20], $0x80, s28, s20, $0xb8;
	[tilespmem:$0x1E080] =	vst v63  }
0x1f: {  	_ =	swait.ge [sflag:s22], $0x4000  }
0x20: {  	[sflag:s22] =	ssyncset.done $0x0  }
0x21: {  	s26 =	sadd.s32 $0x80, s26;
	[sflag:s22] =	ssyncadd.s32 $0xFFFFC000  }
0x22: {  	[spmem:s2] =	stream.indirect.scatter.add.f32 [tilespmem:s21], [sflag:$0x3], $0x80, s26, s20, $0xb8;
	[tilespmem:$0x1E080] =	vst v63  }
0x23: {  	_ =	swait.ge [sflag:s15], $0x4000  }
0x24: {  	[sflag:s15] =	ssyncset.done $0x0  }
0x25: {  	[sflag:s15] =	ssyncadd.s32 $0xFFFFC000  }
.LBB2_10:
0x26: {  	s25 =	ssub.s32 s24, s25  }
0x27: {  	s26 =	simm.s32 @!p0 $0x1;
	p1 =	sne.s32 @!p0 s25, $0x1  }
0x28: {  	_ =	swait.ge @!p0 [sflag:s26], $0x4000;
	p1 =	por p1, p0  }
0x29: {  	[sflag:s26] =	ssyncset.done @!p0 $0x0;
	s24 =	sshll.u32 @!p1 s24, $0x9  }
0x2a: {  	[sflag:s26] =	ssyncadd.s32 @!p0 $0xFFFFC000;
	s24 =	sshra.s32 @!p1 s24, $0x2  }
0x2b: {  	s25 =	simm.s32 @!p1 $0x80;
	s26 =	simm.s32 @!p1 $0xA080;
	s24 =	sadd.s32 @!p1 $0x4F80, s24  }
0x2c: {  	[spmem:s2] =	stream.indirect.scatter.add.f32 @!p1 [tilespmem:s26], [sflag:$0x3], $0x80, s24, s25, $0xb8;
	[tilespmem:$0x1E080] =	vst v63  }
0x2d: {  	s24 =	simm.s32 @!p1 $0x3  }
0x2e: {  	_ =	swait.ge @!p1 [sflag:s24], $0x4000  }
0x2f: {  	[sflag:s24] =	ssyncset.done @!p1 $0x0  }
0x30: {  	s28 =	sshll.u32 s1, $0x6;
	[sflag:s24] =	ssyncadd.s32 @!p1 $0xFFFFC000  }
0x31: {  	s29 =	sshrl.u32 s8, $0x3;
	s24 =	sor.u32 $0x1C03, s28;
	[bflag:$0x0] =	sbarrier.arrive $0xFFFF  }
0x32: {  	[hbm:s11], [sflag:s24] =	dma.local [spmem:s29], $0x800  }
0x33: {  	_ =	swait.ge [sflag:s15], $0x800  }
0x34: {  	[sflag:s15] =	ssyncset.done $0x0  }
0x35: {  	s30 =	sshrl.u32 s9, $0x3;
	[sflag:s15] =	ssyncadd.s32 $0xFFFFF800  }
0x36: {  	[hbm:s12], [sflag:s24] =	dma.local [spmem:s30], $0x800  }
0x37: {  	s23 =	sadd.s32 $0x1, s23;
	_ =	swait.ge [sflag:s15], $0x800  }
0x38: {  	p0 =	sne.s32 s23, s14;
	[sflag:s15] =	ssyncset.done $0x0  }
.Ltmp1:
0x39: {  	s31 =	sshrl.u32 s10, $0x3;
	[sflag:s15] =	ssyncadd.s32 $0xFFFFF800;
	(pc) =	sbr.rel @!p0 .LBB2_11-.Ltmp1, $4  }
0x3a: {  	[hbm:s13], [sflag:s24] =	dma.local [spmem:s31], $0x800  }
0x3b: {  	_ =	swait.ge [sflag:s15], $0x800  }
0x3c: {  	[sflag:s15] =	ssyncset.done $0x0  }
0x3d: {  	[sflag:s15] =	ssyncadd.s32 $0xFFFFF800  }
.LBB2_1:
0x3e: {  	[tilespmem:s3], [sflag:$0x3] =	stream.linear.gather [hbm4b:s5+s3], $0x4F00, $0x38;
	[tilespmem:$0x1E080] =	vst v63  }
0x3f: {  	_ =	swait.ge [sflag:s15], $0x4F00  }
0x40: {  	[sflag:s15] =	ssyncset.done $0x0  }
0x41: {  	[sflag:s15] =	ssyncadd.s32 $0xFFFFB100  }
0x42: {  	[tilespmem:s16], [sflag:$0x3] =	stream.linear.gather [hbm4b:s6+s3], $0x4F00, $0x38;
	[tilespmem:$0x1E080] =	vst v63  }
0x43: {  	_ =	swait.ge [sflag:s15], $0x4F00  }
0x44: {  	[sflag:s15] =	ssyncset.done $0x0  }
0x45: {  	[sflag:s15] =	ssyncadd.s32 $0xFFFFB100  }
0x46: {  	[tilespmem:s17], [sflag:$0x3] =	stream.linear.gather [hbm4b:s7+s3], $0x80, $0x38;
	[tilespmem:$0x1E080] =	vst v63  }
0x47: {  	_ =	swait.ge [sflag:s15], $0x80  }
0x48: {  	[sflag:s15] =	ssyncset.done $0x0  }
0x49: {  	[sflag:s15] =	ssyncadd.s32 $0xFFFFFF80  }
0x4a: {  	s24 =	simm.s32 $0x0;
	s25 =	simm.s32 $0x200;
	v1 =	vld [tilespmem:$0xA000]  }
.LBB2_2:
0x4b: {  	p0 =	sne.s32 s25, $0xFE00;
	[tilespmem:s24+$0xA0F0] =	vst v0  }
0x4c: {  	[tilespmem:s24+$0xA080] =	vst v0  }
0x4d: {  	[tilespmem:s24+$0xA090] =	vst v0  }
.Ltmp2:
0x4e: {  	[tilespmem:s24+$0xA0A0] =	vst v0;
	(pc) =	sbr.rel @p0 .LBB2_2-.Ltmp2, $4  }
0x4f: {  	[tilespmem:s24+$0xA0B0] =	vst v0  }
0x50: {  	[tilespmem:s24+$0xA0C0] =	vst v0  }
0x51: {  	[tilespmem:s24+$0xA0D0] =	vst v0  }
0x52: {  	[tilespmem:s24+$0xA0E0] =	vst v0;
	s24 =	sshra.s32 s25, $0x2;
	s25 =	sadd.s32 $0x200, s25  }
0x53: {  	(v2sf) =	vpush v1, $0x0;
	_ =	sdelay $0x5  }
0x54: {  	[tilespmem:s24+$0xA0F0] =	vst v0  }
0x55: {  	[tilespmem:s24+$0xA080] =	vst v0  }
0x56: {  	[tilespmem:s24+$0xA090] =	vst v0  }
0x57: {  	[tilespmem:s24+$0xA0A0] =	vst v0  }
0x58: {  	[tilespmem:s24+$0xA0B0] =	vst v0  }
0x59: {  	[tilespmem:s24+$0xA0C0] =	vst v0  }
0x5a: {  	[tilespmem:s24+$0xA0D0] =	vst v0  }
0x5b: {  	[tilespmem:s24+$0xA0E0] =	vst v0  }
0x5c: {  	[spmem:s8] =	stream.linear.scatter [tilespmem:s18], [sflag:$0x3], $0x4000, $0x38;
	[tilespmem:$0x1E080] =	vst v63  }
0x5d: {  	s24 =	spop (v2sf)  }
0x5e: {  	_ =	swait.ge [sflag:s15], $0x4000  }
0x5f: {  	[sflag:s15] =	ssyncset.done $0x0  }
0x60: {  	[sflag:s15] =	ssyncadd.s32 $0xFFFFC000  }
0x61: {  	[spmem:s9] =	stream.linear.scatter [tilespmem:s18], [sflag:$0x3], $0x4000, $0x38;
	[tilespmem:$0x1E080] =	vst v63  }
0x62: {  	_ =	swait.ge [sflag:s15], $0x4000  }
0x63: {  	[sflag:s15] =	ssyncset.done $0x0  }
0x64: {  	[sflag:s15] =	ssyncadd.s32 $0xFFFFC000  }
0x65: {  	[spmem:s10] =	stream.linear.scatter [tilespmem:s18], [sflag:$0x3], $0x4000, $0x38;
	[tilespmem:$0x1E080] =	vst v63  }
0x66: {  	_ =	swait.ge [sflag:s15], $0x4000  }
0x67: {  	p0 =	slt.s32 s24, $0x1;
	[sflag:s15] =	ssyncset.done $0x0  }
0x68: {  	s25 =	simm.s32 @!p0 $0x80;
	[sflag:s15] =	ssyncadd.s32 $0xFFFFC000  }
0x69: {  	s26 =	simm.s32 @!p0 $0x0;
	s28 =	simm.s32 @!p0 $0xA080;
	[bflag:$0x0] =	sbarrier.arrive $0xFFFF  }
0x6a: {  	[tilespmem:s28], [sflag:$0x1] =	stream.indirect.gather @!p0 [hbm4b:s4+s25], $0x80, s26, s25, $0xb8;
	[tilespmem:$0x1E080] =	vst v63  }
0x6b: {  	p1 =	sgt.s32 s24, $0x0;
	s28 =	sshrl.u32 s24, $0x1F;
	s26 =	simm.s32 $0x1  }
0x6c: {  	s31 =	sshra.s32 s24, $0x1F;
	s30 =	sadd.s32 s28, s24;
	s26 =	simm.s32 @!p1 $0x0  }
0x6d: {  	s26 =	sadd.s32 s26, s31;
	s25 =	sand.u32 $0xFFFFFFFE, s30  }
0x6e: {  	p6 =	sne.s32 s26, $0x1;
	p2 =	sne.s32 s24, s25  }
0x6f: {  	p1 =	por !p2, !p6  }
0x70: {  	s26 =	simm.s32 $0x1;
	p1 =	por !p1, !p1  }
0x71: {  	s28 =	sshra.s32 s30, $0x1;
	s26 =	simm.s32 @!p1 $0x0  }
0x72: {  	s29 =	ssub.s32 s28, s26  }
0x73: {  	p1 =	slt.s32 s29, $0x1  }
.Ltmp3:
0x74: {  	_ = 	snop;
	(pc) =	sbr.rel @p1 .LBB2_10-.Ltmp3, $1  }
0x75: {  	_ =	sdelay $0x3  }
0x76: {  	p2 =	sne.s32 s29, $0x1  }
.Ltmp4:
0x77: {  	_ = 	snop;
	(pc) =	sbr.rel @!p2 .LBB2_5-.Ltmp4, $3  }
0x78: {  	_ =	sdelay $0x1  }
0x79: {  	s28 =	simm.s32 $0x100  }
0x7a: {  	s26 =	simm.s32 $0x5000;
	s29 =	sadd.s32 $0xFFFFFFFF, s29;
	p1 =	por $0x0, $0x0  }
0x7b: {  	s30 =	simm.s32 $0x80  }
0x7c: {  	[tilespmem:s21], [sflag:$0x2] =	stream.indirect.gather [hbm4b:s4+s20], $0x80, s30, s20, $0xb8;
	[tilespmem:$0x1E080] =	vst v63  }
0x7d: {  	_ =	swait.ge [sflag:s19], $0x4000  }
0x7e: {  	[sflag:s19] =	ssyncset.done $0x0  }
0x7f: {  	[sflag:s19] =	ssyncadd.s32 $0xFFFFC000  }
0x80: {  	[spmem:s2] =	stream.indirect.scatter.add.f32 [tilespmem:s18], [sflag:$0x3], $0x80, s26, s20, $0xb8;
	[tilespmem:$0x1E080] =	vst v63  }
0x81: {  	_ =	swait.ge [sflag:s15], $0x4000  }
0x82: {  	[sflag:s15] =	ssyncset.done $0x0  }
0x83: {  	[sflag:s15] =	ssyncadd.s32 $0xFFFFC000  }
0x84: {  	[tilespmem:s18], [sflag:$0x1] =	stream.indirect.gather [hbm4b:s4+s20], $0x80, s28, s20, $0xb8;
	[tilespmem:$0x1E080] =	vst v63  }
0x85: {  	p2 =	sne.s32 s29, $0x1;
	_ =	swait.ge [sflag:s22], $0x4000  }
.Ltmp5:
0x86: {  	[sflag:s22] =	ssyncset.done $0x0;
	(pc) =	sbr.rel @!p2 .LBB2_7-.Ltmp5, $4  }
0x87: {  	s28 =	simm.s32 $0x5080;
	[sflag:s22] =	ssyncadd.s32 $0xFFFFC000  }
0x88: {  	[spmem:s2] =	stream.indirect.scatter.add.f32 [tilespmem:s21], [sflag:$0x3], $0x80, s28, s20, $0xb8;
	[tilespmem:$0x1E080] =	vst v63  }
0x89: {  	p1 =	por $0x1, $0x1;
	s30 =	sadd.s32 $0xFFFFFFFF, s29;
	_ =	swait.ge [sflag:s15], $0x4000  }
0x8a: {  	s29 =	simm.s32 $0x5000;
	s28 =	simm.s32 $0x200;
	[sflag:s15] =	ssyncset.done $0x0  }
.LBB2_8:
0x8b: {  	s31 =	sadd.s32 $0xFFFFFF80, s28;
	[sflag:s15] =	ssyncadd.s32 $0xFFFFC000;
	s29 =	sadd.s32 $0x100, s29  }
0x8c: {  	[tilespmem:s21], [sflag:$0x2] =	stream.indirect.gather [hbm4b:s4+s20], $0x80, s31, s20, $0xb8;
	[tilespmem:$0x1E080] =	vst v63  }
0x8d: {  	p2 =	sne.s32 s30, $0x1;
	s30 =	sadd.s32 $0xFFFFFFFF, s30;
	_ =	swait.ge [sflag:s19], $0x4000  }
0x8e: {  	[sflag:s19] =	ssyncset.done $0x0  }
0x8f: {  	[sflag:s19] =	ssyncadd.s32 $0xFFFFC000  }
0x90: {  	[spmem:s2] =	stream.indirect.scatter.add.f32 [tilespmem:s18], [sflag:$0x3], $0x80, s29, s20, $0xb8;
	[tilespmem:$0x1E080] =	vst v63  }
0x91: {  	_ =	swait.ge [sflag:s15], $0x4000  }
0x92: {  	[sflag:s15] =	ssyncset.done $0x0  }
0x93: {  	[sflag:s15] =	ssyncadd.s32 $0xFFFFC000  }
0x94: {  	[tilespmem:s18], [sflag:$0x1] =	stream.indirect.gather [hbm4b:s4+s20], $0x80, s28, s20, $0xb8;
	[tilespmem:$0x1E080] =	vst v63  }
0x95: {  	_ =	swait.ge [sflag:s22], $0x4000  }
.Ltmp6:
0x96: {  	[sflag:s22] =	ssyncset.done $0x0;
	(pc) =	sbr.rel @p2 .LBB2_8-.Ltmp6, $4  }
0x97: {  	s31 =	sadd.s32 $0x80, s29;
	[sflag:s22] =	ssyncadd.s32 $0xFFFFC000  }
0x98: {  	[spmem:s2] =	stream.indirect.scatter.add.f32 [tilespmem:s21], [sflag:$0x3], $0x80, s31, s20, $0xb8;
	[tilespmem:$0x1E080] =	vst v63  }
0x99: {  	_ =	swait.ge [sflag:s15], $0x4000  }
0x9a: {  	s28 =	sadd.s32 $0x100, s28;
	[sflag:s15] =	ssyncset.done $0x0  }
.Ltmp7:
0x9b: {  	_ = 	snop;
	(pc) =	sbr.rel .LBB2_9-.Ltmp7, $1  }
0x9c: {  	_ =	sdelay $0x3  }
.LBB2_7:
.Ltmp8:
0x9d: {  	(pc) =	sbr.rel .LBB2_9-.Ltmp8, $2  }
0x9e: {  	_ =	sdelay $0x2  }
0x9f: {  	s29 =	simm.s32 $0x5000  }
.LBB2_11:
0xa0: {  	_ =	sfence.sel $0x180000  }
0xa1: {  	[bflag:$0x0] =	sbarrier.arrive $0xFFFF  }
0xa2: {  	p0 =	sne.s32 s1, $0x0;
	_ =	strace $0x9000004A  }
0xa3: {  	s0 =	sadd.s32 @!p0 $0x100000, s0;
	[bflag:$0x2] =	sbarrier.arrive $0xFFFF  }
0xa4: {  	[sflag:s0] =	ssyncadd.tile.s32 @!p0 $0x1;
	_ =	shalt  }
.Lfunc_end2:
_tile_overlayer_lowered:
.L_overlay_start_2:
0xa5: {  	(tag) =	ssettag $0x2  }
0xa6: {  	s0 =	rddreg [dreg:$0x0];
	s2 =	stileid.u32  }
0xa7: {  	s1 =	rddreg [dreg:$0x1];
	p0 =	sne.s32 s2, $0x0  }
0xa8: {  	s3 =	rddreg [dreg:$0x2];
	[bflag:$0x3] =	sbarrier.arrive $0xFFFF;
	s2 =	simm.s32 @!p0 $0x1C03  }
0xa9: {  	[timem:s3], [sflag:s2] =	dma.local @!p0 [hbm:s0], s1  }
0xaa: {  	s0 =	simm.s32 @!p0 $0x3  }
0xab: {  	_ =	swait.ge @!p0 [sflag:s0], s1  }
0xac: {  	s1 =	ssub.s32 @!p0 $0x0, s1;
	[sflag:s0] =	ssyncset.done @!p0 $0x0  }
0xad: {  	[sflag:s0] =	ssyncadd.s32 @!p0 s1  }
0xae: {  	[bflag:$0x3] =	sbarrier.arrive $0xFFFF  }
0xaf: {  	_ =	shalt  }

// kernel: kernel.20.cloned.1.call-start
scs
__scs_entry_jumppad:
0x0: {  	(pc) =	sbr.rel $0x88, $3  }
0x1: {  	(tag) =	ssettag $0x0;
	lr =	simm.s32 $0x1  }
0x2: {  	[smem:$0x3F93] =	sst lr;
	_ =	strace $0xD0000000  }
0x3: {  	_ = 	snop  }
0x4: {  	_ = 	snop  }
0x5: {  	_ = 	snop  }
0x6: {  	_ = 	snop  }
0x7: {  	_ = 	snop  }
__scs_overlays_trampoline_lowered:
0x8: {  	[smem:$0x3FA2] =	sst s0  }
0x9: {  	[smem:$0x3FA3] =	sst s1  }
0xa: {  	[smem:$0x3FA4] =	sst s2  }
0xb: {  	[smem:$0x3FA5] =	sst s3  }
0xc: {  	[smem:$0x3FA6] =	sst s4  }
0xd: {  	[smem:$0x3FA7] =	sst s5  }
0xe: {  	[smem:$0x3FA8] =	sst s6  }
0xf: {  	[smem:$0x3FA9] =	sst s7  }
0x10: {  	[smem:$0x3FAA] =	sst s8  }
0x11: {  	[smem:$0x3FAB] =	sst s9;
	s0 =	simm.s32 @!p0 $0x0  }
0x12: {  	s1 =	sld [smem:$0x3F91];
	s0 =	simm.s32 @p0 $0x1  }
0x13: {  	[smem:$0x3FAC] =	sst s0;
	s0 =	simm.s32 @!p1 $0x0  }
0x14: {  	s2 =	sld [smem:$0x3F90];
	s0 =	simm.s32 @p1 $0x1  }
0x15: {  	[smem:$0x3FAD] =	sst s0;
	s0 =	simm.s32 @!p2 $0x0  }
0x16: {  	s3 =	sld [smem:$0x3FDB];
	s0 =	simm.s32 @p2 $0x1  }
0x17: {  	s4 =	simm.s32 $0x1BF5;
	[smem:$0x3FAF] =	sst s0  }
0x18: {  	s0 =	sld [smem:$0x3F92];
	_ =	swait.ge [sflag:s4], $0x0  }
0x19: {  	s7 =	sld [smem:$0x3F93]  }
0x1a: {  	s8 =	sadd.s32 $0xFFFFE003, lr  }
0x1b: {  	s9 =	sadd.s32 $0xFFFFFEF7, lr;
	s5 =	simm.s32 $0xFFFFFFFF;
	p2 =	slt.u32 s8, $0xFFFFF086  }
0x1c: {  	p1 =	slt.u32 s9, $0xF7A;
	s5 =	simm.s32 @!p2 $0x0  }
0x1d: {  	s5 =	simm.s32 @p1 $0x1;
	p0 =	seq.s32 s7, s2  }
0x1e: {  	s7 =	smul.u32 @!p0 $0xF7A, s2;
	p2 =	seq.s32 @!p0 s5, $0x0  }
0x1f: {  	s9 =	smul.u32 $0xF7A, s1;
	s8 =	simm.s32 @!p0 $0x1BF5;
	p2 =	por !p2, p0  }
0x20: {  	[sflag:s8] =	ssyncset.s32 @!p0 $0xFFFFF086;
	s6 =	sadd.s32 @!p0 s3, s7;
	s7 =	simm.s32 @!p0 $0x108  }
0x21: {  	s3 =	sadd.s32 s3, s9;
	s6 =	sadd.s32 @!p0 $0x88, s6;
	s7 =	simm.s32 @p2 $0x1082  }
0x22: {  	[simem:s7], [sflag:s8] =	dma.local @!p0 [hbm:s6], $0xF7A  }
0x23: {  	s9 =	sor.u32 $0xD0000000, s2;
	s6 =	simm.s32 $0x108;
	_ =	swait.ge @!p0 [sflag:s8], $0x0  }
0x24: {  	s3 =	sadd.s32 $0x88, s3;
	s6 =	simm.s32 @!p1 $0x1082;
	[sflag:s4] =	ssyncset.s32 $0xFFFFF086  }
0x25: {  	[simem:s6], [sflag:s4] =	dma.local [hbm:s3], $0xF7A  }
0x26: {  	[smem:$0x3F93] =	sst s1;
	(tag) =	ssettag s2;
	_ =	strace s9  }
0x27: {  	s1 =	sld [smem:$0x3FA3]  }
0x28: {  	s2 =	sld [smem:$0x3FA4]  }
0x29: {  	s4 =	sld [smem:$0x3FA6]  }
0x2a: {  	p0 =	seq.s32 s5, $0x0;
	s5 =	sld [smem:$0x3FA7]  }
0x2b: {  	s6 =	sld [smem:$0x3FA8]  }
0x2c: {  	s7 =	sld [smem:$0x3FA9]  }
0x2d: {  	s3 =	simm.s32 $0x108;
	s8 =	sld [smem:$0x3FAA]  }
0x2e: {  	s3 =	simm.s32 @!p0 $0x1082;
	s9 =	sld [smem:$0x3FAB]  }
0x2f: {  	lr =	sadd.s32 s0, s3;
	s0 =	sld [smem:$0x3FA2]  }
0x30: {  	s3 =	sld [smem:$0x3FA5]  }
0x31: {  	[smem:$0x3FAE] =	sst s10  }
0x32: {  	s10 =	sld [smem:$0x3FAC];
	_ =	sdelay $0x3  }
0x33: {  	p0 =	seq.s32 s10, $0x1;
	s10 =	sld [smem:$0x3FAE];
	_ =	sdelay $0x3  }
0x34: {  	[smem:$0x3FAE] =	sst s10  }
0x35: {  	s10 =	sld [smem:$0x3FAD];
	_ =	sdelay $0x3  }
0x36: {  	p1 =	seq.s32 s10, $0x1;
	s10 =	sld [smem:$0x3FAE];
	_ =	sdelay $0x3  }
0x37: {  	[smem:$0x3FAE] =	sst s10  }
0x38: {  	s10 =	sld [smem:$0x3FAF]  }
0x39: {  	_ = 	snop;
	(pc) =	sbr.ind lr, $3  }
0x3a: {  	_ = 	snop  }
0x3b: {  	_ = 	snop  }
0x3c: {  	p2 =	seq.s32 s10, $0x1;
	s10 =	sld [smem:$0x3FAE]  }
0x3d: {  	_ =	shalt  }
0x3e: {  	_ =	shalt  }
0x3f: {  	_ =	shalt  }
0x40: {  	_ =	shalt  }
0x41: {  	_ =	shalt  }
0x42: {  	_ =	shalt  }
0x43: {  	_ =	shalt  }
0x44: {  	_ =	shalt  }
0x45: {  	_ =	shalt  }
0x46: {  	_ =	shalt  }
0x47: {  	_ =	shalt  }
0x48: {  	_ =	shalt  }
0x49: {  	_ =	shalt  }
0x4a: {  	_ =	shalt  }
0x4b: {  	_ =	shalt  }
0x4c: {  	_ =	shalt  }
0x4d: {  	_ =	shalt  }
0x4e: {  	_ =	shalt  }
0x4f: {  	_ =	shalt  }
0x50: {  	_ =	shalt  }
0x51: {  	_ =	shalt  }
0x52: {  	_ =	shalt  }
0x53: {  	_ =	shalt  }
0x54: {  	_ =	shalt  }
0x55: {  	_ =	shalt  }
0x56: {  	_ =	shalt  }
0x57: {  	_ =	shalt  }
0x58: {  	_ =	shalt  }
0x59: {  	_ =	shalt  }
0x5a: {  	_ =	shalt  }
0x5b: {  	_ =	shalt  }
0x5c: {  	_ =	shalt  }
0x5d: {  	_ =	shalt  }
0x5e: {  	_ =	shalt  }
0x5f: {  	_ =	shalt  }
0x60: {  	_ =	shalt  }
0x61: {  	_ =	shalt  }
0x62: {  	_ =	shalt  }
0x63: {  	_ =	shalt  }
0x64: {  	_ =	shalt  }
0x65: {  	_ =	shalt  }
0x66: {  	_ =	shalt  }
0x67: {  	_ =	shalt  }
0x68: {  	_ =	shalt  }
0x69: {  	_ =	shalt  }
0x6a: {  	_ =	shalt  }
0x6b: {  	_ =	shalt  }
0x6c: {  	_ =	shalt  }
0x6d: {  	_ =	shalt  }
0x6e: {  	_ =	shalt  }
0x6f: {  	_ =	shalt  }
0x70: {  	_ =	shalt  }
0x71: {  	_ =	shalt  }
0x72: {  	_ =	shalt  }
0x73: {  	_ =	shalt  }
0x74: {  	_ =	shalt  }
0x75: {  	_ =	shalt  }
0x76: {  	_ =	shalt  }
0x77: {  	_ =	shalt  }
0x78: {  	_ =	shalt  }
0x79: {  	_ =	shalt  }
0x7a: {  	_ =	shalt  }
0x7b: {  	_ =	shalt  }
0x7c: {  	_ =	shalt  }
0x7d: {  	_ =	shalt  }
0x7e: {  	_ =	shalt  }
0x7f: {  	_ =	shalt  }
0x80: {  	_ =	shalt  }
0x81: {  	_ =	shalt  }
0x82: {  	_ =	shalt  }
0x83: {  	_ =	shalt  }
0x84: {  	_ =	shalt  }
0x85: {  	_ =	shalt  }
0x86: {  	_ =	shalt  }
0x87: {  	_ =	shalt  }
.Lfunc_end0:
.L_simem_size_0:
called_computation.2_lowered:
.L_overlay_start_0:
0x88: {  	s2 =	sld [smem:$0x3FD9]  }
0x89: {  	s3 =	sld [smem:$0x3FFE];
	_ =	sdelay $0x1  }
0x8a: {  	s1 =	srdreg.scid  }
0x8b: {  	s0 =	sand.u32 $0x1, s1  }
0x8c: {  	s17 =	sshll.u32 s0, $0xA;
	s2 =	sadd.s32 s3, s2  }
0x8d: {  	s2 =	sadd.s32 s2, s17  }
0x8e: {  	[smem:$0x3FBA] =	sst s2  }
0x8f: {  	_ = 	snop  }
0x90: {  	s2 =	sld [smem:$0x3FD0];
	(tm) =	ssettm $0x1  }
0x91: {  	s18 =	sld [smem:$0x3FFB];
	_ =	sdelay $0x3  }
0x92: {  	_ =	strace s18  }
0x93: {  	s3 =	sld [smem:$0x3FFC];
	_ =	sdelay $0x3  }
0x94: {  	_ =	strace s3  }
0x95: {  	s3 =	sld [smem:$0x3FFD];
	_ =	sdelay $0x3  }
0x96: {  	_ =	strace s3  }
0x97: {  	_ =	strace $0x8FFFFFFF  }
0x98: {  	s19 =	sld [smem:$0x3FDB];
	_ =	sdelay $0x1  }
0x99: {  	s4 =	simm.s32 $_scs_section_size  }
0x9a: {  	s5 =	simm.s32 $_size__tile_overlayer_lowered;
	s6 =	simm.s32 $_tile_overlayer_lowered  }
0x9b: {  	s22 =	simm.s32 $0x1BFF;
	s21 =	sshll.u32 s6, $0x1;
	s3 =	sadd.s32 s4, s19  }
0x9c: {  	s7 =	simm.s32 $0x0;
	s20 =	sshll.u32 s5, $0x1;
	s5 =	sadd.s32 s21, s3  }
0x9d: {  	[timem:s7], [sflag:s22] =	dma.local [hbm:s5], s20  }
0x9e: {  	_ =	swait.ge [sflag:s22], s20  }
0x9f: {  	s4 =	ssub.s32 $0x0, s20;
	[sflag:s22] =	ssyncset.done $0x0  }
0xa0: {  	[sflag:s22] =	ssyncadd.s32 s4;
	_ =	sdelay $0x1  }
0xa1: {  	s23 =	simm.s32 $0x1B8B  }
0xa2: {  	_ =	swait.ge [sflag:s23], $0x1  }
0xa3: {  	[sflag:s23] =	ssyncset.done $0x0  }
0xa4: {  	s25 =	simm.s32 $0x1B8E;
	s24 =	sld [smem:$0x3FFE];
	[sflag:s23] =	ssyncadd.s32 $0xFFFFFFFF  }
0xa5: {  	s26 =	simm.s32 $execute0_lowered;
	[smem:$0x3FD2] =	sst s25  }
0xa6: {  	s5 =	sshll.u32 s26, $0x1;
	_ =	strace $0x8000004C;
	[dreg:$0x1] =	wrdreg $0xFFFFFFFF  }
0xa7: {  	s28 =	simm.s32 $_size_execute0_lowered;
	s3 =	sadd.s32 s3, s5;
	[dreg:$0x0] =	wrdreg $0x0  }
0xa8: {  	s5 =	sshll.u32 s28, $0x1;
	[dreg:$0x2] =	wrdreg s3  }
0xa9: {  	[dreg:$0x3] =	wrdreg s5  }
0xaa: {  	[dreg:$0x4] =	wrdreg $0xC0  }
0xab: {  	_ =	task [dreg:s7], $0x5FFFF  }
0xac: {  	[dreg:$0x1] =	wrdreg $0xFFFFFFFF  }
0xad: {  	[dreg:$0x0] =	wrdreg $0x60  }
0xae: {  	[dreg:$0x2] =	wrdreg s24  }
0xaf: {  	[dreg:$0x3] =	wrdreg s2  }
0xb0: {  	[dreg:$0x4] =	wrdreg $0x120800  }
0xb1: {  	[dreg:$0x5] =	wrdreg $0x9  }
0xb2: {  	_ =	task.clear_ibuf [dreg:s7], $0x6FFFF;
	_ =	strace $0x9000004C  }
0xb3: {  	s29 =	simm.s32 $0x9;
	_ =	strace $0x8000004E  }
0xb4: {  	_ =	swait.ge [sflag:s29], $0x1  }
0xb5: {  	[sflag:s29] =	ssyncadd.s32 $0xFFFFFFFF  }
0xb6: {  	_ =	strace $0x9000004E  }
0xb7: {  	_ =	sfence  }
0xb8: {  	s30 =	sld [smem:$0x0];
	_ =	sdelay $0x2  }
0xb9: {  	s31 =	sshll.u32 s1, $0xD;
	s1 =	sshrl.u32 s1, $0x2  }
0xba: {  	s3 =	sand.u32 $0x4000, s31;
	s1 =	sadd.s32 s1, s30  }
0xbb: {  	s0 =	sor.u32 s3, s0;
	s1 =	sshll.u32 s1, $0x11  }
0xbc: {  	s0 =	sor.u32 s1, s0  }
0xbd: {  	s0 =	sadd.s32 $0x8F2B, s0  }
0xbe: {  	[sflag:s0] =	ssyncadd.remote.s32 $0x1  }
0xbf: {  	_ =	sfence.sel $0xFFFF  }
0xc0: {  	[dreg:$0x0] =	wrdreg $0xFFFFFFFF;
	(pc) =	sbr.abs _section_cstart, $3  }
0xc1: {  	[dreg:$0x1] =	wrdreg $0xFFFFFFFF  }
0xc2: {  	_ =	task.clear_ibuf [dreg:s7], $0x2FFFF;
	_ =	strace $0x9FFFFFFF  }
0xc3: {  	(tm) =	ssettm $0x7FFFFFFF  }
tec
execute0_lowered:
.L_overlay_start_1:
0x0: {  	(tag) =	ssettag $0x1  }
0x1: {  	s5 =	rddreg [dreg:$0x0]  }
0x2: {  	s13 =	rddreg [dreg:$0x1];
	s0 =	srdreg.scid  }
0x3: {  	s2 =	rddreg [dreg:$0x2];
	s1 =	stileid.u32  }
0x4: {  	s3 =	simm.s32 $0x0;
	s17 =	simm.s32 $0xA000;
	s18 =	simm.s32 $0xA080  }
0x5: {  	s19 =	simm.s32 $0x1;
	s20 =	simm.s32 $0x80;
	s6 =	smul.u32 $0x5000, s1  }
0x6: {  	s21 =	simm.s32 $0xE080;
	s22 =	simm.s32 $0x2;
	s30 =	smul.u32 $0x30000, s1  }
0x7: {  	s8 =	sand.u32 $0x1, s0;
	s0 =	rddreg [dreg:$0x3];
	s11 =	smul.u32 $0xC000, s1  }
0x8: {  	s23 =	simm.s32 $0x0;
	[smem:$0x7FF] =	sst s3;
	s4 =	smul.u32 $0x50000, s8  }
0x9: {  	_ =	strace $0x8000004D;
	s7 =	ssub.s32 $0x2, s8;
	s9 =	sshll.u32 s8, $0x4  }
0xa: {  	s12 =	smul.u32 $0xC0000, s8;
	s10 =	sshrl.u32 s7, $0x1;
	s9 =	sadd.s32 s9, s5  }
0xb: {  	s31 =	sshrl.u32 s30, $0x2;
	s15 =	sadd.s32 $0x4000, s11;
	s16 =	sadd.s32 $0x8000, s11  }
0xc: {  	s6 =	sadd.s32 s6, s4;
	s4 =	sadd.s32 $0x33800, s5;
	s14 =	ssub.s32 s7, s10  }
0xd: {  	s7 =	sadd.s32 $0x1800, s9;
	s8 =	sadd.s32 s31, s2;
	s9 =	sadd.s32 s15, s2  }
0xe: {  	s10 =	sadd.s32 s16, s2;
	s11 =	sadd.s32 s11, s12;
	s15 =	sadd.s32 s12, s15  }
.Ltmp0:
0xf: {  	s12 =	sadd.s32 s12, s16;
	s6 =	sshrl.u32 s6, $0x3;
	(pc) =	sbr.rel .LBB2_1-.Ltmp0, $4  }
0x10: {  	s11 =	sshrl.u32 s11, $0x3;
	s15 =	sshrl.u32 s15, $0x3;
	s16 =	sshrl.u32 s12, $0x3  }
0x11: {  	s14 =	smax.u32 s14, $0x1;
	s6 =	sadd.s32 s6, s5;
	s11 =	sadd.s32 s13, s11  }
0x12: {  	s12 =	sadd.s32 s13, s15;
	s13 =	sadd.s32 s13, s16;
	s15 =	simm.s32 $0x3  }
0x13: {  	v0 =	vimm.f32 $0.0e+00;
	s16 =	simm.s32 $0x5000;
	s5 =	sadd.s32 $0xB800, s6;
	s6 =	sadd.s32 $0x1F800, s6  }
.LBB2_5:
0x14: {  	s29 =	simm.s32 $0x5000  }
.LBB2_9:
0x15: {  	s30 =	sadd.s32 $0xFFFFFF80, s28;
	[sflag:s15] =	ssyncadd.s32 @p1 $0xFFFFC000  }
0x16: {  	[tilespmem:s21], [sflag:$0x2] =	stream.indirect.gather [hbm4b:s4+s20], $0x80, s30, s20, $0xb8;
	[tilespmem:$0x1E080] =	vst v63  }
0x17: {  	_ =	swait.ge [sflag:s19], $0x4000  }
0x18: {  	s29 =	sadd.s32 @p1 $0x100, s29;
	[sflag:s19] =	ssyncset.done $0x0  }
0x19: {  	s26 =	smov.u32 @p1 s29;
	[sflag:s19] =	ssyncadd.s32 $0xFFFFC000  }
0x1a: {  	[spmem:s2] =	stream.indirect.scatter.add.f32 [tilespmem:s18], [sflag:$0x3], $0x80, s26, s20, $0xb8;
	[tilespmem:$0x1E080] =	vst v63  }
0x1b: {  	_ =	swait.ge [sflag:s15], $0x4000  }
0x1c: {  	[sflag:s15] =	ssyncset.done $0x0  }
0x1d: {  	[sflag:s15] =	ssyncadd.s32 $0xFFFFC000  }
0x1e: {  	[tilespmem:s18], [sflag:$0x1] =	stream.indirect.gather [hbm4b:s4+s20], $0x80, s28, s20, $0xb8;
	[tilespmem:$0x1E080] =	vst v63  }
0x1f: {  	_ =	swait.ge [sflag:s22], $0x4000  }
0x20: {  	[sflag:s22] =	ssyncset.done $0x0  }
0x21: {  	s26 =	sadd.s32 $0x80, s26;
	[sflag:s22] =	ssyncadd.s32 $0xFFFFC000  }
0x22: {  	[spmem:s2] =	stream.indirect.scatter.add.f32 [tilespmem:s21], [sflag:$0x3], $0x80, s26, s20, $0xb8;
	[tilespmem:$0x1E080] =	vst v63  }
0x23: {  	_ =	swait.ge [sflag:s15], $0x4000  }
0x24: {  	[sflag:s15] =	ssyncset.done $0x0  }
0x25: {  	[sflag:s15] =	ssyncadd.s32 $0xFFFFC000  }
.LBB2_10:
0x26: {  	s25 =	ssub.s32 s24, s25  }
0x27: {  	s26 =	simm.s32 @!p0 $0x1;
	p1 =	sne.s32 @!p0 s25, $0x1  }
0x28: {  	_ =	swait.ge @!p0 [sflag:s26], $0x4000;
	p1 =	por p1, p0  }
0x29: {  	[sflag:s26] =	ssyncset.done @!p0 $0x0;
	s24 =	sshll.u32 @!p1 s24, $0x9  }
0x2a: {  	[sflag:s26] =	ssyncadd.s32 @!p0 $0xFFFFC000;
	s24 =	sshra.s32 @!p1 s24, $0x2  }
0x2b: {  	s25 =	simm.s32 @!p1 $0x80;
	s26 =	simm.s32 @!p1 $0xA080;
	s24 =	sadd.s32 @!p1 $0x4F80, s24  }
0x2c: {  	[spmem:s2] =	stream.indirect.scatter.add.f32 @!p1 [tilespmem:s26], [sflag:$0x3], $0x80, s24, s25, $0xb8;
	[tilespmem:$0x1E080] =	vst v63  }
0x2d: {  	s24 =	simm.s32 @!p1 $0x3  }
0x2e: {  	_ =	swait.ge @!p1 [sflag:s24], $0x4000  }
0x2f: {  	[sflag:s24] =	ssyncset.done @!p1 $0x0  }
0x30: {  	s28 =	sshll.u32 s1, $0x6;
	[sflag:s24] =	ssyncadd.s32 @!p1 $0xFFFFC000  }
0x31: {  	s29 =	sshrl.u32 s8, $0x3;
	s24 =	sor.u32 $0x1C03, s28;
	[bflag:$0x0] =	sbarrier.arrive $0xFFFF  }
0x32: {  	[hbm:s11], [sflag:s24] =	dma.local [spmem:s29], $0x800  }
0x33: {  	_ =	swait.ge [sflag:s15], $0x800  }
0x34: {  	[sflag:s15] =	ssyncset.done $0x0  }
0x35: {  	s30 =	sshrl.u32 s9, $0x3;
	[sflag:s15] =	ssyncadd.s32 $0xFFFFF800  }
0x36: {  	[hbm:s12], [sflag:s24] =	dma.local [spmem:s30], $0x800  }
0x37: {  	s23 =	sadd.s32 $0x1, s23;
	_ =	swait.ge [sflag:s15], $0x800  }
0x38: {  	p0 =	sne.s32 s23, s14;
	[sflag:s15] =	ssyncset.done $0x0  }
.Ltmp1:
0x39: {  	s31 =	sshrl.u32 s10, $0x3;
	[sflag:s15] =	ssyncadd.s32 $0xFFFFF800;
	(pc) =	sbr.rel @!p0 .LBB2_11-.Ltmp1, $4  }
0x3a: {  	[hbm:s13], [sflag:s24] =	dma.local [spmem:s31], $0x800  }
0x3b: {  	_ =	swait.ge [sflag:s15], $0x800  }
0x3c: {  	[sflag:s15] =	ssyncset.done $0x0  }
0x3d: {  	[sflag:s15] =	ssyncadd.s32 $0xFFFFF800  }
.LBB2_1:
0x3e: {  	[tilespmem:s3], [sflag:$0x3] =	stream.linear.gather [hbm4b:s5+s3], $0x4F00, $0x38;
	[tilespmem:$0x1E080] =	vst v63  }
0x3f: {  	_ =	swait.ge [sflag:s15], $0x4F00  }
0x40: {  	[sflag:s15] =	ssyncset.done $0x0  }
0x41: {  	[sflag:s15] =	ssyncadd.s32 $0xFFFFB100  }
0x42: {  	[tilespmem:s16], [sflag:$0x3] =	stream.linear.gather [hbm4b:s6+s3], $0x4F00, $0x38;
	[tilespmem:$0x1E080] =	vst v63  }
0x43: {  	_ =	swait.ge [sflag:s15], $0x4F00  }
0x44: {  	[sflag:s15] =	ssyncset.done $0x0  }
0x45: {  	[sflag:s15] =	ssyncadd.s32 $0xFFFFB100  }
0x46: {  	[tilespmem:s17], [sflag:$0x3] =	stream.linear.gather [hbm4b:s7+s3], $0x80, $0x38;
	[tilespmem:$0x1E080] =	vst v63  }
0x47: {  	_ =	swait.ge [sflag:s15], $0x80  }
0x48: {  	[sflag:s15] =	ssyncset.done $0x0  }
0x49: {  	[sflag:s15] =	ssyncadd.s32 $0xFFFFFF80  }
0x4a: {  	s24 =	simm.s32 $0x0;
	s25 =	simm.s32 $0x200;
	v1 =	vld [tilespmem:$0xA000]  }
.LBB2_2:
0x4b: {  	p0 =	sne.s32 s25, $0xFE00;
	[tilespmem:s24+$0xA0F0] =	vst v0  }
0x4c: {  	[tilespmem:s24+$0xA080] =	vst v0  }
0x4d: {  	[tilespmem:s24+$0xA090] =	vst v0  }
.Ltmp2:
0x4e: {  	[tilespmem:s24+$0xA0A0] =	vst v0;
	(pc) =	sbr.rel @p0 .LBB2_2-.Ltmp2, $4  }
0x4f: {  	[tilespmem:s24+$0xA0B0] =	vst v0  }
0x50: {  	[tilespmem:s24+$0xA0C0] =	vst v0  }
0x51: {  	[tilespmem:s24+$0xA0D0] =	vst v0  }
0x52: {  	[tilespmem:s24+$0xA0E0] =	vst v0;
	s24 =	sshra.s32 s25, $0x2;
	s25 =	sadd.s32 $0x200, s25  }
0x53: {  	(v2sf) =	vpush v1, $0x0;
	_ =	sdelay $0x5  }
0x54: {  	[tilespmem:s24+$0xA0F0] =	vst v0  }
0x55: {  	[tilespmem:s24+$0xA080] =	vst v0  }
0x56: {  	[tilespmem:s24+$0xA090] =	vst v0  }
0x57: {  	[tilespmem:s24+$0xA0A0] =	vst v0  }
0x58: {  	[tilespmem:s24+$0xA0B0] =	vst v0  }
0x59: {  	[tilespmem:s24+$0xA0C0] =	vst v0  }
0x5a: {  	[tilespmem:s24+$0xA0D0] =	vst v0  }
0x5b: {  	[tilespmem:s24+$0xA0E0] =	vst v0  }
0x5c: {  	[spmem:s8] =	stream.linear.scatter [tilespmem:s18], [sflag:$0x3], $0x4000, $0x38;
	[tilespmem:$0x1E080] =	vst v63  }
0x5d: {  	s24 =	spop (v2sf)  }
0x5e: {  	_ =	swait.ge [sflag:s15], $0x4000  }
0x5f: {  	[sflag:s15] =	ssyncset.done $0x0  }
0x60: {  	[sflag:s15] =	ssyncadd.s32 $0xFFFFC000  }
0x61: {  	[spmem:s9] =	stream.linear.scatter [tilespmem:s18], [sflag:$0x3], $0x4000, $0x38;
	[tilespmem:$0x1E080] =	vst v63  }
0x62: {  	_ =	swait.ge [sflag:s15], $0x4000  }
0x63: {  	[sflag:s15] =	ssyncset.done $0x0  }
0x64: {  	[sflag:s15] =	ssyncadd.s32 $0xFFFFC000  }
0x65: {  	[spmem:s10] =	stream.linear.scatter [tilespmem:s18], [sflag:$0x3], $0x4000, $0x38;
	[tilespmem:$0x1E080] =	vst v63  }
0x66: {  	_ =	swait.ge [sflag:s15], $0x4000  }
0x67: {  	p0 =	slt.s32 s24, $0x1;
	[sflag:s15] =	ssyncset.done $0x0  }
0x68: {  	s25 =	simm.s32 @!p0 $0x80;
	[sflag:s15] =	ssyncadd.s32 $0xFFFFC000  }
0x69: {  	s26 =	simm.s32 @!p0 $0x0;
	s28 =	simm.s32 @!p0 $0xA080;
	[bflag:$0x0] =	sbarrier.arrive $0xFFFF  }
0x6a: {  	[tilespmem:s28], [sflag:$0x1] =	stream.indirect.gather @!p0 [hbm4b:s4+s25], $0x80, s26, s25, $0xb8;
	[tilespmem:$0x1E080] =	vst v63  }
0x6b: {  	p1 =	sgt.s32 s24, $0x0;
	s28 =	sshrl.u32 s24, $0x1F;
	s26 =	simm.s32 $0x1  }
0x6c: {  	s31 =	sshra.s32 s24, $0x1F;
	s30 =	sadd.s32 s28, s24;
	s26 =	simm.s32 @!p1 $0x0  }
0x6d: {  	s26 =	sadd.s32 s26, s31;
	s25 =	sand.u32 $0xFFFFFFFE, s30  }
0x6e: {  	p6 =	sne.s32 s26, $0x1;
	p2 =	sne.s32 s24, s25  }
0x6f: {  	p1 =	por !p2, !p6  }
0x70: {  	s26 =	simm.s32 $0x1;
	p1 =	por !p1, !p1  }
0x71: {  	s28 =	sshra.s32 s30, $0x1;
	s26 =	simm.s32 @!p1 $0x0  }
0x72: {  	s29 =	ssub.s32 s28, s26  }
0x73: {  	p1 =	slt.s32 s29, $0x1  }
.Ltmp3:
0x74: {  	_ = 	snop;
	(pc) =	sbr.rel @p1 .LBB2_10-.Ltmp3, $1  }
0x75: {  	_ =	sdelay $0x3  }
0x76: {  	p2 =	sne.s32 s29, $0x1  }
.Ltmp4:
0x77: {  	_ = 	snop;
	(pc) =	sbr.rel @!p2 .LBB2_5-.Ltmp4, $3  }
0x78: {  	_ =	sdelay $0x1  }
0x79: {  	s28 =	simm.s32 $0x100  }
0x7a: {  	s26 =	simm.s32 $0x5000;
	s29 =	sadd.s32 $0xFFFFFFFF, s29;
	p1 =	por $0x0, $0x0  }
0x7b: {  	s30 =	simm.s32 $0x80  }
0x7c: {  	[tilespmem:s21], [sflag:$0x2] =	stream.indirect.gather [hbm4b:s4+s20], $0x80, s30, s20, $0xb8;
	[tilespmem:$0x1E080] =	vst v63  }
0x7d: {  	_ =	swait.ge [sflag:s19], $0x4000  }
0x7e: {  	[sflag:s19] =	ssyncset.done $0x0  }
0x7f: {  	[sflag:s19] =	ssyncadd.s32 $0xFFFFC000  }
0x80: {  	[spmem:s2] =	stream.indirect.scatter.add.f32 [tilespmem:s18], [sflag:$0x3], $0x80, s26, s20, $0xb8;
	[tilespmem:$0x1E080] =	vst v63  }
0x81: {  	_ =	swait.ge [sflag:s15], $0x4000  }
0x82: {  	[sflag:s15] =	ssyncset.done $0x0  }
0x83: {  	[sflag:s15] =	ssyncadd.s32 $0xFFFFC000  }
0x84: {  	[tilespmem:s18], [sflag:$0x1] =	stream.indirect.gather [hbm4b:s4+s20], $0x80, s28, s20, $0xb8;
	[tilespmem:$0x1E080] =	vst v63  }
0x85: {  	p2 =	sne.s32 s29, $0x1;
	_ =	swait.ge [sflag:s22], $0x4000  }
.Ltmp5:
0x86: {  	[sflag:s22] =	ssyncset.done $0x0;
	(pc) =	sbr.rel @!p2 .LBB2_7-.Ltmp5, $4  }
0x87: {  	s28 =	simm.s32 $0x5080;
	[sflag:s22] =	ssyncadd.s32 $0xFFFFC000  }
0x88: {  	[spmem:s2] =	stream.indirect.scatter.add.f32 [tilespmem:s21], [sflag:$0x3], $0x80, s28, s20, $0xb8;
	[tilespmem:$0x1E080] =	vst v63  }
0x89: {  	p1 =	por $0x1, $0x1;
	s30 =	sadd.s32 $0xFFFFFFFF, s29;
	_ =	swait.ge [sflag:s15], $0x4000  }
0x8a: {  	s29 =	simm.s32 $0x5000;
	s28 =	simm.s32 $0x200;
	[sflag:s15] =	ssyncset.done $0x0  }
.LBB2_8:
0x8b: {  	s31 =	sadd.s32 $0xFFFFFF80, s28;
	[sflag:s15] =	ssyncadd.s32 $0xFFFFC000;
	s29 =	sadd.s32 $0x100, s29  }
0x8c: {  	[tilespmem:s21], [sflag:$0x2] =	stream.indirect.gather [hbm4b:s4+s20], $0x80, s31, s20, $0xb8;
	[tilespmem:$0x1E080] =	vst v63  }
0x8d: {  	p2 =	sne.s32 s30, $0x1;
	s30 =	sadd.s32 $0xFFFFFFFF, s30;
	_ =	swait.ge [sflag:s19], $0x4000  }
0x8e: {  	[sflag:s19] =	ssyncset.done $0x0  }
0x8f: {  	[sflag:s19] =	ssyncadd.s32 $0xFFFFC000  }
0x90: {  	[spmem:s2] =	stream.indirect.scatter.add.f32 [tilespmem:s18], [sflag:$0x3], $0x80, s29, s20, $0xb8;
	[tilespmem:$0x1E080] =	vst v63  }
0x91: {  	_ =	swait.ge [sflag:s15], $0x4000  }
0x92: {  	[sflag:s15] =	ssyncset.done $0x0  }
0x93: {  	[sflag:s15] =	ssyncadd.s32 $0xFFFFC000  }
0x94: {  	[tilespmem:s18], [sflag:$0x1] =	stream.indirect.gather [hbm4b:s4+s20], $0x80, s28, s20, $0xb8;
	[tilespmem:$0x1E080] =	vst v63  }
0x95: {  	_ =	swait.ge [sflag:s22], $0x4000  }
.Ltmp6:
0x96: {  	[sflag:s22] =	ssyncset.done $0x0;
	(pc) =	sbr.rel @p2 .LBB2_8-.Ltmp6, $4  }
0x97: {  	s31 =	sadd.s32 $0x80, s29;
	[sflag:s22] =	ssyncadd.s32 $0xFFFFC000  }
0x98: {  	[spmem:s2] =	stream.indirect.scatter.add.f32 [tilespmem:s21], [sflag:$0x3], $0x80, s31, s20, $0xb8;
	[tilespmem:$0x1E080] =	vst v63  }
0x99: {  	_ =	swait.ge [sflag:s15], $0x4000  }
0x9a: {  	s28 =	sadd.s32 $0x100, s28;
	[sflag:s15] =	ssyncset.done $0x0  }
.Ltmp7:
0x9b: {  	_ = 	snop;
	(pc) =	sbr.rel .LBB2_9-.Ltmp7, $1  }
0x9c: {  	_ =	sdelay $0x3  }
.LBB2_7:
.Ltmp8:
0x9d: {  	(pc) =	sbr.rel .LBB2_9-.Ltmp8, $2  }
0x9e: {  	_ =	sdelay $0x2  }
0x9f: {  	s29 =	simm.s32 $0x5000  }
.LBB2_11:
0xa0: {  	_ =	sfence.sel $0x180000  }
0xa1: {  	[bflag:$0x0] =	sbarrier.arrive $0xFFFF  }
0xa2: {  	p0 =	sne.s32 s1, $0x0;
	_ =	strace $0x9000004D  }
0xa3: {  	s0 =	sadd.s32 @!p0 $0x100000, s0;
	[bflag:$0x2] =	sbarrier.arrive $0xFFFF  }
0xa4: {  	[sflag:s0] =	ssyncadd.tile.s32 @!p0 $0x1;
	_ =	shalt  }
.Lfunc_end2:
_tile_overlayer_lowered:
.L_overlay_start_2:
0xa5: {  	(tag) =	ssettag $0x2  }
0xa6: {  	s0 =	rddreg [dreg:$0x0];
	s2 =	stileid.u32  }
0xa7: {  	s1 =	rddreg [dreg:$0x1];
	p0 =	sne.s32 s2, $0x0  }
0xa8: {  	s3 =	rddreg [dreg:$0x2];
	[bflag:$0x3] =	sbarrier.arrive $0xFFFF;
	s2 =	simm.s32 @!p0 $0x1C03  }
0xa9: {  	[timem:s3], [sflag:s2] =	dma.local @!p0 [hbm:s0], s1  }
0xaa: {  	s0 =	simm.s32 @!p0 $0x3  }
0xab: {  	_ =	swait.ge @!p0 [sflag:s0], s1  }
0xac: {  	s1 =	ssub.s32 @!p0 $0x0, s1;
	[sflag:s0] =	ssyncset.done @!p0 $0x0  }
0xad: {  	[sflag:s0] =	ssyncadd.s32 @!p0 s1  }
0xae: {  	[bflag:$0x3] =	sbarrier.arrive $0xFFFF  }
0xaf: {  	_ =	shalt  }

// kernel: kernel.23.cloned.1.call-start
scs
__scs_entry_jumppad:
0x0: {  	(pc) =	sbr.rel $0x88, $3  }
0x1: {  	(tag) =	ssettag $0x0;
	lr =	simm.s32 $0x1  }
0x2: {  	[smem:$0x3F93] =	sst lr;
	_ =	strace $0xD0000000  }
0x3: {  	_ = 	snop  }
0x4: {  	_ = 	snop  }
0x5: {  	_ = 	snop  }
0x6: {  	_ = 	snop  }
0x7: {  	_ = 	snop  }
__scs_overlays_trampoline_lowered:
0x8: {  	[smem:$0x3FA2] =	sst s0  }
0x9: {  	[smem:$0x3FA3] =	sst s1  }
0xa: {  	[smem:$0x3FA4] =	sst s2  }
0xb: {  	[smem:$0x3FA5] =	sst s3  }
0xc: {  	[smem:$0x3FA6] =	sst s4  }
0xd: {  	[smem:$0x3FA7] =	sst s5  }
0xe: {  	[smem:$0x3FA8] =	sst s6  }
0xf: {  	[smem:$0x3FA9] =	sst s7  }
0x10: {  	[smem:$0x3FAA] =	sst s8  }
0x11: {  	[smem:$0x3FAB] =	sst s9;
	s0 =	simm.s32 @!p0 $0x0  }
0x12: {  	s1 =	sld [smem:$0x3F91];
	s0 =	simm.s32 @p0 $0x1  }
0x13: {  	[smem:$0x3FAC] =	sst s0;
	s0 =	simm.s32 @!p1 $0x0  }
0x14: {  	s2 =	sld [smem:$0x3F90];
	s0 =	simm.s32 @p1 $0x1  }
0x15: {  	[smem:$0x3FAD] =	sst s0;
	s0 =	simm.s32 @!p2 $0x0  }
0x16: {  	s3 =	sld [smem:$0x3FDB];
	s0 =	simm.s32 @p2 $0x1  }
0x17: {  	s4 =	simm.s32 $0x1BF5;
	[smem:$0x3FAF] =	sst s0  }
0x18: {  	s0 =	sld [smem:$0x3F92];
	_ =	swait.ge [sflag:s4], $0x0  }
0x19: {  	s7 =	sld [smem:$0x3F93]  }
0x1a: {  	s8 =	sadd.s32 $0xFFFFE003, lr  }
0x1b: {  	s9 =	sadd.s32 $0xFFFFFEF7, lr;
	s5 =	simm.s32 $0xFFFFFFFF;
	p2 =	slt.u32 s8, $0xFFFFF086  }
0x1c: {  	p1 =	slt.u32 s9, $0xF7A;
	s5 =	simm.s32 @!p2 $0x0  }
0x1d: {  	s5 =	simm.s32 @p1 $0x1;
	p0 =	seq.s32 s7, s2  }
0x1e: {  	s7 =	smul.u32 @!p0 $0xF7A, s2;
	p2 =	seq.s32 @!p0 s5, $0x0  }
0x1f: {  	s9 =	smul.u32 $0xF7A, s1;
	s8 =	simm.s32 @!p0 $0x1BF5;
	p2 =	por !p2, p0  }
0x20: {  	[sflag:s8] =	ssyncset.s32 @!p0 $0xFFFFF086;
	s6 =	sadd.s32 @!p0 s3, s7;
	s7 =	simm.s32 @!p0 $0x108  }
0x21: {  	s3 =	sadd.s32 s3, s9;
	s6 =	sadd.s32 @!p0 $0x88, s6;
	s7 =	simm.s32 @p2 $0x1082  }
0x22: {  	[simem:s7], [sflag:s8] =	dma.local @!p0 [hbm:s6], $0xF7A  }
0x23: {  	s9 =	sor.u32 $0xD0000000, s2;
	s6 =	simm.s32 $0x108;
	_ =	swait.ge @!p0 [sflag:s8], $0x0  }
0x24: {  	s3 =	sadd.s32 $0x88, s3;
	s6 =	simm.s32 @!p1 $0x1082;
	[sflag:s4] =	ssyncset.s32 $0xFFFFF086  }
0x25: {  	[simem:s6], [sflag:s4] =	dma.local [hbm:s3], $0xF7A  }
0x26: {  	[smem:$0x3F93] =	sst s1;
	(tag) =	ssettag s2;
	_ =	strace s9  }
0x27: {  	s1 =	sld [smem:$0x3FA3]  }
0x28: {  	s2 =	sld [smem:$0x3FA4]  }
0x29: {  	s4 =	sld [smem:$0x3FA6]  }
0x2a: {  	p0 =	seq.s32 s5, $0x0;
	s5 =	sld [smem:$0x3FA7]  }
0x2b: {  	s6 =	sld [smem:$0x3FA8]  }
0x2c: {  	s7 =	sld [smem:$0x3FA9]  }
0x2d: {  	s3 =	simm.s32 $0x108;
	s8 =	sld [smem:$0x3FAA]  }
0x2e: {  	s3 =	simm.s32 @!p0 $0x1082;
	s9 =	sld [smem:$0x3FAB]  }
0x2f: {  	lr =	sadd.s32 s0, s3;
	s0 =	sld [smem:$0x3FA2]  }
0x30: {  	s3 =	sld [smem:$0x3FA5]  }
0x31: {  	[smem:$0x3FAE] =	sst s10  }
0x32: {  	s10 =	sld [smem:$0x3FAC];
	_ =	sdelay $0x3  }
0x33: {  	p0 =	seq.s32 s10, $0x1;
	s10 =	sld [smem:$0x3FAE];
	_ =	sdelay $0x3  }
0x34: {  	[smem:$0x3FAE] =	sst s10  }
0x35: {  	s10 =	sld [smem:$0x3FAD];
	_ =	sdelay $0x3  }
0x36: {  	p1 =	seq.s32 s10, $0x1;
	s10 =	sld [smem:$0x3FAE];
	_ =	sdelay $0x3  }
0x37: {  	[smem:$0x3FAE] =	sst s10  }
0x38: {  	s10 =	sld [smem:$0x3FAF]  }
0x39: {  	_ = 	snop;
	(pc) =	sbr.ind lr, $3  }
0x3a: {  	_ = 	snop  }
0x3b: {  	_ = 	snop  }
0x3c: {  	p2 =	seq.s32 s10, $0x1;
	s10 =	sld [smem:$0x3FAE]  }
0x3d: {  	_ =	shalt  }
0x3e: {  	_ =	shalt  }
0x3f: {  	_ =	shalt  }
0x40: {  	_ =	shalt  }
0x41: {  	_ =	shalt  }
0x42: {  	_ =	shalt  }
0x43: {  	_ =	shalt  }
0x44: {  	_ =	shalt  }
0x45: {  	_ =	shalt  }
0x46: {  	_ =	shalt  }
0x47: {  	_ =	shalt  }
0x48: {  	_ =	shalt  }
0x49: {  	_ =	shalt  }
0x4a: {  	_ =	shalt  }
0x4b: {  	_ =	shalt  }
0x4c: {  	_ =	shalt  }
0x4d: {  	_ =	shalt  }
0x4e: {  	_ =	shalt  }
0x4f: {  	_ =	shalt  }
0x50: {  	_ =	shalt  }
0x51: {  	_ =	shalt  }
0x52: {  	_ =	shalt  }
0x53: {  	_ =	shalt  }
0x54: {  	_ =	shalt  }
0x55: {  	_ =	shalt  }
0x56: {  	_ =	shalt  }
0x57: {  	_ =	shalt  }
0x58: {  	_ =	shalt  }
0x59: {  	_ =	shalt  }
0x5a: {  	_ =	shalt  }
0x5b: {  	_ =	shalt  }
0x5c: {  	_ =	shalt  }
0x5d: {  	_ =	shalt  }
0x5e: {  	_ =	shalt  }
0x5f: {  	_ =	shalt  }
0x60: {  	_ =	shalt  }
0x61: {  	_ =	shalt  }
0x62: {  	_ =	shalt  }
0x63: {  	_ =	shalt  }
0x64: {  	_ =	shalt  }
0x65: {  	_ =	shalt  }
0x66: {  	_ =	shalt  }
0x67: {  	_ =	shalt  }
0x68: {  	_ =	shalt  }
0x69: {  	_ =	shalt  }
0x6a: {  	_ =	shalt  }
0x6b: {  	_ =	shalt  }
0x6c: {  	_ =	shalt  }
0x6d: {  	_ =	shalt  }
0x6e: {  	_ =	shalt  }
0x6f: {  	_ =	shalt  }
0x70: {  	_ =	shalt  }
0x71: {  	_ =	shalt  }
0x72: {  	_ =	shalt  }
0x73: {  	_ =	shalt  }
0x74: {  	_ =	shalt  }
0x75: {  	_ =	shalt  }
0x76: {  	_ =	shalt  }
0x77: {  	_ =	shalt  }
0x78: {  	_ =	shalt  }
0x79: {  	_ =	shalt  }
0x7a: {  	_ =	shalt  }
0x7b: {  	_ =	shalt  }
0x7c: {  	_ =	shalt  }
0x7d: {  	_ =	shalt  }
0x7e: {  	_ =	shalt  }
0x7f: {  	_ =	shalt  }
0x80: {  	_ =	shalt  }
0x81: {  	_ =	shalt  }
0x82: {  	_ =	shalt  }
0x83: {  	_ =	shalt  }
0x84: {  	_ =	shalt  }
0x85: {  	_ =	shalt  }
0x86: {  	_ =	shalt  }
0x87: {  	_ =	shalt  }
.Lfunc_end0:
.L_simem_size_0:
called_computation.3_lowered:
.L_overlay_start_0:
0x88: {  	s2 =	sld [smem:$0x3FD9]  }
0x89: {  	s3 =	sld [smem:$0x3FFE];
	_ =	sdelay $0x1  }
0x8a: {  	s1 =	srdreg.scid  }
0x8b: {  	s0 =	sand.u32 $0x1, s1  }
0x8c: {  	s17 =	sshll.u32 s0, $0xA;
	s2 =	sadd.s32 s3, s2  }
0x8d: {  	s2 =	sadd.s32 s2, s17  }
0x8e: {  	[smem:$0x3FBA] =	sst s2  }
0x8f: {  	_ = 	snop  }
0x90: {  	s2 =	sld [smem:$0x3FD0];
	(tm) =	ssettm $0x1  }
0x91: {  	s18 =	sld [smem:$0x3FFB];
	_ =	sdelay $0x3  }
0x92: {  	_ =	strace s18  }
0x93: {  	s3 =	sld [smem:$0x3FFC];
	_ =	sdelay $0x3  }
0x94: {  	_ =	strace s3  }
0x95: {  	s3 =	sld [smem:$0x3FFD];
	_ =	sdelay $0x3  }
0x96: {  	_ =	strace s3  }
0x97: {  	_ =	strace $0x8FFFFFFF  }
0x98: {  	s19 =	sld [smem:$0x3FDB];
	_ =	sdelay $0x1  }
0x99: {  	s4 =	simm.s32 $_scs_section_size  }
0x9a: {  	s5 =	simm.s32 $_size__tile_overlayer_lowered;
	s6 =	simm.s32 $_tile_overlayer_lowered  }
0x9b: {  	s22 =	simm.s32 $0x1BFF;
	s21 =	sshll.u32 s6, $0x1;
	s3 =	sadd.s32 s4, s19  }
0x9c: {  	s7 =	simm.s32 $0x0;
	s20 =	sshll.u32 s5, $0x1;
	s5 =	sadd.s32 s21, s3  }
0x9d: {  	[timem:s7], [sflag:s22] =	dma.local [hbm:s5], s20  }
0x9e: {  	_ =	swait.ge [sflag:s22], s20  }
0x9f: {  	s4 =	ssub.s32 $0x0, s20;
	[sflag:s22] =	ssyncset.done $0x0  }
0xa0: {  	[sflag:s22] =	ssyncadd.s32 s4;
	_ =	sdelay $0x1  }
0xa1: {  	s23 =	simm.s32 $0x1B8B  }
0xa2: {  	_ =	swait.ge [sflag:s23], $0x1  }
0xa3: {  	[sflag:s23] =	ssyncset.done $0x0  }
0xa4: {  	s25 =	simm.s32 $0x1B8E;
	s24 =	sld [smem:$0x3FFE];
	[sflag:s23] =	ssyncadd.s32 $0xFFFFFFFF  }
0xa5: {  	s26 =	simm.s32 $execute0_lowered;
	[smem:$0x3FD2] =	sst s25  }
0xa6: {  	s5 =	sshll.u32 s26, $0x1;
	_ =	strace $0x8000004F;
	[dreg:$0x1] =	wrdreg $0xFFFFFFFF  }
0xa7: {  	s28 =	simm.s32 $_size_execute0_lowered;
	s3 =	sadd.s32 s3, s5;
	[dreg:$0x0] =	wrdreg $0x0  }
0xa8: {  	s5 =	sshll.u32 s28, $0x1;
	[dreg:$0x2] =	wrdreg s3  }
0xa9: {  	[dreg:$0x3] =	wrdreg s5  }
0xaa: {  	[dreg:$0x4] =	wrdreg $0xC0  }
0xab: {  	_ =	task [dreg:s7], $0x5FFFF  }
0xac: {  	[dreg:$0x1] =	wrdreg $0xFFFFFFFF  }
0xad: {  	[dreg:$0x0] =	wrdreg $0x60  }
0xae: {  	[dreg:$0x2] =	wrdreg s24  }
0xaf: {  	[dreg:$0x3] =	wrdreg s2  }
0xb0: {  	[dreg:$0x4] =	wrdreg $0x120800  }
0xb1: {  	[dreg:$0x5] =	wrdreg $0x9  }
0xb2: {  	_ =	task.clear_ibuf [dreg:s7], $0x6FFFF;
	_ =	strace $0x9000004F  }
0xb3: {  	s29 =	simm.s32 $0x9;
	_ =	strace $0x80000051  }
0xb4: {  	_ =	swait.ge [sflag:s29], $0x1  }
0xb5: {  	[sflag:s29] =	ssyncadd.s32 $0xFFFFFFFF  }
0xb6: {  	_ =	strace $0x90000051  }
0xb7: {  	_ =	sfence  }
0xb8: {  	s30 =	sld [smem:$0x0];
	_ =	sdelay $0x2  }
0xb9: {  	s31 =	sshll.u32 s1, $0xD;
	s1 =	sshrl.u32 s1, $0x2  }
0xba: {  	s3 =	sand.u32 $0x4000, s31;
	s1 =	sadd.s32 s1, s30  }
0xbb: {  	s0 =	sor.u32 s3, s0;
	s1 =	sshll.u32 s1, $0x11  }
0xbc: {  	s0 =	sor.u32 s1, s0  }
0xbd: {  	s0 =	sadd.s32 $0x8F2B, s0  }
0xbe: {  	[sflag:s0] =	ssyncadd.remote.s32 $0x1  }
0xbf: {  	_ =	sfence.sel $0xFFFF  }
0xc0: {  	[dreg:$0x0] =	wrdreg $0xFFFFFFFF;
	(pc) =	sbr.abs _section_cstart, $3  }
0xc1: {  	[dreg:$0x1] =	wrdreg $0xFFFFFFFF  }
0xc2: {  	_ =	task.clear_ibuf [dreg:s7], $0x2FFFF;
	_ =	strace $0x9FFFFFFF  }
0xc3: {  	(tm) =	ssettm $0x7FFFFFFF  }
tec
execute0_lowered:
.L_overlay_start_1:
0x0: {  	(tag) =	ssettag $0x1  }
0x1: {  	s5 =	rddreg [dreg:$0x0]  }
0x2: {  	s13 =	rddreg [dreg:$0x1];
	s0 =	srdreg.scid  }
0x3: {  	s2 =	rddreg [dreg:$0x2];
	s1 =	stileid.u32  }
0x4: {  	s3 =	simm.s32 $0x0;
	s17 =	simm.s32 $0xA000;
	s18 =	simm.s32 $0xA080  }
0x5: {  	s19 =	simm.s32 $0x1;
	s20 =	simm.s32 $0x80;
	s6 =	smul.u32 $0x5000, s1  }
0x6: {  	s21 =	simm.s32 $0xE080;
	s22 =	simm.s32 $0x2;
	s30 =	smul.u32 $0x30000, s1  }
0x7: {  	s8 =	sand.u32 $0x1, s0;
	s0 =	rddreg [dreg:$0x3];
	s11 =	smul.u32 $0xC000, s1  }
0x8: {  	s23 =	simm.s32 $0x0;
	[smem:$0x7FF] =	sst s3;
	s4 =	smul.u32 $0x50000, s8  }
0x9: {  	_ =	strace $0x80000050;
	s7 =	ssub.s32 $0x2, s8;
	s9 =	sshll.u32 s8, $0x4  }
0xa: {  	s12 =	smul.u32 $0xC0000, s8;
	s10 =	sshrl.u32 s7, $0x1;
	s9 =	sadd.s32 s9, s5  }
0xb: {  	s31 =	sshrl.u32 s30, $0x2;
	s15 =	sadd.s32 $0x4000, s11;
	s16 =	sadd.s32 $0x8000, s11  }
0xc: {  	s6 =	sadd.s32 s6, s4;
	s4 =	sadd.s32 $0x33800, s5;
	s14 =	ssub.s32 s7, s10  }
0xd: {  	s7 =	sadd.s32 $0x1800, s9;
	s8 =	sadd.s32 s31, s2;
	s9 =	sadd.s32 s15, s2  }
0xe: {  	s10 =	sadd.s32 s16, s2;
	s11 =	sadd.s32 s11, s12;
	s15 =	sadd.s32 s12, s15  }
.Ltmp0:
0xf: {  	s12 =	sadd.s32 s12, s16;
	s6 =	sshrl.u32 s6, $0x3;
	(pc) =	sbr.rel .LBB2_1-.Ltmp0, $4  }
0x10: {  	s11 =	sshrl.u32 s11, $0x3;
	s15 =	sshrl.u32 s15, $0x3;
	s16 =	sshrl.u32 s12, $0x3  }
0x11: {  	s14 =	smax.u32 s14, $0x1;
	s6 =	sadd.s32 s6, s5;
	s11 =	sadd.s32 s13, s11  }
0x12: {  	s12 =	sadd.s32 s13, s15;
	s13 =	sadd.s32 s13, s16;
	s15 =	simm.s32 $0x3  }
0x13: {  	v0 =	vimm.f32 $0.0e+00;
	s16 =	simm.s32 $0x5000;
	s5 =	sadd.s32 $0xB800, s6;
	s6 =	sadd.s32 $0x1F800, s6  }
.LBB2_5:
0x14: {  	s29 =	simm.s32 $0x5000  }
.LBB2_9:
0x15: {  	s30 =	sadd.s32 $0xFFFFFF80, s28;
	[sflag:s15] =	ssyncadd.s32 @p1 $0xFFFFC000  }
0x16: {  	[tilespmem:s21], [sflag:$0x2] =	stream.indirect.gather [hbm4b:s4+s20], $0x80, s30, s20, $0xb8;
	[tilespmem:$0x1E080] =	vst v63  }
0x17: {  	_ =	swait.ge [sflag:s19], $0x4000  }
0x18: {  	s29 =	sadd.s32 @p1 $0x100, s29;
	[sflag:s19] =	ssyncset.done $0x0  }
0x19: {  	s26 =	smov.u32 @p1 s29;
	[sflag:s19] =	ssyncadd.s32 $0xFFFFC000  }
0x1a: {  	[spmem:s2] =	stream.indirect.scatter.add.f32 [tilespmem:s18], [sflag:$0x3], $0x80, s26, s20, $0xb8;
	[tilespmem:$0x1E080] =	vst v63  }
0x1b: {  	_ =	swait.ge [sflag:s15], $0x4000  }
0x1c: {  	[sflag:s15] =	ssyncset.done $0x0  }
0x1d: {  	[sflag:s15] =	ssyncadd.s32 $0xFFFFC000  }
0x1e: {  	[tilespmem:s18], [sflag:$0x1] =	stream.indirect.gather [hbm4b:s4+s20], $0x80, s28, s20, $0xb8;
	[tilespmem:$0x1E080] =	vst v63  }
0x1f: {  	_ =	swait.ge [sflag:s22], $0x4000  }
0x20: {  	[sflag:s22] =	ssyncset.done $0x0  }
0x21: {  	s26 =	sadd.s32 $0x80, s26;
	[sflag:s22] =	ssyncadd.s32 $0xFFFFC000  }
0x22: {  	[spmem:s2] =	stream.indirect.scatter.add.f32 [tilespmem:s21], [sflag:$0x3], $0x80, s26, s20, $0xb8;
	[tilespmem:$0x1E080] =	vst v63  }
0x23: {  	_ =	swait.ge [sflag:s15], $0x4000  }
0x24: {  	[sflag:s15] =	ssyncset.done $0x0  }
0x25: {  	[sflag:s15] =	ssyncadd.s32 $0xFFFFC000  }
.LBB2_10:
0x26: {  	s25 =	ssub.s32 s24, s25  }
0x27: {  	s26 =	simm.s32 @!p0 $0x1;
	p1 =	sne.s32 @!p0 s25, $0x1  }
0x28: {  	_ =	swait.ge @!p0 [sflag:s26], $0x4000;
	p1 =	por p1, p0  }
0x29: {  	[sflag:s26] =	ssyncset.done @!p0 $0x0;
	s24 =	sshll.u32 @!p1 s24, $0x9  }
0x2a: {  	[sflag:s26] =	ssyncadd.s32 @!p0 $0xFFFFC000;
	s24 =	sshra.s32 @!p1 s24, $0x2  }
0x2b: {  	s25 =	simm.s32 @!p1 $0x80;
	s26 =	simm.s32 @!p1 $0xA080;
	s24 =	sadd.s32 @!p1 $0x4F80, s24  }
0x2c: {  	[spmem:s2] =	stream.indirect.scatter.add.f32 @!p1 [tilespmem:s26], [sflag:$0x3], $0x80, s24, s25, $0xb8;
	[tilespmem:$0x1E080] =	vst v63  }
0x2d: {  	s24 =	simm.s32 @!p1 $0x3  }
0x2e: {  	_ =	swait.ge @!p1 [sflag:s24], $0x4000  }
0x2f: {  	[sflag:s24] =	ssyncset.done @!p1 $0x0  }
0x30: {  	s28 =	sshll.u32 s1, $0x6;
	[sflag:s24] =	ssyncadd.s32 @!p1 $0xFFFFC000  }
0x31: {  	s29 =	sshrl.u32 s8, $0x3;
	s24 =	sor.u32 $0x1C03, s28;
	[bflag:$0x0] =	sbarrier.arrive $0xFFFF  }
0x32: {  	[hbm:s11], [sflag:s24] =	dma.local [spmem:s29], $0x800  }
0x33: {  	_ =	swait.ge [sflag:s15], $0x800  }
0x34: {  	[sflag:s15] =	ssyncset.done $0x0  }
0x35: {  	s30 =	sshrl.u32 s9, $0x3;
	[sflag:s15] =	ssyncadd.s32 $0xFFFFF800  }
0x36: {  	[hbm:s12], [sflag:s24] =	dma.local [spmem:s30], $0x800  }
0x37: {  	s23 =	sadd.s32 $0x1, s23;
	_ =	swait.ge [sflag:s15], $0x800  }
0x38: {  	p0 =	sne.s32 s23, s14;
	[sflag:s15] =	ssyncset.done $0x0  }
.Ltmp1:
0x39: {  	s31 =	sshrl.u32 s10, $0x3;
	[sflag:s15] =	ssyncadd.s32 $0xFFFFF800;
	(pc) =	sbr.rel @!p0 .LBB2_11-.Ltmp1, $4  }
0x3a: {  	[hbm:s13], [sflag:s24] =	dma.local [spmem:s31], $0x800  }
0x3b: {  	_ =	swait.ge [sflag:s15], $0x800  }
0x3c: {  	[sflag:s15] =	ssyncset.done $0x0  }
0x3d: {  	[sflag:s15] =	ssyncadd.s32 $0xFFFFF800  }
.LBB2_1:
0x3e: {  	[tilespmem:s3], [sflag:$0x3] =	stream.linear.gather [hbm4b:s5+s3], $0x4F00, $0x38;
	[tilespmem:$0x1E080] =	vst v63  }
0x3f: {  	_ =	swait.ge [sflag:s15], $0x4F00  }
0x40: {  	[sflag:s15] =	ssyncset.done $0x0  }
0x41: {  	[sflag:s15] =	ssyncadd.s32 $0xFFFFB100  }
0x42: {  	[tilespmem:s16], [sflag:$0x3] =	stream.linear.gather [hbm4b:s6+s3], $0x4F00, $0x38;
	[tilespmem:$0x1E080] =	vst v63  }
0x43: {  	_ =	swait.ge [sflag:s15], $0x4F00  }
0x44: {  	[sflag:s15] =	ssyncset.done $0x0  }
0x45: {  	[sflag:s15] =	ssyncadd.s32 $0xFFFFB100  }
0x46: {  	[tilespmem:s17], [sflag:$0x3] =	stream.linear.gather [hbm4b:s7+s3], $0x80, $0x38;
	[tilespmem:$0x1E080] =	vst v63  }
0x47: {  	_ =	swait.ge [sflag:s15], $0x80  }
0x48: {  	[sflag:s15] =	ssyncset.done $0x0  }
0x49: {  	[sflag:s15] =	ssyncadd.s32 $0xFFFFFF80  }
0x4a: {  	s24 =	simm.s32 $0x0;
	s25 =	simm.s32 $0x200;
	v1 =	vld [tilespmem:$0xA000]  }
.LBB2_2:
0x4b: {  	p0 =	sne.s32 s25, $0xFE00;
	[tilespmem:s24+$0xA0F0] =	vst v0  }
0x4c: {  	[tilespmem:s24+$0xA080] =	vst v0  }
0x4d: {  	[tilespmem:s24+$0xA090] =	vst v0  }
.Ltmp2:
0x4e: {  	[tilespmem:s24+$0xA0A0] =	vst v0;
	(pc) =	sbr.rel @p0 .LBB2_2-.Ltmp2, $4  }
0x4f: {  	[tilespmem:s24+$0xA0B0] =	vst v0  }
0x50: {  	[tilespmem:s24+$0xA0C0] =	vst v0  }
0x51: {  	[tilespmem:s24+$0xA0D0] =	vst v0  }
0x52: {  	[tilespmem:s24+$0xA0E0] =	vst v0;
	s24 =	sshra.s32 s25, $0x2;
	s25 =	sadd.s32 $0x200, s25  }
0x53: {  	(v2sf) =	vpush v1, $0x0;
	_ =	sdelay $0x5  }
0x54: {  	[tilespmem:s24+$0xA0F0] =	vst v0  }
0x55: {  	[tilespmem:s24+$0xA080] =	vst v0  }
0x56: {  	[tilespmem:s24+$0xA090] =	vst v0  }
0x57: {  	[tilespmem:s24+$0xA0A0] =	vst v0  }
0x58: {  	[tilespmem:s24+$0xA0B0] =	vst v0  }
0x59: {  	[tilespmem:s24+$0xA0C0] =	vst v0  }
0x5a: {  	[tilespmem:s24+$0xA0D0] =	vst v0  }
0x5b: {  	[tilespmem:s24+$0xA0E0] =	vst v0  }
0x5c: {  	[spmem:s8] =	stream.linear.scatter [tilespmem:s18], [sflag:$0x3], $0x4000, $0x38;
	[tilespmem:$0x1E080] =	vst v63  }
0x5d: {  	s24 =	spop (v2sf)  }
0x5e: {  	_ =	swait.ge [sflag:s15], $0x4000  }
0x5f: {  	[sflag:s15] =	ssyncset.done $0x0  }
0x60: {  	[sflag:s15] =	ssyncadd.s32 $0xFFFFC000  }
0x61: {  	[spmem:s9] =	stream.linear.scatter [tilespmem:s18], [sflag:$0x3], $0x4000, $0x38;
	[tilespmem:$0x1E080] =	vst v63  }
0x62: {  	_ =	swait.ge [sflag:s15], $0x4000  }
0x63: {  	[sflag:s15] =	ssyncset.done $0x0  }
0x64: {  	[sflag:s15] =	ssyncadd.s32 $0xFFFFC000  }
0x65: {  	[spmem:s10] =	stream.linear.scatter [tilespmem:s18], [sflag:$0x3], $0x4000, $0x38;
	[tilespmem:$0x1E080] =	vst v63  }
0x66: {  	_ =	swait.ge [sflag:s15], $0x4000  }
0x67: {  	p0 =	slt.s32 s24, $0x1;
	[sflag:s15] =	ssyncset.done $0x0  }
0x68: {  	s25 =	simm.s32 @!p0 $0x80;
	[sflag:s15] =	ssyncadd.s32 $0xFFFFC000  }
0x69: {  	s26 =	simm.s32 @!p0 $0x0;
	s28 =	simm.s32 @!p0 $0xA080;
	[bflag:$0x0] =	sbarrier.arrive $0xFFFF  }
0x6a: {  	[tilespmem:s28], [sflag:$0x1] =	stream.indirect.gather @!p0 [hbm4b:s4+s25], $0x80, s26, s25, $0xb8;
	[tilespmem:$0x1E080] =	vst v63  }
0x6b: {  	p1 =	sgt.s32 s24, $0x0;
	s28 =	sshrl.u32 s24, $0x1F;
	s26 =	simm.s32 $0x1  }
0x6c: {  	s31 =	sshra.s32 s24, $0x1F;
	s30 =	sadd.s32 s28, s24;
	s26 =	simm.s32 @!p1 $0x0  }
0x6d: {  	s26 =	sadd.s32 s26, s31;
	s25 =	sand.u32 $0xFFFFFFFE, s30  }
0x6e: {  	p6 =	sne.s32 s26, $0x1;
	p2 =	sne.s32 s24, s25  }
0x6f: {  	p1 =	por !p2, !p6  }
0x70: {  	s26 =	simm.s32 $0x1;
	p1 =	por !p1, !p1  }
0x71: {  	s28 =	sshra.s32 s30, $0x1;
	s26 =	simm.s32 @!p1 $0x0  }
0x72: {  	s29 =	ssub.s32 s28, s26  }
0x73: {  	p1 =	slt.s32 s29, $0x1  }
.Ltmp3:
0x74: {  	_ = 	snop;
	(pc) =	sbr.rel @p1 .LBB2_10-.Ltmp3, $1  }
0x75: {  	_ =	sdelay $0x3  }
0x76: {  	p2 =	sne.s32 s29, $0x1  }
.Ltmp4:
0x77: {  	_ = 	snop;
	(pc) =	sbr.rel @!p2 .LBB2_5-.Ltmp4, $3  }
0x78: {  	_ =	sdelay $0x1  }
0x79: {  	s28 =	simm.s32 $0x100  }
0x7a: {  	s26 =	simm.s32 $0x5000;
	s29 =	sadd.s32 $0xFFFFFFFF, s29;
	p1 =	por $0x0, $0x0  }
0x7b: {  	s30 =	simm.s32 $0x80  }
0x7c: {  	[tilespmem:s21], [sflag:$0x2] =	stream.indirect.gather [hbm4b:s4+s20], $0x80, s30, s20, $0xb8;
	[tilespmem:$0x1E080] =	vst v63  }
0x7d: {  	_ =	swait.ge [sflag:s19], $0x4000  }
0x7e: {  	[sflag:s19] =	ssyncset.done $0x0  }
0x7f: {  	[sflag:s19] =	ssyncadd.s32 $0xFFFFC000  }
0x80: {  	[spmem:s2] =	stream.indirect.scatter.add.f32 [tilespmem:s18], [sflag:$0x3], $0x80, s26, s20, $0xb8;
	[tilespmem:$0x1E080] =	vst v63  }
0x81: {  	_ =	swait.ge [sflag:s15], $0x4000  }
0x82: {  	[sflag:s15] =	ssyncset.done $0x0  }
0x83: {  	[sflag:s15] =	ssyncadd.s32 $0xFFFFC000  }
0x84: {  	[tilespmem:s18], [sflag:$0x1] =	stream.indirect.gather [hbm4b:s4+s20], $0x80, s28, s20, $0xb8;
	[tilespmem:$0x1E080] =	vst v63  }
0x85: {  	p2 =	sne.s32 s29, $0x1;
	_ =	swait.ge [sflag:s22], $0x4000  }
.Ltmp5:
0x86: {  	[sflag:s22] =	ssyncset.done $0x0;
	(pc) =	sbr.rel @!p2 .LBB2_7-.Ltmp5, $4  }
0x87: {  	s28 =	simm.s32 $0x5080;
	[sflag:s22] =	ssyncadd.s32 $0xFFFFC000  }
0x88: {  	[spmem:s2] =	stream.indirect.scatter.add.f32 [tilespmem:s21], [sflag:$0x3], $0x80, s28, s20, $0xb8;
	[tilespmem:$0x1E080] =	vst v63  }
0x89: {  	p1 =	por $0x1, $0x1;
	s30 =	sadd.s32 $0xFFFFFFFF, s29;
	_ =	swait.ge [sflag:s15], $0x4000  }
0x8a: {  	s29 =	simm.s32 $0x5000;
	s28 =	simm.s32 $0x200;
	[sflag:s15] =	ssyncset.done $0x0  }
.LBB2_8:
0x8b: {  	s31 =	sadd.s32 $0xFFFFFF80, s28;
	[sflag:s15] =	ssyncadd.s32 $0xFFFFC000;
	s29 =	sadd.s32 $0x100, s29  }
0x8c: {  	[tilespmem:s21], [sflag:$0x2] =	stream.indirect.gather [hbm4b:s4+s20], $0x80, s31, s20, $0xb8;
	[tilespmem:$0x1E080] =	vst v63  }
0x8d: {  	p2 =	sne.s32 s30, $0x1;
	s30 =	sadd.s32 $0xFFFFFFFF, s30;
	_ =	swait.ge [sflag:s19], $0x4000  }
0x8e: {  	[sflag:s19] =	ssyncset.done $0x0  }
0x8f: {  	[sflag:s19] =	ssyncadd.s32 $0xFFFFC000  }
0x90: {  	[spmem:s2] =	stream.indirect.scatter.add.f32 [tilespmem:s18], [sflag:$0x3], $0x80, s29, s20, $0xb8;
	[tilespmem:$0x1E080] =	vst v63  }
0x91: {  	_ =	swait.ge [sflag:s15], $0x4000  }
0x92: {  	[sflag:s15] =	ssyncset.done $0x0  }
0x93: {  	[sflag:s15] =	ssyncadd.s32 $0xFFFFC000  }
0x94: {  	[tilespmem:s18], [sflag:$0x1] =	stream.indirect.gather [hbm4b:s4+s20], $0x80, s28, s20, $0xb8;
	[tilespmem:$0x1E080] =	vst v63  }
0x95: {  	_ =	swait.ge [sflag:s22], $0x4000  }
.Ltmp6:
0x96: {  	[sflag:s22] =	ssyncset.done $0x0;
	(pc) =	sbr.rel @p2 .LBB2_8-.Ltmp6, $4  }
0x97: {  	s31 =	sadd.s32 $0x80, s29;
	[sflag:s22] =	ssyncadd.s32 $0xFFFFC000  }
0x98: {  	[spmem:s2] =	stream.indirect.scatter.add.f32 [tilespmem:s21], [sflag:$0x3], $0x80, s31, s20, $0xb8;
	[tilespmem:$0x1E080] =	vst v63  }
0x99: {  	_ =	swait.ge [sflag:s15], $0x4000  }
0x9a: {  	s28 =	sadd.s32 $0x100, s28;
	[sflag:s15] =	ssyncset.done $0x0  }
.Ltmp7:
0x9b: {  	_ = 	snop;
	(pc) =	sbr.rel .LBB2_9-.Ltmp7, $1  }
0x9c: {  	_ =	sdelay $0x3  }
.LBB2_7:
.Ltmp8:
0x9d: {  	(pc) =	sbr.rel .LBB2_9-.Ltmp8, $2  }
0x9e: {  	_ =	sdelay $0x2  }
0x9f: {  	s29 =	simm.s32 $0x5000  }
.LBB2_11:
0xa0: {  	_ =	sfence.sel $0x180000  }
0xa1: {  	[bflag:$0x0] =	sbarrier.arrive $0xFFFF  }
0xa2: {  	p0 =	sne.s32 s1, $0x0;
	_ =	strace $0x90000050  }
0xa3: {  	s0 =	sadd.s32 @!p0 $0x100000, s0;
	[bflag:$0x2] =	sbarrier.arrive $0xFFFF  }
0xa4: {  	[sflag:s0] =	ssyncadd.tile.s32 @!p0 $0x1;
	_ =	shalt  }
.Lfunc_end2:
_tile_overlayer_lowered:
.L_overlay_start_2:
0xa5: {  	(tag) =	ssettag $0x2  }
0xa6: {  	s0 =	rddreg [dreg:$0x0];
	s2 =	stileid.u32  }
0xa7: {  	s1 =	rddreg [dreg:$0x1];
	p0 =	sne.s32 s2, $0x0  }
0xa8: {  	s3 =	rddreg [dreg:$0x2];
	[bflag:$0x3] =	sbarrier.arrive $0xFFFF;
	s2 =	simm.s32 @!p0 $0x1C03  }
0xa9: {  	[timem:s3], [sflag:s2] =	dma.local @!p0 [hbm:s0], s1  }
0xaa: {  	s0 =	simm.s32 @!p0 $0x3  }
0xab: {  	_ =	swait.ge @!p0 [sflag:s0], s1  }
0xac: {  	s1 =	ssub.s32 @!p0 $0x0, s1;
	[sflag:s0] =	ssyncset.done @!p0 $0x0  }
0xad: {  	[sflag:s0] =	ssyncadd.s32 @!p0 s1  }
0xae: {  	[bflag:$0x3] =	sbarrier.arrive $0xFFFF  }
0xaf: {  	_ =	shalt  }

// kernel: kernel.26.cloned.1.call-start
scs
__scs_entry_jumppad:
0x0: {  	(pc) =	sbr.rel $0x88, $3  }
0x1: {  	(tag) =	ssettag $0x0;
	lr =	simm.s32 $0x1  }
0x2: {  	[smem:$0x3F93] =	sst lr;
	_ =	strace $0xD0000000  }
0x3: {  	_ = 	snop  }
0x4: {  	_ = 	snop  }
0x5: {  	_ = 	snop  }
0x6: {  	_ = 	snop  }
0x7: {  	_ = 	snop  }
__scs_overlays_trampoline_lowered:
0x8: {  	[smem:$0x3FA2] =	sst s0  }
0x9: {  	[smem:$0x3FA3] =	sst s1  }
0xa: {  	[smem:$0x3FA4] =	sst s2  }
0xb: {  	[smem:$0x3FA5] =	sst s3  }
0xc: {  	[smem:$0x3FA6] =	sst s4  }
0xd: {  	[smem:$0x3FA7] =	sst s5  }
0xe: {  	[smem:$0x3FA8] =	sst s6  }
0xf: {  	[smem:$0x3FA9] =	sst s7  }
0x10: {  	[smem:$0x3FAA] =	sst s8  }
0x11: {  	[smem:$0x3FAB] =	sst s9;
	s0 =	simm.s32 @!p0 $0x0  }
0x12: {  	s1 =	sld [smem:$0x3F91];
	s0 =	simm.s32 @p0 $0x1  }
0x13: {  	[smem:$0x3FAC] =	sst s0;
	s0 =	simm.s32 @!p1 $0x0  }
0x14: {  	s2 =	sld [smem:$0x3F90];
	s0 =	simm.s32 @p1 $0x1  }
0x15: {  	[smem:$0x3FAD] =	sst s0;
	s0 =	simm.s32 @!p2 $0x0  }
0x16: {  	s3 =	sld [smem:$0x3FDB];
	s0 =	simm.s32 @p2 $0x1  }
0x17: {  	s4 =	simm.s32 $0x1BF5;
	[smem:$0x3FAF] =	sst s0  }
0x18: {  	s0 =	sld [smem:$0x3F92];
	_ =	swait.ge [sflag:s4], $0x0  }
0x19: {  	s7 =	sld [smem:$0x3F93]  }
0x1a: {  	s8 =	sadd.s32 $0xFFFFE003, lr  }
0x1b: {  	s9 =	sadd.s32 $0xFFFFFEF7, lr;
	s5 =	simm.s32 $0xFFFFFFFF;
	p2 =	slt.u32 s8, $0xFFFFF086  }
0x1c: {  	p1 =	slt.u32 s9, $0xF7A;
	s5 =	simm.s32 @!p2 $0x0  }
0x1d: {  	s5 =	simm.s32 @p1 $0x1;
	p0 =	seq.s32 s7, s2  }
0x1e: {  	s7 =	smul.u32 @!p0 $0xF7A, s2;
	p2 =	seq.s32 @!p0 s5, $0x0  }
0x1f: {  	s9 =	smul.u32 $0xF7A, s1;
	s8 =	simm.s32 @!p0 $0x1BF5;
	p2 =	por !p2, p0  }
0x20: {  	[sflag:s8] =	ssyncset.s32 @!p0 $0xFFFFF086;
	s6 =	sadd.s32 @!p0 s3, s7;
	s7 =	simm.s32 @!p0 $0x108  }
0x21: {  	s3 =	sadd.s32 s3, s9;
	s6 =	sadd.s32 @!p0 $0x88, s6;
	s7 =	simm.s32 @p2 $0x1082  }
0x22: {  	[simem:s7], [sflag:s8] =	dma.local @!p0 [hbm:s6], $0xF7A  }
0x23: {  	s9 =	sor.u32 $0xD0000000, s2;
	s6 =	simm.s32 $0x108;
	_ =	swait.ge @!p0 [sflag:s8], $0x0  }
0x24: {  	s3 =	sadd.s32 $0x88, s3;
	s6 =	simm.s32 @!p1 $0x1082;
	[sflag:s4] =	ssyncset.s32 $0xFFFFF086  }
0x25: {  	[simem:s6], [sflag:s4] =	dma.local [hbm:s3], $0xF7A  }
0x26: {  	[smem:$0x3F93] =	sst s1;
	(tag) =	ssettag s2;
	_ =	strace s9  }
0x27: {  	s1 =	sld [smem:$0x3FA3]  }
0x28: {  	s2 =	sld [smem:$0x3FA4]  }
0x29: {  	s4 =	sld [smem:$0x3FA6]  }
0x2a: {  	p0 =	seq.s32 s5, $0x0;
	s5 =	sld [smem:$0x3FA7]  }
0x2b: {  	s6 =	sld [smem:$0x3FA8]  }
0x2c: {  	s7 =	sld [smem:$0x3FA9]  }
0x2d: {  	s3 =	simm.s32 $0x108;
	s8 =	sld [smem:$0x3FAA]  }
0x2e: {  	s3 =	simm.s32 @!p0 $0x1082;
	s9 =	sld [smem:$0x3FAB]  }
0x2f: {  	lr =	sadd.s32 s0, s3;
	s0 =	sld [smem:$0x3FA2]  }
0x30: {  	s3 =	sld [smem:$0x3FA5]  }
0x31: {  	[smem:$0x3FAE] =	sst s10  }
0x32: {  	s10 =	sld [smem:$0x3FAC];
	_ =	sdelay $0x3  }
0x33: {  	p0 =	seq.s32 s10, $0x1;
	s10 =	sld [smem:$0x3FAE];
	_ =	sdelay $0x3  }
0x34: {  	[smem:$0x3FAE] =	sst s10  }
0x35: {  	s10 =	sld [smem:$0x3FAD];
	_ =	sdelay $0x3  }
0x36: {  	p1 =	seq.s32 s10, $0x1;
	s10 =	sld [smem:$0x3FAE];
	_ =	sdelay $0x3  }
0x37: {  	[smem:$0x3FAE] =	sst s10  }
0x38: {  	s10 =	sld [smem:$0x3FAF]  }
0x39: {  	_ = 	snop;
	(pc) =	sbr.ind lr, $3  }
0x3a: {  	_ = 	snop  }
0x3b: {  	_ = 	snop  }
0x3c: {  	p2 =	seq.s32 s10, $0x1;
	s10 =	sld [smem:$0x3FAE]  }
0x3d: {  	_ =	shalt  }
0x3e: {  	_ =	shalt  }
0x3f: {  	_ =	shalt  }
0x40: {  	_ =	shalt  }
0x41: {  	_ =	shalt  }
0x42: {  	_ =	shalt  }
0x43: {  	_ =	shalt  }
0x44: {  	_ =	shalt  }
0x45: {  	_ =	shalt  }
0x46: {  	_ =	shalt  }
0x47: {  	_ =	shalt  }
0x48: {  	_ =	shalt  }
0x49: {  	_ =	shalt  }
0x4a: {  	_ =	shalt  }
0x4b: {  	_ =	shalt  }
0x4c: {  	_ =	shalt  }
0x4d: {  	_ =	shalt  }
0x4e: {  	_ =	shalt  }
0x4f: {  	_ =	shalt  }
0x50: {  	_ =	shalt  }
0x51: {  	_ =	shalt  }
0x52: {  	_ =	shalt  }
0x53: {  	_ =	shalt  }
0x54: {  	_ =	shalt  }
0x55: {  	_ =	shalt  }
0x56: {  	_ =	shalt  }
0x57: {  	_ =	shalt  }
0x58: {  	_ =	shalt  }
0x59: {  	_ =	shalt  }
0x5a: {  	_ =	shalt  }
0x5b: {  	_ =	shalt  }
0x5c: {  	_ =	shalt  }
0x5d: {  	_ =	shalt  }
0x5e: {  	_ =	shalt  }
0x5f: {  	_ =	shalt  }
0x60: {  	_ =	shalt  }
0x61: {  	_ =	shalt  }
0x62: {  	_ =	shalt  }
0x63: {  	_ =	shalt  }
0x64: {  	_ =	shalt  }
0x65: {  	_ =	shalt  }
0x66: {  	_ =	shalt  }
0x67: {  	_ =	shalt  }
0x68: {  	_ =	shalt  }
0x69: {  	_ =	shalt  }
0x6a: {  	_ =	shalt  }
0x6b: {  	_ =	shalt  }
0x6c: {  	_ =	shalt  }
0x6d: {  	_ =	shalt  }
0x6e: {  	_ =	shalt  }
0x6f: {  	_ =	shalt  }
0x70: {  	_ =	shalt  }
0x71: {  	_ =	shalt  }
0x72: {  	_ =	shalt  }
0x73: {  	_ =	shalt  }
0x74: {  	_ =	shalt  }
0x75: {  	_ =	shalt  }
0x76: {  	_ =	shalt  }
0x77: {  	_ =	shalt  }
0x78: {  	_ =	shalt  }
0x79: {  	_ =	shalt  }
0x7a: {  	_ =	shalt  }
0x7b: {  	_ =	shalt  }
0x7c: {  	_ =	shalt  }
0x7d: {  	_ =	shalt  }
0x7e: {  	_ =	shalt  }
0x7f: {  	_ =	shalt  }
0x80: {  	_ =	shalt  }
0x81: {  	_ =	shalt  }
0x82: {  	_ =	shalt  }
0x83: {  	_ =	shalt  }
0x84: {  	_ =	shalt  }
0x85: {  	_ =	shalt  }
0x86: {  	_ =	shalt  }
0x87: {  	_ =	shalt  }
.Lfunc_end0:
.L_simem_size_0:
called_computation.4_lowered:
.L_overlay_start_0:
0x88: {  	s2 =	sld [smem:$0x3FD9]  }
0x89: {  	s3 =	sld [smem:$0x3FFE];
	_ =	sdelay $0x1  }
0x8a: {  	s1 =	srdreg.scid  }
0x8b: {  	s0 =	sand.u32 $0x1, s1  }
0x8c: {  	s17 =	sshll.u32 s0, $0xA;
	s2 =	sadd.s32 s3, s2  }
0x8d: {  	s2 =	sadd.s32 s2, s17  }
0x8e: {  	[smem:$0x3FBA] =	sst s2  }
0x8f: {  	_ = 	snop  }
0x90: {  	s2 =	sld [smem:$0x3FD0];
	(tm) =	ssettm $0x1  }
0x91: {  	s18 =	sld [smem:$0x3FFB];
	_ =	sdelay $0x3  }
0x92: {  	_ =	strace s18  }
0x93: {  	s3 =	sld [smem:$0x3FFC];
	_ =	sdelay $0x3  }
0x94: {  	_ =	strace s3  }
0x95: {  	s3 =	sld [smem:$0x3FFD];
	_ =	sdelay $0x3  }
0x96: {  	_ =	strace s3  }
0x97: {  	_ =	strace $0x8FFFFFFF  }
0x98: {  	s19 =	sld [smem:$0x3FDB];
	_ =	sdelay $0x1  }
0x99: {  	s4 =	simm.s32 $_scs_section_size  }
0x9a: {  	s5 =	simm.s32 $_size__tile_overlayer_lowered;
	s6 =	simm.s32 $_tile_overlayer_lowered  }
0x9b: {  	s22 =	simm.s32 $0x1BFF;
	s21 =	sshll.u32 s6, $0x1;
	s3 =	sadd.s32 s4, s19  }
0x9c: {  	s7 =	simm.s32 $0x0;
	s20 =	sshll.u32 s5, $0x1;
	s5 =	sadd.s32 s21, s3  }
0x9d: {  	[timem:s7], [sflag:s22] =	dma.local [hbm:s5], s20  }
0x9e: {  	_ =	swait.ge [sflag:s22], s20  }
0x9f: {  	s4 =	ssub.s32 $0x0, s20;
	[sflag:s22] =	ssyncset.done $0x0  }
0xa0: {  	[sflag:s22] =	ssyncadd.s32 s4;
	_ =	sdelay $0x1  }
0xa1: {  	s23 =	simm.s32 $0x1B8B  }
0xa2: {  	_ =	swait.ge [sflag:s23], $0x1  }
0xa3: {  	[sflag:s23] =	ssyncset.done $0x0  }
0xa4: {  	s25 =	simm.s32 $0x1B8E;
	s24 =	sld [smem:$0x3FFE];
	[sflag:s23] =	ssyncadd.s32 $0xFFFFFFFF  }
0xa5: {  	s26 =	simm.s32 $execute0_lowered;
	[smem:$0x3FD2] =	sst s25  }
0xa6: {  	s5 =	sshll.u32 s26, $0x1;
	_ =	strace $0x80000052;
	[dreg:$0x1] =	wrdreg $0xFFFFFFFF  }
0xa7: {  	s28 =	simm.s32 $_size_execute0_lowered;
	s3 =	sadd.s32 s3, s5;
	[dreg:$0x0] =	wrdreg $0x0  }
0xa8: {  	s5 =	sshll.u32 s28, $0x1;
	[dreg:$0x2] =	wrdreg s3  }
0xa9: {  	[dreg:$0x3] =	wrdreg s5  }
0xaa: {  	[dreg:$0x4] =	wrdreg $0xC0  }
0xab: {  	_ =	task [dreg:s7], $0x5FFFF  }
0xac: {  	[dreg:$0x1] =	wrdreg $0xFFFFFFFF  }
0xad: {  	[dreg:$0x0] =	wrdreg $0x60  }
0xae: {  	[dreg:$0x2] =	wrdreg s24  }
0xaf: {  	[dreg:$0x3] =	wrdreg s2  }
0xb0: {  	[dreg:$0x4] =	wrdreg $0x120800  }
0xb1: {  	[dreg:$0x5] =	wrdreg $0x9  }
0xb2: {  	_ =	task.clear_ibuf [dreg:s7], $0x6FFFF;
	_ =	strace $0x90000052  }
0xb3: {  	s29 =	simm.s32 $0x9;
	_ =	strace $0x80000054  }
0xb4: {  	_ =	swait.ge [sflag:s29], $0x1  }
0xb5: {  	[sflag:s29] =	ssyncadd.s32 $0xFFFFFFFF  }
0xb6: {  	_ =	strace $0x90000054  }
0xb7: {  	_ =	sfence  }
0xb8: {  	s30 =	sld [smem:$0x0];
	_ =	sdelay $0x2  }
0xb9: {  	s31 =	sshll.u32 s1, $0xD;
	s1 =	sshrl.u32 s1, $0x2  }
0xba: {  	s3 =	sand.u32 $0x4000, s31;
	s1 =	sadd.s32 s1, s30  }
0xbb: {  	s0 =	sor.u32 s3, s0;
	s1 =	sshll.u32 s1, $0x11  }
0xbc: {  	s0 =	sor.u32 s1, s0  }
0xbd: {  	s0 =	sadd.s32 $0x8F2B, s0  }
0xbe: {  	[sflag:s0] =	ssyncadd.remote.s32 $0x1  }
0xbf: {  	_ =	sfence.sel $0xFFFF  }
0xc0: {  	[dreg:$0x0] =	wrdreg $0xFFFFFFFF;
	(pc) =	sbr.abs _section_cstart, $3  }
0xc1: {  	[dreg:$0x1] =	wrdreg $0xFFFFFFFF  }
0xc2: {  	_ =	task.clear_ibuf [dreg:s7], $0x2FFFF;
	_ =	strace $0x9FFFFFFF  }
0xc3: {  	(tm) =	ssettm $0x7FFFFFFF  }
tec
execute0_lowered:
.L_overlay_start_1:
0x0: {  	(tag) =	ssettag $0x1  }
0x1: {  	s5 =	rddreg [dreg:$0x0]  }
0x2: {  	s13 =	rddreg [dreg:$0x1];
	s0 =	srdreg.scid  }
0x3: {  	s2 =	rddreg [dreg:$0x2];
	s1 =	stileid.u32  }
0x4: {  	s3 =	simm.s32 $0x0;
	s17 =	simm.s32 $0xA000;
	s18 =	simm.s32 $0xA080  }
0x5: {  	s19 =	simm.s32 $0x1;
	s20 =	simm.s32 $0x80;
	s6 =	smul.u32 $0x5000, s1  }
0x6: {  	s21 =	simm.s32 $0xE080;
	s22 =	simm.s32 $0x2;
	s30 =	smul.u32 $0x30000, s1  }
0x7: {  	s8 =	sand.u32 $0x1, s0;
	s0 =	rddreg [dreg:$0x3];
	s11 =	smul.u32 $0xC000, s1  }
0x8: {  	s23 =	simm.s32 $0x0;
	[smem:$0x7FF] =	sst s3;
	s4 =	smul.u32 $0x50000, s8  }
0x9: {  	_ =	strace $0x80000053;
	s7 =	ssub.s32 $0x2, s8;
	s9 =	sshll.u32 s8, $0x4  }
0xa: {  	s12 =	smul.u32 $0xC0000, s8;
	s10 =	sshrl.u32 s7, $0x1;
	s9 =	sadd.s32 s9, s5  }
0xb: {  	s31 =	sshrl.u32 s30, $0x2;
	s15 =	sadd.s32 $0x4000, s11;
	s16 =	sadd.s32 $0x8000, s11  }
0xc: {  	s6 =	sadd.s32 s6, s4;
	s4 =	sadd.s32 $0x33800, s5;
	s14 =	ssub.s32 s7, s10  }
0xd: {  	s7 =	sadd.s32 $0x1800, s9;
	s8 =	sadd.s32 s31, s2;
	s9 =	sadd.s32 s15, s2  }
0xe: {  	s10 =	sadd.s32 s16, s2;
	s11 =	sadd.s32 s11, s12;
	s15 =	sadd.s32 s12, s15  }
.Ltmp0:
0xf: {  	s12 =	sadd.s32 s12, s16;
	s6 =	sshrl.u32 s6, $0x3;
	(pc) =	sbr.rel .LBB2_1-.Ltmp0, $4  }
0x10: {  	s11 =	sshrl.u32 s11, $0x3;
	s15 =	sshrl.u32 s15, $0x3;
	s16 =	sshrl.u32 s12, $0x3  }
0x11: {  	s14 =	smax.u32 s14, $0x1;
	s6 =	sadd.s32 s6, s5;
	s11 =	sadd.s32 s13, s11  }
0x12: {  	s12 =	sadd.s32 s13, s15;
	s13 =	sadd.s32 s13, s16;
	s15 =	simm.s32 $0x3  }
0x13: {  	v0 =	vimm.f32 $0.0e+00;
	s16 =	simm.s32 $0x5000;
	s5 =	sadd.s32 $0xB800, s6;
	s6 =	sadd.s32 $0x1F800, s6  }
.LBB2_5:
0x14: {  	s29 =	simm.s32 $0x5000  }
.LBB2_9:
0x15: {  	s30 =	sadd.s32 $0xFFFFFF80, s28;
	[sflag:s15] =	ssyncadd.s32 @p1 $0xFFFFC000  }
0x16: {  	[tilespmem:s21], [sflag:$0x2] =	stream.indirect.gather [hbm4b:s4+s20], $0x80, s30, s20, $0xb8;
	[tilespmem:$0x1E080] =	vst v63  }
0x17: {  	_ =	swait.ge [sflag:s19], $0x4000  }
0x18: {  	s29 =	sadd.s32 @p1 $0x100, s29;
	[sflag:s19] =	ssyncset.done $0x0  }
0x19: {  	s26 =	smov.u32 @p1 s29;
	[sflag:s19] =	ssyncadd.s32 $0xFFFFC000  }
0x1a: {  	[spmem:s2] =	stream.indirect.scatter.add.f32 [tilespmem:s18], [sflag:$0x3], $0x80, s26, s20, $0xb8;
	[tilespmem:$0x1E080] =	vst v63  }
0x1b: {  	_ =	swait.ge [sflag:s15], $0x4000  }
0x1c: {  	[sflag:s15] =	ssyncset.done $0x0  }
0x1d: {  	[sflag:s15] =	ssyncadd.s32 $0xFFFFC000  }
0x1e: {  	[tilespmem:s18], [sflag:$0x1] =	stream.indirect.gather [hbm4b:s4+s20], $0x80, s28, s20, $0xb8;
	[tilespmem:$0x1E080] =	vst v63  }
0x1f: {  	_ =	swait.ge [sflag:s22], $0x4000  }
0x20: {  	[sflag:s22] =	ssyncset.done $0x0  }
0x21: {  	s26 =	sadd.s32 $0x80, s26;
	[sflag:s22] =	ssyncadd.s32 $0xFFFFC000  }
0x22: {  	[spmem:s2] =	stream.indirect.scatter.add.f32 [tilespmem:s21], [sflag:$0x3], $0x80, s26, s20, $0xb8;
	[tilespmem:$0x1E080] =	vst v63  }
0x23: {  	_ =	swait.ge [sflag:s15], $0x4000  }
0x24: {  	[sflag:s15] =	ssyncset.done $0x0  }
0x25: {  	[sflag:s15] =	ssyncadd.s32 $0xFFFFC000  }
.LBB2_10:
0x26: {  	s25 =	ssub.s32 s24, s25  }
0x27: {  	s26 =	simm.s32 @!p0 $0x1;
	p1 =	sne.s32 @!p0 s25, $0x1  }
0x28: {  	_ =	swait.ge @!p0 [sflag:s26], $0x4000;
	p1 =	por p1, p0  }
0x29: {  	[sflag:s26] =	ssyncset.done @!p0 $0x0;
	s24 =	sshll.u32 @!p1 s24, $0x9  }
0x2a: {  	[sflag:s26] =	ssyncadd.s32 @!p0 $0xFFFFC000;
	s24 =	sshra.s32 @!p1 s24, $0x2  }
0x2b: {  	s25 =	simm.s32 @!p1 $0x80;
	s26 =	simm.s32 @!p1 $0xA080;
	s24 =	sadd.s32 @!p1 $0x4F80, s24  }
0x2c: {  	[spmem:s2] =	stream.indirect.scatter.add.f32 @!p1 [tilespmem:s26], [sflag:$0x3], $0x80, s24, s25, $0xb8;
	[tilespmem:$0x1E080] =	vst v63  }
0x2d: {  	s24 =	simm.s32 @!p1 $0x3  }
0x2e: {  	_ =	swait.ge @!p1 [sflag:s24], $0x4000  }
0x2f: {  	[sflag:s24] =	ssyncset.done @!p1 $0x0  }
0x30: {  	s28 =	sshll.u32 s1, $0x6;
	[sflag:s24] =	ssyncadd.s32 @!p1 $0xFFFFC000  }
0x31: {  	s29 =	sshrl.u32 s8, $0x3;
	s24 =	sor.u32 $0x1C03, s28;
	[bflag:$0x0] =	sbarrier.arrive $0xFFFF  }
0x32: {  	[hbm:s11], [sflag:s24] =	dma.local [spmem:s29], $0x800  }
0x33: {  	_ =	swait.ge [sflag:s15], $0x800  }
0x34: {  	[sflag:s15] =	ssyncset.done $0x0  }
0x35: {  	s30 =	sshrl.u32 s9, $0x3;
	[sflag:s15] =	ssyncadd.s32 $0xFFFFF800  }
0x36: {  	[hbm:s12], [sflag:s24] =	dma.local [spmem:s30], $0x800  }
0x37: {  	s23 =	sadd.s32 $0x1, s23;
	_ =	swait.ge [sflag:s15], $0x800  }
0x38: {  	p0 =	sne.s32 s23, s14;
	[sflag:s15] =	ssyncset.done $0x0  }
.Ltmp1:
0x39: {  	s31 =	sshrl.u32 s10, $0x3;
	[sflag:s15] =	ssyncadd.s32 $0xFFFFF800;
	(pc) =	sbr.rel @!p0 .LBB2_11-.Ltmp1, $4  }
0x3a: {  	[hbm:s13], [sflag:s24] =	dma.local [spmem:s31], $0x800  }
0x3b: {  	_ =	swait.ge [sflag:s15], $0x800  }
0x3c: {  	[sflag:s15] =	ssyncset.done $0x0  }
0x3d: {  	[sflag:s15] =	ssyncadd.s32 $0xFFFFF800  }
.LBB2_1:
0x3e: {  	[tilespmem:s3], [sflag:$0x3] =	stream.linear.gather [hbm4b:s5+s3], $0x4F00, $0x38;
	[tilespmem:$0x1E080] =	vst v63  }
0x3f: {  	_ =	swait.ge [sflag:s15], $0x4F00  }
0x40: {  	[sflag:s15] =	ssyncset.done $0x0  }
0x41: {  	[sflag:s15] =	ssyncadd.s32 $0xFFFFB100  }
0x42: {  	[tilespmem:s16], [sflag:$0x3] =	stream.linear.gather [hbm4b:s6+s3], $0x4F00, $0x38;
	[tilespmem:$0x1E080] =	vst v63  }
0x43: {  	_ =	swait.ge [sflag:s15], $0x4F00  }
0x44: {  	[sflag:s15] =	ssyncset.done $0x0  }
0x45: {  	[sflag:s15] =	ssyncadd.s32 $0xFFFFB100  }
0x46: {  	[tilespmem:s17], [sflag:$0x3] =	stream.linear.gather [hbm4b:s7+s3], $0x80, $0x38;
	[tilespmem:$0x1E080] =	vst v63  }
0x47: {  	_ =	swait.ge [sflag:s15], $0x80  }
0x48: {  	[sflag:s15] =	ssyncset.done $0x0  }
0x49: {  	[sflag:s15] =	ssyncadd.s32 $0xFFFFFF80  }
0x4a: {  	s24 =	simm.s32 $0x0;
	s25 =	simm.s32 $0x200;
	v1 =	vld [tilespmem:$0xA000]  }
.LBB2_2:
0x4b: {  	p0 =	sne.s32 s25, $0xFE00;
	[tilespmem:s24+$0xA0F0] =	vst v0  }
0x4c: {  	[tilespmem:s24+$0xA080] =	vst v0  }
0x4d: {  	[tilespmem:s24+$0xA090] =	vst v0  }
.Ltmp2:
0x4e: {  	[tilespmem:s24+$0xA0A0] =	vst v0;
	(pc) =	sbr.rel @p0 .LBB2_2-.Ltmp2, $4  }
0x4f: {  	[tilespmem:s24+$0xA0B0] =	vst v0  }
0x50: {  	[tilespmem:s24+$0xA0C0] =	vst v0  }
0x51: {  	[tilespmem:s24+$0xA0D0] =	vst v0  }
0x52: {  	[tilespmem:s24+$0xA0E0] =	vst v0;
	s24 =	sshra.s32 s25, $0x2;
	s25 =	sadd.s32 $0x200, s25  }
0x53: {  	(v2sf) =	vpush v1, $0x0;
	_ =	sdelay $0x5  }
0x54: {  	[tilespmem:s24+$0xA0F0] =	vst v0  }
0x55: {  	[tilespmem:s24+$0xA080] =	vst v0  }
0x56: {  	[tilespmem:s24+$0xA090] =	vst v0  }
0x57: {  	[tilespmem:s24+$0xA0A0] =	vst v0  }
0x58: {  	[tilespmem:s24+$0xA0B0] =	vst v0  }
0x59: {  	[tilespmem:s24+$0xA0C0] =	vst v0  }
0x5a: {  	[tilespmem:s24+$0xA0D0] =	vst v0  }
0x5b: {  	[tilespmem:s24+$0xA0E0] =	vst v0  }
0x5c: {  	[spmem:s8] =	stream.linear.scatter [tilespmem:s18], [sflag:$0x3], $0x4000, $0x38;
	[tilespmem:$0x1E080] =	vst v63  }
0x5d: {  	s24 =	spop (v2sf)  }
0x5e: {  	_ =	swait.ge [sflag:s15], $0x4000  }
0x5f: {  	[sflag:s15] =	ssyncset.done $0x0  }
0x60: {  	[sflag:s15] =	ssyncadd.s32 $0xFFFFC000  }
0x61: {  	[spmem:s9] =	stream.linear.scatter [tilespmem:s18], [sflag:$0x3], $0x4000, $0x38;
	[tilespmem:$0x1E080] =	vst v63  }
0x62: {  	_ =	swait.ge [sflag:s15], $0x4000  }
0x63: {  	[sflag:s15] =	ssyncset.done $0x0  }
0x64: {  	[sflag:s15] =	ssyncadd.s32 $0xFFFFC000  }
0x65: {  	[spmem:s10] =	stream.linear.scatter [tilespmem:s18], [sflag:$0x3], $0x4000, $0x38;
	[tilespmem:$0x1E080] =	vst v63  }
0x66: {  	_ =	swait.ge [sflag:s15], $0x4000  }
0x67: {  	p0 =	slt.s32 s24, $0x1;
	[sflag:s15] =	ssyncset.done $0x0  }
0x68: {  	s25 =	simm.s32 @!p0 $0x80;
	[sflag:s15] =	ssyncadd.s32 $0xFFFFC000  }
0x69: {  	s26 =	simm.s32 @!p0 $0x0;
	s28 =	simm.s32 @!p0 $0xA080;
	[bflag:$0x0] =	sbarrier.arrive $0xFFFF  }
0x6a: {  	[tilespmem:s28], [sflag:$0x1] =	stream.indirect.gather @!p0 [hbm4b:s4+s25], $0x80, s26, s25, $0xb8;
	[tilespmem:$0x1E080] =	vst v63  }
0x6b: {  	p1 =	sgt.s32 s24, $0x0;
	s28 =	sshrl.u32 s24, $0x1F;
	s26 =	simm.s32 $0x1  }
0x6c: {  	s31 =	sshra.s32 s24, $0x1F;
	s30 =	sadd.s32 s28, s24;
	s26 =	simm.s32 @!p1 $0x0  }
0x6d: {  	s26 =	sadd.s32 s26, s31;
	s25 =	sand.u32 $0xFFFFFFFE, s30  }
0x6e: {  	p6 =	sne.s32 s26, $0x1;
	p2 =	sne.s32 s24, s25  }
0x6f: {  	p1 =	por !p2, !p6  }
0x70: {  	s26 =	simm.s32 $0x1;
	p1 =	por !p1, !p1  }
0x71: {  	s28 =	sshra.s32 s30, $0x1;
	s26 =	simm.s32 @!p1 $0x0  }
0x72: {  	s29 =	ssub.s32 s28, s26  }
0x73: {  	p1 =	slt.s32 s29, $0x1  }
.Ltmp3:
0x74: {  	_ = 	snop;
	(pc) =	sbr.rel @p1 .LBB2_10-.Ltmp3, $1  }
0x75: {  	_ =	sdelay $0x3  }
0x76: {  	p2 =	sne.s32 s29, $0x1  }
.Ltmp4:
0x77: {  	_ = 	snop;
	(pc) =	sbr.rel @!p2 .LBB2_5-.Ltmp4, $3  }
0x78: {  	_ =	sdelay $0x1  }
0x79: {  	s28 =	simm.s32 $0x100  }
0x7a: {  	s26 =	simm.s32 $0x5000;
	s29 =	sadd.s32 $0xFFFFFFFF, s29;
	p1 =	por $0x0, $0x0  }
0x7b: {  	s30 =	simm.s32 $0x80  }
0x7c: {  	[tilespmem:s21], [sflag:$0x2] =	stream.indirect.gather [hbm4b:s4+s20], $0x80, s30, s20, $0xb8;
	[tilespmem:$0x1E080] =	vst v63  }
0x7d: {  	_ =	swait.ge [sflag:s19], $0x4000  }
0x7e: {  	[sflag:s19] =	ssyncset.done $0x0  }
0x7f: {  	[sflag:s19] =	ssyncadd.s32 $0xFFFFC000  }
0x80: {  	[spmem:s2] =	stream.indirect.scatter.add.f32 [tilespmem:s18], [sflag:$0x3], $0x80, s26, s20, $0xb8;
	[tilespmem:$0x1E080] =	vst v63  }
0x81: {  	_ =	swait.ge [sflag:s15], $0x4000  }
0x82: {  	[sflag:s15] =	ssyncset.done $0x0  }
0x83: {  	[sflag:s15] =	ssyncadd.s32 $0xFFFFC000  }
0x84: {  	[tilespmem:s18], [sflag:$0x1] =	stream.indirect.gather [hbm4b:s4+s20], $0x80, s28, s20, $0xb8;
	[tilespmem:$0x1E080] =	vst v63  }
0x85: {  	p2 =	sne.s32 s29, $0x1;
	_ =	swait.ge [sflag:s22], $0x4000  }
.Ltmp5:
0x86: {  	[sflag:s22] =	ssyncset.done $0x0;
	(pc) =	sbr.rel @!p2 .LBB2_7-.Ltmp5, $4  }
0x87: {  	s28 =	simm.s32 $0x5080;
	[sflag:s22] =	ssyncadd.s32 $0xFFFFC000  }
0x88: {  	[spmem:s2] =	stream.indirect.scatter.add.f32 [tilespmem:s21], [sflag:$0x3], $0x80, s28, s20, $0xb8;
	[tilespmem:$0x1E080] =	vst v63  }
0x89: {  	p1 =	por $0x1, $0x1;
	s30 =	sadd.s32 $0xFFFFFFFF, s29;
	_ =	swait.ge [sflag:s15], $0x4000  }
0x8a: {  	s29 =	simm.s32 $0x5000;
	s28 =	simm.s32 $0x200;
	[sflag:s15] =	ssyncset.done $0x0  }
.LBB2_8:
0x8b: {  	s31 =	sadd.s32 $0xFFFFFF80, s28;
	[sflag:s15] =	ssyncadd.s32 $0xFFFFC000;
	s29 =	sadd.s32 $0x100, s29  }
0x8c: {  	[tilespmem:s21], [sflag:$0x2] =	stream.indirect.gather [hbm4b:s4+s20], $0x80, s31, s20, $0xb8;
	[tilespmem:$0x1E080] =	vst v63  }
0x8d: {  	p2 =	sne.s32 s30, $0x1;
	s30 =	sadd.s32 $0xFFFFFFFF, s30;
	_ =	swait.ge [sflag:s19], $0x4000  }
0x8e: {  	[sflag:s19] =	ssyncset.done $0x0  }
0x8f: {  	[sflag:s19] =	ssyncadd.s32 $0xFFFFC000  }
0x90: {  	[spmem:s2] =	stream.indirect.scatter.add.f32 [tilespmem:s18], [sflag:$0x3], $0x80, s29, s20, $0xb8;
	[tilespmem:$0x1E080] =	vst v63  }
0x91: {  	_ =	swait.ge [sflag:s15], $0x4000  }
0x92: {  	[sflag:s15] =	ssyncset.done $0x0  }
0x93: {  	[sflag:s15] =	ssyncadd.s32 $0xFFFFC000  }
0x94: {  	[tilespmem:s18], [sflag:$0x1] =	stream.indirect.gather [hbm4b:s4+s20], $0x80, s28, s20, $0xb8;
	[tilespmem:$0x1E080] =	vst v63  }
0x95: {  	_ =	swait.ge [sflag:s22], $0x4000  }
.Ltmp6:
0x96: {  	[sflag:s22] =	ssyncset.done $0x0;
	(pc) =	sbr.rel @p2 .LBB2_8-.Ltmp6, $4  }
0x97: {  	s31 =	sadd.s32 $0x80, s29;
	[sflag:s22] =	ssyncadd.s32 $0xFFFFC000  }
0x98: {  	[spmem:s2] =	stream.indirect.scatter.add.f32 [tilespmem:s21], [sflag:$0x3], $0x80, s31, s20, $0xb8;
	[tilespmem:$0x1E080] =	vst v63  }
0x99: {  	_ =	swait.ge [sflag:s15], $0x4000  }
0x9a: {  	s28 =	sadd.s32 $0x100, s28;
	[sflag:s15] =	ssyncset.done $0x0  }
.Ltmp7:
0x9b: {  	_ = 	snop;
	(pc) =	sbr.rel .LBB2_9-.Ltmp7, $1  }
0x9c: {  	_ =	sdelay $0x3  }
.LBB2_7:
.Ltmp8:
0x9d: {  	(pc) =	sbr.rel .LBB2_9-.Ltmp8, $2  }
0x9e: {  	_ =	sdelay $0x2  }
0x9f: {  	s29 =	simm.s32 $0x5000  }
.LBB2_11:
0xa0: {  	_ =	sfence.sel $0x180000  }
0xa1: {  	[bflag:$0x0] =	sbarrier.arrive $0xFFFF  }
0xa2: {  	p0 =	sne.s32 s1, $0x0;
	_ =	strace $0x90000053  }
0xa3: {  	s0 =	sadd.s32 @!p0 $0x100000, s0;
	[bflag:$0x2] =	sbarrier.arrive $0xFFFF  }
0xa4: {  	[sflag:s0] =	ssyncadd.tile.s32 @!p0 $0x1;
	_ =	shalt  }
.Lfunc_end2:
_tile_overlayer_lowered:
.L_overlay_start_2:
0xa5: {  	(tag) =	ssettag $0x2  }
0xa6: {  	s0 =	rddreg [dreg:$0x0];
	s2 =	stileid.u32  }
0xa7: {  	s1 =	rddreg [dreg:$0x1];
	p0 =	sne.s32 s2, $0x0  }
0xa8: {  	s3 =	rddreg [dreg:$0x2];
	[bflag:$0x3] =	sbarrier.arrive $0xFFFF;
	s2 =	simm.s32 @!p0 $0x1C03  }
0xa9: {  	[timem:s3], [sflag:s2] =	dma.local @!p0 [hbm:s0], s1  }
0xaa: {  	s0 =	simm.s32 @!p0 $0x3  }
0xab: {  	_ =	swait.ge @!p0 [sflag:s0], s1  }
0xac: {  	s1 =	ssub.s32 @!p0 $0x0, s1;
	[sflag:s0] =	ssyncset.done @!p0 $0x0  }
0xad: {  	[sflag:s0] =	ssyncadd.s32 @!p0 s1  }
0xae: {  	[bflag:$0x3] =	sbarrier.arrive $0xFFFF  }
0xaf: {  	_ =	shalt  }

// kernel: kernel.29.cloned.1.call-start
scs
__scs_entry_jumppad:
0x0: {  	(pc) =	sbr.rel $0x88, $3  }
0x1: {  	(tag) =	ssettag $0x0;
	lr =	simm.s32 $0x1  }
0x2: {  	[smem:$0x3F93] =	sst lr;
	_ =	strace $0xD0000000  }
0x3: {  	_ = 	snop  }
0x4: {  	_ = 	snop  }
0x5: {  	_ = 	snop  }
0x6: {  	_ = 	snop  }
0x7: {  	_ = 	snop  }
__scs_overlays_trampoline_lowered:
0x8: {  	[smem:$0x3FA2] =	sst s0  }
0x9: {  	[smem:$0x3FA3] =	sst s1  }
0xa: {  	[smem:$0x3FA4] =	sst s2  }
0xb: {  	[smem:$0x3FA5] =	sst s3  }
0xc: {  	[smem:$0x3FA6] =	sst s4  }
0xd: {  	[smem:$0x3FA7] =	sst s5  }
0xe: {  	[smem:$0x3FA8] =	sst s6  }
0xf: {  	[smem:$0x3FA9] =	sst s7  }
0x10: {  	[smem:$0x3FAA] =	sst s8  }
0x11: {  	[smem:$0x3FAB] =	sst s9;
	s0 =	simm.s32 @!p0 $0x0  }
0x12: {  	s1 =	sld [smem:$0x3F91];
	s0 =	simm.s32 @p0 $0x1  }
0x13: {  	[smem:$0x3FAC] =	sst s0;
	s0 =	simm.s32 @!p1 $0x0  }
0x14: {  	s2 =	sld [smem:$0x3F90];
	s0 =	simm.s32 @p1 $0x1  }
0x15: {  	[smem:$0x3FAD] =	sst s0;
	s0 =	simm.s32 @!p2 $0x0  }
0x16: {  	s3 =	sld [smem:$0x3FDB];
	s0 =	simm.s32 @p2 $0x1  }
0x17: {  	s4 =	simm.s32 $0x1BF5;
	[smem:$0x3FAF] =	sst s0  }
0x18: {  	s0 =	sld [smem:$0x3F92];
	_ =	swait.ge [sflag:s4], $0x0  }
0x19: {  	s7 =	sld [smem:$0x3F93]  }
0x1a: {  	s8 =	sadd.s32 $0xFFFFE003, lr  }
0x1b: {  	s9 =	sadd.s32 $0xFFFFFEF7, lr;
	s5 =	simm.s32 $0xFFFFFFFF;
	p2 =	slt.u32 s8, $0xFFFFF086  }
0x1c: {  	p1 =	slt.u32 s9, $0xF7A;
	s5 =	simm.s32 @!p2 $0x0  }
0x1d: {  	s5 =	simm.s32 @p1 $0x1;
	p0 =	seq.s32 s7, s2  }
0x1e: {  	s7 =	smul.u32 @!p0 $0xF7A, s2;
	p2 =	seq.s32 @!p0 s5, $0x0  }
0x1f: {  	s9 =	smul.u32 $0xF7A, s1;
	s8 =	simm.s32 @!p0 $0x1BF5;
	p2 =	por !p2, p0  }
0x20: {  	[sflag:s8] =	ssyncset.s32 @!p0 $0xFFFFF086;
	s6 =	sadd.s32 @!p0 s3, s7;
	s7 =	simm.s32 @!p0 $0x108  }
0x21: {  	s3 =	sadd.s32 s3, s9;
	s6 =	sadd.s32 @!p0 $0x88, s6;
	s7 =	simm.s32 @p2 $0x1082  }
0x22: {  	[simem:s7], [sflag:s8] =	dma.local @!p0 [hbm:s6], $0xF7A  }
0x23: {  	s9 =	sor.u32 $0xD0000000, s2;
	s6 =	simm.s32 $0x108;
	_ =	swait.ge @!p0 [sflag:s8], $0x0  }
0x24: {  	s3 =	sadd.s32 $0x88, s3;
	s6 =	simm.s32 @!p1 $0x1082;
	[sflag:s4] =	ssyncset.s32 $0xFFFFF086  }
0x25: {  	[simem:s6], [sflag:s4] =	dma.local [hbm:s3], $0xF7A  }
0x26: {  	[smem:$0x3F93] =	sst s1;
	(tag) =	ssettag s2;
	_ =	strace s9  }
0x27: {  	s1 =	sld [smem:$0x3FA3]  }
0x28: {  	s2 =	sld [smem:$0x3FA4]  }
0x29: {  	s4 =	sld [smem:$0x3FA6]  }
0x2a: {  	p0 =	seq.s32 s5, $0x0;
	s5 =	sld [smem:$0x3FA7]  }
0x2b: {  	s6 =	sld [smem:$0x3FA8]  }
0x2c: {  	s7 =	sld [smem:$0x3FA9]  }
0x2d: {  	s3 =	simm.s32 $0x108;
	s8 =	sld [smem:$0x3FAA]  }
0x2e: {  	s3 =	simm.s32 @!p0 $0x1082;
	s9 =	sld [smem:$0x3FAB]  }
0x2f: {  	lr =	sadd.s32 s0, s3;
	s0 =	sld [smem:$0x3FA2]  }
0x30: {  	s3 =	sld [smem:$0x3FA5]  }
0x31: {  	[smem:$0x3FAE] =	sst s10  }
0x32: {  	s10 =	sld [smem:$0x3FAC];
	_ =	sdelay $0x3  }
0x33: {  	p0 =	seq.s32 s10, $0x1;
	s10 =	sld [smem:$0x3FAE];
	_ =	sdelay $0x3  }
0x34: {  	[smem:$0x3FAE] =	sst s10  }
0x35: {  	s10 =	sld [smem:$0x3FAD];
	_ =	sdelay $0x3  }
0x36: {  	p1 =	seq.s32 s10, $0x1;
	s10 =	sld [smem:$0x3FAE];
	_ =	sdelay $0x3  }
0x37: {  	[smem:$0x3FAE] =	sst s10  }
0x38: {  	s10 =	sld [smem:$0x3FAF]  }
0x39: {  	_ = 	snop;
	(pc) =	sbr.ind lr, $3  }
0x3a: {  	_ = 	snop  }
0x3b: {  	_ = 	snop  }
0x3c: {  	p2 =	seq.s32 s10, $0x1;
	s10 =	sld [smem:$0x3FAE]  }
0x3d: {  	_ =	shalt  }
0x3e: {  	_ =	shalt  }
0x3f: {  	_ =	shalt  }
0x40: {  	_ =	shalt  }
0x41: {  	_ =	shalt  }
0x42: {  	_ =	shalt  }
0x43: {  	_ =	shalt  }
0x44: {  	_ =	shalt  }
0x45: {  	_ =	shalt  }
0x46: {  	_ =	shalt  }
0x47: {  	_ =	shalt  }
0x48: {  	_ =	shalt  }
0x49: {  	_ =	shalt  }
0x4a: {  	_ =	shalt  }
0x4b: {  	_ =	shalt  }
0x4c: {  	_ =	shalt  }
0x4d: {  	_ =	shalt  }
0x4e: {  	_ =	shalt  }
0x4f: {  	_ =	shalt  }
0x50: {  	_ =	shalt  }
0x51: {  	_ =	shalt  }
0x52: {  	_ =	shalt  }
0x53: {  	_ =	shalt  }
0x54: {  	_ =	shalt  }
0x55: {  	_ =	shalt  }
0x56: {  	_ =	shalt  }
0x57: {  	_ =	shalt  }
0x58: {  	_ =	shalt  }
0x59: {  	_ =	shalt  }
0x5a: {  	_ =	shalt  }
0x5b: {  	_ =	shalt  }
0x5c: {  	_ =	shalt  }
0x5d: {  	_ =	shalt  }
0x5e: {  	_ =	shalt  }
0x5f: {  	_ =	shalt  }
0x60: {  	_ =	shalt  }
0x61: {  	_ =	shalt  }
0x62: {  	_ =	shalt  }
0x63: {  	_ =	shalt  }
0x64: {  	_ =	shalt  }
0x65: {  	_ =	shalt  }
0x66: {  	_ =	shalt  }
0x67: {  	_ =	shalt  }
0x68: {  	_ =	shalt  }
0x69: {  	_ =	shalt  }
0x6a: {  	_ =	shalt  }
0x6b: {  	_ =	shalt  }
0x6c: {  	_ =	shalt  }
0x6d: {  	_ =	shalt  }
0x6e: {  	_ =	shalt  }
0x6f: {  	_ =	shalt  }
0x70: {  	_ =	shalt  }
0x71: {  	_ =	shalt  }
0x72: {  	_ =	shalt  }
0x73: {  	_ =	shalt  }
0x74: {  	_ =	shalt  }
0x75: {  	_ =	shalt  }
0x76: {  	_ =	shalt  }
0x77: {  	_ =	shalt  }
0x78: {  	_ =	shalt  }
0x79: {  	_ =	shalt  }
0x7a: {  	_ =	shalt  }
0x7b: {  	_ =	shalt  }
0x7c: {  	_ =	shalt  }
0x7d: {  	_ =	shalt  }
0x7e: {  	_ =	shalt  }
0x7f: {  	_ =	shalt  }
0x80: {  	_ =	shalt  }
0x81: {  	_ =	shalt  }
0x82: {  	_ =	shalt  }
0x83: {  	_ =	shalt  }
0x84: {  	_ =	shalt  }
0x85: {  	_ =	shalt  }
0x86: {  	_ =	shalt  }
0x87: {  	_ =	shalt  }
.Lfunc_end0:
.L_simem_size_0:
called_computation.5_lowered:
.L_overlay_start_0:
0x88: {  	s2 =	sld [smem:$0x3FD9]  }
0x89: {  	s3 =	sld [smem:$0x3FFE];
	_ =	sdelay $0x1  }
0x8a: {  	s1 =	srdreg.scid  }
0x8b: {  	s0 =	sand.u32 $0x1, s1  }
0x8c: {  	s17 =	sshll.u32 s0, $0xA;
	s2 =	sadd.s32 s3, s2  }
0x8d: {  	s2 =	sadd.s32 s2, s17  }
0x8e: {  	[smem:$0x3FBA] =	sst s2  }
0x8f: {  	_ = 	snop  }
0x90: {  	s2 =	sld [smem:$0x3FD0];
	(tm) =	ssettm $0x1  }
0x91: {  	s18 =	sld [smem:$0x3FFB];
	_ =	sdelay $0x3  }
0x92: {  	_ =	strace s18  }
0x93: {  	s3 =	sld [smem:$0x3FFC];
	_ =	sdelay $0x3  }
0x94: {  	_ =	strace s3  }
0x95: {  	s3 =	sld [smem:$0x3FFD];
	_ =	sdelay $0x3  }
0x96: {  	_ =	strace s3  }
0x97: {  	_ =	strace $0x8FFFFFFF  }
0x98: {  	s19 =	sld [smem:$0x3FDB];
	_ =	sdelay $0x1  }
0x99: {  	s4 =	simm.s32 $_scs_section_size  }
0x9a: {  	s5 =	simm.s32 $_size__tile_overlayer_lowered;
	s6 =	simm.s32 $_tile_overlayer_lowered  }
0x9b: {  	s22 =	simm.s32 $0x1BFF;
	s21 =	sshll.u32 s6, $0x1;
	s3 =	sadd.s32 s4, s19  }
0x9c: {  	s7 =	simm.s32 $0x0;
	s20 =	sshll.u32 s5, $0x1;
	s5 =	sadd.s32 s21, s3  }
0x9d: {  	[timem:s7], [sflag:s22] =	dma.local [hbm:s5], s20  }
0x9e: {  	_ =	swait.ge [sflag:s22], s20  }
0x9f: {  	s4 =	ssub.s32 $0x0, s20;
	[sflag:s22] =	ssyncset.done $0x0  }
0xa0: {  	[sflag:s22] =	ssyncadd.s32 s4;
	_ =	sdelay $0x1  }
0xa1: {  	s23 =	simm.s32 $0x1B8B  }
0xa2: {  	_ =	swait.ge [sflag:s23], $0x1  }
0xa3: {  	[sflag:s23] =	ssyncset.done $0x0  }
0xa4: {  	s25 =	simm.s32 $0x1B8E;
	s24 =	sld [smem:$0x3FFE];
	[sflag:s23] =	ssyncadd.s32 $0xFFFFFFFF  }
0xa5: {  	s26 =	simm.s32 $execute0_lowered;
	[smem:$0x3FD2] =	sst s25  }
0xa6: {  	s5 =	sshll.u32 s26, $0x1;
	_ =	strace $0x80000055;
	[dreg:$0x1] =	wrdreg $0xFFFFFFFF  }
0xa7: {  	s28 =	simm.s32 $_size_execute0_lowered;
	s3 =	sadd.s32 s3, s5;
	[dreg:$0x0] =	wrdreg $0x0  }
0xa8: {  	s5 =	sshll.u32 s28, $0x1;
	[dreg:$0x2] =	wrdreg s3  }
0xa9: {  	[dreg:$0x3] =	wrdreg s5  }
0xaa: {  	[dreg:$0x4] =	wrdreg $0xC0  }
0xab: {  	_ =	task [dreg:s7], $0x5FFFF  }
0xac: {  	[dreg:$0x1] =	wrdreg $0xFFFFFFFF  }
0xad: {  	[dreg:$0x0] =	wrdreg $0x60  }
0xae: {  	[dreg:$0x2] =	wrdreg s24  }
0xaf: {  	[dreg:$0x3] =	wrdreg s2  }
0xb0: {  	[dreg:$0x4] =	wrdreg $0x120800  }
0xb1: {  	[dreg:$0x5] =	wrdreg $0x9  }
0xb2: {  	_ =	task.clear_ibuf [dreg:s7], $0x6FFFF;
	_ =	strace $0x90000055  }
0xb3: {  	s29 =	simm.s32 $0x9;
	_ =	strace $0x80000057  }
0xb4: {  	_ =	swait.ge [sflag:s29], $0x1  }
0xb5: {  	[sflag:s29] =	ssyncadd.s32 $0xFFFFFFFF  }
0xb6: {  	_ =	strace $0x90000057  }
0xb7: {  	_ =	sfence  }
0xb8: {  	s30 =	sld [smem:$0x0];
	_ =	sdelay $0x2  }
0xb9: {  	s31 =	sshll.u32 s1, $0xD;
	s1 =	sshrl.u32 s1, $0x2  }
0xba: {  	s3 =	sand.u32 $0x4000, s31;
	s1 =	sadd.s32 s1, s30  }
0xbb: {  	s0 =	sor.u32 s3, s0;
	s1 =	sshll.u32 s1, $0x11  }
0xbc: {  	s0 =	sor.u32 s1, s0  }
0xbd: {  	s0 =	sadd.s32 $0x8F2B, s0  }
0xbe: {  	[sflag:s0] =	ssyncadd.remote.s32 $0x1  }
0xbf: {  	_ =	sfence.sel $0xFFFF  }
0xc0: {  	[dreg:$0x0] =	wrdreg $0xFFFFFFFF;
	(pc) =	sbr.abs _section_cstart, $3  }
0xc1: {  	[dreg:$0x1] =	wrdreg $0xFFFFFFFF  }
0xc2: {  	_ =	task.clear_ibuf [dreg:s7], $0x2FFFF;
	_ =	strace $0x9FFFFFFF  }
0xc3: {  	(tm) =	ssettm $0x7FFFFFFF  }
tec
execute0_lowered:
.L_overlay_start_1:
0x0: {  	(tag) =	ssettag $0x1  }
0x1: {  	s5 =	rddreg [dreg:$0x0]  }
0x2: {  	s13 =	rddreg [dreg:$0x1];
	s0 =	srdreg.scid  }
0x3: {  	s2 =	rddreg [dreg:$0x2];
	s1 =	stileid.u32  }
0x4: {  	s3 =	simm.s32 $0x0;
	s17 =	simm.s32 $0xA000;
	s18 =	simm.s32 $0xA080  }
0x5: {  	s19 =	simm.s32 $0x1;
	s20 =	simm.s32 $0x80;
	s6 =	smul.u32 $0x5000, s1  }
0x6: {  	s21 =	simm.s32 $0xE080;
	s22 =	simm.s32 $0x2;
	s30 =	smul.u32 $0x30000, s1  }
0x7: {  	s8 =	sand.u32 $0x1, s0;
	s0 =	rddreg [dreg:$0x3];
	s11 =	smul.u32 $0xC000, s1  }
0x8: {  	s23 =	simm.s32 $0x0;
	[smem:$0x7FF] =	sst s3;
	s4 =	smul.u32 $0x50000, s8  }
0x9: {  	_ =	strace $0x80000056;
	s7 =	ssub.s32 $0x2, s8;
	s9 =	sshll.u32 s8, $0x4  }
0xa: {  	s12 =	smul.u32 $0xC0000, s8;
	s10 =	sshrl.u32 s7, $0x1;
	s9 =	sadd.s32 s9, s5  }
0xb: {  	s31 =	sshrl.u32 s30, $0x2;
	s15 =	sadd.s32 $0x4000, s11;
	s16 =	sadd.s32 $0x8000, s11  }
0xc: {  	s6 =	sadd.s32 s6, s4;
	s4 =	sadd.s32 $0x33800, s5;
	s14 =	ssub.s32 s7, s10  }
0xd: {  	s7 =	sadd.s32 $0x1800, s9;
	s8 =	sadd.s32 s31, s2;
	s9 =	sadd.s32 s15, s2  }
0xe: {  	s10 =	sadd.s32 s16, s2;
	s11 =	sadd.s32 s11, s12;
	s15 =	sadd.s32 s12, s15  }
.Ltmp0:
0xf: {  	s12 =	sadd.s32 s12, s16;
	s6 =	sshrl.u32 s6, $0x3;
	(pc) =	sbr.rel .LBB2_1-.Ltmp0, $4  }
0x10: {  	s11 =	sshrl.u32 s11, $0x3;
	s15 =	sshrl.u32 s15, $0x3;
	s16 =	sshrl.u32 s12, $0x3  }
0x11: {  	s14 =	smax.u32 s14, $0x1;
	s6 =	sadd.s32 s6, s5;
	s11 =	sadd.s32 s13, s11  }
0x12: {  	s12 =	sadd.s32 s13, s15;
	s13 =	sadd.s32 s13, s16;
	s15 =	simm.s32 $0x3  }
0x13: {  	v0 =	vimm.f32 $0.0e+00;
	s16 =	simm.s32 $0x5000;
	s5 =	sadd.s32 $0xB800, s6;
	s6 =	sadd.s32 $0x1F800, s6  }
.LBB2_5:
0x14: {  	s29 =	simm.s32 $0x5000  }
.LBB2_9:
0x15: {  	s30 =	sadd.s32 $0xFFFFFF80, s28;
	[sflag:s15] =	ssyncadd.s32 @p1 $0xFFFFC000  }
0x16: {  	[tilespmem:s21], [sflag:$0x2] =	stream.indirect.gather [hbm4b:s4+s20], $0x80, s30, s20, $0xb8;
	[tilespmem:$0x1E080] =	vst v63  }
0x17: {  	_ =	swait.ge [sflag:s19], $0x4000  }
0x18: {  	s29 =	sadd.s32 @p1 $0x100, s29;
	[sflag:s19] =	ssyncset.done $0x0  }
0x19: {  	s26 =	smov.u32 @p1 s29;
	[sflag:s19] =	ssyncadd.s32 $0xFFFFC000  }
0x1a: {  	[spmem:s2] =	stream.indirect.scatter.add.f32 [tilespmem:s18], [sflag:$0x3], $0x80, s26, s20, $0xb8;
	[tilespmem:$0x1E080] =	vst v63  }
0x1b: {  	_ =	swait.ge [sflag:s15], $0x4000  }
0x1c: {  	[sflag:s15] =	ssyncset.done $0x0  }
0x1d: {  	[sflag:s15] =	ssyncadd.s32 $0xFFFFC000  }
0x1e: {  	[tilespmem:s18], [sflag:$0x1] =	stream.indirect.gather [hbm4b:s4+s20], $0x80, s28, s20, $0xb8;
	[tilespmem:$0x1E080] =	vst v63  }
0x1f: {  	_ =	swait.ge [sflag:s22], $0x4000  }
0x20: {  	[sflag:s22] =	ssyncset.done $0x0  }
0x21: {  	s26 =	sadd.s32 $0x80, s26;
	[sflag:s22] =	ssyncadd.s32 $0xFFFFC000  }
0x22: {  	[spmem:s2] =	stream.indirect.scatter.add.f32 [tilespmem:s21], [sflag:$0x3], $0x80, s26, s20, $0xb8;
	[tilespmem:$0x1E080] =	vst v63  }
0x23: {  	_ =	swait.ge [sflag:s15], $0x4000  }
0x24: {  	[sflag:s15] =	ssyncset.done $0x0  }
0x25: {  	[sflag:s15] =	ssyncadd.s32 $0xFFFFC000  }
.LBB2_10:
0x26: {  	s25 =	ssub.s32 s24, s25  }
0x27: {  	s26 =	simm.s32 @!p0 $0x1;
	p1 =	sne.s32 @!p0 s25, $0x1  }
0x28: {  	_ =	swait.ge @!p0 [sflag:s26], $0x4000;
	p1 =	por p1, p0  }
0x29: {  	[sflag:s26] =	ssyncset.done @!p0 $0x0;
	s24 =	sshll.u32 @!p1 s24, $0x9  }
0x2a: {  	[sflag:s26] =	ssyncadd.s32 @!p0 $0xFFFFC000;
	s24 =	sshra.s32 @!p1 s24, $0x2  }
0x2b: {  	s25 =	simm.s32 @!p1 $0x80;
	s26 =	simm.s32 @!p1 $0xA080;
	s24 =	sadd.s32 @!p1 $0x4F80, s24  }
0x2c: {  	[spmem:s2] =	stream.indirect.scatter.add.f32 @!p1 [tilespmem:s26], [sflag:$0x3], $0x80, s24, s25, $0xb8;
	[tilespmem:$0x1E080] =	vst v63  }
0x2d: {  	s24 =	simm.s32 @!p1 $0x3  }
0x2e: {  	_ =	swait.ge @!p1 [sflag:s24], $0x4000  }
0x2f: {  	[sflag:s24] =	ssyncset.done @!p1 $0x0  }
0x30: {  	s28 =	sshll.u32 s1, $0x6;
	[sflag:s24] =	ssyncadd.s32 @!p1 $0xFFFFC000  }
0x31: {  	s29 =	sshrl.u32 s8, $0x3;
	s24 =	sor.u32 $0x1C03, s28;
	[bflag:$0x0] =	sbarrier.arrive $0xFFFF  }
0x32: {  	[hbm:s11], [sflag:s24] =	dma.local [spmem:s29], $0x800  }
0x33: {  	_ =	swait.ge [sflag:s15], $0x800  }
0x34: {  	[sflag:s15] =	ssyncset.done $0x0  }
0x35: {  	s30 =	sshrl.u32 s9, $0x3;
	[sflag:s15] =	ssyncadd.s32 $0xFFFFF800  }
0x36: {  	[hbm:s12], [sflag:s24] =	dma.local [spmem:s30], $0x800  }
0x37: {  	s23 =	sadd.s32 $0x1, s23;
	_ =	swait.ge [sflag:s15], $0x800  }
0x38: {  	p0 =	sne.s32 s23, s14;
	[sflag:s15] =	ssyncset.done $0x0  }
.Ltmp1:
0x39: {  	s31 =	sshrl.u32 s10, $0x3;
	[sflag:s15] =	ssyncadd.s32 $0xFFFFF800;
	(pc) =	sbr.rel @!p0 .LBB2_11-.Ltmp1, $4  }
0x3a: {  	[hbm:s13], [sflag:s24] =	dma.local [spmem:s31], $0x800  }
0x3b: {  	_ =	swait.ge [sflag:s15], $0x800  }
0x3c: {  	[sflag:s15] =	ssyncset.done $0x0  }
0x3d: {  	[sflag:s15] =	ssyncadd.s32 $0xFFFFF800  }
.LBB2_1:
0x3e: {  	[tilespmem:s3], [sflag:$0x3] =	stream.linear.gather [hbm4b:s5+s3], $0x4F00, $0x38;
	[tilespmem:$0x1E080] =	vst v63  }
0x3f: {  	_ =	swait.ge [sflag:s15], $0x4F00  }
0x40: {  	[sflag:s15] =	ssyncset.done $0x0  }
0x41: {  	[sflag:s15] =	ssyncadd.s32 $0xFFFFB100  }
0x42: {  	[tilespmem:s16], [sflag:$0x3] =	stream.linear.gather [hbm4b:s6+s3], $0x4F00, $0x38;
	[tilespmem:$0x1E080] =	vst v63  }
0x43: {  	_ =	swait.ge [sflag:s15], $0x4F00  }
0x44: {  	[sflag:s15] =	ssyncset.done $0x0  }
0x45: {  	[sflag:s15] =	ssyncadd.s32 $0xFFFFB100  }
0x46: {  	[tilespmem:s17], [sflag:$0x3] =	stream.linear.gather [hbm4b:s7+s3], $0x80, $0x38;
	[tilespmem:$0x1E080] =	vst v63  }
0x47: {  	_ =	swait.ge [sflag:s15], $0x80  }
0x48: {  	[sflag:s15] =	ssyncset.done $0x0  }
0x49: {  	[sflag:s15] =	ssyncadd.s32 $0xFFFFFF80  }
0x4a: {  	s24 =	simm.s32 $0x0;
	s25 =	simm.s32 $0x200;
	v1 =	vld [tilespmem:$0xA000]  }
.LBB2_2:
0x4b: {  	p0 =	sne.s32 s25, $0xFE00;
	[tilespmem:s24+$0xA0F0] =	vst v0  }
0x4c: {  	[tilespmem:s24+$0xA080] =	vst v0  }
0x4d: {  	[tilespmem:s24+$0xA090] =	vst v0  }
.Ltmp2:
0x4e: {  	[tilespmem:s24+$0xA0A0] =	vst v0;
	(pc) =	sbr.rel @p0 .LBB2_2-.Ltmp2, $4  }
0x4f: {  	[tilespmem:s24+$0xA0B0] =	vst v0  }
0x50: {  	[tilespmem:s24+$0xA0C0] =	vst v0  }
0x51: {  	[tilespmem:s24+$0xA0D0] =	vst v0  }
0x52: {  	[tilespmem:s24+$0xA0E0] =	vst v0;
	s24 =	sshra.s32 s25, $0x2;
	s25 =	sadd.s32 $0x200, s25  }
0x53: {  	(v2sf) =	vpush v1, $0x0;
	_ =	sdelay $0x5  }
0x54: {  	[tilespmem:s24+$0xA0F0] =	vst v0  }
0x55: {  	[tilespmem:s24+$0xA080] =	vst v0  }
0x56: {  	[tilespmem:s24+$0xA090] =	vst v0  }
0x57: {  	[tilespmem:s24+$0xA0A0] =	vst v0  }
0x58: {  	[tilespmem:s24+$0xA0B0] =	vst v0  }
0x59: {  	[tilespmem:s24+$0xA0C0] =	vst v0  }
0x5a: {  	[tilespmem:s24+$0xA0D0] =	vst v0  }
0x5b: {  	[tilespmem:s24+$0xA0E0] =	vst v0  }
0x5c: {  	[spmem:s8] =	stream.linear.scatter [tilespmem:s18], [sflag:$0x3], $0x4000, $0x38;
	[tilespmem:$0x1E080] =	vst v63  }
0x5d: {  	s24 =	spop (v2sf)  }
0x5e: {  	_ =	swait.ge [sflag:s15], $0x4000  }
0x5f: {  	[sflag:s15] =	ssyncset.done $0x0  }
0x60: {  	[sflag:s15] =	ssyncadd.s32 $0xFFFFC000  }
0x61: {  	[spmem:s9] =	stream.linear.scatter [tilespmem:s18], [sflag:$0x3], $0x4000, $0x38;
	[tilespmem:$0x1E080] =	vst v63  }
0x62: {  	_ =	swait.ge [sflag:s15], $0x4000  }
0x63: {  	[sflag:s15] =	ssyncset.done $0x0  }
0x64: {  	[sflag:s15] =	ssyncadd.s32 $0xFFFFC000  }
0x65: {  	[spmem:s10] =	stream.linear.scatter [tilespmem:s18], [sflag:$0x3], $0x4000, $0x38;
	[tilespmem:$0x1E080] =	vst v63  }
0x66: {  	_ =	swait.ge [sflag:s15], $0x4000  }
0x67: {  	p0 =	slt.s32 s24, $0x1;
	[sflag:s15] =	ssyncset.done $0x0  }
0x68: {  	s25 =	simm.s32 @!p0 $0x80;
	[sflag:s15] =	ssyncadd.s32 $0xFFFFC000  }
0x69: {  	s26 =	simm.s32 @!p0 $0x0;
	s28 =	simm.s32 @!p0 $0xA080;
	[bflag:$0x0] =	sbarrier.arrive $0xFFFF  }
0x6a: {  	[tilespmem:s28], [sflag:$0x1] =	stream.indirect.gather @!p0 [hbm4b:s4+s25], $0x80, s26, s25, $0xb8;
	[tilespmem:$0x1E080] =	vst v63  }
0x6b: {  	p1 =	sgt.s32 s24, $0x0;
	s28 =	sshrl.u32 s24, $0x1F;
	s26 =	simm.s32 $0x1  }
0x6c: {  	s31 =	sshra.s32 s24, $0x1F;
	s30 =	sadd.s32 s28, s24;
	s26 =	simm.s32 @!p1 $0x0  }
0x6d: {  	s26 =	sadd.s32 s26, s31;
	s25 =	sand.u32 $0xFFFFFFFE, s30  }
0x6e: {  	p6 =	sne.s32 s26, $0x1;
	p2 =	sne.s32 s24, s25  }
0x6f: {  	p1 =	por !p2, !p6  }
0x70: {  	s26 =	simm.s32 $0x1;
	p1 =	por !p1, !p1  }
0x71: {  	s28 =	sshra.s32 s30, $0x1;
	s26 =	simm.s32 @!p1 $0x0  }
0x72: {  	s29 =	ssub.s32 s28, s26  }
0x73: {  	p1 =	slt.s32 s29, $0x1  }
.Ltmp3:
0x74: {  	_ = 	snop;
	(pc) =	sbr.rel @p1 .LBB2_10-.Ltmp3, $1  }
0x75: {  	_ =	sdelay $0x3  }
0x76: {  	p2 =	sne.s32 s29, $0x1  }
.Ltmp4:
0x77: {  	_ = 	snop;
	(pc) =	sbr.rel @!p2 .LBB2_5-.Ltmp4, $3  }
0x78: {  	_ =	sdelay $0x1  }
0x79: {  	s28 =	simm.s32 $0x100  }
0x7a: {  	s26 =	simm.s32 $0x5000;
	s29 =	sadd.s32 $0xFFFFFFFF, s29;
	p1 =	por $0x0, $0x0  }
0x7b: {  	s30 =	simm.s32 $0x80  }
0x7c: {  	[tilespmem:s21], [sflag:$0x2] =	stream.indirect.gather [hbm4b:s4+s20], $0x80, s30, s20, $0xb8;
	[tilespmem:$0x1E080] =	vst v63  }
0x7d: {  	_ =	swait.ge [sflag:s19], $0x4000  }
0x7e: {  	[sflag:s19] =	ssyncset.done $0x0  }
0x7f: {  	[sflag:s19] =	ssyncadd.s32 $0xFFFFC000  }
0x80: {  	[spmem:s2] =	stream.indirect.scatter.add.f32 [tilespmem:s18], [sflag:$0x3], $0x80, s26, s20, $0xb8;
	[tilespmem:$0x1E080] =	vst v63  }
0x81: {  	_ =	swait.ge [sflag:s15], $0x4000  }
0x82: {  	[sflag:s15] =	ssyncset.done $0x0  }
0x83: {  	[sflag:s15] =	ssyncadd.s32 $0xFFFFC000  }
0x84: {  	[tilespmem:s18], [sflag:$0x1] =	stream.indirect.gather [hbm4b:s4+s20], $0x80, s28, s20, $0xb8;
	[tilespmem:$0x1E080] =	vst v63  }
0x85: {  	p2 =	sne.s32 s29, $0x1;
	_ =	swait.ge [sflag:s22], $0x4000  }
.Ltmp5:
0x86: {  	[sflag:s22] =	ssyncset.done $0x0;
	(pc) =	sbr.rel @!p2 .LBB2_7-.Ltmp5, $4  }
0x87: {  	s28 =	simm.s32 $0x5080;
	[sflag:s22] =	ssyncadd.s32 $0xFFFFC000  }
0x88: {  	[spmem:s2] =	stream.indirect.scatter.add.f32 [tilespmem:s21], [sflag:$0x3], $0x80, s28, s20, $0xb8;
	[tilespmem:$0x1E080] =	vst v63  }
0x89: {  	p1 =	por $0x1, $0x1;
	s30 =	sadd.s32 $0xFFFFFFFF, s29;
	_ =	swait.ge [sflag:s15], $0x4000  }
0x8a: {  	s29 =	simm.s32 $0x5000;
	s28 =	simm.s32 $0x200;
	[sflag:s15] =	ssyncset.done $0x0  }
.LBB2_8:
0x8b: {  	s31 =	sadd.s32 $0xFFFFFF80, s28;
	[sflag:s15] =	ssyncadd.s32 $0xFFFFC000;
	s29 =	sadd.s32 $0x100, s29  }
0x8c: {  	[tilespmem:s21], [sflag:$0x2] =	stream.indirect.gather [hbm4b:s4+s20], $0x80, s31, s20, $0xb8;
	[tilespmem:$0x1E080] =	vst v63  }
0x8d: {  	p2 =	sne.s32 s30, $0x1;
	s30 =	sadd.s32 $0xFFFFFFFF, s30;
	_ =	swait.ge [sflag:s19], $0x4000  }
0x8e: {  	[sflag:s19] =	ssyncset.done $0x0  }
0x8f: {  	[sflag:s19] =	ssyncadd.s32 $0xFFFFC000  }
0x90: {  	[spmem:s2] =	stream.indirect.scatter.add.f32 [tilespmem:s18], [sflag:$0x3], $0x80, s29, s20, $0xb8;
	[tilespmem:$0x1E080] =	vst v63  }
0x91: {  	_ =	swait.ge [sflag:s15], $0x4000  }
0x92: {  	[sflag:s15] =	ssyncset.done $0x0  }
0x93: {  	[sflag:s15] =	ssyncadd.s32 $0xFFFFC000  }
0x94: {  	[tilespmem:s18], [sflag:$0x1] =	stream.indirect.gather [hbm4b:s4+s20], $0x80, s28, s20, $0xb8;
	[tilespmem:$0x1E080] =	vst v63  }
0x95: {  	_ =	swait.ge [sflag:s22], $0x4000  }
.Ltmp6:
0x96: {  	[sflag:s22] =	ssyncset.done $0x0;
	(pc) =	sbr.rel @p2 .LBB2_8-.Ltmp6, $4  }
0x97: {  	s31 =	sadd.s32 $0x80, s29;
	[sflag:s22] =	ssyncadd.s32 $0xFFFFC000  }
0x98: {  	[spmem:s2] =	stream.indirect.scatter.add.f32 [tilespmem:s21], [sflag:$0x3], $0x80, s31, s20, $0xb8;
	[tilespmem:$0x1E080] =	vst v63  }
0x99: {  	_ =	swait.ge [sflag:s15], $0x4000  }
0x9a: {  	s28 =	sadd.s32 $0x100, s28;
	[sflag:s15] =	ssyncset.done $0x0  }
.Ltmp7:
0x9b: {  	_ = 	snop;
	(pc) =	sbr.rel .LBB2_9-.Ltmp7, $1  }
0x9c: {  	_ =	sdelay $0x3  }
.LBB2_7:
.Ltmp8:
0x9d: {  	(pc) =	sbr.rel .LBB2_9-.Ltmp8, $2  }
0x9e: {  	_ =	sdelay $0x2  }
0x9f: {  	s29 =	simm.s32 $0x5000  }
.LBB2_11:
0xa0: {  	_ =	sfence.sel $0x180000  }
0xa1: {  	[bflag:$0x0] =	sbarrier.arrive $0xFFFF  }
0xa2: {  	p0 =	sne.s32 s1, $0x0;
	_ =	strace $0x90000056  }
0xa3: {  	s0 =	sadd.s32 @!p0 $0x100000, s0;
	[bflag:$0x2] =	sbarrier.arrive $0xFFFF  }
0xa4: {  	[sflag:s0] =	ssyncadd.tile.s32 @!p0 $0x1;
	_ =	shalt  }
.Lfunc_end2:
_tile_overlayer_lowered:
.L_overlay_start_2:
0xa5: {  	(tag) =	ssettag $0x2  }
0xa6: {  	s0 =	rddreg [dreg:$0x0];
	s2 =	stileid.u32  }
0xa7: {  	s1 =	rddreg [dreg:$0x1];
	p0 =	sne.s32 s2, $0x0  }
0xa8: {  	s3 =	rddreg [dreg:$0x2];
	[bflag:$0x3] =	sbarrier.arrive $0xFFFF;
	s2 =	simm.s32 @!p0 $0x1C03  }
0xa9: {  	[timem:s3], [sflag:s2] =	dma.local @!p0 [hbm:s0], s1  }
0xaa: {  	s0 =	simm.s32 @!p0 $0x3  }
0xab: {  	_ =	swait.ge @!p0 [sflag:s0], s1  }
0xac: {  	s1 =	ssub.s32 @!p0 $0x0, s1;
	[sflag:s0] =	ssyncset.done @!p0 $0x0  }
0xad: {  	[sflag:s0] =	ssyncadd.s32 @!p0 s1  }
0xae: {  	[bflag:$0x3] =	sbarrier.arrive $0xFFFF  }
0xaf: {  	_ =	shalt  }

</sc_bundles>
